<compile_context>
chip_gen: v7x
topology: tpu7x:2x2x1
jax: 0.10.2.dev20260603
libtpu: 0.0.44.dev20260713+nightly
codegen_flags: <defaults>
</compile_context>

<pallas_src>
import functools

import jax
import jax.numpy as jnp
from jax import lax
from jax.experimental import pallas as pl
from jax.experimental.pallas import tpu as pltpu
from jax.experimental.pallas import tpu_sc as plsc

_H = 512
_W = 512
_NBATCH = 16
_SCB = 9
_NC, _NS, _L = 2, 16, 16
_NW = _NC * _NS
_RPW = _SCB * _H // _NW
_CR = 8
_NCH = _RPW // _CR
_NV = _CR * _W // _L
_VPR = _W // _L
_NBINS = 16
_ROWS = _NBINS + 1
_PROW = 192
_NBUF = 3


def _mesh():
    return plsc.VectorSubcoreMesh(
        core_axis_name="c", subcore_axis_name="s",
        num_cores=_NC, num_subcores=_NS)


_SCRATCH = (
    [pltpu.VMEM((_CR, _W), jnp.float32) for _ in range(9 * _NBUF)]
    + [
        pltpu.VMEM((_ROWS * _L,), jnp.float32),
        pltpu.VMEM((_ROWS * _L,), jnp.float32),
        pltpu.VMEM((_ROWS * _L,), jnp.float32),
        pltpu.VMEM((_PROW,), jnp.float32),
    ]
    + [pltpu.SemaphoreType.DMA for _ in range(_NBUF)]
)


@functools.partial(
    pl.kernel,
    out_type=jax.ShapeDtypeStruct((_NW * _PROW,), jnp.float32),
    mesh=_mesh(),
    scratch_types=_SCRATCH,
    compiler_params=pltpu.CompilerParams(needs_layout_passes=False),
)
def _sc_hist(inp_h, pred_h, targ_h, out_h, *rest):
    bufs = rest[:9 * _NBUF]
    hc, hp, ht, ob = rest[9 * _NBUF:9 * _NBUF + 4]
    sems = rest[9 * _NBUF + 4:]
    w = lax.axis_index("s") * _NC + lax.axis_index("c")
    glob0 = w * _RPW
    arrs = (inp_h, pred_h, targ_h)

    zero = jnp.zeros((_L,), jnp.float32)
    for i in range(_ROWS):
        hc[pl.ds(i * _L, _L)] = zero
        hp[pl.ds(i * _L, _L)] = zero
        ht[pl.ds(i * _L, _L)] = zero
    for q in range(_PROW // _L):
        ob[pl.ds(q * _L, _L)] = zero

    def copies(g, ph):
        glob = glob0 + g * _CR
        bb = glob // _H
        r0 = glob % _H
        out = []
        for a in range(3):
            for c in range(3):
                src = arrs[a].at[bb, c, pl.ds(r0, _CR), :]
                out.append(pltpu.make_async_copy(
                    src, bufs[ph * 9 + a * 3 + c], sems[ph]))
        return out

    def start(g, ph):
        for cp in copies(g, ph):
            cp.start()

    def drain(g, ph):
        for cp in copies(g, ph):
            cp.wait()

    lane = lax.iota(jnp.int32, _L)
    ones = jnp.ones((_L,), jnp.float32)

    def process(ph):
        @plsc.parallel_loop(0, _NV, unroll=8)
        def body(i):
            r = i // _VPR
            c0 = (i % _VPR) * _L
            ir = jnp.zeros((_L,), jnp.int32) + r
            ic = lane + c0

            def ld(j):
                return plsc.load_gather(bufs[ph * 9 + j], [ir, ic])
            il = 0.299 * ld(0) + 0.587 * ld(1) + 0.114 * ld(2)
            addr = (il * 16.0).astype(jnp.int32) * _L + lane
            plu = 0.299 * ld(3) + 0.587 * ld(4) + 0.114 * ld(5)
            tlu = 0.299 * ld(6) + 0.587 * ld(7) + 0.114 * ld(8)
            plsc.addupdate_scatter(hc, [addr], ones)
            plsc.addupdate_scatter(hp, [addr], plu)
            plsc.addupdate_scatter(ht, [addr], tlu)

    for ph in range(_NBUF):
        start(ph, ph)

    def outer(g0, carry):
        for ph in range(_NBUF):
            g = g0 * _NBUF + ph
            drain(g, ph)
            process(ph)

            @pl.when(g + _NBUF < _NCH)
            def _():
                start(g + _NBUF, ph)
        return carry

    lax.fori_loop(0, _NCH // _NBUF, outer, 0)
    for g in range((_NCH // _NBUF) * _NBUF, _NCH):
        drain(g, g % _NBUF)
        process(g % _NBUF)

    def lane_sums(href):
        acc = jnp.zeros((_L,), jnp.float32)
        for n in range(_NBINS):
            acc = jnp.where(lane == n, jnp.sum(href[pl.ds(n * _L, _L)]), acc)
        return acc

    ob[pl.ds(0, _L)] = lane_sums(hc)
    ob[pl.ds(64, _L)] = lane_sums(hp)
    ob[pl.ds(128, _L)] = lane_sums(ht)
    pltpu.sync_copy(ob, out_h.at[pl.ds(w * _PROW, _PROW)])


def _tc_body(inp_ref, pred_ref, targ_ref, o_ref):
    step = pl.program_id(0)

    @pl.when(step == 0)
    def _():
        for k in range(48):
            o_ref[k] = 0.0

    x = inp_ref[0]
    il = 0.299 * x[0] + 0.587 * x[1] + 0.114 * x[2]
    p = pred_ref[0]
    plu = 0.299 * p[0] + 0.587 * p[1] + 0.114 * p[2]
    t = targ_ref[0]
    tlu = 0.299 * t[0] + 0.587 * t[1] + 0.114 * t[2]
    bi = (il * 16.0).astype(jnp.int32)
    for i in range(_NBINS):
        m = bi == i
        o_ref[i] = o_ref[i] + jnp.sum(jnp.where(m, 1.0, 0.0))
        o_ref[16 + i] = o_ref[16 + i] + jnp.sum(jnp.where(m, plu, 0.0))
        o_ref[32 + i] = o_ref[32 + i] + jnp.sum(jnp.where(m, tlu, 0.0))


_TCROWBLOCKS = _H // 128
_TC_GRID = (_NBATCH - _SCB) * _TCROWBLOCKS

_tc_hist = pl.pallas_call(
    _tc_body,
    grid=(_TC_GRID,),
    in_specs=[
        pl.BlockSpec((1, 3, 128, _W),
                     lambda i: (_SCB + i // _TCROWBLOCKS, 0,
                                i % _TCROWBLOCKS, 0))
        for _ in range(3)
    ],
    out_specs=pl.BlockSpec(memory_space=pltpu.SMEM),
    out_shape=jax.ShapeDtypeStruct((48,), jnp.float32),
    compiler_params=pltpu.CompilerParams(
        dimension_semantics=("arbitrary",)),
)


@functools.partial(
    pl.kernel,
    out_type=jax.ShapeDtypeStruct((_L,), jnp.float32),
    mesh=_mesh(),
    scratch_types=[
        pltpu.VMEM((_NW * _PROW,), jnp.float32),
        pltpu.VMEM((48,), jnp.float32),
        pltpu.VMEM((_L,), jnp.float32),
    ],
    compiler_params=pltpu.CompilerParams(needs_layout_passes=False),
)
def _sc_finish(part_h, tc_h, out_h, pv, tv, ov):
    w = lax.axis_index("s") * _NC + lax.axis_index("c")

    @pl.when(w == 0)
    def _():
        pltpu.sync_copy(part_h, pv)
        pltpu.sync_copy(tc_h, tv)
        cnt = tv[pl.ds(0, _L)]
        ps = tv[pl.ds(16, _L)]
        ts = tv[pl.ds(32, _L)]
        for i in range(_NW):
            cnt = cnt + pv[pl.ds(i * _PROW, _L)]
            ps = ps + pv[pl.ds(i * _PROW + 64, _L)]
            ts = ts + pv[pl.ds(i * _PROW + 128, _L)]
        safe = jnp.maximum(cnt, 1.0)
        diff = jnp.abs(ps / safe - ts / safe)
        lv = jnp.where(cnt > 0.0, diff, 0.0) * jnp.float32(1.0 / _NBINS)
        ov[...] = jnp.zeros((_L,), jnp.float32) + jnp.sum(lv)
        pltpu.sync_copy(ov, out_h)


def kernel(pred, target, input_img):
    sc_part = _sc_hist(input_img, pred, target)
    tc_part = _tc_hist(input_img, pred, target)
    return _sc_finish(sc_part, tc_part)[0]

# --- scband reference (transcript-rebuilt; emitter-appended) ---
"""Pipeline reference for scband-tone-mapping-curve-loss-16312285790284 (READ-ONLY COPY).

The authoritative reference and input builder live on the scoring server;
editing this copy changes nothing except your own understanding.
"""

import jax, jax.numpy as jnp
import numpy as np

NUM_BINS = 16


def setup_inputs(seed: int = 0) -> dict:
    key = jax.random.key(seed)
    k1, k2, k3 = jax.random.split(key, 3)
    shape = (16, 3, 512, 512)
    pred = jax.random.uniform(k1, shape, dtype=jnp.float32)
    target = jax.random.uniform(k2, shape, dtype=jnp.float32)
    input_img = jax.random.uniform(k3, shape, dtype=jnp.float32)
    return {"pred": pred, "target": target, "input_img": input_img}


def _luma(x):
    return 0.299 * x[:, 0:1] + 0.587 * x[:, 1:2] + 0.114 * x[:, 2:3]


def reference(pred, target, input_img):
    num_bins = NUM_BINS
    pred_luma = _luma(pred)
    target_luma = _luma(target)
    input_luma = _luma(input_img)
    loss = jnp.float32(0.0)
    for i in range(num_bins):
        lower = i / num_bins
        upper = (i + 1) / num_bins
        mask = ((input_luma >= lower) & (input_luma < upper)).astype(jnp.float32)
        cnt = mask.sum()
        safe_cnt = jnp.maximum(cnt, 1.0)
        pred_avg = (pred_luma * mask).sum() / safe_cnt
        target_avg = (target_luma * mask).sum() / safe_cnt
        # F.l1_loss on scalars == abs difference; skip empty bins like the torch `if mask.sum() > 0`
        loss = loss + jnp.where(cnt > 0, jnp.abs(pred_avg - target_avg), 0.0)
    return loss / num_bins

if __name__ == "__main__":
    import jax
    _d = setup_inputs()
    print(jax.jit(kernel)(*tuple(_d.values())))

</pallas_src>

<mosaic_0001>
#map = affine_map<(d0, d1) -> (0)>
module attributes {stable_mosaic.version = 14 : i64} {
  func.func @_sc_finish(%arg0: i32, %arg1: i32, %arg2: memref<6144xf32, #tpu.memory_space<hbm>>, %arg3: memref<48xf32, #tpu.memory_space<hbm>>, %arg4: memref<16xf32, #tpu.memory_space<hbm>>, %arg5: memref<6144xf32, #tpu.memory_space<vmem>>, %arg6: memref<48xf32, #tpu.memory_space<vmem>>, %arg7: memref<16xf32, #tpu.memory_space<vmem>>) attributes {dimension_semantics = [#tpu.dimension_semantics<core_parallel>, #tpu.dimension_semantics<subcore_parallel>], iteration_bounds = array<i64: 2, 16>, scalar_prefetch = 0 : i64, scratch_operands = 3 : i64, tpu.core_type = #tpu.core_type<sc_vector_subcore>, window_params = [{transform_indices = #map}, {transform_indices = #map}, {transform_indices = #map}]} {
    %mul3A = arith.constant 2 : i32
    %mul3A_0 = arith.muli %arg1, %mul3A : i32
    %add3A = arith.addi %mul3A_0, %arg0 : i32
    %eq3A = arith.constant 0 : i32
    %eq3A_1 = arith.cmpi eq, %add3A, %eq3A : i32
    %convert_element_type3A = arith.extui %eq3A_1 : i1 to i32
    %cond3A = arith.constant 0 : i32
    %cond3A_2 = arith.cmpi ne, %convert_element_type3A, %cond3A : i32
    scf.if %cond3A_2 {
      "tpu.region"() ({
        %run_scoped3A = tpu.sem_alloc : memref<!tpu.dma_semaphore, #tpu.memory_space<semaphore_mem>>
        tpu.enqueue_dma source(%arg2 : memref<6144xf32, #tpu.memory_space<hbm>>) target(%arg5 : memref<6144xf32, #tpu.memory_space<vmem>>) target_semaphore(%run_scoped3A : memref<!tpu.dma_semaphore, #tpu.memory_space<semaphore_mem>>)
        tpu.wait_dma2 semaphore(%run_scoped3A : memref<!tpu.dma_semaphore, #tpu.memory_space<semaphore_mem>>) src(%arg2 : memref<6144xf32, #tpu.memory_space<hbm>>) dst(%arg5 : memref<6144xf32, #tpu.memory_space<vmem>>)
        tpu.yield
      }) : () -> ()
      "tpu.region"() ({
        %run_scoped3A = tpu.sem_alloc : memref<!tpu.dma_semaphore, #tpu.memory_space<semaphore_mem>>
        tpu.enqueue_dma source(%arg3 : memref<48xf32, #tpu.memory_space<hbm>>) target(%arg6 : memref<48xf32, #tpu.memory_space<vmem>>) target_semaphore(%run_scoped3A : memref<!tpu.dma_semaphore, #tpu.memory_space<semaphore_mem>>)
        tpu.wait_dma2 semaphore(%run_scoped3A : memref<!tpu.dma_semaphore, #tpu.memory_space<semaphore_mem>>) src(%arg3 : memref<48xf32, #tpu.memory_space<hbm>>) dst(%arg6 : memref<48xf32, #tpu.memory_space<vmem>>)
        tpu.yield
      }) : () -> ()
      %get3A = arith.constant 0 : index
      %get3A_3 = tpu.vector_load %arg6[%get3A] {strides = array<i32>} : memref<48xf32, #tpu.memory_space<vmem>>, vector<16xf32>,
      %get3A_4 = arith.constant 16 : index
      %get3A_5 = tpu.vector_load %arg6[%get3A_4] {strides = array<i32>} : memref<48xf32, #tpu.memory_space<vmem>>, vector<16xf32>,
      %get3A_6 = arith.constant 32 : index
      %get3A_7 = tpu.vector_load %arg6[%get3A_6] {strides = array<i32>} : memref<48xf32, #tpu.memory_space<vmem>>, vector<16xf32>,
      %get3A_8 = arith.constant 0 : index
      %get3A_9 = tpu.vector_load %arg5[%get3A_8] {strides = array<i32>} : memref<6144xf32, #tpu.memory_space<vmem>>, vector<16xf32>,
      %add3A_10 = arith.addf %get3A_3, %get3A_9 : vector<16xf32>
      %get3A_11 = arith.constant 64 : index
      %get3A_12 = tpu.vector_load %arg5[%get3A_11] {strides = array<i32>} : memref<6144xf32, #tpu.memory_space<vmem>>, vector<16xf32>,
      %add3A_13 = arith.addf %get3A_5, %get3A_12 : vector<16xf32>
      %get3A_14 = arith.constant 128 : index
      %get3A_15 = tpu.vector_load %arg5[%get3A_14] {strides = array<i32>} : memref<6144xf32, #tpu.memory_space<vmem>>, vector<16xf32>,
      %add3A_16 = arith.addf %get3A_7, %get3A_15 : vector<16xf32>
      %get3A_17 = arith.constant 192 : index
      %get3A_18 = tpu.vector_load %arg5[%get3A_17] {strides = array<i32>} : memref<6144xf32, #tpu.memory_space<vmem>>, vector<16xf32>,
      %add3A_19 = arith.addf %add3A_10, %get3A_18 : vector<16xf32>
      %get3A_20 = arith.constant 256 : index
      %get3A_21 = tpu.vector_load %arg5[%get3A_20] {strides = array<i32>} : memref<6144xf32, #tpu.memory_space<vmem>>, vector<16xf32>,
      %add3A_22 = arith.addf %add3A_13, %get3A_21 : vector<16xf32>
      %get3A_23 = arith.constant 320 : index
      %get3A_24 = tpu.vector_load %arg5[%get3A_23] {strides = array<i32>} : memref<6144xf32, #tpu.memory_space<vmem>>, vector<16xf32>,
      %add3A_25 = arith.addf %add3A_16, %get3A_24 : vector<16xf32>
      %get3A_26 = arith.constant 384 : index
      %get3A_27 = tpu.vector_load %arg5[%get3A_26] {strides = array<i32>} : memref<6144xf32, #tpu.memory_space<vmem>>, vector<16xf32>,
      %add3A_28 = arith.addf %add3A_19, %get3A_27 : vector<16xf32>
      %get3A_29 = arith.constant 448 : index
      %get3A_30 = tpu.vector_load %arg5[%get3A_29] {strides = array<i32>} : memref<6144xf32, #tpu.memory_space<vmem>>, vector<16xf32>,
      %add3A_31 = arith.addf %add3A_22, %get3A_30 : vector<16xf32>
      %get3A_32 = arith.constant 512 : index
      %get3A_33 = tpu.vector_load %arg5[%get3A_32] {strides = array<i32>} : memref<6144xf32, #tpu.memory_space<vmem>>, vector<16xf32>,
      %add3A_34 = arith.addf %add3A_25, %get3A_33 : vector<16xf32>
      %get3A_35 = arith.constant 576 : index
      %get3A_36 = tpu.vector_load %arg5[%get3A_35] {strides = array<i32>} : memref<6144xf32, #tpu.memory_space<vmem>>, vector<16xf32>,
      %add3A_37 = arith.addf %add3A_28, %get3A_36 : vector<16xf32>
      %get3A_38 = arith.constant 640 : index
      %get3A_39 = tpu.vector_load %arg5[%get3A_38] {strides = array<i32>} : memref<6144xf32, #tpu.memory_space<vmem>>, vector<16xf32>,
      %add3A_40 = arith.addf %add3A_31, %get3A_39 : vector<16xf32>
      %get3A_41 = arith.constant 704 : index
      %get3A_42 = tpu.vector_load %arg5[%get3A_41] {strides = array<i32>} : memref<6144xf32, #tpu.memory_space<vmem>>, vector<16xf32>,
      %add3A_43 = arith.addf %add3A_34, %get3A_42 : vector<16xf32>
      %get3A_44 = arith.constant 768 : index
      %get3A_45 = tpu.vector_load %arg5[%get3A_44] {strides = array<i32>} : memref<6144xf32, #tpu.memory_space<vmem>>, vector<16xf32>,
      %add3A_46 = arith.addf %add3A_37, %get3A_45 : vector<16xf32>
      %get3A_47 = arith.constant 832 : index
      %get3A_48 = tpu.vector_load %arg5[%get3A_47] {strides = array<i32>} : memref<6144xf32, #tpu.memory_space<vmem>>, vector<16xf32>,
      %add3A_49 = arith.addf %add3A_40, %get3A_48 : vector<16xf32>
      %get3A_50 = arith.constant 896 : index
      %get3A_51 = tpu.vector_load %arg5[%get3A_50] {strides = array<i32>} : memref<6144xf32, #tpu.memory_space<vmem>>, vector<16xf32>,
      %add3A_52 = arith.addf %add3A_43, %get3A_51 : vector<16xf32>
      %get3A_53 = arith.constant 960 : index
      %get3A_54 = tpu.vector_load %arg5[%get3A_53] {strides = array<i32>} : memref<6144xf32, #tpu.memory_space<vmem>>, vector<16xf32>,
      %add3A_55 = arith.addf %add3A_46, %get3A_54 : vector<16xf32>
      %get3A_56 = arith.constant 1024 : index
      %get3A_57 = tpu.vector_load %arg5[%get3A_56] {strides = array<i32>} : memref<6144xf32, #tpu.memory_space<vmem>>, vector<16xf32>,
      %add3A_58 = arith.addf %add3A_49, %get3A_57 : vector<16xf32>
      %get3A_59 = arith.constant 1088 : index
      %get3A_60 = tpu.vector_load %arg5[%get3A_59] {strides = array<i32>} : memref<6144xf32, #tpu.memory_space<vmem>>, vector<16xf32>,
      %add3A_61 = arith.addf %add3A_52, %get3A_60 : vector<16xf32>
      %get3A_62 = arith.constant 1152 : index
      %get3A_63 = tpu.vector_load %arg5[%get3A_62] {strides = array<i32>} : memref<6144xf32, #tpu.memory_space<vmem>>, vector<16xf32>,
      %add3A_64 = arith.addf %add3A_55, %get3A_63 : vector<16xf32>
      %get3A_65 = arith.constant 1216 : index
      %get3A_66 = tpu.vector_load %arg5[%get3A_65] {strides = array<i32>} : memref<6144xf32, #tpu.memory_space<vmem>>, vector<16xf32>,
      %add3A_67 = arith.addf %add3A_58, %get3A_66 : vector<16xf32>
      %get3A_68 = arith.constant 1280 : index
      %get3A_69 = tpu.vector_load %arg5[%get3A_68] {strides = array<i32>} : memref<6144xf32, #tpu.memory_space<vmem>>, vector<16xf32>,
      %add3A_70 = arith.addf %add3A_61, %get3A_69 : vector<16xf32>
      %get3A_71 = arith.constant 1344 : index
      %get3A_72 = tpu.vector_load %arg5[%get3A_71] {strides = array<i32>} : memref<6144xf32, #tpu.memory_space<vmem>>, vector<16xf32>,
      %add3A_73 = arith.addf %add3A_64, %get3A_72 : vector<16xf32>
      %get3A_74 = arith.constant 1408 : index
      %get3A_75 = tpu.vector_load %arg5[%get3A_74] {strides = array<i32>} : memref<6144xf32, #tpu.memory_space<vmem>>, vector<16xf32>,
      %add3A_76 = arith.addf %add3A_67, %get3A_75 : vector<16xf32>
      %get3A_77 = arith.constant 1472 : index
      %get3A_78 = tpu.vector_load %arg5[%get3A_77] {strides = array<i32>} : memref<6144xf32, #tpu.memory_space<vmem>>, vector<16xf32>,
      %add3A_79 = arith.addf %add3A_70, %get3A_78 : vector<16xf32>
      %get3A_80 = arith.constant 1536 : index
      %get3A_81 = tpu.vector_load %arg5[%get3A_80] {strides = array<i32>} : memref<6144xf32, #tpu.memory_space<vmem>>, vector<16xf32>,
      %add3A_82 = arith.addf %add3A_73, %get3A_81 : vector<16xf32>
      %get3A_83 = arith.constant 1600 : index
      %get3A_84 = tpu.vector_load %arg5[%get3A_83] {strides = array<i32>} : memref<6144xf32, #tpu.memory_space<vmem>>, vector<16xf32>,
      %add3A_85 = arith.addf %add3A_76, %get3A_84 : vector<16xf32>
      %get3A_86 = arith.constant 1664 : index
      %get3A_87 = tpu.vector_load %arg5[%get3A_86] {strides = array<i32>} : memref<6144xf32, #tpu.memory_space<vmem>>, vector<16xf32>,
      %add3A_88 = arith.addf %add3A_79, %get3A_87 : vector<16xf32>
      %get3A_89 = arith.constant 1728 : index
      %get3A_90 = tpu.vector_load %arg5[%get3A_89] {strides = array<i32>} : memref<6144xf32, #tpu.memory_space<vmem>>, vector<16xf32>,
      %add3A_91 = arith.addf %add3A_82, %get3A_90 : vector<16xf32>
      %get3A_92 = arith.constant 1792 : index
      %get3A_93 = tpu.vector_load %arg5[%get3A_92] {strides = array<i32>} : memref<6144xf32, #tpu.memory_space<vmem>>, vector<16xf32>,
      %add3A_94 = arith.addf %add3A_85, %get3A_93 : vector<16xf32>
      %get3A_95 = arith.constant 1856 : index
      %get3A_96 = tpu.vector_load %arg5[%get3A_95] {strides = array<i32>} : memref<6144xf32, #tpu.memory_space<vmem>>, vector<16xf32>,
      %add3A_97 = arith.addf %add3A_88, %get3A_96 : vector<16xf32>
      %get3A_98 = arith.constant 1920 : index
      %get3A_99 = tpu.vector_load %arg5[%get3A_98] {strides = array<i32>} : memref<6144xf32, #tpu.memory_space<vmem>>, vector<16xf32>,
      %add3A_100 = arith.addf %add3A_91, %get3A_99 : vector<16xf32>
      %get3A_101 = arith.constant 1984 : index
      %get3A_102 = tpu.vector_load %arg5[%get3A_101] {strides = array<i32>} : memref<6144xf32, #tpu.memory_space<vmem>>, vector<16xf32>,
      %add3A_103 = arith.addf %add3A_94, %get3A_102 : vector<16xf32>
      %get3A_104 = arith.constant 2048 : index
      %get3A_105 = tpu.vector_load %arg5[%get3A_104] {strides = array<i32>} : memref<6144xf32, #tpu.memory_space<vmem>>, vector<16xf32>,
      %add3A_106 = arith.addf %add3A_97, %get3A_105 : vector<16xf32>
      %get3A_107 = arith.constant 2112 : index
      %get3A_108 = tpu.vector_load %arg5[%get3A_107] {strides = array<i32>} : memref<6144xf32, #tpu.memory_space<vmem>>, vector<16xf32>,
      %add3A_109 = arith.addf %add3A_100, %get3A_108 : vector<16xf32>
      %get3A_110 = arith.constant 2176 : index
      %get3A_111 = tpu.vector_load %arg5[%get3A_110] {strides = array<i32>} : memref<6144xf32, #tpu.memory_space<vmem>>, vector<16xf32>,
      %add3A_112 = arith.addf %add3A_103, %get3A_111 : vector<16xf32>
      %get3A_113 = arith.constant 2240 : index
      %get3A_114 = tpu.vector_load %arg5[%get3A_113] {strides = array<i32>} : memref<6144xf32, #tpu.memory_space<vmem>>, vector<16xf32>,
      %add3A_115 = arith.addf %add3A_106, %get3A_114 : vector<16xf32>
      %get3A_116 = arith.constant 2304 : index
      %get3A_117 = tpu.vector_load %arg5[%get3A_116] {strides = array<i32>} : memref<6144xf32, #tpu.memory_space<vmem>>, vector<16xf32>,
      %add3A_118 = arith.addf %add3A_109, %get3A_117 : vector<16xf32>
      %get3A_119 = arith.constant 2368 : index
      %get3A_120 = tpu.vector_load %arg5[%get3A_119] {strides = array<i32>} : memref<6144xf32, #tpu.memory_space<vmem>>, vector<16xf32>,
      %add3A_121 = arith.addf %add3A_112, %get3A_120 : vector<16xf32>
      %get3A_122 = arith.constant 2432 : index
      %get3A_123 = tpu.vector_load %arg5[%get3A_122] {strides = array<i32>} : memref<6144xf32, #tpu.memory_space<vmem>>, vector<16xf32>,
      %add3A_124 = arith.addf %add3A_115, %get3A_123 : vector<16xf32>
      %get3A_125 = arith.constant 2496 : index
      %get3A_126 = tpu.vector_load %arg5[%get3A_125] {strides = array<i32>} : memref<6144xf32, #tpu.memory_space<vmem>>, vector<16xf32>,
      %add3A_127 = arith.addf %add3A_118, %get3A_126 : vector<16xf32>
      %get3A_128 = arith.constant 2560 : index
      %get3A_129 = tpu.vector_load %arg5[%get3A_128] {strides = array<i32>} : memref<6144xf32, #tpu.memory_space<vmem>>, vector<16xf32>,
      %add3A_130 = arith.addf %add3A_121, %get3A_129 : vector<16xf32>
      %get3A_131 = arith.constant 2624 : index
      %get3A_132 = tpu.vector_load %arg5[%get3A_131] {strides = array<i32>} : memref<6144xf32, #tpu.memory_space<vmem>>, vector<16xf32>,
      %add3A_133 = arith.addf %add3A_124, %get3A_132 : vector<16xf32>
      %get3A_134 = arith.constant 2688 : index
      %get3A_135 = tpu.vector_load %arg5[%get3A_134] {strides = array<i32>} : memref<6144xf32, #tpu.memory_space<vmem>>, vector<16xf32>,
      %add3A_136 = arith.addf %add3A_127, %get3A_135 : vector<16xf32>
      %get3A_137 = arith.constant 2752 : index
      %get3A_138 = tpu.vector_load %arg5[%get3A_137] {strides = array<i32>} : memref<6144xf32, #tpu.memory_space<vmem>>, vector<16xf32>,
      %add3A_139 = arith.addf %add3A_130, %get3A_138 : vector<16xf32>
      %get3A_140 = arith.constant 2816 : index
      %get3A_141 = tpu.vector_load %arg5[%get3A_140] {strides = array<i32>} : memref<6144xf32, #tpu.memory_space<vmem>>, vector<16xf32>,
      %add3A_142 = arith.addf %add3A_133, %get3A_141 : vector<16xf32>
      %get3A_143 = arith.constant 2880 : index
      %get3A_144 = tpu.vector_load %arg5[%get3A_143] {strides = array<i32>} : memref<6144xf32, #tpu.memory_space<vmem>>, vector<16xf32>,
      %add3A_145 = arith.addf %add3A_136, %get3A_144 : vector<16xf32>
      %get3A_146 = arith.constant 2944 : index
      %get3A_147 = tpu.vector_load %arg5[%get3A_146] {strides = array<i32>} : memref<6144xf32, #tpu.memory_space<vmem>>, vector<16xf32>,
      %add3A_148 = arith.addf %add3A_139, %get3A_147 : vector<16xf32>
      %get3A_149 = arith.constant 3008 : index
      %get3A_150 = tpu.vector_load %arg5[%get3A_149] {strides = array<i32>} : memref<6144xf32, #tpu.memory_space<vmem>>, vector<16xf32>,
      %add3A_151 = arith.addf %add3A_142, %get3A_150 : vector<16xf32>
      %get3A_152 = arith.constant 3072 : index
      %get3A_153 = tpu.vector_load %arg5[%get3A_152] {strides = array<i32>} : memref<6144xf32, #tpu.memory_space<vmem>>, vector<16xf32>,
      %add3A_154 = arith.addf %add3A_145, %get3A_153 : vector<16xf32>
      %get3A_155 = arith.constant 3136 : index
      %get3A_156 = tpu.vector_load %arg5[%get3A_155] {strides = array<i32>} : memref<6144xf32, #tpu.memory_space<vmem>>, vector<16xf32>,
      %add3A_157 = arith.addf %add3A_148, %get3A_156 : vector<16xf32>
      %get3A_158 = arith.constant 3200 : index
      %get3A_159 = tpu.vector_load %arg5[%get3A_158] {strides = array<i32>} : memref<6144xf32, #tpu.memory_space<vmem>>, vector<16xf32>,
      %add3A_160 = arith.addf %add3A_151, %get3A_159 : vector<16xf32>
      %get3A_161 = arith.constant 3264 : index
      %get3A_162 = tpu.vector_load %arg5[%get3A_161] {strides = array<i32>} : memref<6144xf32, #tpu.memory_space<vmem>>, vector<16xf32>,
      %add3A_163 = arith.addf %add3A_154, %get3A_162 : vector<16xf32>
      %get3A_164 = arith.constant 3328 : index
      %get3A_165 = tpu.vector_load %arg5[%get3A_164] {strides = array<i32>} : memref<6144xf32, #tpu.memory_space<vmem>>, vector<16xf32>,
      %add3A_166 = arith.addf %add3A_157, %get3A_165 : vector<16xf32>
      %get3A_167 = arith.constant 3392 : index
      %get3A_168 = tpu.vector_load %arg5[%get3A_167] {strides = array<i32>} : memref<6144xf32, #tpu.memory_space<vmem>>, vector<16xf32>,
      %add3A_169 = arith.addf %add3A_160, %get3A_168 : vector<16xf32>
      %get3A_170 = arith.constant 3456 : index
      %get3A_171 = tpu.vector_load %arg5[%get3A_170] {strides = array<i32>} : memref<6144xf32, #tpu.memory_space<vmem>>, vector<16xf32>,
      %add3A_172 = arith.addf %add3A_163, %get3A_171 : vector<16xf32>
      %get3A_173 = arith.constant 3520 : index
      %get3A_174 = tpu.vector_load %arg5[%get3A_173] {strides = array<i32>} : memref<6144xf32, #tpu.memory_space<vmem>>, vector<16xf32>,
      %add3A_175 = arith.addf %add3A_166, %get3A_174 : vector<16xf32>
      %get3A_176 = arith.constant 3584 : index
      %get3A_177 = tpu.vector_load %arg5[%get3A_176] {strides = array<i32>} : memref<6144xf32, #tpu.memory_space<vmem>>, vector<16xf32>,
      %add3A_178 = arith.addf %add3A_169, %get3A_177 : vector<16xf32>
      %get3A_179 = arith.constant 3648 : index
      %get3A_180 = tpu.vector_load %arg5[%get3A_179] {strides = array<i32>} : memref<6144xf32, #tpu.memory_space<vmem>>, vector<16xf32>,
      %add3A_181 = arith.addf %add3A_172, %get3A_180 : vector<16xf32>
      %get3A_182 = arith.constant 3712 : index
      %get3A_183 = tpu.vector_load %arg5[%get3A_182] {strides = array<i32>} : memref<6144xf32, #tpu.memory_space<vmem>>, vector<16xf32>,
      %add3A_184 = arith.addf %add3A_175, %get3A_183 : vector<16xf32>
      %get3A_185 = arith.constant 3776 : index
      %get3A_186 = tpu.vector_load %arg5[%get3A_185] {strides = array<i32>} : memref<6144xf32, #tpu.memory_space<vmem>>, vector<16xf32>,
      %add3A_187 = arith.addf %add3A_178, %get3A_186 : vector<16xf32>
      %get3A_188 = arith.constant 3840 : index
      %get3A_189 = tpu.vector_load %arg5[%get3A_188] {strides = array<i32>} : memref<6144xf32, #tpu.memory_space<vmem>>, vector<16xf32>,
      %add3A_190 = arith.addf %add3A_181, %get3A_189 : vector<16xf32>
      %get3A_191 = arith.constant 3904 : index
      %get3A_192 = tpu.vector_load %arg5[%get3A_191] {strides = array<i32>} : memref<6144xf32, #tpu.memory_space<vmem>>, vector<16xf32>,
      %add3A_193 = arith.addf %add3A_184, %get3A_192 : vector<16xf32>
      %get3A_194 = arith.constant 3968 : index
      %get3A_195 = tpu.vector_load %arg5[%get3A_194] {strides = array<i32>} : memref<6144xf32, #tpu.memory_space<vmem>>, vector<16xf32>,
      %add3A_196 = arith.addf %add3A_187, %get3A_195 : vector<16xf32>
      %get3A_197 = arith.constant 4032 : index
      %get3A_198 = tpu.vector_load %arg5[%get3A_197] {strides = array<i32>} : memref<6144xf32, #tpu.memory_space<vmem>>, vector<16xf32>,
      %add3A_199 = arith.addf %add3A_190, %get3A_198 : vector<16xf32>
      %get3A_200 = arith.constant 4096 : index
      %get3A_201 = tpu.vector_load %arg5[%get3A_200] {strides = array<i32>} : memref<6144xf32, #tpu.memory_space<vmem>>, vector<16xf32>,
      %add3A_202 = arith.addf %add3A_193, %get3A_201 : vector<16xf32>
      %get3A_203 = arith.constant 4160 : index
      %get3A_204 = tpu.vector_load %arg5[%get3A_203] {strides = array<i32>} : memref<6144xf32, #tpu.memory_space<vmem>>, vector<16xf32>,
      %add3A_205 = arith.addf %add3A_196, %get3A_204 : vector<16xf32>
      %get3A_206 = arith.constant 4224 : index
      %get3A_207 = tpu.vector_load %arg5[%get3A_206] {strides = array<i32>} : memref<6144xf32, #tpu.memory_space<vmem>>, vector<16xf32>,
      %add3A_208 = arith.addf %add3A_199, %get3A_207 : vector<16xf32>
      %get3A_209 = arith.constant 4288 : index
      %get3A_210 = tpu.vector_load %arg5[%get3A_209] {strides = array<i32>} : memref<6144xf32, #tpu.memory_space<vmem>>, vector<16xf32>,
      %add3A_211 = arith.addf %add3A_202, %get3A_210 : vector<16xf32>
      %get3A_212 = arith.constant 4352 : index
      %get3A_213 = tpu.vector_load %arg5[%get3A_212] {strides = array<i32>} : memref<6144xf32, #tpu.memory_space<vmem>>, vector<16xf32>,
      %add3A_214 = arith.addf %add3A_205, %get3A_213 : vector<16xf32>
      %get3A_215 = arith.constant 4416 : index
      %get3A_216 = tpu.vector_load %arg5[%get3A_215] {strides = array<i32>} : memref<6144xf32, #tpu.memory_space<vmem>>, vector<16xf32>,
      %add3A_217 = arith.addf %add3A_208, %get3A_216 : vector<16xf32>
      %get3A_218 = arith.constant 4480 : index
      %get3A_219 = tpu.vector_load %arg5[%get3A_218] {strides = array<i32>} : memref<6144xf32, #tpu.memory_space<vmem>>, vector<16xf32>,
      %add3A_220 = arith.addf %add3A_211, %get3A_219 : vector<16xf32>
      %get3A_221 = arith.constant 4544 : index
      %get3A_222 = tpu.vector_load %arg5[%get3A_221] {strides = array<i32>} : memref<6144xf32, #tpu.memory_space<vmem>>, vector<16xf32>,
      %add3A_223 = arith.addf %add3A_214, %get3A_222 : vector<16xf32>
      %get3A_224 = arith.constant 4608 : index
      %get3A_225 = tpu.vector_load %arg5[%get3A_224] {strides = array<i32>} : memref<6144xf32, #tpu.memory_space<vmem>>, vector<16xf32>,
      %add3A_226 = arith.addf %add3A_217, %get3A_225 : vector<16xf32>
      %get3A_227 = arith.constant 4672 : index
      %get3A_228 = tpu.vector_load %arg5[%get3A_227] {strides = array<i32>} : memref<6144xf32, #tpu.memory_space<vmem>>, vector<16xf32>,
      %add3A_229 = arith.addf %add3A_220, %get3A_228 : vector<16xf32>
      %get3A_230 = arith.constant 4736 : index
      %get3A_231 = tpu.vector_load %arg5[%get3A_230] {strides = array<i32>} : memref<6144xf32, #tpu.memory_space<vmem>>, vector<16xf32>,
      %add3A_232 = arith.addf %add3A_223, %get3A_231 : vector<16xf32>
      %get3A_233 = arith.constant 4800 : index
      %get3A_234 = tpu.vector_load %arg5[%get3A_233] {strides = array<i32>} : memref<6144xf32, #tpu.memory_space<vmem>>, vector<16xf32>,
      %add3A_235 = arith.addf %add3A_226, %get3A_234 : vector<16xf32>
      %get3A_236 = arith.constant 4864 : index
      %get3A_237 = tpu.vector_load %arg5[%get3A_236] {strides = array<i32>} : memref<6144xf32, #tpu.memory_space<vmem>>, vector<16xf32>,
      %add3A_238 = arith.addf %add3A_229, %get3A_237 : vector<16xf32>
      %get3A_239 = arith.constant 4928 : index
      %get3A_240 = tpu.vector_load %arg5[%get3A_239] {strides = array<i32>} : memref<6144xf32, #tpu.memory_space<vmem>>, vector<16xf32>,
      %add3A_241 = arith.addf %add3A_232, %get3A_240 : vector<16xf32>
      %get3A_242 = arith.constant 4992 : index
      %get3A_243 = tpu.vector_load %arg5[%get3A_242] {strides = array<i32>} : memref<6144xf32, #tpu.memory_space<vmem>>, vector<16xf32>,
      %add3A_244 = arith.addf %add3A_235, %get3A_243 : vector<16xf32>
      %get3A_245 = arith.constant 5056 : index
      %get3A_246 = tpu.vector_load %arg5[%get3A_245] {strides = array<i32>} : memref<6144xf32, #tpu.memory_space<vmem>>, vector<16xf32>,
      %add3A_247 = arith.addf %add3A_238, %get3A_246 : vector<16xf32>
      %get3A_248 = arith.constant 5120 : index
      %get3A_249 = tpu.vector_load %arg5[%get3A_248] {strides = array<i32>} : memref<6144xf32, #tpu.memory_space<vmem>>, vector<16xf32>,
      %add3A_250 = arith.addf %add3A_241, %get3A_249 : vector<16xf32>
      %get3A_251 = arith.constant 5184 : index
      %get3A_252 = tpu.vector_load %arg5[%get3A_251] {strides = array<i32>} : memref<6144xf32, #tpu.memory_space<vmem>>, vector<16xf32>,
      %add3A_253 = arith.addf %add3A_244, %get3A_252 : vector<16xf32>
      %get3A_254 = arith.constant 5248 : index
      %get3A_255 = tpu.vector_load %arg5[%get3A_254] {strides = array<i32>} : memref<6144xf32, #tpu.memory_space<vmem>>, vector<16xf32>,
      %add3A_256 = arith.addf %add3A_247, %get3A_255 : vector<16xf32>
      %get3A_257 = arith.constant 5312 : index
      %get3A_258 = tpu.vector_load %arg5[%get3A_257] {strides = array<i32>} : memref<6144xf32, #tpu.memory_space<vmem>>, vector<16xf32>,
      %add3A_259 = arith.addf %add3A_250, %get3A_258 : vector<16xf32>
      %get3A_260 = arith.constant 5376 : index
      %get3A_261 = tpu.vector_load %arg5[%get3A_260] {strides = array<i32>} : memref<6144xf32, #tpu.memory_space<vmem>>, vector<16xf32>,
      %add3A_262 = arith.addf %add3A_253, %get3A_261 : vector<16xf32>
      %get3A_263 = arith.constant 5440 : index
      %get3A_264 = tpu.vector_load %arg5[%get3A_263] {strides = array<i32>} : memref<6144xf32, #tpu.memory_space<vmem>>, vector<16xf32>,
      %add3A_265 = arith.addf %add3A_256, %get3A_264 : vector<16xf32>
      %get3A_266 = arith.constant 5504 : index
      %get3A_267 = tpu.vector_load %arg5[%get3A_266] {strides = array<i32>} : memref<6144xf32, #tpu.memory_space<vmem>>, vector<16xf32>,
      %add3A_268 = arith.addf %add3A_259, %get3A_267 : vector<16xf32>
      %get3A_269 = arith.constant 5568 : index
      %get3A_270 = tpu.vector_load %arg5[%get3A_269] {strides = array<i32>} : memref<6144xf32, #tpu.memory_space<vmem>>, vector<16xf32>,
      %add3A_271 = arith.addf %add3A_262, %get3A_270 : vector<16xf32>
      %get3A_272 = arith.constant 5632 : index
      %get3A_273 = tpu.vector_load %arg5[%get3A_272] {strides = array<i32>} : memref<6144xf32, #tpu.memory_space<vmem>>, vector<16xf32>,
      %add3A_274 = arith.addf %add3A_265, %get3A_273 : vector<16xf32>
      %get3A_275 = arith.constant 5696 : index
      %get3A_276 = tpu.vector_load %arg5[%get3A_275] {strides = array<i32>} : memref<6144xf32, #tpu.memory_space<vmem>>, vector<16xf32>,
      %add3A_277 = arith.addf %add3A_268, %get3A_276 : vector<16xf32>
      %get3A_278 = arith.constant 5760 : index
      %get3A_279 = tpu.vector_load %arg5[%get3A_278] {strides = array<i32>} : memref<6144xf32, #tpu.memory_space<vmem>>, vector<16xf32>,
      %add3A_280 = arith.addf %add3A_271, %get3A_279 : vector<16xf32>
      %get3A_281 = arith.constant 5824 : index
      %get3A_282 = tpu.vector_load %arg5[%get3A_281] {strides = array<i32>} : memref<6144xf32, #tpu.memory_space<vmem>>, vector<16xf32>,
      %add3A_283 = arith.addf %add3A_274, %get3A_282 : vector<16xf32>
      %get3A_284 = arith.constant 5888 : index
      %get3A_285 = tpu.vector_load %arg5[%get3A_284] {strides = array<i32>} : memref<6144xf32, #tpu.memory_space<vmem>>, vector<16xf32>,
      %add3A_286 = arith.addf %add3A_277, %get3A_285 : vector<16xf32>
      %get3A_287 = arith.constant 5952 : index
      %get3A_288 = tpu.vector_load %arg5[%get3A_287] {strides = array<i32>} : memref<6144xf32, #tpu.memory_space<vmem>>, vector<16xf32>,
      %add3A_289 = arith.addf %add3A_280, %get3A_288 : vector<16xf32>
      %get3A_290 = arith.constant 6016 : index
      %get3A_291 = tpu.vector_load %arg5[%get3A_290] {strides = array<i32>} : memref<6144xf32, #tpu.memory_space<vmem>>, vector<16xf32>,
      %add3A_292 = arith.addf %add3A_283, %get3A_291 : vector<16xf32>
      %get3A_293 = arith.constant 6080 : index
      %get3A_294 = tpu.vector_load %arg5[%get3A_293] {strides = array<i32>} : memref<6144xf32, #tpu.memory_space<vmem>>, vector<16xf32>,
      %add3A_295 = arith.addf %add3A_286, %get3A_294 : vector<16xf32>
      %max3A = arith.constant 1.000000e+00 : f32
      %max3A_296 = vector.broadcast %max3A : f32 to vector<16xf32>
      %max3A_297 = arith.maximumf %add3A_289, %max3A_296 : vector<16xf32>
      %div3A = arith.divf %add3A_292, %max3A_297 : vector<16xf32>
      %div3A_298 = arith.divf %add3A_295, %max3A_297 : vector<16xf32>
      %sub3A = arith.subf %div3A, %div3A_298 : vector<16xf32>
      %abs3A = math.absf %sub3A : vector<16xf32>
      %gt3A = arith.constant 0.000000e+00 : f32
      %gt3A_299 = vector.broadcast %gt3A : f32 to vector<16xf32>
      %gt3A_300 = arith.cmpf ogt, %add3A_289, %gt3A_299 : vector<16xf32>
      %jit3A = arith.constant 0.000000e+00 : f32
      %broadcast_in_dim3A = vector.broadcast %jit3A : f32 to vector<16xf32>
      %select_n3A = arith.select %gt3A_300, %abs3A, %broadcast_in_dim3A : vector<16xi1>, vector<16xf32>
      %mul3A_301 = arith.constant 6.250000e-02 : f32
      %mul3A_302 = vector.broadcast %mul3A_301 : f32 to vector<16xf32>
      %mul3A_303 = arith.mulf %select_n3A, %mul3A_302 : vector<16xf32>
      %broadcast_in_dim3A_304 = arith.constant 0.000000e+00 : f32
      %broadcast_in_dim3A_305 = vector.broadcast %broadcast_in_dim3A_304 : f32 to vector<16xf32>
      %reduce_sum3A = arith.constant true
      %reduce_sum3A_306 = vector.broadcast %reduce_sum3A : i1 to vector<16xi1>
      %reduce_sum3A_307 = tpu.scan <sum>, %mul3A_303 masked %reduce_sum3A_306 : vector<16xf32>, vector<16xi1> -> vector<16xf32>
      %reduce_sum3A_308 = vector.extract %reduce_sum3A_307[15] : f32 from vector<16xf32>
      %add3A_309 = vector.broadcast %reduce_sum3A_308 : f32 to vector<16xf32>
      %add3A_310 = arith.addf %broadcast_in_dim3A_305, %add3A_309 : vector<16xf32>
      %swap3A = arith.constant 0 : index
      %swap3A_311 = tpu.vector_load %arg7[%swap3A] {strides = array<i32>} : memref<16xf32, #tpu.memory_space<vmem>>, vector<16xf32>,
      tpu.vector_store %arg7[%swap3A], %add3A_310 {strides = array<i32>} : memref<16xf32, #tpu.memory_space<vmem>>, vector<16xf32>,
      "tpu.region"() ({
        %run_scoped3A = tpu.sem_alloc : memref<!tpu.dma_semaphore, #tpu.memory_space<semaphore_mem>>
        tpu.enqueue_dma source(%arg7 : memref<16xf32, #tpu.memory_space<vmem>>) target(%arg4 : memref<16xf32, #tpu.memory_space<hbm>>) target_semaphore(%run_scoped3A : memref<!tpu.dma_semaphore, #tpu.memory_space<semaphore_mem>>)
        tpu.wait_dma2 semaphore(%run_scoped3A : memref<!tpu.dma_semaphore, #tpu.memory_space<semaphore_mem>>) src(%arg7 : memref<16xf32, #tpu.memory_space<vmem>>) dst(%arg4 : memref<16xf32, #tpu.memory_space<hbm>>)
        tpu.yield
      }) : () -> ()
    } else {
    }
    return
  }
}

#map = affine_map<(d0, d1) -> (0, 0, 0, 0)>
#map1 = affine_map<(d0, d1) -> (0)>
module attributes {stable_mosaic.version = 14 : i64} {
  func.func @_sc_hist(%arg0: i32, %arg1: i32, %arg2: memref<16x3x512x512xf32, #tpu.memory_space<hbm>>, %arg3: memref<16x3x512x512xf32, #tpu.memory_space<hbm>>, %arg4: memref<16x3x512x512xf32, #tpu.memory_space<hbm>>, %arg5: memref<6144xf32, #tpu.memory_space<hbm>>, %arg6: memref<8x512xf32, #tpu.memory_space<vmem>>, %arg7: memref<8x512xf32, #tpu.memory_space<vmem>>, %arg8: memref<8x512xf32, #tpu.memory_space<vmem>>, %arg9: memref<8x512xf32, #tpu.memory_space<vmem>>, %arg10: memref<8x512xf32, #tpu.memory_space<vmem>>, %arg11: memref<8x512xf32, #tpu.memory_space<vmem>>, %arg12: memref<8x512xf32, #tpu.memory_space<vmem>>, %arg13: memref<8x512xf32, #tpu.memory_space<vmem>>, %arg14: memref<8x512xf32, #tpu.memory_space<vmem>>, %arg15: memref<8x512xf32, #tpu.memory_space<vmem>>, %arg16: memref<8x512xf32, #tpu.memory_space<vmem>>, %arg17: memref<8x512xf32, #tpu.memory_space<vmem>>, %arg18: memref<8x512xf32, #tpu.memory_space<vmem>>, %arg19: memref<8x512xf32, #tpu.memory_space<vmem>>, %arg20: memref<8x512xf32, #tpu.memory_space<vmem>>, %arg21: memref<8x512xf32, #tpu.memory_space<vmem>>, %arg22: memref<8x512xf32, #tpu.memory_space<vmem>>, %arg23: memref<8x512xf32, #tpu.memory_space<vmem>>, %arg24: memref<8x512xf32, #tpu.memory_space<vmem>>, %arg25: memref<8x512xf32, #tpu.memory_space<vmem>>, %arg26: memref<8x512xf32, #tpu.memory_space<vmem>>, %arg27: memref<8x512xf32, #tpu.memory_space<vmem>>, %arg28: memref<8x512xf32, #tpu.memory_space<vmem>>, %arg29: memref<8x512xf32, #tpu.memory_space<vmem>>, %arg30: memref<8x512xf32, #tpu.memory_space<vmem>>, %arg31: memref<8x512xf32, #tpu.memory_space<vmem>>, %arg32: memref<8x512xf32, #tpu.memory_space<vmem>>, %arg33: memref<272xf32, #tpu.memory_space<vmem>>, %arg34: memref<272xf32, #tpu.memory_space<vmem>>, %arg35: memref<272xf32, #tpu.memory_space<vmem>>, %arg36: memref<192xf32, #tpu.memory_space<vmem>>, %arg37: memref<!tpu.dma_semaphore, #tpu.memory_space<semaphore_mem>>, %arg38: memref<!tpu.dma_semaphore, #tpu.memory_space<semaphore_mem>>, %arg39: memref<!tpu.dma_semaphore, #tpu.memory_space<semaphore_mem>>) attributes {dimension_semantics = [#tpu.dimension_semantics<core_parallel>, #tpu.dimension_semantics<subcore_parallel>], iteration_bounds = array<i64: 2, 16>, scalar_prefetch = 0 : i64, scratch_operands = 34 : i64, tpu.core_type = #tpu.core_type<sc_vector_subcore>, window_params = [{transform_indices = #map}, {transform_indices = #map}, {transform_indices = #map}, {transform_indices = #map1}]} {
    %mul3A = arith.constant 2 : i32
    %mul3A_0 = arith.muli %arg1, %mul3A : i32
    %add3A = arith.addi %mul3A_0, %arg0 : i32
    %mul3A_1 = arith.constant 144 : i32
    %mul3A_2 = arith.muli %add3A, %mul3A_1 : i32
    %broadcast_in_dim3A = arith.constant 0.000000e+00 : f32
    %broadcast_in_dim3A_3 = vector.broadcast %broadcast_in_dim3A : f32 to vector<16xf32>
    %swap3A = arith.constant 0 : index
    %swap3A_4 = tpu.vector_load %arg33[%swap3A] {strides = array<i32>} : memref<272xf32, #tpu.memory_space<vmem>>, vector<16xf32>,
    tpu.vector_store %arg33[%swap3A], %broadcast_in_dim3A_3 {strides = array<i32>} : memref<272xf32, #tpu.memory_space<vmem>>, vector<16xf32>,
    %swap3A_5 = arith.constant 0 : index
    %swap3A_6 = tpu.vector_load %arg34[%swap3A_5] {strides = array<i32>} : memref<272xf32, #tpu.memory_space<vmem>>, vector<16xf32>,
    tpu.vector_store %arg34[%swap3A_5], %broadcast_in_dim3A_3 {strides = array<i32>} : memref<272xf32, #tpu.memory_space<vmem>>, vector<16xf32>,
    %swap3A_7 = arith.constant 0 : index
    %swap3A_8 = tpu.vector_load %arg35[%swap3A_7] {strides = array<i32>} : memref<272xf32, #tpu.memory_space<vmem>>, vector<16xf32>,
    tpu.vector_store %arg35[%swap3A_7], %broadcast_in_dim3A_3 {strides = array<i32>} : memref<272xf32, #tpu.memory_space<vmem>>, vector<16xf32>,
    %swap3A_9 = arith.constant 16 : index
    %swap3A_10 = tpu.vector_load %arg33[%swap3A_9] {strides = array<i32>} : memref<272xf32, #tpu.memory_space<vmem>>, vector<16xf32>,
    tpu.vector_store %arg33[%swap3A_9], %broadcast_in_dim3A_3 {strides = array<i32>} : memref<272xf32, #tpu.memory_space<vmem>>, vector<16xf32>,
    %swap3A_11 = arith.constant 16 : index
    %swap3A_12 = tpu.vector_load %arg34[%swap3A_11] {strides = array<i32>} : memref<272xf32, #tpu.memory_space<vmem>>, vector<16xf32>,
    tpu.vector_store %arg34[%swap3A_11], %broadcast_in_dim3A_3 {strides = array<i32>} : memref<272xf32, #tpu.memory_space<vmem>>, vector<16xf32>,
    %swap3A_13 = arith.constant 16 : index
    %swap3A_14 = tpu.vector_load %arg35[%swap3A_13] {strides = array<i32>} : memref<272xf32, #tpu.memory_space<vmem>>, vector<16xf32>,
    tpu.vector_store %arg35[%swap3A_13], %broadcast_in_dim3A_3 {strides = array<i32>} : memref<272xf32, #tpu.memory_space<vmem>>, vector<16xf32>,
    %swap3A_15 = arith.constant 32 : index
    %swap3A_16 = tpu.vector_load %arg33[%swap3A_15] {strides = array<i32>} : memref<272xf32, #tpu.memory_space<vmem>>, vector<16xf32>,
    tpu.vector_store %arg33[%swap3A_15], %broadcast_in_dim3A_3 {strides = array<i32>} : memref<272xf32, #tpu.memory_space<vmem>>, vector<16xf32>,
    %swap3A_17 = arith.constant 32 : index
    %swap3A_18 = tpu.vector_load %arg34[%swap3A_17] {strides = array<i32>} : memref<272xf32, #tpu.memory_space<vmem>>, vector<16xf32>,
    tpu.vector_store %arg34[%swap3A_17], %broadcast_in_dim3A_3 {strides = array<i32>} : memref<272xf32, #tpu.memory_space<vmem>>, vector<16xf32>,
    %swap3A_19 = arith.constant 32 : index
    %swap3A_20 = tpu.vector_load %arg35[%swap3A_19] {strides = array<i32>} : memref<272xf32, #tpu.memory_space<vmem>>, vector<16xf32>,
    tpu.vector_store %arg35[%swap3A_19], %broadcast_in_dim3A_3 {strides = array<i32>} : memref<272xf32, #tpu.memory_space<vmem>>, vector<16xf32>,
    %swap3A_21 = arith.constant 48 : index
    %swap3A_22 = tpu.vector_load %arg33[%swap3A_21] {strides = array<i32>} : memref<272xf32, #tpu.memory_space<vmem>>, vector<16xf32>,
    tpu.vector_store %arg33[%swap3A_21], %broadcast_in_dim3A_3 {strides = array<i32>} : memref<272xf32, #tpu.memory_space<vmem>>, vector<16xf32>,
    %swap3A_23 = arith.constant 48 : index
    %swap3A_24 = tpu.vector_load %arg34[%swap3A_23] {strides = array<i32>} : memref<272xf32, #tpu.memory_space<vmem>>, vector<16xf32>,
    tpu.vector_store %arg34[%swap3A_23], %broadcast_in_dim3A_3 {strides = array<i32>} : memref<272xf32, #tpu.memory_space<vmem>>, vector<16xf32>,
    %swap3A_25 = arith.constant 48 : index
    %swap3A_26 = tpu.vector_load %arg35[%swap3A_25] {strides = array<i32>} : memref<272xf32, #tpu.memory_space<vmem>>, vector<16xf32>,
    tpu.vector_store %arg35[%swap3A_25], %broadcast_in_dim3A_3 {strides = array<i32>} : memref<272xf32, #tpu.memory_space<vmem>>, vector<16xf32>,
    %swap3A_27 = arith.constant 64 : index
    %swap3A_28 = tpu.vector_load %arg33[%swap3A_27] {strides = array<i32>} : memref<272xf32, #tpu.memory_space<vmem>>, vector<16xf32>,
    tpu.vector_store %arg33[%swap3A_27], %broadcast_in_dim3A_3 {strides = array<i32>} : memref<272xf32, #tpu.memory_space<vmem>>, vector<16xf32>,
    %swap3A_29 = arith.constant 64 : index
    %swap3A_30 = tpu.vector_load %arg34[%swap3A_29] {strides = array<i32>} : memref<272xf32, #tpu.memory_space<vmem>>, vector<16xf32>,
    tpu.vector_store %arg34[%swap3A_29], %broadcast_in_dim3A_3 {strides = array<i32>} : memref<272xf32, #tpu.memory_space<vmem>>, vector<16xf32>,
    %swap3A_31 = arith.constant 64 : index
    %swap3A_32 = tpu.vector_load %arg35[%swap3A_31] {strides = array<i32>} : memref<272xf32, #tpu.memory_space<vmem>>, vector<16xf32>,
    tpu.vector_store %arg35[%swap3A_31], %broadcast_in_dim3A_3 {strides = array<i32>} : memref<272xf32, #tpu.memory_space<vmem>>, vector<16xf32>,
    %swap3A_33 = arith.constant 80 : index
    %swap3A_34 = tpu.vector_load %arg33[%swap3A_33] {strides = array<i32>} : memref<272xf32, #tpu.memory_space<vmem>>, vector<16xf32>,
    tpu.vector_store %arg33[%swap3A_33], %broadcast_in_dim3A_3 {strides = array<i32>} : memref<272xf32, #tpu.memory_space<vmem>>, vector<16xf32>,
    %swap3A_35 = arith.constant 80 : index
    %swap3A_36 = tpu.vector_load %arg34[%swap3A_35] {strides = array<i32>} : memref<272xf32, #tpu.memory_space<vmem>>, vector<16xf32>,
    tpu.vector_store %arg34[%swap3A_35], %broadcast_in_dim3A_3 {strides = array<i32>} : memref<272xf32, #tpu.memory_space<vmem>>, vector<16xf32>,
    %swap3A_37 = arith.constant 80 : index
    %swap3A_38 = tpu.vector_load %arg35[%swap3A_37] {strides = array<i32>} : memref<272xf32, #tpu.memory_space<vmem>>, vector<16xf32>,
    tpu.vector_store %arg35[%swap3A_37], %broadcast_in_dim3A_3 {strides = array<i32>} : memref<272xf32, #tpu.memory_space<vmem>>, vector<16xf32>,
    %swap3A_39 = arith.constant 96 : index
    %swap3A_40 = tpu.vector_load %arg33[%swap3A_39] {strides = array<i32>} : memref<272xf32, #tpu.memory_space<vmem>>, vector<16xf32>,
    tpu.vector_store %arg33[%swap3A_39], %broadcast_in_dim3A_3 {strides = array<i32>} : memref<272xf32, #tpu.memory_space<vmem>>, vector<16xf32>,
    %swap3A_41 = arith.constant 96 : index
    %swap3A_42 = tpu.vector_load %arg34[%swap3A_41] {strides = array<i32>} : memref<272xf32, #tpu.memory_space<vmem>>, vector<16xf32>,
    tpu.vector_store %arg34[%swap3A_41], %broadcast_in_dim3A_3 {strides = array<i32>} : memref<272xf32, #tpu.memory_space<vmem>>, vector<16xf32>,
    %swap3A_43 = arith.constant 96 : index
    %swap3A_44 = tpu.vector_load %arg35[%swap3A_43] {strides = array<i32>} : memref<272xf32, #tpu.memory_space<vmem>>, vector<16xf32>,
    tpu.vector_store %arg35[%swap3A_43], %broadcast_in_dim3A_3 {strides = array<i32>} : memref<272xf32, #tpu.memory_space<vmem>>, vector<16xf32>,
    %swap3A_45 = arith.constant 112 : index
    %swap3A_46 = tpu.vector_load %arg33[%swap3A_45] {strides = array<i32>} : memref<272xf32, #tpu.memory_space<vmem>>, vector<16xf32>,
    tpu.vector_store %arg33[%swap3A_45], %broadcast_in_dim3A_3 {strides = array<i32>} : memref<272xf32, #tpu.memory_space<vmem>>, vector<16xf32>,
    %swap3A_47 = arith.constant 112 : index
    %swap3A_48 = tpu.vector_load %arg34[%swap3A_47] {strides = array<i32>} : memref<272xf32, #tpu.memory_space<vmem>>, vector<16xf32>,
    tpu.vector_store %arg34[%swap3A_47], %broadcast_in_dim3A_3 {strides = array<i32>} : memref<272xf32, #tpu.memory_space<vmem>>, vector<16xf32>,
    %swap3A_49 = arith.constant 112 : index
    %swap3A_50 = tpu.vector_load %arg35[%swap3A_49] {strides = array<i32>} : memref<272xf32, #tpu.memory_space<vmem>>, vector<16xf32>,
    tpu.vector_store %arg35[%swap3A_49], %broadcast_in_dim3A_3 {strides = array<i32>} : memref<272xf32, #tpu.memory_space<vmem>>, vector<16xf32>,
    %swap3A_51 = arith.constant 128 : index
    %swap3A_52 = tpu.vector_load %arg33[%swap3A_51] {strides = array<i32>} : memref<272xf32, #tpu.memory_space<vmem>>, vector<16xf32>,
    tpu.vector_store %arg33[%swap3A_51], %broadcast_in_dim3A_3 {strides = array<i32>} : memref<272xf32, #tpu.memory_space<vmem>>, vector<16xf32>,
    %swap3A_53 = arith.constant 128 : index
    %swap3A_54 = tpu.vector_load %arg34[%swap3A_53] {strides = array<i32>} : memref<272xf32, #tpu.memory_space<vmem>>, vector<16xf32>,
    tpu.vector_store %arg34[%swap3A_53], %broadcast_in_dim3A_3 {strides = array<i32>} : memref<272xf32, #tpu.memory_space<vmem>>, vector<16xf32>,
    %swap3A_55 = arith.constant 128 : index
    %swap3A_56 = tpu.vector_load %arg35[%swap3A_55] {strides = array<i32>} : memref<272xf32, #tpu.memory_space<vmem>>, vector<16xf32>,
    tpu.vector_store %arg35[%swap3A_55], %broadcast_in_dim3A_3 {strides = array<i32>} : memref<272xf32, #tpu.memory_space<vmem>>, vector<16xf32>,
    %swap3A_57 = arith.constant 144 : index
    %swap3A_58 = tpu.vector_load %arg33[%swap3A_57] {strides = array<i32>} : memref<272xf32, #tpu.memory_space<vmem>>, vector<16xf32>,
    tpu.vector_store %arg33[%swap3A_57], %broadcast_in_dim3A_3 {strides = array<i32>} : memref<272xf32, #tpu.memory_space<vmem>>, vector<16xf32>,
    %swap3A_59 = arith.constant 144 : index
    %swap3A_60 = tpu.vector_load %arg34[%swap3A_59] {strides = array<i32>} : memref<272xf32, #tpu.memory_space<vmem>>, vector<16xf32>,
    tpu.vector_store %arg34[%swap3A_59], %broadcast_in_dim3A_3 {strides = array<i32>} : memref<272xf32, #tpu.memory_space<vmem>>, vector<16xf32>,
    %swap3A_61 = arith.constant 144 : index
    %swap3A_62 = tpu.vector_load %arg35[%swap3A_61] {strides = array<i32>} : memref<272xf32, #tpu.memory_space<vmem>>, vector<16xf32>,
    tpu.vector_store %arg35[%swap3A_61], %broadcast_in_dim3A_3 {strides = array<i32>} : memref<272xf32, #tpu.memory_space<vmem>>, vector<16xf32>,
    %swap3A_63 = arith.constant 160 : index
    %swap3A_64 = tpu.vector_load %arg33[%swap3A_63] {strides = array<i32>} : memref<272xf32, #tpu.memory_space<vmem>>, vector<16xf32>,
    tpu.vector_store %arg33[%swap3A_63], %broadcast_in_dim3A_3 {strides = array<i32>} : memref<272xf32, #tpu.memory_space<vmem>>, vector<16xf32>,
    %swap3A_65 = arith.constant 160 : index
    %swap3A_66 = tpu.vector_load %arg34[%swap3A_65] {strides = array<i32>} : memref<272xf32, #tpu.memory_space<vmem>>, vector<16xf32>,
    tpu.vector_store %arg34[%swap3A_65], %broadcast_in_dim3A_3 {strides = array<i32>} : memref<272xf32, #tpu.memory_space<vmem>>, vector<16xf32>,
    %swap3A_67 = arith.constant 160 : index
    %swap3A_68 = tpu.vector_load %arg35[%swap3A_67] {strides = array<i32>} : memref<272xf32, #tpu.memory_space<vmem>>, vector<16xf32>,
    tpu.vector_store %arg35[%swap3A_67], %broadcast_in_dim3A_3 {strides = array<i32>} : memref<272xf32, #tpu.memory_space<vmem>>, vector<16xf32>,
    %swap3A_69 = arith.constant 176 : index
    %swap3A_70 = tpu.vector_load %arg33[%swap3A_69] {strides = array<i32>} : memref<272xf32, #tpu.memory_space<vmem>>, vector<16xf32>,
    tpu.vector_store %arg33[%swap3A_69], %broadcast_in_dim3A_3 {strides = array<i32>} : memref<272xf32, #tpu.memory_space<vmem>>, vector<16xf32>,
    %swap3A_71 = arith.constant 176 : index
    %swap3A_72 = tpu.vector_load %arg34[%swap3A_71] {strides = array<i32>} : memref<272xf32, #tpu.memory_space<vmem>>, vector<16xf32>,
    tpu.vector_store %arg34[%swap3A_71], %broadcast_in_dim3A_3 {strides = array<i32>} : memref<272xf32, #tpu.memory_space<vmem>>, vector<16xf32>,
    %swap3A_73 = arith.constant 176 : index
    %swap3A_74 = tpu.vector_load %arg35[%swap3A_73] {strides = array<i32>} : memref<272xf32, #tpu.memory_space<vmem>>, vector<16xf32>,
    tpu.vector_store %arg35[%swap3A_73], %broadcast_in_dim3A_3 {strides = array<i32>} : memref<272xf32, #tpu.memory_space<vmem>>, vector<16xf32>,
    %swap3A_75 = arith.constant 192 : index
    %swap3A_76 = tpu.vector_load %arg33[%swap3A_75] {strides = array<i32>} : memref<272xf32, #tpu.memory_space<vmem>>, vector<16xf32>,
    tpu.vector_store %arg33[%swap3A_75], %broadcast_in_dim3A_3 {strides = array<i32>} : memref<272xf32, #tpu.memory_space<vmem>>, vector<16xf32>,
    %swap3A_77 = arith.constant 192 : index
    %swap3A_78 = tpu.vector_load %arg34[%swap3A_77] {strides = array<i32>} : memref<272xf32, #tpu.memory_space<vmem>>, vector<16xf32>,
    tpu.vector_store %arg34[%swap3A_77], %broadcast_in_dim3A_3 {strides = array<i32>} : memref<272xf32, #tpu.memory_space<vmem>>, vector<16xf32>,
    %swap3A_79 = arith.constant 192 : index
    %swap3A_80 = tpu.vector_load %arg35[%swap3A_79] {strides = array<i32>} : memref<272xf32, #tpu.memory_space<vmem>>, vector<16xf32>,
    tpu.vector_store %arg35[%swap3A_79], %broadcast_in_dim3A_3 {strides = array<i32>} : memref<272xf32, #tpu.memory_space<vmem>>, vector<16xf32>,
    %swap3A_81 = arith.constant 208 : index
    %swap3A_82 = tpu.vector_load %arg33[%swap3A_81] {strides = array<i32>} : memref<272xf32, #tpu.memory_space<vmem>>, vector<16xf32>,
    tpu.vector_store %arg33[%swap3A_81], %broadcast_in_dim3A_3 {strides = array<i32>} : memref<272xf32, #tpu.memory_space<vmem>>, vector<16xf32>,
    %swap3A_83 = arith.constant 208 : index
    %swap3A_84 = tpu.vector_load %arg34[%swap3A_83] {strides = array<i32>} : memref<272xf32, #tpu.memory_space<vmem>>, vector<16xf32>,
    tpu.vector_store %arg34[%swap3A_83], %broadcast_in_dim3A_3 {strides = array<i32>} : memref<272xf32, #tpu.memory_space<vmem>>, vector<16xf32>,
    %swap3A_85 = arith.constant 208 : index
    %swap3A_86 = tpu.vector_load %arg35[%swap3A_85] {strides = array<i32>} : memref<272xf32, #tpu.memory_space<vmem>>, vector<16xf32>,
    tpu.vector_store %arg35[%swap3A_85], %broadcast_in_dim3A_3 {strides = array<i32>} : memref<272xf32, #tpu.memory_space<vmem>>, vector<16xf32>,
    %swap3A_87 = arith.constant 224 : index
    %swap3A_88 = tpu.vector_load %arg33[%swap3A_87] {strides = array<i32>} : memref<272xf32, #tpu.memory_space<vmem>>, vector<16xf32>,
    tpu.vector_store %arg33[%swap3A_87], %broadcast_in_dim3A_3 {strides = array<i32>} : memref<272xf32, #tpu.memory_space<vmem>>, vector<16xf32>,
    %swap3A_89 = arith.constant 224 : index
    %swap3A_90 = tpu.vector_load %arg34[%swap3A_89] {strides = array<i32>} : memref<272xf32, #tpu.memory_space<vmem>>, vector<16xf32>,
    tpu.vector_store %arg34[%swap3A_89], %broadcast_in_dim3A_3 {strides = array<i32>} : memref<272xf32, #tpu.memory_space<vmem>>, vector<16xf32>,
    %swap3A_91 = arith.constant 224 : index
    %swap3A_92 = tpu.vector_load %arg35[%swap3A_91] {strides = array<i32>} : memref<272xf32, #tpu.memory_space<vmem>>, vector<16xf32>,
    tpu.vector_store %arg35[%swap3A_91], %broadcast_in_dim3A_3 {strides = array<i32>} : memref<272xf32, #tpu.memory_space<vmem>>, vector<16xf32>,
    %swap3A_93 = arith.constant 240 : index
    %swap3A_94 = tpu.vector_load %arg33[%swap3A_93] {strides = array<i32>} : memref<272xf32, #tpu.memory_space<vmem>>, vector<16xf32>,
    tpu.vector_store %arg33[%swap3A_93], %broadcast_in_dim3A_3 {strides = array<i32>} : memref<272xf32, #tpu.memory_space<vmem>>, vector<16xf32>,
    %swap3A_95 = arith.constant 240 : index
    %swap3A_96 = tpu.vector_load %arg34[%swap3A_95] {strides = array<i32>} : memref<272xf32, #tpu.memory_space<vmem>>, vector<16xf32>,
    tpu.vector_store %arg34[%swap3A_95], %broadcast_in_dim3A_3 {strides = array<i32>} : memref<272xf32, #tpu.memory_space<vmem>>, vector<16xf32>,
    %swap3A_97 = arith.constant 240 : index
    %swap3A_98 = tpu.vector_load %arg35[%swap3A_97] {strides = array<i32>} : memref<272xf32, #tpu.memory_space<vmem>>, vector<16xf32>,
    tpu.vector_store %arg35[%swap3A_97], %broadcast_in_dim3A_3 {strides = array<i32>} : memref<272xf32, #tpu.memory_space<vmem>>, vector<16xf32>,
    %swap3A_99 = arith.constant 256 : index
    %swap3A_100 = tpu.vector_load %arg33[%swap3A_99] {strides = array<i32>} : memref<272xf32, #tpu.memory_space<vmem>>, vector<16xf32>,
    tpu.vector_store %arg33[%swap3A_99], %broadcast_in_dim3A_3 {strides = array<i32>} : memref<272xf32, #tpu.memory_space<vmem>>, vector<16xf32>,
    %swap3A_101 = arith.constant 256 : index
    %swap3A_102 = tpu.vector_load %arg34[%swap3A_101] {strides = array<i32>} : memref<272xf32, #tpu.memory_space<vmem>>, vector<16xf32>,
    tpu.vector_store %arg34[%swap3A_101], %broadcast_in_dim3A_3 {strides = array<i32>} : memref<272xf32, #tpu.memory_space<vmem>>, vector<16xf32>,
    %swap3A_103 = arith.constant 256 : index
    %swap3A_104 = tpu.vector_load %arg35[%swap3A_103] {strides = array<i32>} : memref<272xf32, #tpu.memory_space<vmem>>, vector<16xf32>,
    tpu.vector_store %arg35[%swap3A_103], %broadcast_in_dim3A_3 {strides = array<i32>} : memref<272xf32, #tpu.memory_space<vmem>>, vector<16xf32>,
    %swap3A_105 = arith.constant 0 : index
    %swap3A_106 = tpu.vector_load %arg36[%swap3A_105] {strides = array<i32>} : memref<192xf32, #tpu.memory_space<vmem>>, vector<16xf32>,
    tpu.vector_store %arg36[%swap3A_105], %broadcast_in_dim3A_3 {strides = array<i32>} : memref<192xf32, #tpu.memory_space<vmem>>, vector<16xf32>,
    %swap3A_107 = arith.constant 16 : index
    %swap3A_108 = tpu.vector_load %arg36[%swap3A_107] {strides = array<i32>} : memref<192xf32, #tpu.memory_space<vmem>>, vector<16xf32>,
    tpu.vector_store %arg36[%swap3A_107], %broadcast_in_dim3A_3 {strides = array<i32>} : memref<192xf32, #tpu.memory_space<vmem>>, vector<16xf32>,
    %swap3A_109 = arith.constant 32 : index
    %swap3A_110 = tpu.vector_load %arg36[%swap3A_109] {strides = array<i32>} : memref<192xf32, #tpu.memory_space<vmem>>, vector<16xf32>,
    tpu.vector_store %arg36[%swap3A_109], %broadcast_in_dim3A_3 {strides = array<i32>} : memref<192xf32, #tpu.memory_space<vmem>>, vector<16xf32>,
    %swap3A_111 = arith.constant 48 : index
    %swap3A_112 = tpu.vector_load %arg36[%swap3A_111] {strides = array<i32>} : memref<192xf32, #tpu.memory_space<vmem>>, vector<16xf32>,
    tpu.vector_store %arg36[%swap3A_111], %broadcast_in_dim3A_3 {strides = array<i32>} : memref<192xf32, #tpu.memory_space<vmem>>, vector<16xf32>,
    %swap3A_113 = arith.constant 64 : index
    %swap3A_114 = tpu.vector_load %arg36[%swap3A_113] {strides = array<i32>} : memref<192xf32, #tpu.memory_space<vmem>>, vector<16xf32>,
    tpu.vector_store %arg36[%swap3A_113], %broadcast_in_dim3A_3 {strides = array<i32>} : memref<192xf32, #tpu.memory_space<vmem>>, vector<16xf32>,
    %swap3A_115 = arith.constant 80 : index
    %swap3A_116 = tpu.vector_load %arg36[%swap3A_115] {strides = array<i32>} : memref<192xf32, #tpu.memory_space<vmem>>, vector<16xf32>,
    tpu.vector_store %arg36[%swap3A_115], %broadcast_in_dim3A_3 {strides = array<i32>} : memref<192xf32, #tpu.memory_space<vmem>>, vector<16xf32>,
    %swap3A_117 = arith.constant 96 : index
    %swap3A_118 = tpu.vector_load %arg36[%swap3A_117] {strides = array<i32>} : memref<192xf32, #tpu.memory_space<vmem>>, vector<16xf32>,
    tpu.vector_store %arg36[%swap3A_117], %broadcast_in_dim3A_3 {strides = array<i32>} : memref<192xf32, #tpu.memory_space<vmem>>, vector<16xf32>,
    %swap3A_119 = arith.constant 112 : index
    %swap3A_120 = tpu.vector_load %arg36[%swap3A_119] {strides = array<i32>} : memref<192xf32, #tpu.memory_space<vmem>>, vector<16xf32>,
    tpu.vector_store %arg36[%swap3A_119], %broadcast_in_dim3A_3 {strides = array<i32>} : memref<192xf32, #tpu.memory_space<vmem>>, vector<16xf32>,
    %swap3A_121 = arith.constant 128 : index
    %swap3A_122 = tpu.vector_load %arg36[%swap3A_121] {strides = array<i32>} : memref<192xf32, #tpu.memory_space<vmem>>, vector<16xf32>,
    tpu.vector_store %arg36[%swap3A_121], %broadcast_in_dim3A_3 {strides = array<i32>} : memref<192xf32, #tpu.memory_space<vmem>>, vector<16xf32>,
    %swap3A_123 = arith.constant 144 : index
    %swap3A_124 = tpu.vector_load %arg36[%swap3A_123] {strides = array<i32>} : memref<192xf32, #tpu.memory_space<vmem>>, vector<16xf32>,
    tpu.vector_store %arg36[%swap3A_123], %broadcast_in_dim3A_3 {strides = array<i32>} : memref<192xf32, #tpu.memory_space<vmem>>, vector<16xf32>,
    %swap3A_125 = arith.constant 160 : index
    %swap3A_126 = tpu.vector_load %arg36[%swap3A_125] {strides = array<i32>} : memref<192xf32, #tpu.memory_space<vmem>>, vector<16xf32>,
    tpu.vector_store %arg36[%swap3A_125], %broadcast_in_dim3A_3 {strides = array<i32>} : memref<192xf32, #tpu.memory_space<vmem>>, vector<16xf32>,
    %swap3A_127 = arith.constant 176 : index
    %swap3A_128 = tpu.vector_load %arg36[%swap3A_127] {strides = array<i32>} : memref<192xf32, #tpu.memory_space<vmem>>, vector<16xf32>,
    tpu.vector_store %arg36[%swap3A_127], %broadcast_in_dim3A_3 {strides = array<i32>} : memref<192xf32, #tpu.memory_space<vmem>>, vector<16xf32>,
    %iota3A = tpu.iota {dimensions = array<i32: 0>} : vector<16xi32>
    %broadcast_in_dim3A_129 = arith.constant 1.000000e+00 : f32
    %broadcast_in_dim3A_130 = vector.broadcast %broadcast_in_dim3A_129 : f32 to vector<16xf32>
    %add3A_131 = arith.constant 0 : i32
    %add3A_132 = arith.addi %mul3A_2, %add3A_131 : i32
    %jit3A = arith.constant 512 : i32
    %div3A = arith.divsi %add3A_132, %jit3A : i32
    %sign3A = arith.constant 0 : i32
    %sign3A_133 = arith.cmpi sgt, %add3A_132, %sign3A : i32
    %sign3A_134 = arith.extui %sign3A_133 : i1 to i32
    %sign3A_135 = arith.constant 0 : i32
    %sign3A_136 = arith.cmpi slt, %add3A_132, %sign3A_135 : i32
    %sign3A_137 = arith.extui %sign3A_136 : i1 to i32
    %sign3A_138 = arith.subi %sign3A_134, %sign3A_137 : i32
    %sign3A_139 = arith.constant 0 : i32
    %sign3A_140 = arith.cmpi sgt, %jit3A, %sign3A_139 : i32
    %sign3A_141 = arith.extui %sign3A_140 : i1 to i32
    %sign3A_142 = arith.constant 0 : i32
    %sign3A_143 = arith.cmpi slt, %jit3A, %sign3A_142 : i32
    %sign3A_144 = arith.extui %sign3A_143 : i1 to i32
    %sign3A_145 = arith.subi %sign3A_141, %sign3A_144 : i32
    %ne3A = arith.cmpi ne, %sign3A_138, %sign3A_145 : i32
    %rem3A = arith.remsi %add3A_132, %jit3A : i32
    %ne3A_146 = arith.constant 0 : i32
    %ne3A_147 = arith.cmpi ne, %rem3A, %ne3A_146 : i32
    %and3A = arith.andi %ne3A, %ne3A_147 : i1
    %sub3A = arith.constant 1 : i32
    %sub3A_148 = arith.subi %div3A, %sub3A : i32
    %select_n3A = arith.select %and3A, %sub3A_148, %div3A : i32
    %jit3A_149 = arith.constant 512 : i32
    %eq3A = arith.constant 0 : i32
    %eq3A_150 = arith.cmpi eq, %jit3A_149, %eq3A : i32
    %jit3A_151 = arith.constant 1 : i32
    %select_n3A_152 = arith.select %eq3A_150, %jit3A_151, %jit3A_149 : i32
    %rem3A_153 = arith.remsi %add3A_132, %select_n3A_152 : i32
    %ne3A_154 = arith.constant 0 : i32
    %ne3A_155 = arith.cmpi ne, %rem3A_153, %ne3A_154 : i32
    %lt3A = arith.constant 0 : i32
    %lt3A_156 = arith.cmpi slt, %rem3A_153, %lt3A : i32
    %lt3A_157 = arith.constant 0 : i32
    %lt3A_158 = arith.cmpi slt, %select_n3A_152, %lt3A_157 : i32
    %ne3A_159 = arith.xori %lt3A_156, %lt3A_158 : i1
    %and3A_160 = arith.andi %ne3A_159, %ne3A_155 : i1
    %add3A_161 = arith.addi %rem3A_153, %select_n3A_152 : i32
    %select_n3A_162 = arith.select %and3A_160, %add3A_161, %rem3A_153 : i32
    %dma_start3A = arith.constant 0 : i32
    %dma_start3A_163 = arith.constant 0 : i32
    %dma_start3A_164 = tpu.memref_slice %arg2[%select_n3A, %dma_start3A, %select_n3A_162, %dma_start3A_163] : memref<16x3x512x512xf32, #tpu.memory_space<hbm>> -> memref<1x1x8x512xf32, #tpu.memory_space<hbm>>
    %dma_start3A_165 = tpu.memref_squeeze %dma_start3A_164 : memref<1x1x8x512xf32, #tpu.memory_space<hbm>> -> memref<8x512xf32, #tpu.memory_space<hbm>>
    %dma_start3A_166 = arith.constant 0 : i32
    %dma_start3A_167 = tpu.memref_slice %arg2[%select_n3A, %dma_start3A, %select_n3A_162, %dma_start3A_166] : memref<16x3x512x512xf32, #tpu.memory_space<hbm>> -> memref<1x1x8x512xf32, #tpu.memory_space<hbm>>
    %dma_start3A_168 = tpu.memref_squeeze %dma_start3A_167 : memref<1x1x8x512xf32, #tpu.memory_space<hbm>> -> memref<8x512xf32, #tpu.memory_space<hbm>>
    tpu.enqueue_dma source(%dma_start3A_168 : memref<8x512xf32, #tpu.memory_space<hbm>>) target(%arg6 : memref<8x512xf32, #tpu.memory_space<vmem>>) target_semaphore(%arg37 : memref<!tpu.dma_semaphore, #tpu.memory_space<semaphore_mem>>)
    %dma_start3A_169 = arith.constant 1 : i32
    %dma_start3A_170 = arith.constant 0 : i32
    %dma_start3A_171 = tpu.memref_slice %arg2[%select_n3A, %dma_start3A_169, %select_n3A_162, %dma_start3A_170] : memref<16x3x512x512xf32, #tpu.memory_space<hbm>> -> memref<1x1x8x512xf32, #tpu.memory_space<hbm>>
    %dma_start3A_172 = tpu.memref_squeeze %dma_start3A_171 : memref<1x1x8x512xf32, #tpu.memory_space<hbm>> -> memref<8x512xf32, #tpu.memory_space<hbm>>
    %dma_start3A_173 = arith.constant 0 : i32
    %dma_start3A_174 = tpu.memref_slice %arg2[%select_n3A, %dma_start3A_169, %select_n3A_162, %dma_start3A_173] : memref<16x3x512x512xf32, #tpu.memory_space<hbm>> -> memref<1x1x8x512xf32, #tpu.memory_space<hbm>>
    %dma_start3A_175 = tpu.memref_squeeze %dma_start3A_174 : memref<1x1x8x512xf32, #tpu.memory_space<hbm>> -> memref<8x512xf32, #tpu.memory_space<hbm>>
    tpu.enqueue_dma source(%dma_start3A_175 : memref<8x512xf32, #tpu.memory_space<hbm>>) target(%arg7 : memref<8x512xf32, #tpu.memory_space<vmem>>) target_semaphore(%arg37 : memref<!tpu.dma_semaphore, #tpu.memory_space<semaphore_mem>>)
    %dma_start3A_176 = arith.constant 2 : i32
    %dma_start3A_177 = arith.constant 0 : i32
    %dma_start3A_178 = tpu.memref_slice %arg2[%select_n3A, %dma_start3A_176, %select_n3A_162, %dma_start3A_177] : memref<16x3x512x512xf32, #tpu.memory_space<hbm>> -> memref<1x1x8x512xf32, #tpu.memory_space<hbm>>
    %dma_start3A_179 = tpu.memref_squeeze %dma_start3A_178 : memref<1x1x8x512xf32, #tpu.memory_space<hbm>> -> memref<8x512xf32, #tpu.memory_space<hbm>>
    %dma_start3A_180 = arith.constant 0 : i32
    %dma_start3A_181 = tpu.memref_slice %arg2[%select_n3A, %dma_start3A_176, %select_n3A_162, %dma_start3A_180] : memref<16x3x512x512xf32, #tpu.memory_space<hbm>> -> memref<1x1x8x512xf32, #tpu.memory_space<hbm>>
    %dma_start3A_182 = tpu.memref_squeeze %dma_start3A_181 : memref<1x1x8x512xf32, #tpu.memory_space<hbm>> -> memref<8x512xf32, #tpu.memory_space<hbm>>
    tpu.enqueue_dma source(%dma_start3A_182 : memref<8x512xf32, #tpu.memory_space<hbm>>) target(%arg8 : memref<8x512xf32, #tpu.memory_space<vmem>>) target_semaphore(%arg37 : memref<!tpu.dma_semaphore, #tpu.memory_space<semaphore_mem>>)
    %dma_start3A_183 = arith.constant 0 : i32
    %dma_start3A_184 = arith.constant 0 : i32
    %dma_start3A_185 = tpu.memref_slice %arg3[%select_n3A, %dma_start3A_183, %select_n3A_162, %dma_start3A_184] : memref<16x3x512x512xf32, #tpu.memory_space<hbm>> -> memref<1x1x8x512xf32, #tpu.memory_space<hbm>>
    %dma_start3A_186 = tpu.memref_squeeze %dma_start3A_185 : memref<1x1x8x512xf32, #tpu.memory_space<hbm>> -> memref<8x512xf32, #tpu.memory_space<hbm>>
    %dma_start3A_187 = arith.constant 0 : i32
    %dma_start3A_188 = tpu.memref_slice %arg3[%select_n3A, %dma_start3A_183, %select_n3A_162, %dma_start3A_187] : memref<16x3x512x512xf32, #tpu.memory_space<hbm>> -> memref<1x1x8x512xf32, #tpu.memory_space<hbm>>
    %dma_start3A_189 = tpu.memref_squeeze %dma_start3A_188 : memref<1x1x8x512xf32, #tpu.memory_space<hbm>> -> memref<8x512xf32, #tpu.memory_space<hbm>>
    tpu.enqueue_dma source(%dma_start3A_189 : memref<8x512xf32, #tpu.memory_space<hbm>>) target(%arg9 : memref<8x512xf32, #tpu.memory_space<vmem>>) target_semaphore(%arg37 : memref<!tpu.dma_semaphore, #tpu.memory_space<semaphore_mem>>)
    %dma_start3A_190 = arith.constant 1 : i32
    %dma_start3A_191 = arith.constant 0 : i32
    %dma_start3A_192 = tpu.memref_slice %arg3[%select_n3A, %dma_start3A_190, %select_n3A_162, %dma_start3A_191] : memref<16x3x512x512xf32, #tpu.memory_space<hbm>> -> memref<1x1x8x512xf32, #tpu.memory_space<hbm>>
    %dma_start3A_193 = tpu.memref_squeeze %dma_start3A_192 : memref<1x1x8x512xf32, #tpu.memory_space<hbm>> -> memref<8x512xf32, #tpu.memory_space<hbm>>
    %dma_start3A_194 = arith.constant 0 : i32
    %dma_start3A_195 = tpu.memref_slice %arg3[%select_n3A, %dma_start3A_190, %select_n3A_162, %dma_start3A_194] : memref<16x3x512x512xf32, #tpu.memory_space<hbm>> -> memref<1x1x8x512xf32, #tpu.memory_space<hbm>>
    %dma_start3A_196 = tpu.memref_squeeze %dma_start3A_195 : memref<1x1x8x512xf32, #tpu.memory_space<hbm>> -> memref<8x512xf32, #tpu.memory_space<hbm>>
    tpu.enqueue_dma source(%dma_start3A_196 : memref<8x512xf32, #tpu.memory_space<hbm>>) target(%arg10 : memref<8x512xf32, #tpu.memory_space<vmem>>) target_semaphore(%arg37 : memref<!tpu.dma_semaphore, #tpu.memory_space<semaphore_mem>>)
    %dma_start3A_197 = arith.constant 2 : i32
    %dma_start3A_198 = arith.constant 0 : i32
    %dma_start3A_199 = tpu.memref_slice %arg3[%select_n3A, %dma_start3A_197, %select_n3A_162, %dma_start3A_198] : memref<16x3x512x512xf32, #tpu.memory_space<hbm>> -> memref<1x1x8x512xf32, #tpu.memory_space<hbm>>
    %dma_start3A_200 = tpu.memref_squeeze %dma_start3A_199 : memref<1x1x8x512xf32, #tpu.memory_space<hbm>> -> memref<8x512xf32, #tpu.memory_space<hbm>>
    %dma_start3A_201 = arith.constant 0 : i32
    %dma_start3A_202 = tpu.memref_slice %arg3[%select_n3A, %dma_start3A_197, %select_n3A_162, %dma_start3A_201] : memref<16x3x512x512xf32, #tpu.memory_space<hbm>> -> memref<1x1x8x512xf32, #tpu.memory_space<hbm>>
    %dma_start3A_203 = tpu.memref_squeeze %dma_start3A_202 : memref<1x1x8x512xf32, #tpu.memory_space<hbm>> -> memref<8x512xf32, #tpu.memory_space<hbm>>
    tpu.enqueue_dma source(%dma_start3A_203 : memref<8x512xf32, #tpu.memory_space<hbm>>) target(%arg11 : memref<8x512xf32, #tpu.memory_space<vmem>>) target_semaphore(%arg37 : memref<!tpu.dma_semaphore, #tpu.memory_space<semaphore_mem>>)
    %dma_start3A_204 = arith.constant 0 : i32
    %dma_start3A_205 = arith.constant 0 : i32
    %dma_start3A_206 = tpu.memref_slice %arg4[%select_n3A, %dma_start3A_204, %select_n3A_162, %dma_start3A_205] : memref<16x3x512x512xf32, #tpu.memory_space<hbm>> -> memref<1x1x8x512xf32, #tpu.memory_space<hbm>>
    %dma_start3A_207 = tpu.memref_squeeze %dma_start3A_206 : memref<1x1x8x512xf32, #tpu.memory_space<hbm>> -> memref<8x512xf32, #tpu.memory_space<hbm>>
    %dma_start3A_208 = arith.constant 0 : i32
    %dma_start3A_209 = tpu.memref_slice %arg4[%select_n3A, %dma_start3A_204, %select_n3A_162, %dma_start3A_208] : memref<16x3x512x512xf32, #tpu.memory_space<hbm>> -> memref<1x1x8x512xf32, #tpu.memory_space<hbm>>
    %dma_start3A_210 = tpu.memref_squeeze %dma_start3A_209 : memref<1x1x8x512xf32, #tpu.memory_space<hbm>> -> memref<8x512xf32, #tpu.memory_space<hbm>>
    tpu.enqueue_dma source(%dma_start3A_210 : memref<8x512xf32, #tpu.memory_space<hbm>>) target(%arg12 : memref<8x512xf32, #tpu.memory_space<vmem>>) target_semaphore(%arg37 : memref<!tpu.dma_semaphore, #tpu.memory_space<semaphore_mem>>)
    %dma_start3A_211 = arith.constant 1 : i32
    %dma_start3A_212 = arith.constant 0 : i32
    %dma_start3A_213 = tpu.memref_slice %arg4[%select_n3A, %dma_start3A_211, %select_n3A_162, %dma_start3A_212] : memref<16x3x512x512xf32, #tpu.memory_space<hbm>> -> memref<1x1x8x512xf32, #tpu.memory_space<hbm>>
    %dma_start3A_214 = tpu.memref_squeeze %dma_start3A_213 : memref<1x1x8x512xf32, #tpu.memory_space<hbm>> -> memref<8x512xf32, #tpu.memory_space<hbm>>
    %dma_start3A_215 = arith.constant 0 : i32
    %dma_start3A_216 = tpu.memref_slice %arg4[%select_n3A, %dma_start3A_211, %select_n3A_162, %dma_start3A_215] : memref<16x3x512x512xf32, #tpu.memory_space<hbm>> -> memref<1x1x8x512xf32, #tpu.memory_space<hbm>>
    %dma_start3A_217 = tpu.memref_squeeze %dma_start3A_216 : memref<1x1x8x512xf32, #tpu.memory_space<hbm>> -> memref<8x512xf32, #tpu.memory_space<hbm>>
    tpu.enqueue_dma source(%dma_start3A_217 : memref<8x512xf32, #tpu.memory_space<hbm>>) target(%arg13 : memref<8x512xf32, #tpu.memory_space<vmem>>) target_semaphore(%arg37 : memref<!tpu.dma_semaphore, #tpu.memory_space<semaphore_mem>>)
    %dma_start3A_218 = arith.constant 2 : i32
    %dma_start3A_219 = arith.constant 0 : i32
    %dma_start3A_220 = tpu.memref_slice %arg4[%select_n3A, %dma_start3A_218, %select_n3A_162, %dma_start3A_219] : memref<16x3x512x512xf32, #tpu.memory_space<hbm>> -> memref<1x1x8x512xf32, #tpu.memory_space<hbm>>
    %dma_start3A_221 = tpu.memref_squeeze %dma_start3A_220 : memref<1x1x8x512xf32, #tpu.memory_space<hbm>> -> memref<8x512xf32, #tpu.memory_space<hbm>>
    %dma_start3A_222 = arith.constant 0 : i32
    %dma_start3A_223 = tpu.memref_slice %arg4[%select_n3A, %dma_start3A_218, %select_n3A_162, %dma_start3A_222] : memref<16x3x512x512xf32, #tpu.memory_space<hbm>> -> memref<1x1x8x512xf32, #tpu.memory_space<hbm>>
    %dma_start3A_224 = tpu.memref_squeeze %dma_start3A_223 : memref<1x1x8x512xf32, #tpu.memory_space<hbm>> -> memref<8x512xf32, #tpu.memory_space<hbm>>
    tpu.enqueue_dma source(%dma_start3A_224 : memref<8x512xf32, #tpu.memory_space<hbm>>) target(%arg14 : memref<8x512xf32, #tpu.memory_space<vmem>>) target_semaphore(%arg37 : memref<!tpu.dma_semaphore, #tpu.memory_space<semaphore_mem>>)
    %add3A_225 = arith.constant 8 : i32
    %add3A_226 = arith.addi %mul3A_2, %add3A_225 : i32
    %jit3A_227 = arith.constant 512 : i32
    %div3A_228 = arith.divsi %add3A_226, %jit3A_227 : i32
    %sign3A_229 = arith.constant 0 : i32
    %sign3A_230 = arith.cmpi sgt, %add3A_226, %sign3A_229 : i32
    %sign3A_231 = arith.extui %sign3A_230 : i1 to i32
    %sign3A_232 = arith.constant 0 : i32
    %sign3A_233 = arith.cmpi slt, %add3A_226, %sign3A_232 : i32
    %sign3A_234 = arith.extui %sign3A_233 : i1 to i32
    %sign3A_235 = arith.subi %sign3A_231, %sign3A_234 : i32
    %sign3A_236 = arith.constant 0 : i32
    %sign3A_237 = arith.cmpi sgt, %jit3A_227, %sign3A_236 : i32
    %sign3A_238 = arith.extui %sign3A_237 : i1 to i32
    %sign3A_239 = arith.constant 0 : i32
    %sign3A_240 = arith.cmpi slt, %jit3A_227, %sign3A_239 : i32
    %sign3A_241 = arith.extui %sign3A_240 : i1 to i32
    %sign3A_242 = arith.subi %sign3A_238, %sign3A_241 : i32
    %ne3A_243 = arith.cmpi ne, %sign3A_235, %sign3A_242 : i32
    %rem3A_244 = arith.remsi %add3A_226, %jit3A_227 : i32
    %ne3A_245 = arith.constant 0 : i32
    %ne3A_246 = arith.cmpi ne, %rem3A_244, %ne3A_245 : i32
    %and3A_247 = arith.andi %ne3A_243, %ne3A_246 : i1
    %sub3A_248 = arith.constant 1 : i32
    %sub3A_249 = arith.subi %div3A_228, %sub3A_248 : i32
    %select_n3A_250 = arith.select %and3A_247, %sub3A_249, %div3A_228 : i32
    %jit3A_251 = arith.constant 512 : i32
    %eq3A_252 = arith.constant 0 : i32
    %eq3A_253 = arith.cmpi eq, %jit3A_251, %eq3A_252 : i32
    %jit3A_254 = arith.constant 1 : i32
    %select_n3A_255 = arith.select %eq3A_253, %jit3A_254, %jit3A_251 : i32
    %rem3A_256 = arith.remsi %add3A_226, %select_n3A_255 : i32
    %ne3A_257 = arith.constant 0 : i32
    %ne3A_258 = arith.cmpi ne, %rem3A_256, %ne3A_257 : i32
    %lt3A_259 = arith.constant 0 : i32
    %lt3A_260 = arith.cmpi slt, %rem3A_256, %lt3A_259 : i32
    %lt3A_261 = arith.constant 0 : i32
    %lt3A_262 = arith.cmpi slt, %select_n3A_255, %lt3A_261 : i32
    %ne3A_263 = arith.xori %lt3A_260, %lt3A_262 : i1
    %and3A_264 = arith.andi %ne3A_263, %ne3A_258 : i1
    %add3A_265 = arith.addi %rem3A_256, %select_n3A_255 : i32
    %select_n3A_266 = arith.select %and3A_264, %add3A_265, %rem3A_256 : i32
    %dma_start3A_267 = arith.constant 0 : i32
    %dma_start3A_268 = arith.constant 0 : i32
    %dma_start3A_269 = tpu.memref_slice %arg2[%select_n3A_250, %dma_start3A_267, %select_n3A_266, %dma_start3A_268] : memref<16x3x512x512xf32, #tpu.memory_space<hbm>> -> memref<1x1x8x512xf32, #tpu.memory_space<hbm>>
    %dma_start3A_270 = tpu.memref_squeeze %dma_start3A_269 : memref<1x1x8x512xf32, #tpu.memory_space<hbm>> -> memref<8x512xf32, #tpu.memory_space<hbm>>
    %dma_start3A_271 = arith.constant 0 : i32
    %dma_start3A_272 = tpu.memref_slice %arg2[%select_n3A_250, %dma_start3A_267, %select_n3A_266, %dma_start3A_271] : memref<16x3x512x512xf32, #tpu.memory_space<hbm>> -> memref<1x1x8x512xf32, #tpu.memory_space<hbm>>
    %dma_start3A_273 = tpu.memref_squeeze %dma_start3A_272 : memref<1x1x8x512xf32, #tpu.memory_space<hbm>> -> memref<8x512xf32, #tpu.memory_space<hbm>>
    tpu.enqueue_dma source(%dma_start3A_273 : memref<8x512xf32, #tpu.memory_space<hbm>>) target(%arg15 : memref<8x512xf32, #tpu.memory_space<vmem>>) target_semaphore(%arg38 : memref<!tpu.dma_semaphore, #tpu.memory_space<semaphore_mem>>)
    %dma_start3A_274 = arith.constant 1 : i32
    %dma_start3A_275 = arith.constant 0 : i32
    %dma_start3A_276 = tpu.memref_slice %arg2[%select_n3A_250, %dma_start3A_274, %select_n3A_266, %dma_start3A_275] : memref<16x3x512x512xf32, #tpu.memory_space<hbm>> -> memref<1x1x8x512xf32, #tpu.memory_space<hbm>>
    %dma_start3A_277 = tpu.memref_squeeze %dma_start3A_276 : memref<1x1x8x512xf32, #tpu.memory_space<hbm>> -> memref<8x512xf32, #tpu.memory_space<hbm>>
    %dma_start3A_278 = arith.constant 0 : i32
    %dma_start3A_279 = tpu.memref_slice %arg2[%select_n3A_250, %dma_start3A_274, %select_n3A_266, %dma_start3A_278] : memref<16x3x512x512xf32, #tpu.memory_space<hbm>> -> memref<1x1x8x512xf32, #tpu.memory_space<hbm>>
    %dma_start3A_280 = tpu.memref_squeeze %dma_start3A_279 : memref<1x1x8x512xf32, #tpu.memory_space<hbm>> -> memref<8x512xf32, #tpu.memory_space<hbm>>
    tpu.enqueue_dma source(%dma_start3A_280 : memref<8x512xf32, #tpu.memory_space<hbm>>) target(%arg16 : memref<8x512xf32, #tpu.memory_space<vmem>>) target_semaphore(%arg38 : memref<!tpu.dma_semaphore, #tpu.memory_space<semaphore_mem>>)
    %dma_start3A_281 = arith.constant 2 : i32
    %dma_start3A_282 = arith.constant 0 : i32
    %dma_start3A_283 = tpu.memref_slice %arg2[%select_n3A_250, %dma_start3A_281, %select_n3A_266, %dma_start3A_282] : memref<16x3x512x512xf32, #tpu.memory_space<hbm>> -> memref<1x1x8x512xf32, #tpu.memory_space<hbm>>
    %dma_start3A_284 = tpu.memref_squeeze %dma_start3A_283 : memref<1x1x8x512xf32, #tpu.memory_space<hbm>> -> memref<8x512xf32, #tpu.memory_space<hbm>>
    %dma_start3A_285 = arith.constant 0 : i32
    %dma_start3A_286 = tpu.memref_slice %arg2[%select_n3A_250, %dma_start3A_281, %select_n3A_266, %dma_start3A_285] : memref<16x3x512x512xf32, #tpu.memory_space<hbm>> -> memref<1x1x8x512xf32, #tpu.memory_space<hbm>>
    %dma_start3A_287 = tpu.memref_squeeze %dma_start3A_286 : memref<1x1x8x512xf32, #tpu.memory_space<hbm>> -> memref<8x512xf32, #tpu.memory_space<hbm>>
    tpu.enqueue_dma source(%dma_start3A_287 : memref<8x512xf32, #tpu.memory_space<hbm>>) target(%arg17 : memref<8x512xf32, #tpu.memory_space<vmem>>) target_semaphore(%arg38 : memref<!tpu.dma_semaphore, #tpu.memory_space<semaphore_mem>>)
    %dma_start3A_288 = arith.constant 0 : i32
    %dma_start3A_289 = arith.constant 0 : i32
    %dma_start3A_290 = tpu.memref_slice %arg3[%select_n3A_250, %dma_start3A_288, %select_n3A_266, %dma_start3A_289] : memref<16x3x512x512xf32, #tpu.memory_space<hbm>> -> memref<1x1x8x512xf32, #tpu.memory_space<hbm>>
    %dma_start3A_291 = tpu.memref_squeeze %dma_start3A_290 : memref<1x1x8x512xf32, #tpu.memory_space<hbm>> -> memref<8x512xf32, #tpu.memory_space<hbm>>
    %dma_start3A_292 = arith.constant 0 : i32
    %dma_start3A_293 = tpu.memref_slice %arg3[%select_n3A_250, %dma_start3A_288, %select_n3A_266, %dma_start3A_292] : memref<16x3x512x512xf32, #tpu.memory_space<hbm>> -> memref<1x1x8x512xf32, #tpu.memory_space<hbm>>
    %dma_start3A_294 = tpu.memref_squeeze %dma_start3A_293 : memref<1x1x8x512xf32, #tpu.memory_space<hbm>> -> memref<8x512xf32, #tpu.memory_space<hbm>>
    tpu.enqueue_dma source(%dma_start3A_294 : memref<8x512xf32, #tpu.memory_space<hbm>>) target(%arg18 : memref<8x512xf32, #tpu.memory_space<vmem>>) target_semaphore(%arg38 : memref<!tpu.dma_semaphore, #tpu.memory_space<semaphore_mem>>)
    %dma_start3A_295 = arith.constant 1 : i32
    %dma_start3A_296 = arith.constant 0 : i32
    %dma_start3A_297 = tpu.memref_slice %arg3[%select_n3A_250, %dma_start3A_295, %select_n3A_266, %dma_start3A_296] : memref<16x3x512x512xf32, #tpu.memory_space<hbm>> -> memref<1x1x8x512xf32, #tpu.memory_space<hbm>>
    %dma_start3A_298 = tpu.memref_squeeze %dma_start3A_297 : memref<1x1x8x512xf32, #tpu.memory_space<hbm>> -> memref<8x512xf32, #tpu.memory_space<hbm>>
    %dma_start3A_299 = arith.constant 0 : i32
    %dma_start3A_300 = tpu.memref_slice %arg3[%select_n3A_250, %dma_start3A_295, %select_n3A_266, %dma_start3A_299] : memref<16x3x512x512xf32, #tpu.memory_space<hbm>> -> memref<1x1x8x512xf32, #tpu.memory_space<hbm>>
    %dma_start3A_301 = tpu.memref_squeeze %dma_start3A_300 : memref<1x1x8x512xf32, #tpu.memory_space<hbm>> -> memref<8x512xf32, #tpu.memory_space<hbm>>
    tpu.enqueue_dma source(%dma_start3A_301 : memref<8x512xf32, #tpu.memory_space<hbm>>) target(%arg19 : memref<8x512xf32, #tpu.memory_space<vmem>>) target_semaphore(%arg38 : memref<!tpu.dma_semaphore, #tpu.memory_space<semaphore_mem>>)
    %dma_start3A_302 = arith.constant 2 : i32
    %dma_start3A_303 = arith.constant 0 : i32
    %dma_start3A_304 = tpu.memref_slice %arg3[%select_n3A_250, %dma_start3A_302, %select_n3A_266, %dma_start3A_303] : memref<16x3x512x512xf32, #tpu.memory_space<hbm>> -> memref<1x1x8x512xf32, #tpu.memory_space<hbm>>
    %dma_start3A_305 = tpu.memref_squeeze %dma_start3A_304 : memref<1x1x8x512xf32, #tpu.memory_space<hbm>> -> memref<8x512xf32, #tpu.memory_space<hbm>>
    %dma_start3A_306 = arith.constant 0 : i32
    %dma_start3A_307 = tpu.memref_slice %arg3[%select_n3A_250, %dma_start3A_302, %select_n3A_266, %dma_start3A_306] : memref<16x3x512x512xf32, #tpu.memory_space<hbm>> -> memref<1x1x8x512xf32, #tpu.memory_space<hbm>>
    %dma_start3A_308 = tpu.memref_squeeze %dma_start3A_307 : memref<1x1x8x512xf32, #tpu.memory_space<hbm>> -> memref<8x512xf32, #tpu.memory_space<hbm>>
    tpu.enqueue_dma source(%dma_start3A_308 : memref<8x512xf32, #tpu.memory_space<hbm>>) target(%arg20 : memref<8x512xf32, #tpu.memory_space<vmem>>) target_semaphore(%arg38 : memref<!tpu.dma_semaphore, #tpu.memory_space<semaphore_mem>>)
    %dma_start3A_309 = arith.constant 0 : i32
    %dma_start3A_310 = arith.constant 0 : i32
    %dma_start3A_311 = tpu.memref_slice %arg4[%select_n3A_250, %dma_start3A_309, %select_n3A_266, %dma_start3A_310] : memref<16x3x512x512xf32, #tpu.memory_space<hbm>> -> memref<1x1x8x512xf32, #tpu.memory_space<hbm>>
    %dma_start3A_312 = tpu.memref_squeeze %dma_start3A_311 : memref<1x1x8x512xf32, #tpu.memory_space<hbm>> -> memref<8x512xf32, #tpu.memory_space<hbm>>
    %dma_start3A_313 = arith.constant 0 : i32
    %dma_start3A_314 = tpu.memref_slice %arg4[%select_n3A_250, %dma_start3A_309, %select_n3A_266, %dma_start3A_313] : memref<16x3x512x512xf32, #tpu.memory_space<hbm>> -> memref<1x1x8x512xf32, #tpu.memory_space<hbm>>
    %dma_start3A_315 = tpu.memref_squeeze %dma_start3A_314 : memref<1x1x8x512xf32, #tpu.memory_space<hbm>> -> memref<8x512xf32, #tpu.memory_space<hbm>>
    tpu.enqueue_dma source(%dma_start3A_315 : memref<8x512xf32, #tpu.memory_space<hbm>>) target(%arg21 : memref<8x512xf32, #tpu.memory_space<vmem>>) target_semaphore(%arg38 : memref<!tpu.dma_semaphore, #tpu.memory_space<semaphore_mem>>)
    %dma_start3A_316 = arith.constant 1 : i32
    %dma_start3A_317 = arith.constant 0 : i32
    %dma_start3A_318 = tpu.memref_slice %arg4[%select_n3A_250, %dma_start3A_316, %select_n3A_266, %dma_start3A_317] : memref<16x3x512x512xf32, #tpu.memory_space<hbm>> -> memref<1x1x8x512xf32, #tpu.memory_space<hbm>>
    %dma_start3A_319 = tpu.memref_squeeze %dma_start3A_318 : memref<1x1x8x512xf32, #tpu.memory_space<hbm>> -> memref<8x512xf32, #tpu.memory_space<hbm>>
    %dma_start3A_320 = arith.constant 0 : i32
    %dma_start3A_321 = tpu.memref_slice %arg4[%select_n3A_250, %dma_start3A_316, %select_n3A_266, %dma_start3A_320] : memref<16x3x512x512xf32, #tpu.memory_space<hbm>> -> memref<1x1x8x512xf32, #tpu.memory_space<hbm>>
    %dma_start3A_322 = tpu.memref_squeeze %dma_start3A_321 : memref<1x1x8x512xf32, #tpu.memory_space<hbm>> -> memref<8x512xf32, #tpu.memory_space<hbm>>
    tpu.enqueue_dma source(%dma_start3A_322 : memref<8x512xf32, #tpu.memory_space<hbm>>) target(%arg22 : memref<8x512xf32, #tpu.memory_space<vmem>>) target_semaphore(%arg38 : memref<!tpu.dma_semaphore, #tpu.memory_space<semaphore_mem>>)
    %dma_start3A_323 = arith.constant 2 : i32
    %dma_start3A_324 = arith.constant 0 : i32
    %dma_start3A_325 = tpu.memref_slice %arg4[%select_n3A_250, %dma_start3A_323, %select_n3A_266, %dma_start3A_324] : memref<16x3x512x512xf32, #tpu.memory_space<hbm>> -> memref<1x1x8x512xf32, #tpu.memory_space<hbm>>
    %dma_start3A_326 = tpu.memref_squeeze %dma_start3A_325 : memref<1x1x8x512xf32, #tpu.memory_space<hbm>> -> memref<8x512xf32, #tpu.memory_space<hbm>>
    %dma_start3A_327 = arith.constant 0 : i32
    %dma_start3A_328 = tpu.memref_slice %arg4[%select_n3A_250, %dma_start3A_323, %select_n3A_266, %dma_start3A_327] : memref<16x3x512x512xf32, #tpu.memory_space<hbm>> -> memref<1x1x8x512xf32, #tpu.memory_space<hbm>>
    %dma_start3A_329 = tpu.memref_squeeze %dma_start3A_328 : memref<1x1x8x512xf32, #tpu.memory_space<hbm>> -> memref<8x512xf32, #tpu.memory_space<hbm>>
    tpu.enqueue_dma source(%dma_start3A_329 : memref<8x512xf32, #tpu.memory_space<hbm>>) target(%arg23 : memref<8x512xf32, #tpu.memory_space<vmem>>) target_semaphore(%arg38 : memref<!tpu.dma_semaphore, #tpu.memory_space<semaphore_mem>>)
    %add3A_330 = arith.constant 16 : i32
    %add3A_331 = arith.addi %mul3A_2, %add3A_330 : i32
    %jit3A_332 = arith.constant 512 : i32
    %div3A_333 = arith.divsi %add3A_331, %jit3A_332 : i32
    %sign3A_334 = arith.constant 0 : i32
    %sign3A_335 = arith.cmpi sgt, %add3A_331, %sign3A_334 : i32
    %sign3A_336 = arith.extui %sign3A_335 : i1 to i32
    %sign3A_337 = arith.constant 0 : i32
    %sign3A_338 = arith.cmpi slt, %add3A_331, %sign3A_337 : i32
    %sign3A_339 = arith.extui %sign3A_338 : i1 to i32
    %sign3A_340 = arith.subi %sign3A_336, %sign3A_339 : i32
    %sign3A_341 = arith.constant 0 : i32
    %sign3A_342 = arith.cmpi sgt, %jit3A_332, %sign3A_341 : i32
    %sign3A_343 = arith.extui %sign3A_342 : i1 to i32
    %sign3A_344 = arith.constant 0 : i32
    %sign3A_345 = arith.cmpi slt, %jit3A_332, %sign3A_344 : i32
    %sign3A_346 = arith.extui %sign3A_345 : i1 to i32
    %sign3A_347 = arith.subi %sign3A_343, %sign3A_346 : i32
    %ne3A_348 = arith.cmpi ne, %sign3A_340, %sign3A_347 : i32
    %rem3A_349 = arith.remsi %add3A_331, %jit3A_332 : i32
    %ne3A_350 = arith.constant 0 : i32
    %ne3A_351 = arith.cmpi ne, %rem3A_349, %ne3A_350 : i32
    %and3A_352 = arith.andi %ne3A_348, %ne3A_351 : i1
    %sub3A_353 = arith.constant 1 : i32
    %sub3A_354 = arith.subi %div3A_333, %sub3A_353 : i32
    %select_n3A_355 = arith.select %and3A_352, %sub3A_354, %div3A_333 : i32
    %jit3A_356 = arith.constant 512 : i32
    %eq3A_357 = arith.constant 0 : i32
    %eq3A_358 = arith.cmpi eq, %jit3A_356, %eq3A_357 : i32
    %jit3A_359 = arith.constant 1 : i32
    %select_n3A_360 = arith.select %eq3A_358, %jit3A_359, %jit3A_356 : i32
    %rem3A_361 = arith.remsi %add3A_331, %select_n3A_360 : i32
    %ne3A_362 = arith.constant 0 : i32
    %ne3A_363 = arith.cmpi ne, %rem3A_361, %ne3A_362 : i32
    %lt3A_364 = arith.constant 0 : i32
    %lt3A_365 = arith.cmpi slt, %rem3A_361, %lt3A_364 : i32
    %lt3A_366 = arith.constant 0 : i32
    %lt3A_367 = arith.cmpi slt, %select_n3A_360, %lt3A_366 : i32
    %ne3A_368 = arith.xori %lt3A_365, %lt3A_367 : i1
    %and3A_369 = arith.andi %ne3A_368, %ne3A_363 : i1
    %add3A_370 = arith.addi %rem3A_361, %select_n3A_360 : i32
    %select_n3A_371 = arith.select %and3A_369, %add3A_370, %rem3A_361 : i32
    %dma_start3A_372 = arith.constant 0 : i32
    %dma_start3A_373 = arith.constant 0 : i32
    %dma_start3A_374 = tpu.memref_slice %arg2[%select_n3A_355, %dma_start3A_372, %select_n3A_371, %dma_start3A_373] : memref<16x3x512x512xf32, #tpu.memory_space<hbm>> -> memref<1x1x8x512xf32, #tpu.memory_space<hbm>>
    %dma_start3A_375 = tpu.memref_squeeze %dma_start3A_374 : memref<1x1x8x512xf32, #tpu.memory_space<hbm>> -> memref<8x512xf32, #tpu.memory_space<hbm>>
    %dma_start3A_376 = arith.constant 0 : i32
    %dma_start3A_377 = tpu.memref_slice %arg2[%select_n3A_355, %dma_start3A_372, %select_n3A_371, %dma_start3A_376] : memref<16x3x512x512xf32, #tpu.memory_space<hbm>> -> memref<1x1x8x512xf32, #tpu.memory_space<hbm>>
    %dma_start3A_378 = tpu.memref_squeeze %dma_start3A_377 : memref<1x1x8x512xf32, #tpu.memory_space<hbm>> -> memref<8x512xf32, #tpu.memory_space<hbm>>
    tpu.enqueue_dma source(%dma_start3A_378 : memref<8x512xf32, #tpu.memory_space<hbm>>) target(%arg24 : memref<8x512xf32, #tpu.memory_space<vmem>>) target_semaphore(%arg39 : memref<!tpu.dma_semaphore, #tpu.memory_space<semaphore_mem>>)
    %dma_start3A_379 = arith.constant 1 : i32
    %dma_start3A_380 = arith.constant 0 : i32
    %dma_start3A_381 = tpu.memref_slice %arg2[%select_n3A_355, %dma_start3A_379, %select_n3A_371, %dma_start3A_380] : memref<16x3x512x512xf32, #tpu.memory_space<hbm>> -> memref<1x1x8x512xf32, #tpu.memory_space<hbm>>
    %dma_start3A_382 = tpu.memref_squeeze %dma_start3A_381 : memref<1x1x8x512xf32, #tpu.memory_space<hbm>> -> memref<8x512xf32, #tpu.memory_space<hbm>>
    %dma_start3A_383 = arith.constant 0 : i32
    %dma_start3A_384 = tpu.memref_slice %arg2[%select_n3A_355, %dma_start3A_379, %select_n3A_371, %dma_start3A_383] : memref<16x3x512x512xf32, #tpu.memory_space<hbm>> -> memref<1x1x8x512xf32, #tpu.memory_space<hbm>>
    %dma_start3A_385 = tpu.memref_squeeze %dma_start3A_384 : memref<1x1x8x512xf32, #tpu.memory_space<hbm>> -> memref<8x512xf32, #tpu.memory_space<hbm>>
    tpu.enqueue_dma source(%dma_start3A_385 : memref<8x512xf32, #tpu.memory_space<hbm>>) target(%arg25 : memref<8x512xf32, #tpu.memory_space<vmem>>) target_semaphore(%arg39 : memref<!tpu.dma_semaphore, #tpu.memory_space<semaphore_mem>>)
    %dma_start3A_386 = arith.constant 2 : i32
    %dma_start3A_387 = arith.constant 0 : i32
    %dma_start3A_388 = tpu.memref_slice %arg2[%select_n3A_355, %dma_start3A_386, %select_n3A_371, %dma_start3A_387] : memref<16x3x512x512xf32, #tpu.memory_space<hbm>> -> memref<1x1x8x512xf32, #tpu.memory_space<hbm>>
    %dma_start3A_389 = tpu.memref_squeeze %dma_start3A_388 : memref<1x1x8x512xf32, #tpu.memory_space<hbm>> -> memref<8x512xf32, #tpu.memory_space<hbm>>
    %dma_start3A_390 = arith.constant 0 : i32
    %dma_start3A_391 = tpu.memref_slice %arg2[%select_n3A_355, %dma_start3A_386, %select_n3A_371, %dma_start3A_390] : memref<16x3x512x512xf32, #tpu.memory_space<hbm>> -> memref<1x1x8x512xf32, #tpu.memory_space<hbm>>
    %dma_start3A_392 = tpu.memref_squeeze %dma_start3A_391 : memref<1x1x8x512xf32, #tpu.memory_space<hbm>> -> memref<8x512xf32, #tpu.memory_space<hbm>>
    tpu.enqueue_dma source(%dma_start3A_392 : memref<8x512xf32, #tpu.memory_space<hbm>>) target(%arg26 : memref<8x512xf32, #tpu.memory_space<vmem>>) target_semaphore(%arg39 : memref<!tpu.dma_semaphore, #tpu.memory_space<semaphore_mem>>)
    %dma_start3A_393 = arith.constant 0 : i32
    %dma_start3A_394 = arith.constant 0 : i32
    %dma_start3A_395 = tpu.memref_slice %arg3[%select_n3A_355, %dma_start3A_393, %select_n3A_371, %dma_start3A_394] : memref<16x3x512x512xf32, #tpu.memory_space<hbm>> -> memref<1x1x8x512xf32, #tpu.memory_space<hbm>>
    %dma_start3A_396 = tpu.memref_squeeze %dma_start3A_395 : memref<1x1x8x512xf32, #tpu.memory_space<hbm>> -> memref<8x512xf32, #tpu.memory_space<hbm>>
    %dma_start3A_397 = arith.constant 0 : i32
    %dma_start3A_398 = tpu.memref_slice %arg3[%select_n3A_355, %dma_start3A_393, %select_n3A_371, %dma_start3A_397] : memref<16x3x512x512xf32, #tpu.memory_space<hbm>> -> memref<1x1x8x512xf32, #tpu.memory_space<hbm>>
    %dma_start3A_399 = tpu.memref_squeeze %dma_start3A_398 : memref<1x1x8x512xf32, #tpu.memory_space<hbm>> -> memref<8x512xf32, #tpu.memory_space<hbm>>
    tpu.enqueue_dma source(%dma_start3A_399 : memref<8x512xf32, #tpu.memory_space<hbm>>) target(%arg27 : memref<8x512xf32, #tpu.memory_space<vmem>>) target_semaphore(%arg39 : memref<!tpu.dma_semaphore, #tpu.memory_space<semaphore_mem>>)
    %dma_start3A_400 = arith.constant 1 : i32
    %dma_start3A_401 = arith.constant 0 : i32
    %dma_start3A_402 = tpu.memref_slice %arg3[%select_n3A_355, %dma_start3A_400, %select_n3A_371, %dma_start3A_401] : memref<16x3x512x512xf32, #tpu.memory_space<hbm>> -> memref<1x1x8x512xf32, #tpu.memory_space<hbm>>
    %dma_start3A_403 = tpu.memref_squeeze %dma_start3A_402 : memref<1x1x8x512xf32, #tpu.memory_space<hbm>> -> memref<8x512xf32, #tpu.memory_space<hbm>>
    %dma_start3A_404 = arith.constant 0 : i32
    %dma_start3A_405 = tpu.memref_slice %arg3[%select_n3A_355, %dma_start3A_400, %select_n3A_371, %dma_start3A_404] : memref<16x3x512x512xf32, #tpu.memory_space<hbm>> -> memref<1x1x8x512xf32, #tpu.memory_space<hbm>>
    %dma_start3A_406 = tpu.memref_squeeze %dma_start3A_405 : memref<1x1x8x512xf32, #tpu.memory_space<hbm>> -> memref<8x512xf32, #tpu.memory_space<hbm>>
    tpu.enqueue_dma source(%dma_start3A_406 : memref<8x512xf32, #tpu.memory_space<hbm>>) target(%arg28 : memref<8x512xf32, #tpu.memory_space<vmem>>) target_semaphore(%arg39 : memref<!tpu.dma_semaphore, #tpu.memory_space<semaphore_mem>>)
    %dma_start3A_407 = arith.constant 2 : i32
    %dma_start3A_408 = arith.constant 0 : i32
    %dma_start3A_409 = tpu.memref_slice %arg3[%select_n3A_355, %dma_start3A_407, %select_n3A_371, %dma_start3A_408] : memref<16x3x512x512xf32, #tpu.memory_space<hbm>> -> memref<1x1x8x512xf32, #tpu.memory_space<hbm>>
    %dma_start3A_410 = tpu.memref_squeeze %dma_start3A_409 : memref<1x1x8x512xf32, #tpu.memory_space<hbm>> -> memref<8x512xf32, #tpu.memory_space<hbm>>
    %dma_start3A_411 = arith.constant 0 : i32
    %dma_start3A_412 = tpu.memref_slice %arg3[%select_n3A_355, %dma_start3A_407, %select_n3A_371, %dma_start3A_411] : memref<16x3x512x512xf32, #tpu.memory_space<hbm>> -> memref<1x1x8x512xf32, #tpu.memory_space<hbm>>
    %dma_start3A_413 = tpu.memref_squeeze %dma_start3A_412 : memref<1x1x8x512xf32, #tpu.memory_space<hbm>> -> memref<8x512xf32, #tpu.memory_space<hbm>>
    tpu.enqueue_dma source(%dma_start3A_413 : memref<8x512xf32, #tpu.memory_space<hbm>>) target(%arg29 : memref<8x512xf32, #tpu.memory_space<vmem>>) target_semaphore(%arg39 : memref<!tpu.dma_semaphore, #tpu.memory_space<semaphore_mem>>)
    %dma_start3A_414 = arith.constant 0 : i32
    %dma_start3A_415 = arith.constant 0 : i32
    %dma_start3A_416 = tpu.memref_slice %arg4[%select_n3A_355, %dma_start3A_414, %select_n3A_371, %dma_start3A_415] : memref<16x3x512x512xf32, #tpu.memory_space<hbm>> -> memref<1x1x8x512xf32, #tpu.memory_space<hbm>>
    %dma_start3A_417 = tpu.memref_squeeze %dma_start3A_416 : memref<1x1x8x512xf32, #tpu.memory_space<hbm>> -> memref<8x512xf32, #tpu.memory_space<hbm>>
    %dma_start3A_418 = arith.constant 0 : i32
    %dma_start3A_419 = tpu.memref_slice %arg4[%select_n3A_355, %dma_start3A_414, %select_n3A_371, %dma_start3A_418] : memref<16x3x512x512xf32, #tpu.memory_space<hbm>> -> memref<1x1x8x512xf32, #tpu.memory_space<hbm>>
    %dma_start3A_420 = tpu.memref_squeeze %dma_start3A_419 : memref<1x1x8x512xf32, #tpu.memory_space<hbm>> -> memref<8x512xf32, #tpu.memory_space<hbm>>
    tpu.enqueue_dma source(%dma_start3A_420 : memref<8x512xf32, #tpu.memory_space<hbm>>) target(%arg30 : memref<8x512xf32, #tpu.memory_space<vmem>>) target_semaphore(%arg39 : memref<!tpu.dma_semaphore, #tpu.memory_space<semaphore_mem>>)
    %dma_start3A_421 = arith.constant 1 : i32
    %dma_start3A_422 = arith.constant 0 : i32
    %dma_start3A_423 = tpu.memref_slice %arg4[%select_n3A_355, %dma_start3A_421, %select_n3A_371, %dma_start3A_422] : memref<16x3x512x512xf32, #tpu.memory_space<hbm>> -> memref<1x1x8x512xf32, #tpu.memory_space<hbm>>
    %dma_start3A_424 = tpu.memref_squeeze %dma_start3A_423 : memref<1x1x8x512xf32, #tpu.memory_space<hbm>> -> memref<8x512xf32, #tpu.memory_space<hbm>>
    %dma_start3A_425 = arith.constant 0 : i32
    %dma_start3A_426 = tpu.memref_slice %arg4[%select_n3A_355, %dma_start3A_421, %select_n3A_371, %dma_start3A_425] : memref<16x3x512x512xf32, #tpu.memory_space<hbm>> -> memref<1x1x8x512xf32, #tpu.memory_space<hbm>>
    %dma_start3A_427 = tpu.memref_squeeze %dma_start3A_426 : memref<1x1x8x512xf32, #tpu.memory_space<hbm>> -> memref<8x512xf32, #tpu.memory_space<hbm>>
    tpu.enqueue_dma source(%dma_start3A_427 : memref<8x512xf32, #tpu.memory_space<hbm>>) target(%arg31 : memref<8x512xf32, #tpu.memory_space<vmem>>) target_semaphore(%arg39 : memref<!tpu.dma_semaphore, #tpu.memory_space<semaphore_mem>>)
    %dma_start3A_428 = arith.constant 2 : i32
    %dma_start3A_429 = arith.constant 0 : i32
    %dma_start3A_430 = tpu.memref_slice %arg4[%select_n3A_355, %dma_start3A_428, %select_n3A_371, %dma_start3A_429] : memref<16x3x512x512xf32, #tpu.memory_space<hbm>> -> memref<1x1x8x512xf32, #tpu.memory_space<hbm>>
    %dma_start3A_431 = tpu.memref_squeeze %dma_start3A_430 : memref<1x1x8x512xf32, #tpu.memory_space<hbm>> -> memref<8x512xf32, #tpu.memory_space<hbm>>
    %dma_start3A_432 = arith.constant 0 : i32
    %dma_start3A_433 = tpu.memref_slice %arg4[%select_n3A_355, %dma_start3A_428, %select_n3A_371, %dma_start3A_432] : memref<16x3x512x512xf32, #tpu.memory_space<hbm>> -> memref<1x1x8x512xf32, #tpu.memory_space<hbm>>
    %dma_start3A_434 = tpu.memref_squeeze %dma_start3A_433 : memref<1x1x8x512xf32, #tpu.memory_space<hbm>> -> memref<8x512xf32, #tpu.memory_space<hbm>>
    tpu.enqueue_dma source(%dma_start3A_434 : memref<8x512xf32, #tpu.memory_space<hbm>>) target(%arg32 : memref<8x512xf32, #tpu.memory_space<vmem>>) target_semaphore(%arg39 : memref<!tpu.dma_semaphore, #tpu.memory_space<semaphore_mem>>)
    %scan3A = arith.constant 0 : i32
    %scan3A_435 = arith.constant 0 : i32
    %scan3A_436 = arith.constant 6 : i32
    %scan3A_437 = arith.addi %scan3A_435, %scan3A_436 : i32
    %scan3A_438 = arith.constant 1 : i32
    scf.for %scan3A_980 = %scan3A_435 to %scan3A_437 step %scan3A_438  : i32 {
      %mul3A_981 = arith.constant 3 : i32
      %mul3A_982 = arith.muli %scan3A_980, %mul3A_981 : i32
      %add3A_983 = arith.constant 0 : i32
      %add3A_984 = arith.addi %mul3A_982, %add3A_983 : i32
      %mul3A_985 = arith.constant 8 : i32
      %mul3A_986 = arith.muli %add3A_984, %mul3A_985 : i32
      %add3A_987 = arith.addi %mul3A_2, %mul3A_986 : i32
      %jit3A_988 = arith.constant 512 : i32
      %div3A_989 = arith.divsi %add3A_987, %jit3A_988 : i32
      %sign3A_990 = arith.constant 0 : i32
      %sign3A_991 = arith.cmpi sgt, %add3A_987, %sign3A_990 : i32
      %sign3A_992 = arith.extui %sign3A_991 : i1 to i32
      %sign3A_993 = arith.constant 0 : i32
      %sign3A_994 = arith.cmpi slt, %add3A_987, %sign3A_993 : i32
      %sign3A_995 = arith.extui %sign3A_994 : i1 to i32
      %sign3A_996 = arith.subi %sign3A_992, %sign3A_995 : i32
      %sign3A_997 = arith.constant 0 : i32
      %sign3A_998 = arith.cmpi sgt, %jit3A_988, %sign3A_997 : i32
      %sign3A_999 = arith.extui %sign3A_998 : i1 to i32
      %sign3A_1000 = arith.constant 0 : i32
      %sign3A_1001 = arith.cmpi slt, %jit3A_988, %sign3A_1000 : i32
      %sign3A_1002 = arith.extui %sign3A_1001 : i1 to i32
      %sign3A_1003 = arith.subi %sign3A_999, %sign3A_1002 : i32
      %ne3A_1004 = arith.cmpi ne, %sign3A_996, %sign3A_1003 : i32
      %rem3A_1005 = arith.remsi %add3A_987, %jit3A_988 : i32
      %ne3A_1006 = arith.constant 0 : i32
      %ne3A_1007 = arith.cmpi ne, %rem3A_1005, %ne3A_1006 : i32
      %and3A_1008 = arith.andi %ne3A_1004, %ne3A_1007 : i1
      %sub3A_1009 = arith.constant 1 : i32
      %sub3A_1010 = arith.subi %div3A_989, %sub3A_1009 : i32
      %select_n3A_1011 = arith.select %and3A_1008, %sub3A_1010, %div3A_989 : i32
      %jit3A_1012 = arith.constant 512 : i32
      %eq3A_1013 = arith.constant 0 : i32
      %eq3A_1014 = arith.cmpi eq, %jit3A_1012, %eq3A_1013 : i32
      %jit3A_1015 = arith.constant 1 : i32
      %select_n3A_1016 = arith.select %eq3A_1014, %jit3A_1015, %jit3A_1012 : i32
      %rem3A_1017 = arith.remsi %add3A_987, %select_n3A_1016 : i32
      %ne3A_1018 = arith.constant 0 : i32
      %ne3A_1019 = arith.cmpi ne, %rem3A_1017, %ne3A_1018 : i32
      %lt3A_1020 = arith.constant 0 : i32
      %lt3A_1021 = arith.cmpi slt, %rem3A_1017, %lt3A_1020 : i32
      %lt3A_1022 = arith.constant 0 : i32
      %lt3A_1023 = arith.cmpi slt, %select_n3A_1016, %lt3A_1022 : i32
      %ne3A_1024 = arith.xori %lt3A_1021, %lt3A_1023 : i1
      %and3A_1025 = arith.andi %ne3A_1024, %ne3A_1019 : i1
      %add3A_1026 = arith.addi %rem3A_1017, %select_n3A_1016 : i32
      %select_n3A_1027 = arith.select %and3A_1025, %add3A_1026, %rem3A_1017 : i32
      %dma_wait3A = arith.constant 0 : i32
      %dma_wait3A_1028 = arith.constant 0 : i32
      %dma_wait3A_1029 = tpu.memref_slice %arg2[%select_n3A_1011, %dma_wait3A, %select_n3A_1027, %dma_wait3A_1028] : memref<16x3x512x512xf32, #tpu.memory_space<hbm>> -> memref<1x1x8x512xf32, #tpu.memory_space<hbm>>
      %dma_wait3A_1030 = tpu.memref_squeeze %dma_wait3A_1029 : memref<1x1x8x512xf32, #tpu.memory_space<hbm>> -> memref<8x512xf32, #tpu.memory_space<hbm>>
      %dma_wait3A_1031 = arith.constant 0 : i32
      %dma_wait3A_1032 = tpu.memref_slice %arg2[%select_n3A_1011, %dma_wait3A, %select_n3A_1027, %dma_wait3A_1031] : memref<16x3x512x512xf32, #tpu.memory_space<hbm>> -> memref<1x1x8x512xf32, #tpu.memory_space<hbm>>
      %dma_wait3A_1033 = tpu.memref_squeeze %dma_wait3A_1032 : memref<1x1x8x512xf32, #tpu.memory_space<hbm>> -> memref<8x512xf32, #tpu.memory_space<hbm>>
      tpu.wait_dma2 semaphore(%arg37 : memref<!tpu.dma_semaphore, #tpu.memory_space<semaphore_mem>>) src(%dma_wait3A_1033 : memref<8x512xf32, #tpu.memory_space<hbm>>) dst(%arg6 : memref<8x512xf32, #tpu.memory_space<vmem>>)
      %dma_wait3A_1034 = arith.constant 1 : i32
      %dma_wait3A_1035 = arith.constant 0 : i32
      %dma_wait3A_1036 = tpu.memref_slice %arg2[%select_n3A_1011, %dma_wait3A_1034, %select_n3A_1027, %dma_wait3A_1035] : memref<16x3x512x512xf32, #tpu.memory_space<hbm>> -> memref<1x1x8x512xf32, #tpu.memory_space<hbm>>
      %dma_wait3A_1037 = tpu.memref_squeeze %dma_wait3A_1036 : memref<1x1x8x512xf32, #tpu.memory_space<hbm>> -> memref<8x512xf32, #tpu.memory_space<hbm>>
      %dma_wait3A_1038 = arith.constant 0 : i32
      %dma_wait3A_1039 = tpu.memref_slice %arg2[%select_n3A_1011, %dma_wait3A_1034, %select_n3A_1027, %dma_wait3A_1038] : memref<16x3x512x512xf32, #tpu.memory_space<hbm>> -> memref<1x1x8x512xf32, #tpu.memory_space<hbm>>
      %dma_wait3A_1040 = tpu.memref_squeeze %dma_wait3A_1039 : memref<1x1x8x512xf32, #tpu.memory_space<hbm>> -> memref<8x512xf32, #tpu.memory_space<hbm>>
      tpu.wait_dma2 semaphore(%arg37 : memref<!tpu.dma_semaphore, #tpu.memory_space<semaphore_mem>>) src(%dma_wait3A_1040 : memref<8x512xf32, #tpu.memory_space<hbm>>) dst(%arg7 : memref<8x512xf32, #tpu.memory_space<vmem>>)
      %dma_wait3A_1041 = arith.constant 2 : i32
      %dma_wait3A_1042 = arith.constant 0 : i32
      %dma_wait3A_1043 = tpu.memref_slice %arg2[%select_n3A_1011, %dma_wait3A_1041, %select_n3A_1027, %dma_wait3A_1042] : memref<16x3x512x512xf32, #tpu.memory_space<hbm>> -> memref<1x1x8x512xf32, #tpu.memory_space<hbm>>
      %dma_wait3A_1044 = tpu.memref_squeeze %dma_wait3A_1043 : memref<1x1x8x512xf32, #tpu.memory_space<hbm>> -> memref<8x512xf32, #tpu.memory_space<hbm>>
      %dma_wait3A_1045 = arith.constant 0 : i32
      %dma_wait3A_1046 = tpu.memref_slice %arg2[%select_n3A_1011, %dma_wait3A_1041, %select_n3A_1027, %dma_wait3A_1045] : memref<16x3x512x512xf32, #tpu.memory_space<hbm>> -> memref<1x1x8x512xf32, #tpu.memory_space<hbm>>
      %dma_wait3A_1047 = tpu.memref_squeeze %dma_wait3A_1046 : memref<1x1x8x512xf32, #tpu.memory_space<hbm>> -> memref<8x512xf32, #tpu.memory_space<hbm>>
      tpu.wait_dma2 semaphore(%arg37 : memref<!tpu.dma_semaphore, #tpu.memory_space<semaphore_mem>>) src(%dma_wait3A_1047 : memref<8x512xf32, #tpu.memory_space<hbm>>) dst(%arg8 : memref<8x512xf32, #tpu.memory_space<vmem>>)
      %dma_wait3A_1048 = arith.constant 0 : i32
      %dma_wait3A_1049 = arith.constant 0 : i32
      %dma_wait3A_1050 = tpu.memref_slice %arg3[%select_n3A_1011, %dma_wait3A_1048, %select_n3A_1027, %dma_wait3A_1049] : memref<16x3x512x512xf32, #tpu.memory_space<hbm>> -> memref<1x1x8x512xf32, #tpu.memory_space<hbm>>
      %dma_wait3A_1051 = tpu.memref_squeeze %dma_wait3A_1050 : memref<1x1x8x512xf32, #tpu.memory_space<hbm>> -> memref<8x512xf32, #tpu.memory_space<hbm>>
      %dma_wait3A_1052 = arith.constant 0 : i32
      %dma_wait3A_1053 = tpu.memref_slice %arg3[%select_n3A_1011, %dma_wait3A_1048, %select_n3A_1027, %dma_wait3A_1052] : memref<16x3x512x512xf32, #tpu.memory_space<hbm>> -> memref<1x1x8x512xf32, #tpu.memory_space<hbm>>
      %dma_wait3A_1054 = tpu.memref_squeeze %dma_wait3A_1053 : memref<1x1x8x512xf32, #tpu.memory_space<hbm>> -> memref<8x512xf32, #tpu.memory_space<hbm>>
      tpu.wait_dma2 semaphore(%arg37 : memref<!tpu.dma_semaphore, #tpu.memory_space<semaphore_mem>>) src(%dma_wait3A_1054 : memref<8x512xf32, #tpu.memory_space<hbm>>) dst(%arg9 : memref<8x512xf32, #tpu.memory_space<vmem>>)
      %dma_wait3A_1055 = arith.constant 1 : i32
      %dma_wait3A_1056 = arith.constant 0 : i32
      %dma_wait3A_1057 = tpu.memref_slice %arg3[%select_n3A_1011, %dma_wait3A_1055, %select_n3A_1027, %dma_wait3A_1056] : memref<16x3x512x512xf32, #tpu.memory_space<hbm>> -> memref<1x1x8x512xf32, #tpu.memory_space<hbm>>
      %dma_wait3A_1058 = tpu.memref_squeeze %dma_wait3A_1057 : memref<1x1x8x512xf32, #tpu.memory_space<hbm>> -> memref<8x512xf32, #tpu.memory_space<hbm>>
      %dma_wait3A_1059 = arith.constant 0 : i32
      %dma_wait3A_1060 = tpu.memref_slice %arg3[%select_n3A_1011, %dma_wait3A_1055, %select_n3A_1027, %dma_wait3A_1059] : memref<16x3x512x512xf32, #tpu.memory_space<hbm>> -> memref<1x1x8x512xf32, #tpu.memory_space<hbm>>
      %dma_wait3A_1061 = tpu.memref_squeeze %dma_wait3A_1060 : memref<1x1x8x512xf32, #tpu.memory_space<hbm>> -> memref<8x512xf32, #tpu.memory_space<hbm>>
      tpu.wait_dma2 semaphore(%arg37 : memref<!tpu.dma_semaphore, #tpu.memory_space<semaphore_mem>>) src(%dma_wait3A_1061 : memref<8x512xf32, #tpu.memory_space<hbm>>) dst(%arg10 : memref<8x512xf32, #tpu.memory_space<vmem>>)
      %dma_wait3A_1062 = arith.constant 2 : i32
      %dma_wait3A_1063 = arith.constant 0 : i32
      %dma_wait3A_1064 = tpu.memref_slice %arg3[%select_n3A_1011, %dma_wait3A_1062, %select_n3A_1027, %dma_wait3A_1063] : memref<16x3x512x512xf32, #tpu.memory_space<hbm>> -> memref<1x1x8x512xf32, #tpu.memory_space<hbm>>
      %dma_wait3A_1065 = tpu.memref_squeeze %dma_wait3A_1064 : memref<1x1x8x512xf32, #tpu.memory_space<hbm>> -> memref<8x512xf32, #tpu.memory_space<hbm>>
      %dma_wait3A_1066 = arith.constant 0 : i32
      %dma_wait3A_1067 = tpu.memref_slice %arg3[%select_n3A_1011, %dma_wait3A_1062, %select_n3A_1027, %dma_wait3A_1066] : memref<16x3x512x512xf32, #tpu.memory_space<hbm>> -> memref<1x1x8x512xf32, #tpu.memory_space<hbm>>
      %dma_wait3A_1068 = tpu.memref_squeeze %dma_wait3A_1067 : memref<1x1x8x512xf32, #tpu.memory_space<hbm>> -> memref<8x512xf32, #tpu.memory_space<hbm>>
      tpu.wait_dma2 semaphore(%arg37 : memref<!tpu.dma_semaphore, #tpu.memory_space<semaphore_mem>>) src(%dma_wait3A_1068 : memref<8x512xf32, #tpu.memory_space<hbm>>) dst(%arg11 : memref<8x512xf32, #tpu.memory_space<vmem>>)
      %dma_wait3A_1069 = arith.constant 0 : i32
      %dma_wait3A_1070 = arith.constant 0 : i32
      %dma_wait3A_1071 = tpu.memref_slice %arg4[%select_n3A_1011, %dma_wait3A_1069, %select_n3A_1027, %dma_wait3A_1070] : memref<16x3x512x512xf32, #tpu.memory_space<hbm>> -> memref<1x1x8x512xf32, #tpu.memory_space<hbm>>
      %dma_wait3A_1072 = tpu.memref_squeeze %dma_wait3A_1071 : memref<1x1x8x512xf32, #tpu.memory_space<hbm>> -> memref<8x512xf32, #tpu.memory_space<hbm>>
      %dma_wait3A_1073 = arith.constant 0 : i32
      %dma_wait3A_1074 = tpu.memref_slice %arg4[%select_n3A_1011, %dma_wait3A_1069, %select_n3A_1027, %dma_wait3A_1073] : memref<16x3x512x512xf32, #tpu.memory_space<hbm>> -> memref<1x1x8x512xf32, #tpu.memory_space<hbm>>
      %dma_wait3A_1075 = tpu.memref_squeeze %dma_wait3A_1074 : memref<1x1x8x512xf32, #tpu.memory_space<hbm>> -> memref<8x512xf32, #tpu.memory_space<hbm>>
      tpu.wait_dma2 semaphore(%arg37 : memref<!tpu.dma_semaphore, #tpu.memory_space<semaphore_mem>>) src(%dma_wait3A_1075 : memref<8x512xf32, #tpu.memory_space<hbm>>) dst(%arg12 : memref<8x512xf32, #tpu.memory_space<vmem>>)
      %dma_wait3A_1076 = arith.constant 1 : i32
      %dma_wait3A_1077 = arith.constant 0 : i32
      %dma_wait3A_1078 = tpu.memref_slice %arg4[%select_n3A_1011, %dma_wait3A_1076, %select_n3A_1027, %dma_wait3A_1077] : memref<16x3x512x512xf32, #tpu.memory_space<hbm>> -> memref<1x1x8x512xf32, #tpu.memory_space<hbm>>
      %dma_wait3A_1079 = tpu.memref_squeeze %dma_wait3A_1078 : memref<1x1x8x512xf32, #tpu.memory_space<hbm>> -> memref<8x512xf32, #tpu.memory_space<hbm>>
      %dma_wait3A_1080 = arith.constant 0 : i32
      %dma_wait3A_1081 = tpu.memref_slice %arg4[%select_n3A_1011, %dma_wait3A_1076, %select_n3A_1027, %dma_wait3A_1080] : memref<16x3x512x512xf32, #tpu.memory_space<hbm>> -> memref<1x1x8x512xf32, #tpu.memory_space<hbm>>
      %dma_wait3A_1082 = tpu.memref_squeeze %dma_wait3A_1081 : memref<1x1x8x512xf32, #tpu.memory_space<hbm>> -> memref<8x512xf32, #tpu.memory_space<hbm>>
      tpu.wait_dma2 semaphore(%arg37 : memref<!tpu.dma_semaphore, #tpu.memory_space<semaphore_mem>>) src(%dma_wait3A_1082 : memref<8x512xf32, #tpu.memory_space<hbm>>) dst(%arg13 : memref<8x512xf32, #tpu.memory_space<vmem>>)
      %dma_wait3A_1083 = arith.constant 2 : i32
      %dma_wait3A_1084 = arith.constant 0 : i32
      %dma_wait3A_1085 = tpu.memref_slice %arg4[%select_n3A_1011, %dma_wait3A_1083, %select_n3A_1027, %dma_wait3A_1084] : memref<16x3x512x512xf32, #tpu.memory_space<hbm>> -> memref<1x1x8x512xf32, #tpu.memory_space<hbm>>
      %dma_wait3A_1086 = tpu.memref_squeeze %dma_wait3A_1085 : memref<1x1x8x512xf32, #tpu.memory_space<hbm>> -> memref<8x512xf32, #tpu.memory_space<hbm>>
      %dma_wait3A_1087 = arith.constant 0 : i32
      %dma_wait3A_1088 = tpu.memref_slice %arg4[%select_n3A_1011, %dma_wait3A_1083, %select_n3A_1027, %dma_wait3A_1087] : memref<16x3x512x512xf32, #tpu.memory_space<hbm>> -> memref<1x1x8x512xf32, #tpu.memory_space<hbm>>
      %dma_wait3A_1089 = tpu.memref_squeeze %dma_wait3A_1088 : memref<1x1x8x512xf32, #tpu.memory_space<hbm>> -> memref<8x512xf32, #tpu.memory_space<hbm>>
      tpu.wait_dma2 semaphore(%arg37 : memref<!tpu.dma_semaphore, #tpu.memory_space<semaphore_mem>>) src(%dma_wait3A_1089 : memref<8x512xf32, #tpu.memory_space<hbm>>) dst(%arg14 : memref<8x512xf32, #tpu.memory_space<vmem>>)
      %parallel_loop3A = arith.constant 0 : i32
      %parallel_loop3A_1090 = arith.constant 256 : i32
      %parallel_loop3A_1091 = arith.constant 1 : i32
      scf.for %parallel_loop3A_1337 = %parallel_loop3A to %parallel_loop3A_1090 step %parallel_loop3A_1091  : i32 {
        %parallel_loop3A_1338 = arith.constant 32 : i32
        %parallel_loop3A_1339 = arith.divsi %parallel_loop3A_1337, %parallel_loop3A_1338 : i32
        %parallel_loop3A_1340 = arith.constant 0 : i32
        %parallel_loop3A_1341 = arith.cmpi sgt, %parallel_loop3A_1337, %parallel_loop3A_1340 : i32
        %parallel_loop3A_1342 = arith.extui %parallel_loop3A_1341 : i1 to i32
        %parallel_loop3A_1343 = arith.constant 0 : i32
        %parallel_loop3A_1344 = arith.cmpi slt, %parallel_loop3A_1337, %parallel_loop3A_1343 : i32
        %parallel_loop3A_1345 = arith.extui %parallel_loop3A_1344 : i1 to i32
        %parallel_loop3A_1346 = arith.subi %parallel_loop3A_1342, %parallel_loop3A_1345 : i32
        %parallel_loop3A_1347 = arith.constant 0 : i32
        %parallel_loop3A_1348 = arith.cmpi sgt, %parallel_loop3A_1338, %parallel_loop3A_1347 : i32
        %parallel_loop3A_1349 = arith.extui %parallel_loop3A_1348 : i1 to i32
        %parallel_loop3A_1350 = arith.constant 0 : i32
        %parallel_loop3A_1351 = arith.cmpi slt, %parallel_loop3A_1338, %parallel_loop3A_1350 : i32
        %parallel_loop3A_1352 = arith.extui %parallel_loop3A_1351 : i1 to i32
        %parallel_loop3A_1353 = arith.subi %parallel_loop3A_1349, %parallel_loop3A_1352 : i32
        %parallel_loop3A_1354 = arith.cmpi ne, %parallel_loop3A_1346, %parallel_loop3A_1353 : i32
        %parallel_loop3A_1355 = arith.remsi %parallel_loop3A_1337, %parallel_loop3A_1338 : i32
        %parallel_loop3A_1356 = arith.constant 0 : i32
        %parallel_loop3A_1357 = arith.cmpi ne, %parallel_loop3A_1355, %parallel_loop3A_1356 : i32
        %parallel_loop3A_1358 = arith.andi %parallel_loop3A_1354, %parallel_loop3A_1357 : i1
        %parallel_loop3A_1359 = arith.constant 1 : i32
        %parallel_loop3A_1360 = arith.subi %parallel_loop3A_1339, %parallel_loop3A_1359 : i32
        %parallel_loop3A_1361 = arith.select %parallel_loop3A_1358, %parallel_loop3A_1360, %parallel_loop3A_1339 : i32
        %parallel_loop3A_1362 = arith.constant 32 : i32
        %parallel_loop3A_1363 = arith.constant 0 : i32
        %parallel_loop3A_1364 = arith.cmpi eq, %parallel_loop3A_1362, %parallel_loop3A_1363 : i32
        %parallel_loop3A_1365 = arith.constant 1 : i32
        %parallel_loop3A_1366 = arith.select %parallel_loop3A_1364, %parallel_loop3A_1365, %parallel_loop3A_1362 : i32
        %parallel_loop3A_1367 = arith.remsi %parallel_loop3A_1337, %parallel_loop3A_1366 : i32
        %parallel_loop3A_1368 = arith.constant 0 : i32
        %parallel_loop3A_1369 = arith.cmpi ne, %parallel_loop3A_1367, %parallel_loop3A_1368 : i32
        %parallel_loop3A_1370 = arith.constant 0 : i32
        %parallel_loop3A_1371 = arith.cmpi slt, %parallel_loop3A_1367, %parallel_loop3A_1370 : i32
        %parallel_loop3A_1372 = arith.constant 0 : i32
        %parallel_loop3A_1373 = arith.cmpi slt, %parallel_loop3A_1366, %parallel_loop3A_1372 : i32
        %parallel_loop3A_1374 = arith.xori %parallel_loop3A_1371, %parallel_loop3A_1373 : i1
        %parallel_loop3A_1375 = arith.andi %parallel_loop3A_1374, %parallel_loop3A_1369 : i1
        %parallel_loop3A_1376 = arith.addi %parallel_loop3A_1367, %parallel_loop3A_1366 : i32
        %parallel_loop3A_1377 = arith.select %parallel_loop3A_1375, %parallel_loop3A_1376, %parallel_loop3A_1367 : i32
        %parallel_loop3A_1378 = arith.constant 16 : i32
        %parallel_loop3A_1379 = arith.muli %parallel_loop3A_1377, %parallel_loop3A_1378 : i32
        %parallel_loop3A_1380 = arith.constant 0 : i32
        %parallel_loop3A_1381 = vector.broadcast %parallel_loop3A_1380 : i32 to vector<16xi32>
        %parallel_loop3A_1382 = vector.broadcast %parallel_loop3A_1361 : i32 to vector<16xi32>
        %parallel_loop3A_1383 = arith.addi %parallel_loop3A_1381, %parallel_loop3A_1382 : vector<16xi32>
        %parallel_loop3A_1384 = vector.broadcast %parallel_loop3A_1379 : i32 to vector<16xi32>
        %parallel_loop3A_1385 = arith.addi %iota3A, %parallel_loop3A_1384 : vector<16xi32>
        %parallel_loop3A_1386 = tpu.vector_load_idx %arg6[%parallel_loop3A_1383, %parallel_loop3A_1385] : memref<8x512xf32, #tpu.memory_space<vmem>>[vector<16xi32>, vector<16xi32>], vector<16xf32>,
        %parallel_loop3A_1387 = arith.constant 2.990000e-01 : f32
        %parallel_loop3A_1388 = vector.broadcast %parallel_loop3A_1387 : f32 to vector<16xf32>
        %parallel_loop3A_1389 = arith.mulf %parallel_loop3A_1388, %parallel_loop3A_1386 : vector<16xf32>
        %parallel_loop3A_1390 = tpu.vector_load_idx %arg7[%parallel_loop3A_1383, %parallel_loop3A_1385] : memref<8x512xf32, #tpu.memory_space<vmem>>[vector<16xi32>, vector<16xi32>], vector<16xf32>,
        %parallel_loop3A_1391 = arith.constant 5.870000e-01 : f32
        %parallel_loop3A_1392 = vector.broadcast %parallel_loop3A_1391 : f32 to vector<16xf32>
        %parallel_loop3A_1393 = arith.mulf %parallel_loop3A_1392, %parallel_loop3A_1390 : vector<16xf32>
        %parallel_loop3A_1394 = arith.addf %parallel_loop3A_1389, %parallel_loop3A_1393 : vector<16xf32>
        %parallel_loop3A_1395 = tpu.vector_load_idx %arg8[%parallel_loop3A_1383, %parallel_loop3A_1385] : memref<8x512xf32, #tpu.memory_space<vmem>>[vector<16xi32>, vector<16xi32>], vector<16xf32>,
        %parallel_loop3A_1396 = arith.constant 1.140000e-01 : f32
        %parallel_loop3A_1397 = vector.broadcast %parallel_loop3A_1396 : f32 to vector<16xf32>
        %parallel_loop3A_1398 = arith.mulf %parallel_loop3A_1397, %parallel_loop3A_1395 : vector<16xf32>
        %parallel_loop3A_1399 = arith.addf %parallel_loop3A_1394, %parallel_loop3A_1398 : vector<16xf32>
        %parallel_loop3A_1400 = arith.constant 1.600000e+01 : f32
        %parallel_loop3A_1401 = vector.broadcast %parallel_loop3A_1400 : f32 to vector<16xf32>
        %parallel_loop3A_1402 = arith.mulf %parallel_loop3A_1399, %parallel_loop3A_1401 : vector<16xf32>
        %parallel_loop3A_1403 = arith.fptosi %parallel_loop3A_1402 : vector<16xf32> to vector<16xi32>
        %parallel_loop3A_1404 = arith.constant 16 : i32
        %parallel_loop3A_1405 = vector.broadcast %parallel_loop3A_1404 : i32 to vector<16xi32>
        %parallel_loop3A_1406 = arith.muli %parallel_loop3A_1403, %parallel_loop3A_1405 : vector<16xi32>
        %parallel_loop3A_1407 = arith.addi %parallel_loop3A_1406, %iota3A : vector<16xi32>
        %parallel_loop3A_1408 = tpu.vector_load_idx %arg9[%parallel_loop3A_1383, %parallel_loop3A_1385] : memref<8x512xf32, #tpu.memory_space<vmem>>[vector<16xi32>, vector<16xi32>], vector<16xf32>,
        %parallel_loop3A_1409 = arith.constant 2.990000e-01 : f32
        %parallel_loop3A_1410 = vector.broadcast %parallel_loop3A_1409 : f32 to vector<16xf32>
        %parallel_loop3A_1411 = arith.mulf %parallel_loop3A_1410, %parallel_loop3A_1408 : vector<16xf32>
        %parallel_loop3A_1412 = tpu.vector_load_idx %arg10[%parallel_loop3A_1383, %parallel_loop3A_1385] : memref<8x512xf32, #tpu.memory_space<vmem>>[vector<16xi32>, vector<16xi32>], vector<16xf32>,
        %parallel_loop3A_1413 = arith.constant 5.870000e-01 : f32
        %parallel_loop3A_1414 = vector.broadcast %parallel_loop3A_1413 : f32 to vector<16xf32>
        %parallel_loop3A_1415 = arith.mulf %parallel_loop3A_1414, %parallel_loop3A_1412 : vector<16xf32>
        %parallel_loop3A_1416 = arith.addf %parallel_loop3A_1411, %parallel_loop3A_1415 : vector<16xf32>
        %parallel_loop3A_1417 = tpu.vector_load_idx %arg11[%parallel_loop3A_1383, %parallel_loop3A_1385] : memref<8x512xf32, #tpu.memory_space<vmem>>[vector<16xi32>, vector<16xi32>], vector<16xf32>,
        %parallel_loop3A_1418 = arith.constant 1.140000e-01 : f32
        %parallel_loop3A_1419 = vector.broadcast %parallel_loop3A_1418 : f32 to vector<16xf32>
        %parallel_loop3A_1420 = arith.mulf %parallel_loop3A_1419, %parallel_loop3A_1417 : vector<16xf32>
        %parallel_loop3A_1421 = arith.addf %parallel_loop3A_1416, %parallel_loop3A_1420 : vector<16xf32>
        %parallel_loop3A_1422 = tpu.vector_load_idx %arg12[%parallel_loop3A_1383, %parallel_loop3A_1385] : memref<8x512xf32, #tpu.memory_space<vmem>>[vector<16xi32>, vector<16xi32>], vector<16xf32>,
        %parallel_loop3A_1423 = arith.constant 2.990000e-01 : f32
        %parallel_loop3A_1424 = vector.broadcast %parallel_loop3A_1423 : f32 to vector<16xf32>
        %parallel_loop3A_1425 = arith.mulf %parallel_loop3A_1424, %parallel_loop3A_1422 : vector<16xf32>
        %parallel_loop3A_1426 = tpu.vector_load_idx %arg13[%parallel_loop3A_1383, %parallel_loop3A_1385] : memref<8x512xf32, #tpu.memory_space<vmem>>[vector<16xi32>, vector<16xi32>], vector<16xf32>,
        %parallel_loop3A_1427 = arith.constant 5.870000e-01 : f32
        %parallel_loop3A_1428 = vector.broadcast %parallel_loop3A_1427 : f32 to vector<16xf32>
        %parallel_loop3A_1429 = arith.mulf %parallel_loop3A_1428, %parallel_loop3A_1426 : vector<16xf32>
        %parallel_loop3A_1430 = arith.addf %parallel_loop3A_1425, %parallel_loop3A_1429 : vector<16xf32>
        %parallel_loop3A_1431 = tpu.vector_load_idx %arg14[%parallel_loop3A_1383, %parallel_loop3A_1385] : memref<8x512xf32, #tpu.memory_space<vmem>>[vector<16xi32>, vector<16xi32>], vector<16xf32>,
        %parallel_loop3A_1432 = arith.constant 1.140000e-01 : f32
        %parallel_loop3A_1433 = vector.broadcast %parallel_loop3A_1432 : f32 to vector<16xf32>
        %parallel_loop3A_1434 = arith.mulf %parallel_loop3A_1433, %parallel_loop3A_1431 : vector<16xf32>
        %parallel_loop3A_1435 = arith.addf %parallel_loop3A_1430, %parallel_loop3A_1434 : vector<16xf32>
        tpu.vector_store_idx %arg33[%parallel_loop3A_1407], %broadcast_in_dim3A_130 {add = true} : memref<272xf32, #tpu.memory_space<vmem>>[vector<16xi32>], vector<16xf32>,
        tpu.vector_store_idx %arg34[%parallel_loop3A_1407], %parallel_loop3A_1421 {add = true} : memref<272xf32, #tpu.memory_space<vmem>>[vector<16xi32>], vector<16xf32>,
        tpu.vector_store_idx %arg35[%parallel_loop3A_1407], %parallel_loop3A_1435 {add = true} : memref<272xf32, #tpu.memory_space<vmem>>[vector<16xi32>], vector<16xf32>,
      } {sc.loop_unroll_factor = 8 : i64, sc.parallel_access}
      %add3A_1092 = arith.constant 3 : i32
      %add3A_1093 = arith.addi %add3A_984, %add3A_1092 : i32
      %lt3A_1094 = arith.constant 18 : i32
      %lt3A_1095 = arith.cmpi slt, %add3A_1093, %lt3A_1094 : i32
      %convert_element_type3A = arith.extui %lt3A_1095 : i1 to i32
      %cond3A = arith.constant 0 : i32
      %cond3A_1096 = arith.cmpi ne, %convert_element_type3A, %cond3A : i32
      scf.if %cond3A_1096 {
        %add3A_1337 = arith.constant 3 : i32
        %add3A_1338 = arith.addi %add3A_984, %add3A_1337 : i32
        %mul3A_1339 = arith.constant 8 : i32
        %mul3A_1340 = arith.muli %add3A_1338, %mul3A_1339 : i32
        %add3A_1341 = arith.addi %mul3A_2, %mul3A_1340 : i32
        %jit3A_1342 = arith.constant 512 : i32
        %div3A_1343 = arith.divsi %add3A_1341, %jit3A_1342 : i32
        %sign3A_1344 = arith.constant 0 : i32
        %sign3A_1345 = arith.cmpi sgt, %add3A_1341, %sign3A_1344 : i32
        %sign3A_1346 = arith.extui %sign3A_1345 : i1 to i32
        %sign3A_1347 = arith.constant 0 : i32
        %sign3A_1348 = arith.cmpi slt, %add3A_1341, %sign3A_1347 : i32
        %sign3A_1349 = arith.extui %sign3A_1348 : i1 to i32
        %sign3A_1350 = arith.subi %sign3A_1346, %sign3A_1349 : i32
        %sign3A_1351 = arith.constant 0 : i32
        %sign3A_1352 = arith.cmpi sgt, %jit3A_1342, %sign3A_1351 : i32
        %sign3A_1353 = arith.extui %sign3A_1352 : i1 to i32
        %sign3A_1354 = arith.constant 0 : i32
        %sign3A_1355 = arith.cmpi slt, %jit3A_1342, %sign3A_1354 : i32
        %sign3A_1356 = arith.extui %sign3A_1355 : i1 to i32
        %sign3A_1357 = arith.subi %sign3A_1353, %sign3A_1356 : i32
        %ne3A_1358 = arith.cmpi ne, %sign3A_1350, %sign3A_1357 : i32
        %rem3A_1359 = arith.remsi %add3A_1341, %jit3A_1342 : i32
        %ne3A_1360 = arith.constant 0 : i32
        %ne3A_1361 = arith.cmpi ne, %rem3A_1359, %ne3A_1360 : i32
        %and3A_1362 = arith.andi %ne3A_1358, %ne3A_1361 : i1
        %sub3A_1363 = arith.constant 1 : i32
        %sub3A_1364 = arith.subi %div3A_1343, %sub3A_1363 : i32
        %select_n3A_1365 = arith.select %and3A_1362, %sub3A_1364, %div3A_1343 : i32
        %jit3A_1366 = arith.constant 512 : i32
        %eq3A_1367 = arith.constant 0 : i32
        %eq3A_1368 = arith.cmpi eq, %jit3A_1366, %eq3A_1367 : i32
        %jit3A_1369 = arith.constant 1 : i32
        %select_n3A_1370 = arith.select %eq3A_1368, %jit3A_1369, %jit3A_1366 : i32
        %rem3A_1371 = arith.remsi %add3A_1341, %select_n3A_1370 : i32
        %ne3A_1372 = arith.constant 0 : i32
        %ne3A_1373 = arith.cmpi ne, %rem3A_1371, %ne3A_1372 : i32
        %lt3A_1374 = arith.constant 0 : i32
        %lt3A_1375 = arith.cmpi slt, %rem3A_1371, %lt3A_1374 : i32
        %lt3A_1376 = arith.constant 0 : i32
        %lt3A_1377 = arith.cmpi slt, %select_n3A_1370, %lt3A_1376 : i32
        %ne3A_1378 = arith.xori %lt3A_1375, %lt3A_1377 : i1
        %and3A_1379 = arith.andi %ne3A_1378, %ne3A_1373 : i1
        %add3A_1380 = arith.addi %rem3A_1371, %select_n3A_1370 : i32
        %select_n3A_1381 = arith.select %and3A_1379, %add3A_1380, %rem3A_1371 : i32
        %dma_start3A_1382 = arith.constant 0 : i32
        %dma_start3A_1383 = arith.constant 0 : i32
        %dma_start3A_1384 = tpu.memref_slice %arg2[%select_n3A_1365, %dma_start3A_1382, %select_n3A_1381, %dma_start3A_1383] : memref<16x3x512x512xf32, #tpu.memory_space<hbm>> -> memref<1x1x8x512xf32, #tpu.memory_space<hbm>>
        %dma_start3A_1385 = tpu.memref_squeeze %dma_start3A_1384 : memref<1x1x8x512xf32, #tpu.memory_space<hbm>> -> memref<8x512xf32, #tpu.memory_space<hbm>>
        %dma_start3A_1386 = arith.constant 0 : i32
        %dma_start3A_1387 = tpu.memref_slice %arg2[%select_n3A_1365, %dma_start3A_1382, %select_n3A_1381, %dma_start3A_1386] : memref<16x3x512x512xf32, #tpu.memory_space<hbm>> -> memref<1x1x8x512xf32, #tpu.memory_space<hbm>>
        %dma_start3A_1388 = tpu.memref_squeeze %dma_start3A_1387 : memref<1x1x8x512xf32, #tpu.memory_space<hbm>> -> memref<8x512xf32, #tpu.memory_space<hbm>>
        tpu.enqueue_dma source(%dma_start3A_1388 : memref<8x512xf32, #tpu.memory_space<hbm>>) target(%arg6 : memref<8x512xf32, #tpu.memory_space<vmem>>) target_semaphore(%arg37 : memref<!tpu.dma_semaphore, #tpu.memory_space<semaphore_mem>>)
        %dma_start3A_1389 = arith.constant 1 : i32
        %dma_start3A_1390 = arith.constant 0 : i32
        %dma_start3A_1391 = tpu.memref_slice %arg2[%select_n3A_1365, %dma_start3A_1389, %select_n3A_1381, %dma_start3A_1390] : memref<16x3x512x512xf32, #tpu.memory_space<hbm>> -> memref<1x1x8x512xf32, #tpu.memory_space<hbm>>
        %dma_start3A_1392 = tpu.memref_squeeze %dma_start3A_1391 : memref<1x1x8x512xf32, #tpu.memory_space<hbm>> -> memref<8x512xf32, #tpu.memory_space<hbm>>
        %dma_start3A_1393 = arith.constant 0 : i32
        %dma_start3A_1394 = tpu.memref_slice %arg2[%select_n3A_1365, %dma_start3A_1389, %select_n3A_1381, %dma_start3A_1393] : memref<16x3x512x512xf32, #tpu.memory_space<hbm>> -> memref<1x1x8x512xf32, #tpu.memory_space<hbm>>
        %dma_start3A_1395 = tpu.memref_squeeze %dma_start3A_1394 : memref<1x1x8x512xf32, #tpu.memory_space<hbm>> -> memref<8x512xf32, #tpu.memory_space<hbm>>
        tpu.enqueue_dma source(%dma_start3A_1395 : memref<8x512xf32, #tpu.memory_space<hbm>>) target(%arg7 : memref<8x512xf32, #tpu.memory_space<vmem>>) target_semaphore(%arg37 : memref<!tpu.dma_semaphore, #tpu.memory_space<semaphore_mem>>)
        %dma_start3A_1396 = arith.constant 2 : i32
        %dma_start3A_1397 = arith.constant 0 : i32
        %dma_start3A_1398 = tpu.memref_slice %arg2[%select_n3A_1365, %dma_start3A_1396, %select_n3A_1381, %dma_start3A_1397] : memref<16x3x512x512xf32, #tpu.memory_space<hbm>> -> memref<1x1x8x512xf32, #tpu.memory_space<hbm>>
        %dma_start3A_1399 = tpu.memref_squeeze %dma_start3A_1398 : memref<1x1x8x512xf32, #tpu.memory_space<hbm>> -> memref<8x512xf32, #tpu.memory_space<hbm>>
        %dma_start3A_1400 = arith.constant 0 : i32
        %dma_start3A_1401 = tpu.memref_slice %arg2[%select_n3A_1365, %dma_start3A_1396, %select_n3A_1381, %dma_start3A_1400] : memref<16x3x512x512xf32, #tpu.memory_space<hbm>> -> memref<1x1x8x512xf32, #tpu.memory_space<hbm>>
        %dma_start3A_1402 = tpu.memref_squeeze %dma_start3A_1401 : memref<1x1x8x512xf32, #tpu.memory_space<hbm>> -> memref<8x512xf32, #tpu.memory_space<hbm>>
        tpu.enqueue_dma source(%dma_start3A_1402 : memref<8x512xf32, #tpu.memory_space<hbm>>) target(%arg8 : memref<8x512xf32, #tpu.memory_space<vmem>>) target_semaphore(%arg37 : memref<!tpu.dma_semaphore, #tpu.memory_space<semaphore_mem>>)
        %dma_start3A_1403 = arith.constant 0 : i32
        %dma_start3A_1404 = arith.constant 0 : i32
        %dma_start3A_1405 = tpu.memref_slice %arg3[%select_n3A_1365, %dma_start3A_1403, %select_n3A_1381, %dma_start3A_1404] : memref<16x3x512x512xf32, #tpu.memory_space<hbm>> -> memref<1x1x8x512xf32, #tpu.memory_space<hbm>>
        %dma_start3A_1406 = tpu.memref_squeeze %dma_start3A_1405 : memref<1x1x8x512xf32, #tpu.memory_space<hbm>> -> memref<8x512xf32, #tpu.memory_space<hbm>>
        %dma_start3A_1407 = arith.constant 0 : i32
        %dma_start3A_1408 = tpu.memref_slice %arg3[%select_n3A_1365, %dma_start3A_1403, %select_n3A_1381, %dma_start3A_1407] : memref<16x3x512x512xf32, #tpu.memory_space<hbm>> -> memref<1x1x8x512xf32, #tpu.memory_space<hbm>>
        %dma_start3A_1409 = tpu.memref_squeeze %dma_start3A_1408 : memref<1x1x8x512xf32, #tpu.memory_space<hbm>> -> memref<8x512xf32, #tpu.memory_space<hbm>>
        tpu.enqueue_dma source(%dma_start3A_1409 : memref<8x512xf32, #tpu.memory_space<hbm>>) target(%arg9 : memref<8x512xf32, #tpu.memory_space<vmem>>) target_semaphore(%arg37 : memref<!tpu.dma_semaphore, #tpu.memory_space<semaphore_mem>>)
        %dma_start3A_1410 = arith.constant 1 : i32
        %dma_start3A_1411 = arith.constant 0 : i32
        %dma_start3A_1412 = tpu.memref_slice %arg3[%select_n3A_1365, %dma_start3A_1410, %select_n3A_1381, %dma_start3A_1411] : memref<16x3x512x512xf32, #tpu.memory_space<hbm>> -> memref<1x1x8x512xf32, #tpu.memory_space<hbm>>
        %dma_start3A_1413 = tpu.memref_squeeze %dma_start3A_1412 : memref<1x1x8x512xf32, #tpu.memory_space<hbm>> -> memref<8x512xf32, #tpu.memory_space<hbm>>
        %dma_start3A_1414 = arith.constant 0 : i32
        %dma_start3A_1415 = tpu.memref_slice %arg3[%select_n3A_1365, %dma_start3A_1410, %select_n3A_1381, %dma_start3A_1414] : memref<16x3x512x512xf32, #tpu.memory_space<hbm>> -> memref<1x1x8x512xf32, #tpu.memory_space<hbm>>
        %dma_start3A_1416 = tpu.memref_squeeze %dma_start3A_1415 : memref<1x1x8x512xf32, #tpu.memory_space<hbm>> -> memref<8x512xf32, #tpu.memory_space<hbm>>
        tpu.enqueue_dma source(%dma_start3A_1416 : memref<8x512xf32, #tpu.memory_space<hbm>>) target(%arg10 : memref<8x512xf32, #tpu.memory_space<vmem>>) target_semaphore(%arg37 : memref<!tpu.dma_semaphore, #tpu.memory_space<semaphore_mem>>)
        %dma_start3A_1417 = arith.constant 2 : i32
        %dma_start3A_1418 = arith.constant 0 : i32
        %dma_start3A_1419 = tpu.memref_slice %arg3[%select_n3A_1365, %dma_start3A_1417, %select_n3A_1381, %dma_start3A_1418] : memref<16x3x512x512xf32, #tpu.memory_space<hbm>> -> memref<1x1x8x512xf32, #tpu.memory_space<hbm>>
        %dma_start3A_1420 = tpu.memref_squeeze %dma_start3A_1419 : memref<1x1x8x512xf32, #tpu.memory_space<hbm>> -> memref<8x512xf32, #tpu.memory_space<hbm>>
        %dma_start3A_1421 = arith.constant 0 : i32
        %dma_start3A_1422 = tpu.memref_slice %arg3[%select_n3A_1365, %dma_start3A_1417, %select_n3A_1381, %dma_start3A_1421] : memref<16x3x512x512xf32, #tpu.memory_space<hbm>> -> memref<1x1x8x512xf32, #tpu.memory_space<hbm>>
        %dma_start3A_1423 = tpu.memref_squeeze %dma_start3A_1422 : memref<1x1x8x512xf32, #tpu.memory_space<hbm>> -> memref<8x512xf32, #tpu.memory_space<hbm>>
        tpu.enqueue_dma source(%dma_start3A_1423 : memref<8x512xf32, #tpu.memory_space<hbm>>) target(%arg11 : memref<8x512xf32, #tpu.memory_space<vmem>>) target_semaphore(%arg37 : memref<!tpu.dma_semaphore, #tpu.memory_space<semaphore_mem>>)
        %dma_start3A_1424 = arith.constant 0 : i32
        %dma_start3A_1425 = arith.constant 0 : i32
        %dma_start3A_1426 = tpu.memref_slice %arg4[%select_n3A_1365, %dma_start3A_1424, %select_n3A_1381, %dma_start3A_1425] : memref<16x3x512x512xf32, #tpu.memory_space<hbm>> -> memref<1x1x8x512xf32, #tpu.memory_space<hbm>>
        %dma_start3A_1427 = tpu.memref_squeeze %dma_start3A_1426 : memref<1x1x8x512xf32, #tpu.memory_space<hbm>> -> memref<8x512xf32, #tpu.memory_space<hbm>>
        %dma_start3A_1428 = arith.constant 0 : i32
        %dma_start3A_1429 = tpu.memref_slice %arg4[%select_n3A_1365, %dma_start3A_1424, %select_n3A_1381, %dma_start3A_1428] : memref<16x3x512x512xf32, #tpu.memory_space<hbm>> -> memref<1x1x8x512xf32, #tpu.memory_space<hbm>>
        %dma_start3A_1430 = tpu.memref_squeeze %dma_start3A_1429 : memref<1x1x8x512xf32, #tpu.memory_space<hbm>> -> memref<8x512xf32, #tpu.memory_space<hbm>>
        tpu.enqueue_dma source(%dma_start3A_1430 : memref<8x512xf32, #tpu.memory_space<hbm>>) target(%arg12 : memref<8x512xf32, #tpu.memory_space<vmem>>) target_semaphore(%arg37 : memref<!tpu.dma_semaphore, #tpu.memory_space<semaphore_mem>>)
        %dma_start3A_1431 = arith.constant 1 : i32
        %dma_start3A_1432 = arith.constant 0 : i32
        %dma_start3A_1433 = tpu.memref_slice %arg4[%select_n3A_1365, %dma_start3A_1431, %select_n3A_1381, %dma_start3A_1432] : memref<16x3x512x512xf32, #tpu.memory_space<hbm>> -> memref<1x1x8x512xf32, #tpu.memory_space<hbm>>
        %dma_start3A_1434 = tpu.memref_squeeze %dma_start3A_1433 : memref<1x1x8x512xf32, #tpu.memory_space<hbm>> -> memref<8x512xf32, #tpu.memory_space<hbm>>
        %dma_start3A_1435 = arith.constant 0 : i32
        %dma_start3A_1436 = tpu.memref_slice %arg4[%select_n3A_1365, %dma_start3A_1431, %select_n3A_1381, %dma_start3A_1435] : memref<16x3x512x512xf32, #tpu.memory_space<hbm>> -> memref<1x1x8x512xf32, #tpu.memory_space<hbm>>
        %dma_start3A_1437 = tpu.memref_squeeze %dma_start3A_1436 : memref<1x1x8x512xf32, #tpu.memory_space<hbm>> -> memref<8x512xf32, #tpu.memory_space<hbm>>
        tpu.enqueue_dma source(%dma_start3A_1437 : memref<8x512xf32, #tpu.memory_space<hbm>>) target(%arg13 : memref<8x512xf32, #tpu.memory_space<vmem>>) target_semaphore(%arg37 : memref<!tpu.dma_semaphore, #tpu.memory_space<semaphore_mem>>)
        %dma_start3A_1438 = arith.constant 2 : i32
        %dma_start3A_1439 = arith.constant 0 : i32
        %dma_start3A_1440 = tpu.memref_slice %arg4[%select_n3A_1365, %dma_start3A_1438, %select_n3A_1381, %dma_start3A_1439] : memref<16x3x512x512xf32, #tpu.memory_space<hbm>> -> memref<1x1x8x512xf32, #tpu.memory_space<hbm>>
        %dma_start3A_1441 = tpu.memref_squeeze %dma_start3A_1440 : memref<1x1x8x512xf32, #tpu.memory_space<hbm>> -> memref<8x512xf32, #tpu.memory_space<hbm>>
        %dma_start3A_1442 = arith.constant 0 : i32
        %dma_start3A_1443 = tpu.memref_slice %arg4[%select_n3A_1365, %dma_start3A_1438, %select_n3A_1381, %dma_start3A_1442] : memref<16x3x512x512xf32, #tpu.memory_space<hbm>> -> memref<1x1x8x512xf32, #tpu.memory_space<hbm>>
        %dma_start3A_1444 = tpu.memref_squeeze %dma_start3A_1443 : memref<1x1x8x512xf32, #tpu.memory_space<hbm>> -> memref<8x512xf32, #tpu.memory_space<hbm>>
        tpu.enqueue_dma source(%dma_start3A_1444 : memref<8x512xf32, #tpu.memory_space<hbm>>) target(%arg14 : memref<8x512xf32, #tpu.memory_space<vmem>>) target_semaphore(%arg37 : memref<!tpu.dma_semaphore, #tpu.memory_space<semaphore_mem>>)
      } else {
      }
      %mul3A_1097 = arith.constant 3 : i32
      %mul3A_1098 = arith.muli %scan3A_980, %mul3A_1097 : i32
      %add3A_1099 = arith.constant 1 : i32
      %add3A_1100 = arith.addi %mul3A_1098, %add3A_1099 : i32
      %mul3A_1101 = arith.constant 8 : i32
      %mul3A_1102 = arith.muli %add3A_1100, %mul3A_1101 : i32
      %add3A_1103 = arith.addi %mul3A_2, %mul3A_1102 : i32
      %jit3A_1104 = arith.constant 512 : i32
      %div3A_1105 = arith.divsi %add3A_1103, %jit3A_1104 : i32
      %sign3A_1106 = arith.constant 0 : i32
      %sign3A_1107 = arith.cmpi sgt, %add3A_1103, %sign3A_1106 : i32
      %sign3A_1108 = arith.extui %sign3A_1107 : i1 to i32
      %sign3A_1109 = arith.constant 0 : i32
      %sign3A_1110 = arith.cmpi slt, %add3A_1103, %sign3A_1109 : i32
      %sign3A_1111 = arith.extui %sign3A_1110 : i1 to i32
      %sign3A_1112 = arith.subi %sign3A_1108, %sign3A_1111 : i32
      %sign3A_1113 = arith.constant 0 : i32
      %sign3A_1114 = arith.cmpi sgt, %jit3A_1104, %sign3A_1113 : i32
      %sign3A_1115 = arith.extui %sign3A_1114 : i1 to i32
      %sign3A_1116 = arith.constant 0 : i32
      %sign3A_1117 = arith.cmpi slt, %jit3A_1104, %sign3A_1116 : i32
      %sign3A_1118 = arith.extui %sign3A_1117 : i1 to i32
      %sign3A_1119 = arith.subi %sign3A_1115, %sign3A_1118 : i32
      %ne3A_1120 = arith.cmpi ne, %sign3A_1112, %sign3A_1119 : i32
      %rem3A_1121 = arith.remsi %add3A_1103, %jit3A_1104 : i32
      %ne3A_1122 = arith.constant 0 : i32
      %ne3A_1123 = arith.cmpi ne, %rem3A_1121, %ne3A_1122 : i32
      %and3A_1124 = arith.andi %ne3A_1120, %ne3A_1123 : i1
      %sub3A_1125 = arith.constant 1 : i32
      %sub3A_1126 = arith.subi %div3A_1105, %sub3A_1125 : i32
      %select_n3A_1127 = arith.select %and3A_1124, %sub3A_1126, %div3A_1105 : i32
      %jit3A_1128 = arith.constant 512 : i32
      %eq3A_1129 = arith.constant 0 : i32
      %eq3A_1130 = arith.cmpi eq, %jit3A_1128, %eq3A_1129 : i32
      %jit3A_1131 = arith.constant 1 : i32
      %select_n3A_1132 = arith.select %eq3A_1130, %jit3A_1131, %jit3A_1128 : i32
      %rem3A_1133 = arith.remsi %add3A_1103, %select_n3A_1132 : i32
      %ne3A_1134 = arith.constant 0 : i32
      %ne3A_1135 = arith.cmpi ne, %rem3A_1133, %ne3A_1134 : i32
      %lt3A_1136 = arith.constant 0 : i32
      %lt3A_1137 = arith.cmpi slt, %rem3A_1133, %lt3A_1136 : i32
      %lt3A_1138 = arith.constant 0 : i32
      %lt3A_1139 = arith.cmpi slt, %select_n3A_1132, %lt3A_1138 : i32
      %ne3A_1140 = arith.xori %lt3A_1137, %lt3A_1139 : i1
      %and3A_1141 = arith.andi %ne3A_1140, %ne3A_1135 : i1
      %add3A_1142 = arith.addi %rem3A_1133, %select_n3A_1132 : i32
      %select_n3A_1143 = arith.select %and3A_1141, %add3A_1142, %rem3A_1133 : i32
      %dma_wait3A_1144 = arith.constant 0 : i32
      %dma_wait3A_1145 = arith.constant 0 : i32
      %dma_wait3A_1146 = tpu.memref_slice %arg2[%select_n3A_1127, %dma_wait3A_1144, %select_n3A_1143, %dma_wait3A_1145] : memref<16x3x512x512xf32, #tpu.memory_space<hbm>> -> memref<1x1x8x512xf32, #tpu.memory_space<hbm>>
      %dma_wait3A_1147 = tpu.memref_squeeze %dma_wait3A_1146 : memref<1x1x8x512xf32, #tpu.memory_space<hbm>> -> memref<8x512xf32, #tpu.memory_space<hbm>>
      %dma_wait3A_1148 = arith.constant 0 : i32
      %dma_wait3A_1149 = tpu.memref_slice %arg2[%select_n3A_1127, %dma_wait3A_1144, %select_n3A_1143, %dma_wait3A_1148] : memref<16x3x512x512xf32, #tpu.memory_space<hbm>> -> memref<1x1x8x512xf32, #tpu.memory_space<hbm>>
      %dma_wait3A_1150 = tpu.memref_squeeze %dma_wait3A_1149 : memref<1x1x8x512xf32, #tpu.memory_space<hbm>> -> memref<8x512xf32, #tpu.memory_space<hbm>>
      tpu.wait_dma2 semaphore(%arg38 : memref<!tpu.dma_semaphore, #tpu.memory_space<semaphore_mem>>) src(%dma_wait3A_1150 : memref<8x512xf32, #tpu.memory_space<hbm>>) dst(%arg15 : memref<8x512xf32, #tpu.memory_space<vmem>>)
      %dma_wait3A_1151 = arith.constant 1 : i32
      %dma_wait3A_1152 = arith.constant 0 : i32
      %dma_wait3A_1153 = tpu.memref_slice %arg2[%select_n3A_1127, %dma_wait3A_1151, %select_n3A_1143, %dma_wait3A_1152] : memref<16x3x512x512xf32, #tpu.memory_space<hbm>> -> memref<1x1x8x512xf32, #tpu.memory_space<hbm>>
      %dma_wait3A_1154 = tpu.memref_squeeze %dma_wait3A_1153 : memref<1x1x8x512xf32, #tpu.memory_space<hbm>> -> memref<8x512xf32, #tpu.memory_space<hbm>>
      %dma_wait3A_1155 = arith.constant 0 : i32
      %dma_wait3A_1156 = tpu.memref_slice %arg2[%select_n3A_1127, %dma_wait3A_1151, %select_n3A_1143, %dma_wait3A_1155] : memref<16x3x512x512xf32, #tpu.memory_space<hbm>> -> memref<1x1x8x512xf32, #tpu.memory_space<hbm>>
      %dma_wait3A_1157 = tpu.memref_squeeze %dma_wait3A_1156 : memref<1x1x8x512xf32, #tpu.memory_space<hbm>> -> memref<8x512xf32, #tpu.memory_space<hbm>>
      tpu.wait_dma2 semaphore(%arg38 : memref<!tpu.dma_semaphore, #tpu.memory_space<semaphore_mem>>) src(%dma_wait3A_1157 : memref<8x512xf32, #tpu.memory_space<hbm>>) dst(%arg16 : memref<8x512xf32, #tpu.memory_space<vmem>>)
      %dma_wait3A_1158 = arith.constant 2 : i32
      %dma_wait3A_1159 = arith.constant 0 : i32
      %dma_wait3A_1160 = tpu.memref_slice %arg2[%select_n3A_1127, %dma_wait3A_1158, %select_n3A_1143, %dma_wait3A_1159] : memref<16x3x512x512xf32, #tpu.memory_space<hbm>> -> memref<1x1x8x512xf32, #tpu.memory_space<hbm>>
      %dma_wait3A_1161 = tpu.memref_squeeze %dma_wait3A_1160 : memref<1x1x8x512xf32, #tpu.memory_space<hbm>> -> memref<8x512xf32, #tpu.memory_space<hbm>>
      %dma_wait3A_1162 = arith.constant 0 : i32
      %dma_wait3A_1163 = tpu.memref_slice %arg2[%select_n3A_1127, %dma_wait3A_1158, %select_n3A_1143, %dma_wait3A_1162] : memref<16x3x512x512xf32, #tpu.memory_space<hbm>> -> memref<1x1x8x512xf32, #tpu.memory_space<hbm>>
      %dma_wait3A_1164 = tpu.memref_squeeze %dma_wait3A_1163 : memref<1x1x8x512xf32, #tpu.memory_space<hbm>> -> memref<8x512xf32, #tpu.memory_space<hbm>>
      tpu.wait_dma2 semaphore(%arg38 : memref<!tpu.dma_semaphore, #tpu.memory_space<semaphore_mem>>) src(%dma_wait3A_1164 : memref<8x512xf32, #tpu.memory_space<hbm>>) dst(%arg17 : memref<8x512xf32, #tpu.memory_space<vmem>>)
      %dma_wait3A_1165 = arith.constant 0 : i32
      %dma_wait3A_1166 = arith.constant 0 : i32
      %dma_wait3A_1167 = tpu.memref_slice %arg3[%select_n3A_1127, %dma_wait3A_1165, %select_n3A_1143, %dma_wait3A_1166] : memref<16x3x512x512xf32, #tpu.memory_space<hbm>> -> memref<1x1x8x512xf32, #tpu.memory_space<hbm>>
      %dma_wait3A_1168 = tpu.memref_squeeze %dma_wait3A_1167 : memref<1x1x8x512xf32, #tpu.memory_space<hbm>> -> memref<8x512xf32, #tpu.memory_space<hbm>>
      %dma_wait3A_1169 = arith.constant 0 : i32
      %dma_wait3A_1170 = tpu.memref_slice %arg3[%select_n3A_1127, %dma_wait3A_1165, %select_n3A_1143, %dma_wait3A_1169] : memref<16x3x512x512xf32, #tpu.memory_space<hbm>> -> memref<1x1x8x512xf32, #tpu.memory_space<hbm>>
      %dma_wait3A_1171 = tpu.memref_squeeze %dma_wait3A_1170 : memref<1x1x8x512xf32, #tpu.memory_space<hbm>> -> memref<8x512xf32, #tpu.memory_space<hbm>>
      tpu.wait_dma2 semaphore(%arg38 : memref<!tpu.dma_semaphore, #tpu.memory_space<semaphore_mem>>) src(%dma_wait3A_1171 : memref<8x512xf32, #tpu.memory_space<hbm>>) dst(%arg18 : memref<8x512xf32, #tpu.memory_space<vmem>>)
      %dma_wait3A_1172 = arith.constant 1 : i32
      %dma_wait3A_1173 = arith.constant 0 : i32
      %dma_wait3A_1174 = tpu.memref_slice %arg3[%select_n3A_1127, %dma_wait3A_1172, %select_n3A_1143, %dma_wait3A_1173] : memref<16x3x512x512xf32, #tpu.memory_space<hbm>> -> memref<1x1x8x512xf32, #tpu.memory_space<hbm>>
      %dma_wait3A_1175 = tpu.memref_squeeze %dma_wait3A_1174 : memref<1x1x8x512xf32, #tpu.memory_space<hbm>> -> memref<8x512xf32, #tpu.memory_space<hbm>>
      %dma_wait3A_1176 = arith.constant 0 : i32
      %dma_wait3A_1177 = tpu.memref_slice %arg3[%select_n3A_1127, %dma_wait3A_1172, %select_n3A_1143, %dma_wait3A_1176] : memref<16x3x512x512xf32, #tpu.memory_space<hbm>> -> memref<1x1x8x512xf32, #tpu.memory_space<hbm>>
      %dma_wait3A_1178 = tpu.memref_squeeze %dma_wait3A_1177 : memref<1x1x8x512xf32, #tpu.memory_space<hbm>> -> memref<8x512xf32, #tpu.memory_space<hbm>>
      tpu.wait_dma2 semaphore(%arg38 : memref<!tpu.dma_semaphore, #tpu.memory_space<semaphore_mem>>) src(%dma_wait3A_1178 : memref<8x512xf32, #tpu.memory_space<hbm>>) dst(%arg19 : memref<8x512xf32, #tpu.memory_space<vmem>>)
      %dma_wait3A_1179 = arith.constant 2 : i32
      %dma_wait3A_1180 = arith.constant 0 : i32
      %dma_wait3A_1181 = tpu.memref_slice %arg3[%select_n3A_1127, %dma_wait3A_1179, %select_n3A_1143, %dma_wait3A_1180] : memref<16x3x512x512xf32, #tpu.memory_space<hbm>> -> memref<1x1x8x512xf32, #tpu.memory_space<hbm>>
      %dma_wait3A_1182 = tpu.memref_squeeze %dma_wait3A_1181 : memref<1x1x8x512xf32, #tpu.memory_space<hbm>> -> memref<8x512xf32, #tpu.memory_space<hbm>>
      %dma_wait3A_1183 = arith.constant 0 : i32
      %dma_wait3A_1184 = tpu.memref_slice %arg3[%select_n3A_1127, %dma_wait3A_1179, %select_n3A_1143, %dma_wait3A_1183] : memref<16x3x512x512xf32, #tpu.memory_space<hbm>> -> memref<1x1x8x512xf32, #tpu.memory_space<hbm>>
      %dma_wait3A_1185 = tpu.memref_squeeze %dma_wait3A_1184 : memref<1x1x8x512xf32, #tpu.memory_space<hbm>> -> memref<8x512xf32, #tpu.memory_space<hbm>>
      tpu.wait_dma2 semaphore(%arg38 : memref<!tpu.dma_semaphore, #tpu.memory_space<semaphore_mem>>) src(%dma_wait3A_1185 : memref<8x512xf32, #tpu.memory_space<hbm>>) dst(%arg20 : memref<8x512xf32, #tpu.memory_space<vmem>>)
      %dma_wait3A_1186 = arith.constant 0 : i32
      %dma_wait3A_1187 = arith.constant 0 : i32
      %dma_wait3A_1188 = tpu.memref_slice %arg4[%select_n3A_1127, %dma_wait3A_1186, %select_n3A_1143, %dma_wait3A_1187] : memref<16x3x512x512xf32, #tpu.memory_space<hbm>> -> memref<1x1x8x512xf32, #tpu.memory_space<hbm>>
      %dma_wait3A_1189 = tpu.memref_squeeze %dma_wait3A_1188 : memref<1x1x8x512xf32, #tpu.memory_space<hbm>> -> memref<8x512xf32, #tpu.memory_space<hbm>>
      %dma_wait3A_1190 = arith.constant 0 : i32
      %dma_wait3A_1191 = tpu.memref_slice %arg4[%select_n3A_1127, %dma_wait3A_1186, %select_n3A_1143, %dma_wait3A_1190] : memref<16x3x512x512xf32, #tpu.memory_space<hbm>> -> memref<1x1x8x512xf32, #tpu.memory_space<hbm>>
      %dma_wait3A_1192 = tpu.memref_squeeze %dma_wait3A_1191 : memref<1x1x8x512xf32, #tpu.memory_space<hbm>> -> memref<8x512xf32, #tpu.memory_space<hbm>>
      tpu.wait_dma2 semaphore(%arg38 : memref<!tpu.dma_semaphore, #tpu.memory_space<semaphore_mem>>) src(%dma_wait3A_1192 : memref<8x512xf32, #tpu.memory_space<hbm>>) dst(%arg21 : memref<8x512xf32, #tpu.memory_space<vmem>>)
      %dma_wait3A_1193 = arith.constant 1 : i32
      %dma_wait3A_1194 = arith.constant 0 : i32
      %dma_wait3A_1195 = tpu.memref_slice %arg4[%select_n3A_1127, %dma_wait3A_1193, %select_n3A_1143, %dma_wait3A_1194] : memref<16x3x512x512xf32, #tpu.memory_space<hbm>> -> memref<1x1x8x512xf32, #tpu.memory_space<hbm>>
      %dma_wait3A_1196 = tpu.memref_squeeze %dma_wait3A_1195 : memref<1x1x8x512xf32, #tpu.memory_space<hbm>> -> memref<8x512xf32, #tpu.memory_space<hbm>>
      %dma_wait3A_1197 = arith.constant 0 : i32
      %dma_wait3A_1198 = tpu.memref_slice %arg4[%select_n3A_1127, %dma_wait3A_1193, %select_n3A_1143, %dma_wait3A_1197] : memref<16x3x512x512xf32, #tpu.memory_space<hbm>> -> memref<1x1x8x512xf32, #tpu.memory_space<hbm>>
      %dma_wait3A_1199 = tpu.memref_squeeze %dma_wait3A_1198 : memref<1x1x8x512xf32, #tpu.memory_space<hbm>> -> memref<8x512xf32, #tpu.memory_space<hbm>>
      tpu.wait_dma2 semaphore(%arg38 : memref<!tpu.dma_semaphore, #tpu.memory_space<semaphore_mem>>) src(%dma_wait3A_1199 : memref<8x512xf32, #tpu.memory_space<hbm>>) dst(%arg22 : memref<8x512xf32, #tpu.memory_space<vmem>>)
      %dma_wait3A_1200 = arith.constant 2 : i32
      %dma_wait3A_1201 = arith.constant 0 : i32
      %dma_wait3A_1202 = tpu.memref_slice %arg4[%select_n3A_1127, %dma_wait3A_1200, %select_n3A_1143, %dma_wait3A_1201] : memref<16x3x512x512xf32, #tpu.memory_space<hbm>> -> memref<1x1x8x512xf32, #tpu.memory_space<hbm>>
      %dma_wait3A_1203 = tpu.memref_squeeze %dma_wait3A_1202 : memref<1x1x8x512xf32, #tpu.memory_space<hbm>> -> memref<8x512xf32, #tpu.memory_space<hbm>>
      %dma_wait3A_1204 = arith.constant 0 : i32
      %dma_wait3A_1205 = tpu.memref_slice %arg4[%select_n3A_1127, %dma_wait3A_1200, %select_n3A_1143, %dma_wait3A_1204] : memref<16x3x512x512xf32, #tpu.memory_space<hbm>> -> memref<1x1x8x512xf32, #tpu.memory_space<hbm>>
      %dma_wait3A_1206 = tpu.memref_squeeze %dma_wait3A_1205 : memref<1x1x8x512xf32, #tpu.memory_space<hbm>> -> memref<8x512xf32, #tpu.memory_space<hbm>>
      tpu.wait_dma2 semaphore(%arg38 : memref<!tpu.dma_semaphore, #tpu.memory_space<semaphore_mem>>) src(%dma_wait3A_1206 : memref<8x512xf32, #tpu.memory_space<hbm>>) dst(%arg23 : memref<8x512xf32, #tpu.memory_space<vmem>>)
      %parallel_loop3A_1207 = arith.constant 0 : i32
      %parallel_loop3A_1208 = arith.constant 256 : i32
      %parallel_loop3A_1209 = arith.constant 1 : i32
      scf.for %parallel_loop3A_1337 = %parallel_loop3A_1207 to %parallel_loop3A_1208 step %parallel_loop3A_1209  : i32 {
        %parallel_loop3A_1338 = arith.constant 32 : i32
        %parallel_loop3A_1339 = arith.divsi %parallel_loop3A_1337, %parallel_loop3A_1338 : i32
        %parallel_loop3A_1340 = arith.constant 0 : i32
        %parallel_loop3A_1341 = arith.cmpi sgt, %parallel_loop3A_1337, %parallel_loop3A_1340 : i32
        %parallel_loop3A_1342 = arith.extui %parallel_loop3A_1341 : i1 to i32
        %parallel_loop3A_1343 = arith.constant 0 : i32
        %parallel_loop3A_1344 = arith.cmpi slt, %parallel_loop3A_1337, %parallel_loop3A_1343 : i32
        %parallel_loop3A_1345 = arith.extui %parallel_loop3A_1344 : i1 to i32
        %parallel_loop3A_1346 = arith.subi %parallel_loop3A_1342, %parallel_loop3A_1345 : i32
        %parallel_loop3A_1347 = arith.constant 0 : i32
        %parallel_loop3A_1348 = arith.cmpi sgt, %parallel_loop3A_1338, %parallel_loop3A_1347 : i32
        %parallel_loop3A_1349 = arith.extui %parallel_loop3A_1348 : i1 to i32
        %parallel_loop3A_1350 = arith.constant 0 : i32
        %parallel_loop3A_1351 = arith.cmpi slt, %parallel_loop3A_1338, %parallel_loop3A_1350 : i32
        %parallel_loop3A_1352 = arith.extui %parallel_loop3A_1351 : i1 to i32
        %parallel_loop3A_1353 = arith.subi %parallel_loop3A_1349, %parallel_loop3A_1352 : i32
        %parallel_loop3A_1354 = arith.cmpi ne, %parallel_loop3A_1346, %parallel_loop3A_1353 : i32
        %parallel_loop3A_1355 = arith.remsi %parallel_loop3A_1337, %parallel_loop3A_1338 : i32
        %parallel_loop3A_1356 = arith.constant 0 : i32
        %parallel_loop3A_1357 = arith.cmpi ne, %parallel_loop3A_1355, %parallel_loop3A_1356 : i32
        %parallel_loop3A_1358 = arith.andi %parallel_loop3A_1354, %parallel_loop3A_1357 : i1
        %parallel_loop3A_1359 = arith.constant 1 : i32
        %parallel_loop3A_1360 = arith.subi %parallel_loop3A_1339, %parallel_loop3A_1359 : i32
        %parallel_loop3A_1361 = arith.select %parallel_loop3A_1358, %parallel_loop3A_1360, %parallel_loop3A_1339 : i32
        %parallel_loop3A_1362 = arith.constant 32 : i32
        %parallel_loop3A_1363 = arith.constant 0 : i32
        %parallel_loop3A_1364 = arith.cmpi eq, %parallel_loop3A_1362, %parallel_loop3A_1363 : i32
        %parallel_loop3A_1365 = arith.constant 1 : i32
        %parallel_loop3A_1366 = arith.select %parallel_loop3A_1364, %parallel_loop3A_1365, %parallel_loop3A_1362 : i32
        %parallel_loop3A_1367 = arith.remsi %parallel_loop3A_1337, %parallel_loop3A_1366 : i32
        %parallel_loop3A_1368 = arith.constant 0 : i32
        %parallel_loop3A_1369 = arith.cmpi ne, %parallel_loop3A_1367, %parallel_loop3A_1368 : i32
        %parallel_loop3A_1370 = arith.constant 0 : i32
        %parallel_loop3A_1371 = arith.cmpi slt, %parallel_loop3A_1367, %parallel_loop3A_1370 : i32
        %parallel_loop3A_1372 = arith.constant 0 : i32
        %parallel_loop3A_1373 = arith.cmpi slt, %parallel_loop3A_1366, %parallel_loop3A_1372 : i32
        %parallel_loop3A_1374 = arith.xori %parallel_loop3A_1371, %parallel_loop3A_1373 : i1
        %parallel_loop3A_1375 = arith.andi %parallel_loop3A_1374, %parallel_loop3A_1369 : i1
        %parallel_loop3A_1376 = arith.addi %parallel_loop3A_1367, %parallel_loop3A_1366 : i32
        %parallel_loop3A_1377 = arith.select %parallel_loop3A_1375, %parallel_loop3A_1376, %parallel_loop3A_1367 : i32
        %parallel_loop3A_1378 = arith.constant 16 : i32
        %parallel_loop3A_1379 = arith.muli %parallel_loop3A_1377, %parallel_loop3A_1378 : i32
        %parallel_loop3A_1380 = arith.constant 0 : i32
        %parallel_loop3A_1381 = vector.broadcast %parallel_loop3A_1380 : i32 to vector<16xi32>
        %parallel_loop3A_1382 = vector.broadcast %parallel_loop3A_1361 : i32 to vector<16xi32>
        %parallel_loop3A_1383 = arith.addi %parallel_loop3A_1381, %parallel_loop3A_1382 : vector<16xi32>
        %parallel_loop3A_1384 = vector.broadcast %parallel_loop3A_1379 : i32 to vector<16xi32>
        %parallel_loop3A_1385 = arith.addi %iota3A, %parallel_loop3A_1384 : vector<16xi32>
        %parallel_loop3A_1386 = tpu.vector_load_idx %arg15[%parallel_loop3A_1383, %parallel_loop3A_1385] : memref<8x512xf32, #tpu.memory_space<vmem>>[vector<16xi32>, vector<16xi32>], vector<16xf32>,
        %parallel_loop3A_1387 = arith.constant 2.990000e-01 : f32
        %parallel_loop3A_1388 = vector.broadcast %parallel_loop3A_1387 : f32 to vector<16xf32>
        %parallel_loop3A_1389 = arith.mulf %parallel_loop3A_1388, %parallel_loop3A_1386 : vector<16xf32>
        %parallel_loop3A_1390 = tpu.vector_load_idx %arg16[%parallel_loop3A_1383, %parallel_loop3A_1385] : memref<8x512xf32, #tpu.memory_space<vmem>>[vector<16xi32>, vector<16xi32>], vector<16xf32>,
        %parallel_loop3A_1391 = arith.constant 5.870000e-01 : f32
        %parallel_loop3A_1392 = vector.broadcast %parallel_loop3A_1391 : f32 to vector<16xf32>
        %parallel_loop3A_1393 = arith.mulf %parallel_loop3A_1392, %parallel_loop3A_1390 : vector<16xf32>
        %parallel_loop3A_1394 = arith.addf %parallel_loop3A_1389, %parallel_loop3A_1393 : vector<16xf32>
        %parallel_loop3A_1395 = tpu.vector_load_idx %arg17[%parallel_loop3A_1383, %parallel_loop3A_1385] : memref<8x512xf32, #tpu.memory_space<vmem>>[vector<16xi32>, vector<16xi32>], vector<16xf32>,
        %parallel_loop3A_1396 = arith.constant 1.140000e-01 : f32
        %parallel_loop3A_1397 = vector.broadcast %parallel_loop3A_1396 : f32 to vector<16xf32>
        %parallel_loop3A_1398 = arith.mulf %parallel_loop3A_1397, %parallel_loop3A_1395 : vector<16xf32>
        %parallel_loop3A_1399 = arith.addf %parallel_loop3A_1394, %parallel_loop3A_1398 : vector<16xf32>
        %parallel_loop3A_1400 = arith.constant 1.600000e+01 : f32
        %parallel_loop3A_1401 = vector.broadcast %parallel_loop3A_1400 : f32 to vector<16xf32>
        %parallel_loop3A_1402 = arith.mulf %parallel_loop3A_1399, %parallel_loop3A_1401 : vector<16xf32>
        %parallel_loop3A_1403 = arith.fptosi %parallel_loop3A_1402 : vector<16xf32> to vector<16xi32>
        %parallel_loop3A_1404 = arith.constant 16 : i32
        %parallel_loop3A_1405 = vector.broadcast %parallel_loop3A_1404 : i32 to vector<16xi32>
        %parallel_loop3A_1406 = arith.muli %parallel_loop3A_1403, %parallel_loop3A_1405 : vector<16xi32>
        %parallel_loop3A_1407 = arith.addi %parallel_loop3A_1406, %iota3A : vector<16xi32>
        %parallel_loop3A_1408 = tpu.vector_load_idx %arg18[%parallel_loop3A_1383, %parallel_loop3A_1385] : memref<8x512xf32, #tpu.memory_space<vmem>>[vector<16xi32>, vector<16xi32>], vector<16xf32>,
        %parallel_loop3A_1409 = arith.constant 2.990000e-01 : f32
        %parallel_loop3A_1410 = vector.broadcast %parallel_loop3A_1409 : f32 to vector<16xf32>
        %parallel_loop3A_1411 = arith.mulf %parallel_loop3A_1410, %parallel_loop3A_1408 : vector<16xf32>
        %parallel_loop3A_1412 = tpu.vector_load_idx %arg19[%parallel_loop3A_1383, %parallel_loop3A_1385] : memref<8x512xf32, #tpu.memory_space<vmem>>[vector<16xi32>, vector<16xi32>], vector<16xf32>,
        %parallel_loop3A_1413 = arith.constant 5.870000e-01 : f32
        %parallel_loop3A_1414 = vector.broadcast %parallel_loop3A_1413 : f32 to vector<16xf32>
        %parallel_loop3A_1415 = arith.mulf %parallel_loop3A_1414, %parallel_loop3A_1412 : vector<16xf32>
        %parallel_loop3A_1416 = arith.addf %parallel_loop3A_1411, %parallel_loop3A_1415 : vector<16xf32>
        %parallel_loop3A_1417 = tpu.vector_load_idx %arg20[%parallel_loop3A_1383, %parallel_loop3A_1385] : memref<8x512xf32, #tpu.memory_space<vmem>>[vector<16xi32>, vector<16xi32>], vector<16xf32>,
        %parallel_loop3A_1418 = arith.constant 1.140000e-01 : f32
        %parallel_loop3A_1419 = vector.broadcast %parallel_loop3A_1418 : f32 to vector<16xf32>
        %parallel_loop3A_1420 = arith.mulf %parallel_loop3A_1419, %parallel_loop3A_1417 : vector<16xf32>
        %parallel_loop3A_1421 = arith.addf %parallel_loop3A_1416, %parallel_loop3A_1420 : vector<16xf32>
        %parallel_loop3A_1422 = tpu.vector_load_idx %arg21[%parallel_loop3A_1383, %parallel_loop3A_1385] : memref<8x512xf32, #tpu.memory_space<vmem>>[vector<16xi32>, vector<16xi32>], vector<16xf32>,
        %parallel_loop3A_1423 = arith.constant 2.990000e-01 : f32
        %parallel_loop3A_1424 = vector.broadcast %parallel_loop3A_1423 : f32 to vector<16xf32>
        %parallel_loop3A_1425 = arith.mulf %parallel_loop3A_1424, %parallel_loop3A_1422 : vector<16xf32>
        %parallel_loop3A_1426 = tpu.vector_load_idx %arg22[%parallel_loop3A_1383, %parallel_loop3A_1385] : memref<8x512xf32, #tpu.memory_space<vmem>>[vector<16xi32>, vector<16xi32>], vector<16xf32>,
        %parallel_loop3A_1427 = arith.constant 5.870000e-01 : f32
        %parallel_loop3A_1428 = vector.broadcast %parallel_loop3A_1427 : f32 to vector<16xf32>
        %parallel_loop3A_1429 = arith.mulf %parallel_loop3A_1428, %parallel_loop3A_1426 : vector<16xf32>
        %parallel_loop3A_1430 = arith.addf %parallel_loop3A_1425, %parallel_loop3A_1429 : vector<16xf32>
        %parallel_loop3A_1431 = tpu.vector_load_idx %arg23[%parallel_loop3A_1383, %parallel_loop3A_1385] : memref<8x512xf32, #tpu.memory_space<vmem>>[vector<16xi32>, vector<16xi32>], vector<16xf32>,
        %parallel_loop3A_1432 = arith.constant 1.140000e-01 : f32
        %parallel_loop3A_1433 = vector.broadcast %parallel_loop3A_1432 : f32 to vector<16xf32>
        %parallel_loop3A_1434 = arith.mulf %parallel_loop3A_1433, %parallel_loop3A_1431 : vector<16xf32>
        %parallel_loop3A_1435 = arith.addf %parallel_loop3A_1430, %parallel_loop3A_1434 : vector<16xf32>
        tpu.vector_store_idx %arg33[%parallel_loop3A_1407], %broadcast_in_dim3A_130 {add = true} : memref<272xf32, #tpu.memory_space<vmem>>[vector<16xi32>], vector<16xf32>,
        tpu.vector_store_idx %arg34[%parallel_loop3A_1407], %parallel_loop3A_1421 {add = true} : memref<272xf32, #tpu.memory_space<vmem>>[vector<16xi32>], vector<16xf32>,
        tpu.vector_store_idx %arg35[%parallel_loop3A_1407], %parallel_loop3A_1435 {add = true} : memref<272xf32, #tpu.memory_space<vmem>>[vector<16xi32>], vector<16xf32>,
      } {sc.loop_unroll_factor = 8 : i64, sc.parallel_access}
      %add3A_1210 = arith.constant 3 : i32
      %add3A_1211 = arith.addi %add3A_1100, %add3A_1210 : i32
      %lt3A_1212 = arith.constant 18 : i32
      %lt3A_1213 = arith.cmpi slt, %add3A_1211, %lt3A_1212 : i32
      %convert_element_type3A_1214 = arith.extui %lt3A_1213 : i1 to i32
      %cond3A_1215 = arith.constant 0 : i32
      %cond3A_1216 = arith.cmpi ne, %convert_element_type3A_1214, %cond3A_1215 : i32
      scf.if %cond3A_1216 {
        %add3A_1337 = arith.constant 3 : i32
        %add3A_1338 = arith.addi %add3A_1100, %add3A_1337 : i32
        %mul3A_1339 = arith.constant 8 : i32
        %mul3A_1340 = arith.muli %add3A_1338, %mul3A_1339 : i32
        %add3A_1341 = arith.addi %mul3A_2, %mul3A_1340 : i32
        %jit3A_1342 = arith.constant 512 : i32
        %div3A_1343 = arith.divsi %add3A_1341, %jit3A_1342 : i32
        %sign3A_1344 = arith.constant 0 : i32
        %sign3A_1345 = arith.cmpi sgt, %add3A_1341, %sign3A_1344 : i32
        %sign3A_1346 = arith.extui %sign3A_1345 : i1 to i32
        %sign3A_1347 = arith.constant 0 : i32
        %sign3A_1348 = arith.cmpi slt, %add3A_1341, %sign3A_1347 : i32
        %sign3A_1349 = arith.extui %sign3A_1348 : i1 to i32
        %sign3A_1350 = arith.subi %sign3A_1346, %sign3A_1349 : i32
        %sign3A_1351 = arith.constant 0 : i32
        %sign3A_1352 = arith.cmpi sgt, %jit3A_1342, %sign3A_1351 : i32
        %sign3A_1353 = arith.extui %sign3A_1352 : i1 to i32
        %sign3A_1354 = arith.constant 0 : i32
        %sign3A_1355 = arith.cmpi slt, %jit3A_1342, %sign3A_1354 : i32
        %sign3A_1356 = arith.extui %sign3A_1355 : i1 to i32
        %sign3A_1357 = arith.subi %sign3A_1353, %sign3A_1356 : i32
        %ne3A_1358 = arith.cmpi ne, %sign3A_1350, %sign3A_1357 : i32
        %rem3A_1359 = arith.remsi %add3A_1341, %jit3A_1342 : i32
        %ne3A_1360 = arith.constant 0 : i32
        %ne3A_1361 = arith.cmpi ne, %rem3A_1359, %ne3A_1360 : i32
        %and3A_1362 = arith.andi %ne3A_1358, %ne3A_1361 : i1
        %sub3A_1363 = arith.constant 1 : i32
        %sub3A_1364 = arith.subi %div3A_1343, %sub3A_1363 : i32
        %select_n3A_1365 = arith.select %and3A_1362, %sub3A_1364, %div3A_1343 : i32
        %jit3A_1366 = arith.constant 512 : i32
        %eq3A_1367 = arith.constant 0 : i32
        %eq3A_1368 = arith.cmpi eq, %jit3A_1366, %eq3A_1367 : i32
        %jit3A_1369 = arith.constant 1 : i32
        %select_n3A_1370 = arith.select %eq3A_1368, %jit3A_1369, %jit3A_1366 : i32
        %rem3A_1371 = arith.remsi %add3A_1341, %select_n3A_1370 : i32
        %ne3A_1372 = arith.constant 0 : i32
        %ne3A_1373 = arith.cmpi ne, %rem3A_1371, %ne3A_1372 : i32
        %lt3A_1374 = arith.constant 0 : i32
        %lt3A_1375 = arith.cmpi slt, %rem3A_1371, %lt3A_1374 : i32
        %lt3A_1376 = arith.constant 0 : i32
        %lt3A_1377 = arith.cmpi slt, %select_n3A_1370, %lt3A_1376 : i32
        %ne3A_1378 = arith.xori %lt3A_1375, %lt3A_1377 : i1
        %and3A_1379 = arith.andi %ne3A_1378, %ne3A_1373 : i1
        %add3A_1380 = arith.addi %rem3A_1371, %select_n3A_1370 : i32
        %select_n3A_1381 = arith.select %and3A_1379, %add3A_1380, %rem3A_1371 : i32
        %dma_start3A_1382 = arith.constant 0 : i32
        %dma_start3A_1383 = arith.constant 0 : i32
        %dma_start3A_1384 = tpu.memref_slice %arg2[%select_n3A_1365, %dma_start3A_1382, %select_n3A_1381, %dma_start3A_1383] : memref<16x3x512x512xf32, #tpu.memory_space<hbm>> -> memref<1x1x8x512xf32, #tpu.memory_space<hbm>>
        %dma_start3A_1385 = tpu.memref_squeeze %dma_start3A_1384 : memref<1x1x8x512xf32, #tpu.memory_space<hbm>> -> memref<8x512xf32, #tpu.memory_space<hbm>>
        %dma_start3A_1386 = arith.constant 0 : i32
        %dma_start3A_1387 = tpu.memref_slice %arg2[%select_n3A_1365, %dma_start3A_1382, %select_n3A_1381, %dma_start3A_1386] : memref<16x3x512x512xf32, #tpu.memory_space<hbm>> -> memref<1x1x8x512xf32, #tpu.memory_space<hbm>>
        %dma_start3A_1388 = tpu.memref_squeeze %dma_start3A_1387 : memref<1x1x8x512xf32, #tpu.memory_space<hbm>> -> memref<8x512xf32, #tpu.memory_space<hbm>>
        tpu.enqueue_dma source(%dma_start3A_1388 : memref<8x512xf32, #tpu.memory_space<hbm>>) target(%arg15 : memref<8x512xf32, #tpu.memory_space<vmem>>) target_semaphore(%arg38 : memref<!tpu.dma_semaphore, #tpu.memory_space<semaphore_mem>>)
        %dma_start3A_1389 = arith.constant 1 : i32
        %dma_start3A_1390 = arith.constant 0 : i32
        %dma_start3A_1391 = tpu.memref_slice %arg2[%select_n3A_1365, %dma_start3A_1389, %select_n3A_1381, %dma_start3A_1390] : memref<16x3x512x512xf32, #tpu.memory_space<hbm>> -> memref<1x1x8x512xf32, #tpu.memory_space<hbm>>
        %dma_start3A_1392 = tpu.memref_squeeze %dma_start3A_1391 : memref<1x1x8x512xf32, #tpu.memory_space<hbm>> -> memref<8x512xf32, #tpu.memory_space<hbm>>
        %dma_start3A_1393 = arith.constant 0 : i32
        %dma_start3A_1394 = tpu.memref_slice %arg2[%select_n3A_1365, %dma_start3A_1389, %select_n3A_1381, %dma_start3A_1393] : memref<16x3x512x512xf32, #tpu.memory_space<hbm>> -> memref<1x1x8x512xf32, #tpu.memory_space<hbm>>
        %dma_start3A_1395 = tpu.memref_squeeze %dma_start3A_1394 : memref<1x1x8x512xf32, #tpu.memory_space<hbm>> -> memref<8x512xf32, #tpu.memory_space<hbm>>
        tpu.enqueue_dma source(%dma_start3A_1395 : memref<8x512xf32, #tpu.memory_space<hbm>>) target(%arg16 : memref<8x512xf32, #tpu.memory_space<vmem>>) target_semaphore(%arg38 : memref<!tpu.dma_semaphore, #tpu.memory_space<semaphore_mem>>)
        %dma_start3A_1396 = arith.constant 2 : i32
        %dma_start3A_1397 = arith.constant 0 : i32
        %dma_start3A_1398 = tpu.memref_slice %arg2[%select_n3A_1365, %dma_start3A_1396, %select_n3A_1381, %dma_start3A_1397] : memref<16x3x512x512xf32, #tpu.memory_space<hbm>> -> memref<1x1x8x512xf32, #tpu.memory_space<hbm>>
        %dma_start3A_1399 = tpu.memref_squeeze %dma_start3A_1398 : memref<1x1x8x512xf32, #tpu.memory_space<hbm>> -> memref<8x512xf32, #tpu.memory_space<hbm>>
        %dma_start3A_1400 = arith.constant 0 : i32
        %dma_start3A_1401 = tpu.memref_slice %arg2[%select_n3A_1365, %dma_start3A_1396, %select_n3A_1381, %dma_start3A_1400] : memref<16x3x512x512xf32, #tpu.memory_space<hbm>> -> memref<1x1x8x512xf32, #tpu.memory_space<hbm>>
        %dma_start3A_1402 = tpu.memref_squeeze %dma_start3A_1401 : memref<1x1x8x512xf32, #tpu.memory_space<hbm>> -> memref<8x512xf32, #tpu.memory_space<hbm>>
        tpu.enqueue_dma source(%dma_start3A_1402 : memref<8x512xf32, #tpu.memory_space<hbm>>) target(%arg17 : memref<8x512xf32, #tpu.memory_space<vmem>>) target_semaphore(%arg38 : memref<!tpu.dma_semaphore, #tpu.memory_space<semaphore_mem>>)
        %dma_start3A_1403 = arith.constant 0 : i32
        %dma_start3A_1404 = arith.constant 0 : i32
        %dma_start3A_1405 = tpu.memref_slice %arg3[%select_n3A_1365, %dma_start3A_1403, %select_n3A_1381, %dma_start3A_1404] : memref<16x3x512x512xf32, #tpu.memory_space<hbm>> -> memref<1x1x8x512xf32, #tpu.memory_space<hbm>>
        %dma_start3A_1406 = tpu.memref_squeeze %dma_start3A_1405 : memref<1x1x8x512xf32, #tpu.memory_space<hbm>> -> memref<8x512xf32, #tpu.memory_space<hbm>>
        %dma_start3A_1407 = arith.constant 0 : i32
        %dma_start3A_1408 = tpu.memref_slice %arg3[%select_n3A_1365, %dma_start3A_1403, %select_n3A_1381, %dma_start3A_1407] : memref<16x3x512x512xf32, #tpu.memory_space<hbm>> -> memref<1x1x8x512xf32, #tpu.memory_space<hbm>>
        %dma_start3A_1409 = tpu.memref_squeeze %dma_start3A_1408 : memref<1x1x8x512xf32, #tpu.memory_space<hbm>> -> memref<8x512xf32, #tpu.memory_space<hbm>>
        tpu.enqueue_dma source(%dma_start3A_1409 : memref<8x512xf32, #tpu.memory_space<hbm>>) target(%arg18 : memref<8x512xf32, #tpu.memory_space<vmem>>) target_semaphore(%arg38 : memref<!tpu.dma_semaphore, #tpu.memory_space<semaphore_mem>>)
        %dma_start3A_1410 = arith.constant 1 : i32
        %dma_start3A_1411 = arith.constant 0 : i32
        %dma_start3A_1412 = tpu.memref_slice %arg3[%select_n3A_1365, %dma_start3A_1410, %select_n3A_1381, %dma_start3A_1411] : memref<16x3x512x512xf32, #tpu.memory_space<hbm>> -> memref<1x1x8x512xf32, #tpu.memory_space<hbm>>
        %dma_start3A_1413 = tpu.memref_squeeze %dma_start3A_1412 : memref<1x1x8x512xf32, #tpu.memory_space<hbm>> -> memref<8x512xf32, #tpu.memory_space<hbm>>
        %dma_start3A_1414 = arith.constant 0 : i32
        %dma_start3A_1415 = tpu.memref_slice %arg3[%select_n3A_1365, %dma_start3A_1410, %select_n3A_1381, %dma_start3A_1414] : memref<16x3x512x512xf32, #tpu.memory_space<hbm>> -> memref<1x1x8x512xf32, #tpu.memory_space<hbm>>
        %dma_start3A_1416 = tpu.memref_squeeze %dma_start3A_1415 : memref<1x1x8x512xf32, #tpu.memory_space<hbm>> -> memref<8x512xf32, #tpu.memory_space<hbm>>
        tpu.enqueue_dma source(%dma_start3A_1416 : memref<8x512xf32, #tpu.memory_space<hbm>>) target(%arg19 : memref<8x512xf32, #tpu.memory_space<vmem>>) target_semaphore(%arg38 : memref<!tpu.dma_semaphore, #tpu.memory_space<semaphore_mem>>)
        %dma_start3A_1417 = arith.constant 2 : i32
        %dma_start3A_1418 = arith.constant 0 : i32
        %dma_start3A_1419 = tpu.memref_slice %arg3[%select_n3A_1365, %dma_start3A_1417, %select_n3A_1381, %dma_start3A_1418] : memref<16x3x512x512xf32, #tpu.memory_space<hbm>> -> memref<1x1x8x512xf32, #tpu.memory_space<hbm>>
        %dma_start3A_1420 = tpu.memref_squeeze %dma_start3A_1419 : memref<1x1x8x512xf32, #tpu.memory_space<hbm>> -> memref<8x512xf32, #tpu.memory_space<hbm>>
        %dma_start3A_1421 = arith.constant 0 : i32
        %dma_start3A_1422 = tpu.memref_slice %arg3[%select_n3A_1365, %dma_start3A_1417, %select_n3A_1381, %dma_start3A_1421] : memref<16x3x512x512xf32, #tpu.memory_space<hbm>> -> memref<1x1x8x512xf32, #tpu.memory_space<hbm>>
        %dma_start3A_1423 = tpu.memref_squeeze %dma_start3A_1422 : memref<1x1x8x512xf32, #tpu.memory_space<hbm>> -> memref<8x512xf32, #tpu.memory_space<hbm>>
        tpu.enqueue_dma source(%dma_start3A_1423 : memref<8x512xf32, #tpu.memory_space<hbm>>) target(%arg20 : memref<8x512xf32, #tpu.memory_space<vmem>>) target_semaphore(%arg38 : memref<!tpu.dma_semaphore, #tpu.memory_space<semaphore_mem>>)
        %dma_start3A_1424 = arith.constant 0 : i32
        %dma_start3A_1425 = arith.constant 0 : i32
        %dma_start3A_1426 = tpu.memref_slice %arg4[%select_n3A_1365, %dma_start3A_1424, %select_n3A_1381, %dma_start3A_1425] : memref<16x3x512x512xf32, #tpu.memory_space<hbm>> -> memref<1x1x8x512xf32, #tpu.memory_space<hbm>>
        %dma_start3A_1427 = tpu.memref_squeeze %dma_start3A_1426 : memref<1x1x8x512xf32, #tpu.memory_space<hbm>> -> memref<8x512xf32, #tpu.memory_space<hbm>>
        %dma_start3A_1428 = arith.constant 0 : i32
        %dma_start3A_1429 = tpu.memref_slice %arg4[%select_n3A_1365, %dma_start3A_1424, %select_n3A_1381, %dma_start3A_1428] : memref<16x3x512x512xf32, #tpu.memory_space<hbm>> -> memref<1x1x8x512xf32, #tpu.memory_space<hbm>>
        %dma_start3A_1430 = tpu.memref_squeeze %dma_start3A_1429 : memref<1x1x8x512xf32, #tpu.memory_space<hbm>> -> memref<8x512xf32, #tpu.memory_space<hbm>>
        tpu.enqueue_dma source(%dma_start3A_1430 : memref<8x512xf32, #tpu.memory_space<hbm>>) target(%arg21 : memref<8x512xf32, #tpu.memory_space<vmem>>) target_semaphore(%arg38 : memref<!tpu.dma_semaphore, #tpu.memory_space<semaphore_mem>>)
        %dma_start3A_1431 = arith.constant 1 : i32
        %dma_start3A_1432 = arith.constant 0 : i32
        %dma_start3A_1433 = tpu.memref_slice %arg4[%select_n3A_1365, %dma_start3A_1431, %select_n3A_1381, %dma_start3A_1432] : memref<16x3x512x512xf32, #tpu.memory_space<hbm>> -> memref<1x1x8x512xf32, #tpu.memory_space<hbm>>
        %dma_start3A_1434 = tpu.memref_squeeze %dma_start3A_1433 : memref<1x1x8x512xf32, #tpu.memory_space<hbm>> -> memref<8x512xf32, #tpu.memory_space<hbm>>
        %dma_start3A_1435 = arith.constant 0 : i32
        %dma_start3A_1436 = tpu.memref_slice %arg4[%select_n3A_1365, %dma_start3A_1431, %select_n3A_1381, %dma_start3A_1435] : memref<16x3x512x512xf32, #tpu.memory_space<hbm>> -> memref<1x1x8x512xf32, #tpu.memory_space<hbm>>
        %dma_start3A_1437 = tpu.memref_squeeze %dma_start3A_1436 : memref<1x1x8x512xf32, #tpu.memory_space<hbm>> -> memref<8x512xf32, #tpu.memory_space<hbm>>
        tpu.enqueue_dma source(%dma_start3A_1437 : memref<8x512xf32, #tpu.memory_space<hbm>>) target(%arg22 : memref<8x512xf32, #tpu.memory_space<vmem>>) target_semaphore(%arg38 : memref<!tpu.dma_semaphore, #tpu.memory_space<semaphore_mem>>)
        %dma_start3A_1438 = arith.constant 2 : i32
        %dma_start3A_1439 = arith.constant 0 : i32
        %dma_start3A_1440 = tpu.memref_slice %arg4[%select_n3A_1365, %dma_start3A_1438, %select_n3A_1381, %dma_start3A_1439] : memref<16x3x512x512xf32, #tpu.memory_space<hbm>> -> memref<1x1x8x512xf32, #tpu.memory_space<hbm>>
        %dma_start3A_1441 = tpu.memref_squeeze %dma_start3A_1440 : memref<1x1x8x512xf32, #tpu.memory_space<hbm>> -> memref<8x512xf32, #tpu.memory_space<hbm>>
        %dma_start3A_1442 = arith.constant 0 : i32
        %dma_start3A_1443 = tpu.memref_slice %arg4[%select_n3A_1365, %dma_start3A_1438, %select_n3A_1381, %dma_start3A_1442] : memref<16x3x512x512xf32, #tpu.memory_space<hbm>> -> memref<1x1x8x512xf32, #tpu.memory_space<hbm>>
        %dma_start3A_1444 = tpu.memref_squeeze %dma_start3A_1443 : memref<1x1x8x512xf32, #tpu.memory_space<hbm>> -> memref<8x512xf32, #tpu.memory_space<hbm>>
        tpu.enqueue_dma source(%dma_start3A_1444 : memref<8x512xf32, #tpu.memory_space<hbm>>) target(%arg23 : memref<8x512xf32, #tpu.memory_space<vmem>>) target_semaphore(%arg38 : memref<!tpu.dma_semaphore, #tpu.memory_space<semaphore_mem>>)
      } else {
      }
      %mul3A_1217 = arith.constant 3 : i32
      %mul3A_1218 = arith.muli %scan3A_980, %mul3A_1217 : i32
      %add3A_1219 = arith.constant 2 : i32
      %add3A_1220 = arith.addi %mul3A_1218, %add3A_1219 : i32
      %mul3A_1221 = arith.constant 8 : i32
      %mul3A_1222 = arith.muli %add3A_1220, %mul3A_1221 : i32
      %add3A_1223 = arith.addi %mul3A_2, %mul3A_1222 : i32
      %jit3A_1224 = arith.constant 512 : i32
      %div3A_1225 = arith.divsi %add3A_1223, %jit3A_1224 : i32
      %sign3A_1226 = arith.constant 0 : i32
      %sign3A_1227 = arith.cmpi sgt, %add3A_1223, %sign3A_1226 : i32
      %sign3A_1228 = arith.extui %sign3A_1227 : i1 to i32
      %sign3A_1229 = arith.constant 0 : i32
      %sign3A_1230 = arith.cmpi slt, %add3A_1223, %sign3A_1229 : i32
      %sign3A_1231 = arith.extui %sign3A_1230 : i1 to i32
      %sign3A_1232 = arith.subi %sign3A_1228, %sign3A_1231 : i32
      %sign3A_1233 = arith.constant 0 : i32
      %sign3A_1234 = arith.cmpi sgt, %jit3A_1224, %sign3A_1233 : i32
      %sign3A_1235 = arith.extui %sign3A_1234 : i1 to i32
      %sign3A_1236 = arith.constant 0 : i32
      %sign3A_1237 = arith.cmpi slt, %jit3A_1224, %sign3A_1236 : i32
      %sign3A_1238 = arith.extui %sign3A_1237 : i1 to i32
      %sign3A_1239 = arith.subi %sign3A_1235, %sign3A_1238 : i32
      %ne3A_1240 = arith.cmpi ne, %sign3A_1232, %sign3A_1239 : i32
      %rem3A_1241 = arith.remsi %add3A_1223, %jit3A_1224 : i32
      %ne3A_1242 = arith.constant 0 : i32
      %ne3A_1243 = arith.cmpi ne, %rem3A_1241, %ne3A_1242 : i32
      %and3A_1244 = arith.andi %ne3A_1240, %ne3A_1243 : i1
      %sub3A_1245 = arith.constant 1 : i32
      %sub3A_1246 = arith.subi %div3A_1225, %sub3A_1245 : i32
      %select_n3A_1247 = arith.select %and3A_1244, %sub3A_1246, %div3A_1225 : i32
      %jit3A_1248 = arith.constant 512 : i32
      %eq3A_1249 = arith.constant 0 : i32
      %eq3A_1250 = arith.cmpi eq, %jit3A_1248, %eq3A_1249 : i32
      %jit3A_1251 = arith.constant 1 : i32
      %select_n3A_1252 = arith.select %eq3A_1250, %jit3A_1251, %jit3A_1248 : i32
      %rem3A_1253 = arith.remsi %add3A_1223, %select_n3A_1252 : i32
      %ne3A_1254 = arith.constant 0 : i32
      %ne3A_1255 = arith.cmpi ne, %rem3A_1253, %ne3A_1254 : i32
      %lt3A_1256 = arith.constant 0 : i32
      %lt3A_1257 = arith.cmpi slt, %rem3A_1253, %lt3A_1256 : i32
      %lt3A_1258 = arith.constant 0 : i32
      %lt3A_1259 = arith.cmpi slt, %select_n3A_1252, %lt3A_1258 : i32
      %ne3A_1260 = arith.xori %lt3A_1257, %lt3A_1259 : i1
      %and3A_1261 = arith.andi %ne3A_1260, %ne3A_1255 : i1
      %add3A_1262 = arith.addi %rem3A_1253, %select_n3A_1252 : i32
      %select_n3A_1263 = arith.select %and3A_1261, %add3A_1262, %rem3A_1253 : i32
      %dma_wait3A_1264 = arith.constant 0 : i32
      %dma_wait3A_1265 = arith.constant 0 : i32
      %dma_wait3A_1266 = tpu.memref_slice %arg2[%select_n3A_1247, %dma_wait3A_1264, %select_n3A_1263, %dma_wait3A_1265] : memref<16x3x512x512xf32, #tpu.memory_space<hbm>> -> memref<1x1x8x512xf32, #tpu.memory_space<hbm>>
      %dma_wait3A_1267 = tpu.memref_squeeze %dma_wait3A_1266 : memref<1x1x8x512xf32, #tpu.memory_space<hbm>> -> memref<8x512xf32, #tpu.memory_space<hbm>>
      %dma_wait3A_1268 = arith.constant 0 : i32
      %dma_wait3A_1269 = tpu.memref_slice %arg2[%select_n3A_1247, %dma_wait3A_1264, %select_n3A_1263, %dma_wait3A_1268] : memref<16x3x512x512xf32, #tpu.memory_space<hbm>> -> memref<1x1x8x512xf32, #tpu.memory_space<hbm>>
      %dma_wait3A_1270 = tpu.memref_squeeze %dma_wait3A_1269 : memref<1x1x8x512xf32, #tpu.memory_space<hbm>> -> memref<8x512xf32, #tpu.memory_space<hbm>>
      tpu.wait_dma2 semaphore(%arg39 : memref<!tpu.dma_semaphore, #tpu.memory_space<semaphore_mem>>) src(%dma_wait3A_1270 : memref<8x512xf32, #tpu.memory_space<hbm>>) dst(%arg24 : memref<8x512xf32, #tpu.memory_space<vmem>>)
      %dma_wait3A_1271 = arith.constant 1 : i32
      %dma_wait3A_1272 = arith.constant 0 : i32
      %dma_wait3A_1273 = tpu.memref_slice %arg2[%select_n3A_1247, %dma_wait3A_1271, %select_n3A_1263, %dma_wait3A_1272] : memref<16x3x512x512xf32, #tpu.memory_space<hbm>> -> memref<1x1x8x512xf32, #tpu.memory_space<hbm>>
      %dma_wait3A_1274 = tpu.memref_squeeze %dma_wait3A_1273 : memref<1x1x8x512xf32, #tpu.memory_space<hbm>> -> memref<8x512xf32, #tpu.memory_space<hbm>>
      %dma_wait3A_1275 = arith.constant 0 : i32
      %dma_wait3A_1276 = tpu.memref_slice %arg2[%select_n3A_1247, %dma_wait3A_1271, %select_n3A_1263, %dma_wait3A_1275] : memref<16x3x512x512xf32, #tpu.memory_space<hbm>> -> memref<1x1x8x512xf32, #tpu.memory_space<hbm>>
      %dma_wait3A_1277 = tpu.memref_squeeze %dma_wait3A_1276 : memref<1x1x8x512xf32, #tpu.memory_space<hbm>> -> memref<8x512xf32, #tpu.memory_space<hbm>>
      tpu.wait_dma2 semaphore(%arg39 : memref<!tpu.dma_semaphore, #tpu.memory_space<semaphore_mem>>) src(%dma_wait3A_1277 : memref<8x512xf32, #tpu.memory_space<hbm>>) dst(%arg25 : memref<8x512xf32, #tpu.memory_space<vmem>>)
      %dma_wait3A_1278 = arith.constant 2 : i32
      %dma_wait3A_1279 = arith.constant 0 : i32
      %dma_wait3A_1280 = tpu.memref_slice %arg2[%select_n3A_1247, %dma_wait3A_1278, %select_n3A_1263, %dma_wait3A_1279] : memref<16x3x512x512xf32, #tpu.memory_space<hbm>> -> memref<1x1x8x512xf32, #tpu.memory_space<hbm>>
      %dma_wait3A_1281 = tpu.memref_squeeze %dma_wait3A_1280 : memref<1x1x8x512xf32, #tpu.memory_space<hbm>> -> memref<8x512xf32, #tpu.memory_space<hbm>>
      %dma_wait3A_1282 = arith.constant 0 : i32
      %dma_wait3A_1283 = tpu.memref_slice %arg2[%select_n3A_1247, %dma_wait3A_1278, %select_n3A_1263, %dma_wait3A_1282] : memref<16x3x512x512xf32, #tpu.memory_space<hbm>> -> memref<1x1x8x512xf32, #tpu.memory_space<hbm>>
      %dma_wait3A_1284 = tpu.memref_squeeze %dma_wait3A_1283 : memref<1x1x8x512xf32, #tpu.memory_space<hbm>> -> memref<8x512xf32, #tpu.memory_space<hbm>>
      tpu.wait_dma2 semaphore(%arg39 : memref<!tpu.dma_semaphore, #tpu.memory_space<semaphore_mem>>) src(%dma_wait3A_1284 : memref<8x512xf32, #tpu.memory_space<hbm>>) dst(%arg26 : memref<8x512xf32, #tpu.memory_space<vmem>>)
      %dma_wait3A_1285 = arith.constant 0 : i32
      %dma_wait3A_1286 = arith.constant 0 : i32
      %dma_wait3A_1287 = tpu.memref_slice %arg3[%select_n3A_1247, %dma_wait3A_1285, %select_n3A_1263, %dma_wait3A_1286] : memref<16x3x512x512xf32, #tpu.memory_space<hbm>> -> memref<1x1x8x512xf32, #tpu.memory_space<hbm>>
      %dma_wait3A_1288 = tpu.memref_squeeze %dma_wait3A_1287 : memref<1x1x8x512xf32, #tpu.memory_space<hbm>> -> memref<8x512xf32, #tpu.memory_space<hbm>>
      %dma_wait3A_1289 = arith.constant 0 : i32
      %dma_wait3A_1290 = tpu.memref_slice %arg3[%select_n3A_1247, %dma_wait3A_1285, %select_n3A_1263, %dma_wait3A_1289] : memref<16x3x512x512xf32, #tpu.memory_space<hbm>> -> memref<1x1x8x512xf32, #tpu.memory_space<hbm>>
      %dma_wait3A_1291 = tpu.memref_squeeze %dma_wait3A_1290 : memref<1x1x8x512xf32, #tpu.memory_space<hbm>> -> memref<8x512xf32, #tpu.memory_space<hbm>>
      tpu.wait_dma2 semaphore(%arg39 : memref<!tpu.dma_semaphore, #tpu.memory_space<semaphore_mem>>) src(%dma_wait3A_1291 : memref<8x512xf32, #tpu.memory_space<hbm>>) dst(%arg27 : memref<8x512xf32, #tpu.memory_space<vmem>>)
      %dma_wait3A_1292 = arith.constant 1 : i32
      %dma_wait3A_1293 = arith.constant 0 : i32
      %dma_wait3A_1294 = tpu.memref_slice %arg3[%select_n3A_1247, %dma_wait3A_1292, %select_n3A_1263, %dma_wait3A_1293] : memref<16x3x512x512xf32, #tpu.memory_space<hbm>> -> memref<1x1x8x512xf32, #tpu.memory_space<hbm>>
      %dma_wait3A_1295 = tpu.memref_squeeze %dma_wait3A_1294 : memref<1x1x8x512xf32, #tpu.memory_space<hbm>> -> memref<8x512xf32, #tpu.memory_space<hbm>>
      %dma_wait3A_1296 = arith.constant 0 : i32
      %dma_wait3A_1297 = tpu.memref_slice %arg3[%select_n3A_1247, %dma_wait3A_1292, %select_n3A_1263, %dma_wait3A_1296] : memref<16x3x512x512xf32, #tpu.memory_space<hbm>> -> memref<1x1x8x512xf32, #tpu.memory_space<hbm>>
      %dma_wait3A_1298 = tpu.memref_squeeze %dma_wait3A_1297 : memref<1x1x8x512xf32, #tpu.memory_space<hbm>> -> memref<8x512xf32, #tpu.memory_space<hbm>>
      tpu.wait_dma2 semaphore(%arg39 : memref<!tpu.dma_semaphore, #tpu.memory_space<semaphore_mem>>) src(%dma_wait3A_1298 : memref<8x512xf32, #tpu.memory_space<hbm>>) dst(%arg28 : memref<8x512xf32, #tpu.memory_space<vmem>>)
      %dma_wait3A_1299 = arith.constant 2 : i32
      %dma_wait3A_1300 = arith.constant 0 : i32
      %dma_wait3A_1301 = tpu.memref_slice %arg3[%select_n3A_1247, %dma_wait3A_1299, %select_n3A_1263, %dma_wait3A_1300] : memref<16x3x512x512xf32, #tpu.memory_space<hbm>> -> memref<1x1x8x512xf32, #tpu.memory_space<hbm>>
      %dma_wait3A_1302 = tpu.memref_squeeze %dma_wait3A_1301 : memref<1x1x8x512xf32, #tpu.memory_space<hbm>> -> memref<8x512xf32, #tpu.memory_space<hbm>>
      %dma_wait3A_1303 = arith.constant 0 : i32
      %dma_wait3A_1304 = tpu.memref_slice %arg3[%select_n3A_1247, %dma_wait3A_1299, %select_n3A_1263, %dma_wait3A_1303] : memref<16x3x512x512xf32, #tpu.memory_space<hbm>> -> memref<1x1x8x512xf32, #tpu.memory_space<hbm>>
      %dma_wait3A_1305 = tpu.memref_squeeze %dma_wait3A_1304 : memref<1x1x8x512xf32, #tpu.memory_space<hbm>> -> memref<8x512xf32, #tpu.memory_space<hbm>>
      tpu.wait_dma2 semaphore(%arg39 : memref<!tpu.dma_semaphore, #tpu.memory_space<semaphore_mem>>) src(%dma_wait3A_1305 : memref<8x512xf32, #tpu.memory_space<hbm>>) dst(%arg29 : memref<8x512xf32, #tpu.memory_space<vmem>>)
      %dma_wait3A_1306 = arith.constant 0 : i32
      %dma_wait3A_1307 = arith.constant 0 : i32
      %dma_wait3A_1308 = tpu.memref_slice %arg4[%select_n3A_1247, %dma_wait3A_1306, %select_n3A_1263, %dma_wait3A_1307] : memref<16x3x512x512xf32, #tpu.memory_space<hbm>> -> memref<1x1x8x512xf32, #tpu.memory_space<hbm>>
      %dma_wait3A_1309 = tpu.memref_squeeze %dma_wait3A_1308 : memref<1x1x8x512xf32, #tpu.memory_space<hbm>> -> memref<8x512xf32, #tpu.memory_space<hbm>>
      %dma_wait3A_1310 = arith.constant 0 : i32
      %dma_wait3A_1311 = tpu.memref_slice %arg4[%select_n3A_1247, %dma_wait3A_1306, %select_n3A_1263, %dma_wait3A_1310] : memref<16x3x512x512xf32, #tpu.memory_space<hbm>> -> memref<1x1x8x512xf32, #tpu.memory_space<hbm>>
      %dma_wait3A_1312 = tpu.memref_squeeze %dma_wait3A_1311 : memref<1x1x8x512xf32, #tpu.memory_space<hbm>> -> memref<8x512xf32, #tpu.memory_space<hbm>>
      tpu.wait_dma2 semaphore(%arg39 : memref<!tpu.dma_semaphore, #tpu.memory_space<semaphore_mem>>) src(%dma_wait3A_1312 : memref<8x512xf32, #tpu.memory_space<hbm>>) dst(%arg30 : memref<8x512xf32, #tpu.memory_space<vmem>>)
      %dma_wait3A_1313 = arith.constant 1 : i32
      %dma_wait3A_1314 = arith.constant 0 : i32
      %dma_wait3A_1315 = tpu.memref_slice %arg4[%select_n3A_1247, %dma_wait3A_1313, %select_n3A_1263, %dma_wait3A_1314] : memref<16x3x512x512xf32, #tpu.memory_space<hbm>> -> memref<1x1x8x512xf32, #tpu.memory_space<hbm>>
      %dma_wait3A_1316 = tpu.memref_squeeze %dma_wait3A_1315 : memref<1x1x8x512xf32, #tpu.memory_space<hbm>> -> memref<8x512xf32, #tpu.memory_space<hbm>>
      %dma_wait3A_1317 = arith.constant 0 : i32
      %dma_wait3A_1318 = tpu.memref_slice %arg4[%select_n3A_1247, %dma_wait3A_1313, %select_n3A_1263, %dma_wait3A_1317] : memref<16x3x512x512xf32, #tpu.memory_space<hbm>> -> memref<1x1x8x512xf32, #tpu.memory_space<hbm>>
      %dma_wait3A_1319 = tpu.memref_squeeze %dma_wait3A_1318 : memref<1x1x8x512xf32, #tpu.memory_space<hbm>> -> memref<8x512xf32, #tpu.memory_space<hbm>>
      tpu.wait_dma2 semaphore(%arg39 : memref<!tpu.dma_semaphore, #tpu.memory_space<semaphore_mem>>) src(%dma_wait3A_1319 : memref<8x512xf32, #tpu.memory_space<hbm>>) dst(%arg31 : memref<8x512xf32, #tpu.memory_space<vmem>>)
      %dma_wait3A_1320 = arith.constant 2 : i32
      %dma_wait3A_1321 = arith.constant 0 : i32
      %dma_wait3A_1322 = tpu.memref_slice %arg4[%select_n3A_1247, %dma_wait3A_1320, %select_n3A_1263, %dma_wait3A_1321] : memref<16x3x512x512xf32, #tpu.memory_space<hbm>> -> memref<1x1x8x512xf32, #tpu.memory_space<hbm>>
      %dma_wait3A_1323 = tpu.memref_squeeze %dma_wait3A_1322 : memref<1x1x8x512xf32, #tpu.memory_space<hbm>> -> memref<8x512xf32, #tpu.memory_space<hbm>>
      %dma_wait3A_1324 = arith.constant 0 : i32
      %dma_wait3A_1325 = tpu.memref_slice %arg4[%select_n3A_1247, %dma_wait3A_1320, %select_n3A_1263, %dma_wait3A_1324] : memref<16x3x512x512xf32, #tpu.memory_space<hbm>> -> memref<1x1x8x512xf32, #tpu.memory_space<hbm>>
      %dma_wait3A_1326 = tpu.memref_squeeze %dma_wait3A_1325 : memref<1x1x8x512xf32, #tpu.memory_space<hbm>> -> memref<8x512xf32, #tpu.memory_space<hbm>>
      tpu.wait_dma2 semaphore(%arg39 : memref<!tpu.dma_semaphore, #tpu.memory_space<semaphore_mem>>) src(%dma_wait3A_1326 : memref<8x512xf32, #tpu.memory_space<hbm>>) dst(%arg32 : memref<8x512xf32, #tpu.memory_space<vmem>>)
      %parallel_loop3A_1327 = arith.constant 0 : i32
      %parallel_loop3A_1328 = arith.constant 256 : i32
      %parallel_loop3A_1329 = arith.constant 1 : i32
      scf.for %parallel_loop3A_1337 = %parallel_loop3A_1327 to %parallel_loop3A_1328 step %parallel_loop3A_1329  : i32 {
        %parallel_loop3A_1338 = arith.constant 32 : i32
        %parallel_loop3A_1339 = arith.divsi %parallel_loop3A_1337, %parallel_loop3A_1338 : i32
        %parallel_loop3A_1340 = arith.constant 0 : i32
        %parallel_loop3A_1341 = arith.cmpi sgt, %parallel_loop3A_1337, %parallel_loop3A_1340 : i32
        %parallel_loop3A_1342 = arith.extui %parallel_loop3A_1341 : i1 to i32
        %parallel_loop3A_1343 = arith.constant 0 : i32
        %parallel_loop3A_1344 = arith.cmpi slt, %parallel_loop3A_1337, %parallel_loop3A_1343 : i32
        %parallel_loop3A_1345 = arith.extui %parallel_loop3A_1344 : i1 to i32
        %parallel_loop3A_1346 = arith.subi %parallel_loop3A_1342, %parallel_loop3A_1345 : i32
        %parallel_loop3A_1347 = arith.constant 0 : i32
        %parallel_loop3A_1348 = arith.cmpi sgt, %parallel_loop3A_1338, %parallel_loop3A_1347 : i32
        %parallel_loop3A_1349 = arith.extui %parallel_loop3A_1348 : i1 to i32
        %parallel_loop3A_1350 = arith.constant 0 : i32
        %parallel_loop3A_1351 = arith.cmpi slt, %parallel_loop3A_1338, %parallel_loop3A_1350 : i32
        %parallel_loop3A_1352 = arith.extui %parallel_loop3A_1351 : i1 to i32
        %parallel_loop3A_1353 = arith.subi %parallel_loop3A_1349, %parallel_loop3A_1352 : i32
        %parallel_loop3A_1354 = arith.cmpi ne, %parallel_loop3A_1346, %parallel_loop3A_1353 : i32
        %parallel_loop3A_1355 = arith.remsi %parallel_loop3A_1337, %parallel_loop3A_1338 : i32
        %parallel_loop3A_1356 = arith.constant 0 : i32
        %parallel_loop3A_1357 = arith.cmpi ne, %parallel_loop3A_1355, %parallel_loop3A_1356 : i32
        %parallel_loop3A_1358 = arith.andi %parallel_loop3A_1354, %parallel_loop3A_1357 : i1
        %parallel_loop3A_1359 = arith.constant 1 : i32
        %parallel_loop3A_1360 = arith.subi %parallel_loop3A_1339, %parallel_loop3A_1359 : i32
        %parallel_loop3A_1361 = arith.select %parallel_loop3A_1358, %parallel_loop3A_1360, %parallel_loop3A_1339 : i32
        %parallel_loop3A_1362 = arith.constant 32 : i32
        %parallel_loop3A_1363 = arith.constant 0 : i32
        %parallel_loop3A_1364 = arith.cmpi eq, %parallel_loop3A_1362, %parallel_loop3A_1363 : i32
        %parallel_loop3A_1365 = arith.constant 1 : i32
        %parallel_loop3A_1366 = arith.select %parallel_loop3A_1364, %parallel_loop3A_1365, %parallel_loop3A_1362 : i32
        %parallel_loop3A_1367 = arith.remsi %parallel_loop3A_1337, %parallel_loop3A_1366 : i32
        %parallel_loop3A_1368 = arith.constant 0 : i32
        %parallel_loop3A_1369 = arith.cmpi ne, %parallel_loop3A_1367, %parallel_loop3A_1368 : i32
        %parallel_loop3A_1370 = arith.constant 0 : i32
        %parallel_loop3A_1371 = arith.cmpi slt, %parallel_loop3A_1367, %parallel_loop3A_1370 : i32
        %parallel_loop3A_1372 = arith.constant 0 : i32
        %parallel_loop3A_1373 = arith.cmpi slt, %parallel_loop3A_1366, %parallel_loop3A_1372 : i32
        %parallel_loop3A_1374 = arith.xori %parallel_loop3A_1371, %parallel_loop3A_1373 : i1
        %parallel_loop3A_1375 = arith.andi %parallel_loop3A_1374, %parallel_loop3A_1369 : i1
        %parallel_loop3A_1376 = arith.addi %parallel_loop3A_1367, %parallel_loop3A_1366 : i32
        %parallel_loop3A_1377 = arith.select %parallel_loop3A_1375, %parallel_loop3A_1376, %parallel_loop3A_1367 : i32
        %parallel_loop3A_1378 = arith.constant 16 : i32
        %parallel_loop3A_1379 = arith.muli %parallel_loop3A_1377, %parallel_loop3A_1378 : i32
        %parallel_loop3A_1380 = arith.constant 0 : i32
        %parallel_loop3A_1381 = vector.broadcast %parallel_loop3A_1380 : i32 to vector<16xi32>
        %parallel_loop3A_1382 = vector.broadcast %parallel_loop3A_1361 : i32 to vector<16xi32>
        %parallel_loop3A_1383 = arith.addi %parallel_loop3A_1381, %parallel_loop3A_1382 : vector<16xi32>
        %parallel_loop3A_1384 = vector.broadcast %parallel_loop3A_1379 : i32 to vector<16xi32>
        %parallel_loop3A_1385 = arith.addi %iota3A, %parallel_loop3A_1384 : vector<16xi32>
        %parallel_loop3A_1386 = tpu.vector_load_idx %arg24[%parallel_loop3A_1383, %parallel_loop3A_1385] : memref<8x512xf32, #tpu.memory_space<vmem>>[vector<16xi32>, vector<16xi32>], vector<16xf32>,
        %parallel_loop3A_1387 = arith.constant 2.990000e-01 : f32
        %parallel_loop3A_1388 = vector.broadcast %parallel_loop3A_1387 : f32 to vector<16xf32>
        %parallel_loop3A_1389 = arith.mulf %parallel_loop3A_1388, %parallel_loop3A_1386 : vector<16xf32>
        %parallel_loop3A_1390 = tpu.vector_load_idx %arg25[%parallel_loop3A_1383, %parallel_loop3A_1385] : memref<8x512xf32, #tpu.memory_space<vmem>>[vector<16xi32>, vector<16xi32>], vector<16xf32>,
        %parallel_loop3A_1391 = arith.constant 5.870000e-01 : f32
        %parallel_loop3A_1392 = vector.broadcast %parallel_loop3A_1391 : f32 to vector<16xf32>
        %parallel_loop3A_1393 = arith.mulf %parallel_loop3A_1392, %parallel_loop3A_1390 : vector<16xf32>
        %parallel_loop3A_1394 = arith.addf %parallel_loop3A_1389, %parallel_loop3A_1393 : vector<16xf32>
        %parallel_loop3A_1395 = tpu.vector_load_idx %arg26[%parallel_loop3A_1383, %parallel_loop3A_1385] : memref<8x512xf32, #tpu.memory_space<vmem>>[vector<16xi32>, vector<16xi32>], vector<16xf32>,
        %parallel_loop3A_1396 = arith.constant 1.140000e-01 : f32
        %parallel_loop3A_1397 = vector.broadcast %parallel_loop3A_1396 : f32 to vector<16xf32>
        %parallel_loop3A_1398 = arith.mulf %parallel_loop3A_1397, %parallel_loop3A_1395 : vector<16xf32>
        %parallel_loop3A_1399 = arith.addf %parallel_loop3A_1394, %parallel_loop3A_1398 : vector<16xf32>
        %parallel_loop3A_1400 = arith.constant 1.600000e+01 : f32
        %parallel_loop3A_1401 = vector.broadcast %parallel_loop3A_1400 : f32 to vector<16xf32>
        %parallel_loop3A_1402 = arith.mulf %parallel_loop3A_1399, %parallel_loop3A_1401 : vector<16xf32>
        %parallel_loop3A_1403 = arith.fptosi %parallel_loop3A_1402 : vector<16xf32> to vector<16xi32>
        %parallel_loop3A_1404 = arith.constant 16 : i32
        %parallel_loop3A_1405 = vector.broadcast %parallel_loop3A_1404 : i32 to vector<16xi32>
        %parallel_loop3A_1406 = arith.muli %parallel_loop3A_1403, %parallel_loop3A_1405 : vector<16xi32>
        %parallel_loop3A_1407 = arith.addi %parallel_loop3A_1406, %iota3A : vector<16xi32>
        %parallel_loop3A_1408 = tpu.vector_load_idx %arg27[%parallel_loop3A_1383, %parallel_loop3A_1385] : memref<8x512xf32, #tpu.memory_space<vmem>>[vector<16xi32>, vector<16xi32>], vector<16xf32>,
        %parallel_loop3A_1409 = arith.constant 2.990000e-01 : f32
        %parallel_loop3A_1410 = vector.broadcast %parallel_loop3A_1409 : f32 to vector<16xf32>
        %parallel_loop3A_1411 = arith.mulf %parallel_loop3A_1410, %parallel_loop3A_1408 : vector<16xf32>
        %parallel_loop3A_1412 = tpu.vector_load_idx %arg28[%parallel_loop3A_1383, %parallel_loop3A_1385] : memref<8x512xf32, #tpu.memory_space<vmem>>[vector<16xi32>, vector<16xi32>], vector<16xf32>,
        %parallel_loop3A_1413 = arith.constant 5.870000e-01 : f32
        %parallel_loop3A_1414 = vector.broadcast %parallel_loop3A_1413 : f32 to vector<16xf32>
        %parallel_loop3A_1415 = arith.mulf %parallel_loop3A_1414, %parallel_loop3A_1412 : vector<16xf32>
        %parallel_loop3A_1416 = arith.addf %parallel_loop3A_1411, %parallel_loop3A_1415 : vector<16xf32>
        %parallel_loop3A_1417 = tpu.vector_load_idx %arg29[%parallel_loop3A_1383, %parallel_loop3A_1385] : memref<8x512xf32, #tpu.memory_space<vmem>>[vector<16xi32>, vector<16xi32>], vector<16xf32>,
        %parallel_loop3A_1418 = arith.constant 1.140000e-01 : f32
        %parallel_loop3A_1419 = vector.broadcast %parallel_loop3A_1418 : f32 to vector<16xf32>
        %parallel_loop3A_1420 = arith.mulf %parallel_loop3A_1419, %parallel_loop3A_1417 : vector<16xf32>
        %parallel_loop3A_1421 = arith.addf %parallel_loop3A_1416, %parallel_loop3A_1420 : vector<16xf32>
        %parallel_loop3A_1422 = tpu.vector_load_idx %arg30[%parallel_loop3A_1383, %parallel_loop3A_1385] : memref<8x512xf32, #tpu.memory_space<vmem>>[vector<16xi32>, vector<16xi32>], vector<16xf32>,
        %parallel_loop3A_1423 = arith.constant 2.990000e-01 : f32
        %parallel_loop3A_1424 = vector.broadcast %parallel_loop3A_1423 : f32 to vector<16xf32>
        %parallel_loop3A_1425 = arith.mulf %parallel_loop3A_1424, %parallel_loop3A_1422 : vector<16xf32>
        %parallel_loop3A_1426 = tpu.vector_load_idx %arg31[%parallel_loop3A_1383, %parallel_loop3A_1385] : memref<8x512xf32, #tpu.memory_space<vmem>>[vector<16xi32>, vector<16xi32>], vector<16xf32>,
        %parallel_loop3A_1427 = arith.constant 5.870000e-01 : f32
        %parallel_loop3A_1428 = vector.broadcast %parallel_loop3A_1427 : f32 to vector<16xf32>
        %parallel_loop3A_1429 = arith.mulf %parallel_loop3A_1428, %parallel_loop3A_1426 : vector<16xf32>
        %parallel_loop3A_1430 = arith.addf %parallel_loop3A_1425, %parallel_loop3A_1429 : vector<16xf32>
        %parallel_loop3A_1431 = tpu.vector_load_idx %arg32[%parallel_loop3A_1383, %parallel_loop3A_1385] : memref<8x512xf32, #tpu.memory_space<vmem>>[vector<16xi32>, vector<16xi32>], vector<16xf32>,
        %parallel_loop3A_1432 = arith.constant 1.140000e-01 : f32
        %parallel_loop3A_1433 = vector.broadcast %parallel_loop3A_1432 : f32 to vector<16xf32>
        %parallel_loop3A_1434 = arith.mulf %parallel_loop3A_1433, %parallel_loop3A_1431 : vector<16xf32>
        %parallel_loop3A_1435 = arith.addf %parallel_loop3A_1430, %parallel_loop3A_1434 : vector<16xf32>
        tpu.vector_store_idx %arg33[%parallel_loop3A_1407], %broadcast_in_dim3A_130 {add = true} : memref<272xf32, #tpu.memory_space<vmem>>[vector<16xi32>], vector<16xf32>,
        tpu.vector_store_idx %arg34[%parallel_loop3A_1407], %parallel_loop3A_1421 {add = true} : memref<272xf32, #tpu.memory_space<vmem>>[vector<16xi32>], vector<16xf32>,
        tpu.vector_store_idx %arg35[%parallel_loop3A_1407], %parallel_loop3A_1435 {add = true} : memref<272xf32, #tpu.memory_space<vmem>>[vector<16xi32>], vector<16xf32>,
      } {sc.loop_unroll_factor = 8 : i64, sc.parallel_access}
      %add3A_1330 = arith.constant 3 : i32
      %add3A_1331 = arith.addi %add3A_1220, %add3A_1330 : i32
      %lt3A_1332 = arith.constant 18 : i32
      %lt3A_1333 = arith.cmpi slt, %add3A_1331, %lt3A_1332 : i32
      %convert_element_type3A_1334 = arith.extui %lt3A_1333 : i1 to i32
      %cond3A_1335 = arith.constant 0 : i32
      %cond3A_1336 = arith.cmpi ne, %convert_element_type3A_1334, %cond3A_1335 : i32
      scf.if %cond3A_1336 {
        %add3A_1337 = arith.constant 3 : i32
        %add3A_1338 = arith.addi %add3A_1220, %add3A_1337 : i32
        %mul3A_1339 = arith.constant 8 : i32
        %mul3A_1340 = arith.muli %add3A_1338, %mul3A_1339 : i32
        %add3A_1341 = arith.addi %mul3A_2, %mul3A_1340 : i32
        %jit3A_1342 = arith.constant 512 : i32
        %div3A_1343 = arith.divsi %add3A_1341, %jit3A_1342 : i32
        %sign3A_1344 = arith.constant 0 : i32
        %sign3A_1345 = arith.cmpi sgt, %add3A_1341, %sign3A_1344 : i32
        %sign3A_1346 = arith.extui %sign3A_1345 : i1 to i32
        %sign3A_1347 = arith.constant 0 : i32
        %sign3A_1348 = arith.cmpi slt, %add3A_1341, %sign3A_1347 : i32
        %sign3A_1349 = arith.extui %sign3A_1348 : i1 to i32
        %sign3A_1350 = arith.subi %sign3A_1346, %sign3A_1349 : i32
        %sign3A_1351 = arith.constant 0 : i32
        %sign3A_1352 = arith.cmpi sgt, %jit3A_1342, %sign3A_1351 : i32
        %sign3A_1353 = arith.extui %sign3A_1352 : i1 to i32
        %sign3A_1354 = arith.constant 0 : i32
        %sign3A_1355 = arith.cmpi slt, %jit3A_1342, %sign3A_1354 : i32
        %sign3A_1356 = arith.extui %sign3A_1355 : i1 to i32
        %sign3A_1357 = arith.subi %sign3A_1353, %sign3A_1356 : i32
        %ne3A_1358 = arith.cmpi ne, %sign3A_1350, %sign3A_1357 : i32
        %rem3A_1359 = arith.remsi %add3A_1341, %jit3A_1342 : i32
        %ne3A_1360 = arith.constant 0 : i32
        %ne3A_1361 = arith.cmpi ne, %rem3A_1359, %ne3A_1360 : i32
        %and3A_1362 = arith.andi %ne3A_1358, %ne3A_1361 : i1
        %sub3A_1363 = arith.constant 1 : i32
        %sub3A_1364 = arith.subi %div3A_1343, %sub3A_1363 : i32
        %select_n3A_1365 = arith.select %and3A_1362, %sub3A_1364, %div3A_1343 : i32
        %jit3A_1366 = arith.constant 512 : i32
        %eq3A_1367 = arith.constant 0 : i32
        %eq3A_1368 = arith.cmpi eq, %jit3A_1366, %eq3A_1367 : i32
        %jit3A_1369 = arith.constant 1 : i32
        %select_n3A_1370 = arith.select %eq3A_1368, %jit3A_1369, %jit3A_1366 : i32
        %rem3A_1371 = arith.remsi %add3A_1341, %select_n3A_1370 : i32
        %ne3A_1372 = arith.constant 0 : i32
        %ne3A_1373 = arith.cmpi ne, %rem3A_1371, %ne3A_1372 : i32
        %lt3A_1374 = arith.constant 0 : i32
        %lt3A_1375 = arith.cmpi slt, %rem3A_1371, %lt3A_1374 : i32
        %lt3A_1376 = arith.constant 0 : i32
        %lt3A_1377 = arith.cmpi slt, %select_n3A_1370, %lt3A_1376 : i32
        %ne3A_1378 = arith.xori %lt3A_1375, %lt3A_1377 : i1
        %and3A_1379 = arith.andi %ne3A_1378, %ne3A_1373 : i1
        %add3A_1380 = arith.addi %rem3A_1371, %select_n3A_1370 : i32
        %select_n3A_1381 = arith.select %and3A_1379, %add3A_1380, %rem3A_1371 : i32
        %dma_start3A_1382 = arith.constant 0 : i32
        %dma_start3A_1383 = arith.constant 0 : i32
        %dma_start3A_1384 = tpu.memref_slice %arg2[%select_n3A_1365, %dma_start3A_1382, %select_n3A_1381, %dma_start3A_1383] : memref<16x3x512x512xf32, #tpu.memory_space<hbm>> -> memref<1x1x8x512xf32, #tpu.memory_space<hbm>>
        %dma_start3A_1385 = tpu.memref_squeeze %dma_start3A_1384 : memref<1x1x8x512xf32, #tpu.memory_space<hbm>> -> memref<8x512xf32, #tpu.memory_space<hbm>>
        %dma_start3A_1386 = arith.constant 0 : i32
        %dma_start3A_1387 = tpu.memref_slice %arg2[%select_n3A_1365, %dma_start3A_1382, %select_n3A_1381, %dma_start3A_1386] : memref<16x3x512x512xf32, #tpu.memory_space<hbm>> -> memref<1x1x8x512xf32, #tpu.memory_space<hbm>>
        %dma_start3A_1388 = tpu.memref_squeeze %dma_start3A_1387 : memref<1x1x8x512xf32, #tpu.memory_space<hbm>> -> memref<8x512xf32, #tpu.memory_space<hbm>>
        tpu.enqueue_dma source(%dma_start3A_1388 : memref<8x512xf32, #tpu.memory_space<hbm>>) target(%arg24 : memref<8x512xf32, #tpu.memory_space<vmem>>) target_semaphore(%arg39 : memref<!tpu.dma_semaphore, #tpu.memory_space<semaphore_mem>>)
        %dma_start3A_1389 = arith.constant 1 : i32
        %dma_start3A_1390 = arith.constant 0 : i32
        %dma_start3A_1391 = tpu.memref_slice %arg2[%select_n3A_1365, %dma_start3A_1389, %select_n3A_1381, %dma_start3A_1390] : memref<16x3x512x512xf32, #tpu.memory_space<hbm>> -> memref<1x1x8x512xf32, #tpu.memory_space<hbm>>
        %dma_start3A_1392 = tpu.memref_squeeze %dma_start3A_1391 : memref<1x1x8x512xf32, #tpu.memory_space<hbm>> -> memref<8x512xf32, #tpu.memory_space<hbm>>
        %dma_start3A_1393 = arith.constant 0 : i32
        %dma_start3A_1394 = tpu.memref_slice %arg2[%select_n3A_1365, %dma_start3A_1389, %select_n3A_1381, %dma_start3A_1393] : memref<16x3x512x512xf32, #tpu.memory_space<hbm>> -> memref<1x1x8x512xf32, #tpu.memory_space<hbm>>
        %dma_start3A_1395 = tpu.memref_squeeze %dma_start3A_1394 : memref<1x1x8x512xf32, #tpu.memory_space<hbm>> -> memref<8x512xf32, #tpu.memory_space<hbm>>
        tpu.enqueue_dma source(%dma_start3A_1395 : memref<8x512xf32, #tpu.memory_space<hbm>>) target(%arg25 : memref<8x512xf32, #tpu.memory_space<vmem>>) target_semaphore(%arg39 : memref<!tpu.dma_semaphore, #tpu.memory_space<semaphore_mem>>)
        %dma_start3A_1396 = arith.constant 2 : i32
        %dma_start3A_1397 = arith.constant 0 : i32
        %dma_start3A_1398 = tpu.memref_slice %arg2[%select_n3A_1365, %dma_start3A_1396, %select_n3A_1381, %dma_start3A_1397] : memref<16x3x512x512xf32, #tpu.memory_space<hbm>> -> memref<1x1x8x512xf32, #tpu.memory_space<hbm>>
        %dma_start3A_1399 = tpu.memref_squeeze %dma_start3A_1398 : memref<1x1x8x512xf32, #tpu.memory_space<hbm>> -> memref<8x512xf32, #tpu.memory_space<hbm>>
        %dma_start3A_1400 = arith.constant 0 : i32
        %dma_start3A_1401 = tpu.memref_slice %arg2[%select_n3A_1365, %dma_start3A_1396, %select_n3A_1381, %dma_start3A_1400] : memref<16x3x512x512xf32, #tpu.memory_space<hbm>> -> memref<1x1x8x512xf32, #tpu.memory_space<hbm>>
        %dma_start3A_1402 = tpu.memref_squeeze %dma_start3A_1401 : memref<1x1x8x512xf32, #tpu.memory_space<hbm>> -> memref<8x512xf32, #tpu.memory_space<hbm>>
        tpu.enqueue_dma source(%dma_start3A_1402 : memref<8x512xf32, #tpu.memory_space<hbm>>) target(%arg26 : memref<8x512xf32, #tpu.memory_space<vmem>>) target_semaphore(%arg39 : memref<!tpu.dma_semaphore, #tpu.memory_space<semaphore_mem>>)
        %dma_start3A_1403 = arith.constant 0 : i32
        %dma_start3A_1404 = arith.constant 0 : i32
        %dma_start3A_1405 = tpu.memref_slice %arg3[%select_n3A_1365, %dma_start3A_1403, %select_n3A_1381, %dma_start3A_1404] : memref<16x3x512x512xf32, #tpu.memory_space<hbm>> -> memref<1x1x8x512xf32, #tpu.memory_space<hbm>>
        %dma_start3A_1406 = tpu.memref_squeeze %dma_start3A_1405 : memref<1x1x8x512xf32, #tpu.memory_space<hbm>> -> memref<8x512xf32, #tpu.memory_space<hbm>>
        %dma_start3A_1407 = arith.constant 0 : i32
        %dma_start3A_1408 = tpu.memref_slice %arg3[%select_n3A_1365, %dma_start3A_1403, %select_n3A_1381, %dma_start3A_1407] : memref<16x3x512x512xf32, #tpu.memory_space<hbm>> -> memref<1x1x8x512xf32, #tpu.memory_space<hbm>>
        %dma_start3A_1409 = tpu.memref_squeeze %dma_start3A_1408 : memref<1x1x8x512xf32, #tpu.memory_space<hbm>> -> memref<8x512xf32, #tpu.memory_space<hbm>>
        tpu.enqueue_dma source(%dma_start3A_1409 : memref<8x512xf32, #tpu.memory_space<hbm>>) target(%arg27 : memref<8x512xf32, #tpu.memory_space<vmem>>) target_semaphore(%arg39 : memref<!tpu.dma_semaphore, #tpu.memory_space<semaphore_mem>>)
        %dma_start3A_1410 = arith.constant 1 : i32
        %dma_start3A_1411 = arith.constant 0 : i32
        %dma_start3A_1412 = tpu.memref_slice %arg3[%select_n3A_1365, %dma_start3A_1410, %select_n3A_1381, %dma_start3A_1411] : memref<16x3x512x512xf32, #tpu.memory_space<hbm>> -> memref<1x1x8x512xf32, #tpu.memory_space<hbm>>
        %dma_start3A_1413 = tpu.memref_squeeze %dma_start3A_1412 : memref<1x1x8x512xf32, #tpu.memory_space<hbm>> -> memref<8x512xf32, #tpu.memory_space<hbm>>
        %dma_start3A_1414 = arith.constant 0 : i32
        %dma_start3A_1415 = tpu.memref_slice %arg3[%select_n3A_1365, %dma_start3A_1410, %select_n3A_1381, %dma_start3A_1414] : memref<16x3x512x512xf32, #tpu.memory_space<hbm>> -> memref<1x1x8x512xf32, #tpu.memory_space<hbm>>
        %dma_start3A_1416 = tpu.memref_squeeze %dma_start3A_1415 : memref<1x1x8x512xf32, #tpu.memory_space<hbm>> -> memref<8x512xf32, #tpu.memory_space<hbm>>
        tpu.enqueue_dma source(%dma_start3A_1416 : memref<8x512xf32, #tpu.memory_space<hbm>>) target(%arg28 : memref<8x512xf32, #tpu.memory_space<vmem>>) target_semaphore(%arg39 : memref<!tpu.dma_semaphore, #tpu.memory_space<semaphore_mem>>)
        %dma_start3A_1417 = arith.constant 2 : i32
        %dma_start3A_1418 = arith.constant 0 : i32
        %dma_start3A_1419 = tpu.memref_slice %arg3[%select_n3A_1365, %dma_start3A_1417, %select_n3A_1381, %dma_start3A_1418] : memref<16x3x512x512xf32, #tpu.memory_space<hbm>> -> memref<1x1x8x512xf32, #tpu.memory_space<hbm>>
        %dma_start3A_1420 = tpu.memref_squeeze %dma_start3A_1419 : memref<1x1x8x512xf32, #tpu.memory_space<hbm>> -> memref<8x512xf32, #tpu.memory_space<hbm>>
        %dma_start3A_1421 = arith.constant 0 : i32
        %dma_start3A_1422 = tpu.memref_slice %arg3[%select_n3A_1365, %dma_start3A_1417, %select_n3A_1381, %dma_start3A_1421] : memref<16x3x512x512xf32, #tpu.memory_space<hbm>> -> memref<1x1x8x512xf32, #tpu.memory_space<hbm>>
        %dma_start3A_1423 = tpu.memref_squeeze %dma_start3A_1422 : memref<1x1x8x512xf32, #tpu.memory_space<hbm>> -> memref<8x512xf32, #tpu.memory_space<hbm>>
        tpu.enqueue_dma source(%dma_start3A_1423 : memref<8x512xf32, #tpu.memory_space<hbm>>) target(%arg29 : memref<8x512xf32, #tpu.memory_space<vmem>>) target_semaphore(%arg39 : memref<!tpu.dma_semaphore, #tpu.memory_space<semaphore_mem>>)
        %dma_start3A_1424 = arith.constant 0 : i32
        %dma_start3A_1425 = arith.constant 0 : i32
        %dma_start3A_1426 = tpu.memref_slice %arg4[%select_n3A_1365, %dma_start3A_1424, %select_n3A_1381, %dma_start3A_1425] : memref<16x3x512x512xf32, #tpu.memory_space<hbm>> -> memref<1x1x8x512xf32, #tpu.memory_space<hbm>>
        %dma_start3A_1427 = tpu.memref_squeeze %dma_start3A_1426 : memref<1x1x8x512xf32, #tpu.memory_space<hbm>> -> memref<8x512xf32, #tpu.memory_space<hbm>>
        %dma_start3A_1428 = arith.constant 0 : i32
        %dma_start3A_1429 = tpu.memref_slice %arg4[%select_n3A_1365, %dma_start3A_1424, %select_n3A_1381, %dma_start3A_1428] : memref<16x3x512x512xf32, #tpu.memory_space<hbm>> -> memref<1x1x8x512xf32, #tpu.memory_space<hbm>>
        %dma_start3A_1430 = tpu.memref_squeeze %dma_start3A_1429 : memref<1x1x8x512xf32, #tpu.memory_space<hbm>> -> memref<8x512xf32, #tpu.memory_space<hbm>>
        tpu.enqueue_dma source(%dma_start3A_1430 : memref<8x512xf32, #tpu.memory_space<hbm>>) target(%arg30 : memref<8x512xf32, #tpu.memory_space<vmem>>) target_semaphore(%arg39 : memref<!tpu.dma_semaphore, #tpu.memory_space<semaphore_mem>>)
        %dma_start3A_1431 = arith.constant 1 : i32
        %dma_start3A_1432 = arith.constant 0 : i32
        %dma_start3A_1433 = tpu.memref_slice %arg4[%select_n3A_1365, %dma_start3A_1431, %select_n3A_1381, %dma_start3A_1432] : memref<16x3x512x512xf32, #tpu.memory_space<hbm>> -> memref<1x1x8x512xf32, #tpu.memory_space<hbm>>
        %dma_start3A_1434 = tpu.memref_squeeze %dma_start3A_1433 : memref<1x1x8x512xf32, #tpu.memory_space<hbm>> -> memref<8x512xf32, #tpu.memory_space<hbm>>
        %dma_start3A_1435 = arith.constant 0 : i32
        %dma_start3A_1436 = tpu.memref_slice %arg4[%select_n3A_1365, %dma_start3A_1431, %select_n3A_1381, %dma_start3A_1435] : memref<16x3x512x512xf32, #tpu.memory_space<hbm>> -> memref<1x1x8x512xf32, #tpu.memory_space<hbm>>
        %dma_start3A_1437 = tpu.memref_squeeze %dma_start3A_1436 : memref<1x1x8x512xf32, #tpu.memory_space<hbm>> -> memref<8x512xf32, #tpu.memory_space<hbm>>
        tpu.enqueue_dma source(%dma_start3A_1437 : memref<8x512xf32, #tpu.memory_space<hbm>>) target(%arg31 : memref<8x512xf32, #tpu.memory_space<vmem>>) target_semaphore(%arg39 : memref<!tpu.dma_semaphore, #tpu.memory_space<semaphore_mem>>)
        %dma_start3A_1438 = arith.constant 2 : i32
        %dma_start3A_1439 = arith.constant 0 : i32
        %dma_start3A_1440 = tpu.memref_slice %arg4[%select_n3A_1365, %dma_start3A_1438, %select_n3A_1381, %dma_start3A_1439] : memref<16x3x512x512xf32, #tpu.memory_space<hbm>> -> memref<1x1x8x512xf32, #tpu.memory_space<hbm>>
        %dma_start3A_1441 = tpu.memref_squeeze %dma_start3A_1440 : memref<1x1x8x512xf32, #tpu.memory_space<hbm>> -> memref<8x512xf32, #tpu.memory_space<hbm>>
        %dma_start3A_1442 = arith.constant 0 : i32
        %dma_start3A_1443 = tpu.memref_slice %arg4[%select_n3A_1365, %dma_start3A_1438, %select_n3A_1381, %dma_start3A_1442] : memref<16x3x512x512xf32, #tpu.memory_space<hbm>> -> memref<1x1x8x512xf32, #tpu.memory_space<hbm>>
        %dma_start3A_1444 = tpu.memref_squeeze %dma_start3A_1443 : memref<1x1x8x512xf32, #tpu.memory_space<hbm>> -> memref<8x512xf32, #tpu.memory_space<hbm>>
        tpu.enqueue_dma source(%dma_start3A_1444 : memref<8x512xf32, #tpu.memory_space<hbm>>) target(%arg32 : memref<8x512xf32, #tpu.memory_space<vmem>>) target_semaphore(%arg39 : memref<!tpu.dma_semaphore, #tpu.memory_space<semaphore_mem>>)
      } else {
      }
    }
    %scan3A_439 = arith.constant 6 : i32
    %broadcast_in_dim3A_440 = arith.constant 0.000000e+00 : f32
    %broadcast_in_dim3A_441 = vector.broadcast %broadcast_in_dim3A_440 : f32 to vector<16xf32>
    %eq3A_442 = arith.constant 0 : i32
    %eq3A_443 = vector.broadcast %eq3A_442 : i32 to vector<16xi32>
    %eq3A_444 = arith.cmpi eq, %iota3A, %eq3A_443 : vector<16xi32>
    %get3A = arith.constant 0 : index
    %get3A_445 = tpu.vector_load %arg33[%get3A] {strides = array<i32>} : memref<272xf32, #tpu.memory_space<vmem>>, vector<16xf32>,
    %reduce_sum3A = arith.constant true
    %reduce_sum3A_446 = vector.broadcast %reduce_sum3A : i1 to vector<16xi1>
    %reduce_sum3A_447 = tpu.scan <sum>, %get3A_445 masked %reduce_sum3A_446 : vector<16xf32>, vector<16xi1> -> vector<16xf32>
    %reduce_sum3A_448 = vector.extract %reduce_sum3A_447[15] : f32 from vector<16xf32>
    %broadcast_in_dim3A_449 = vector.broadcast %reduce_sum3A_448 : f32 to vector<16xf32>
    %select_n3A_450 = arith.select %eq3A_444, %broadcast_in_dim3A_449, %broadcast_in_dim3A_441 : vector<16xi1>, vector<16xf32>
    %eq3A_451 = arith.constant 1 : i32
    %eq3A_452 = vector.broadcast %eq3A_451 : i32 to vector<16xi32>
    %eq3A_453 = arith.cmpi eq, %iota3A, %eq3A_452 : vector<16xi32>
    %get3A_454 = arith.constant 16 : index
    %get3A_455 = tpu.vector_load %arg33[%get3A_454] {strides = array<i32>} : memref<272xf32, #tpu.memory_space<vmem>>, vector<16xf32>,
    %reduce_sum3A_456 = arith.constant true
    %reduce_sum3A_457 = vector.broadcast %reduce_sum3A_456 : i1 to vector<16xi1>
    %reduce_sum3A_458 = tpu.scan <sum>, %get3A_455 masked %reduce_sum3A_457 : vector<16xf32>, vector<16xi1> -> vector<16xf32>
    %reduce_sum3A_459 = vector.extract %reduce_sum3A_458[15] : f32 from vector<16xf32>
    %broadcast_in_dim3A_460 = vector.broadcast %reduce_sum3A_459 : f32 to vector<16xf32>
    %select_n3A_461 = arith.select %eq3A_453, %broadcast_in_dim3A_460, %select_n3A_450 : vector<16xi1>, vector<16xf32>
    %eq3A_462 = arith.constant 2 : i32
    %eq3A_463 = vector.broadcast %eq3A_462 : i32 to vector<16xi32>
    %eq3A_464 = arith.cmpi eq, %iota3A, %eq3A_463 : vector<16xi32>
    %get3A_465 = arith.constant 32 : index
    %get3A_466 = tpu.vector_load %arg33[%get3A_465] {strides = array<i32>} : memref<272xf32, #tpu.memory_space<vmem>>, vector<16xf32>,
    %reduce_sum3A_467 = arith.constant true
    %reduce_sum3A_468 = vector.broadcast %reduce_sum3A_467 : i1 to vector<16xi1>
    %reduce_sum3A_469 = tpu.scan <sum>, %get3A_466 masked %reduce_sum3A_468 : vector<16xf32>, vector<16xi1> -> vector<16xf32>
    %reduce_sum3A_470 = vector.extract %reduce_sum3A_469[15] : f32 from vector<16xf32>
    %broadcast_in_dim3A_471 = vector.broadcast %reduce_sum3A_470 : f32 to vector<16xf32>
    %select_n3A_472 = arith.select %eq3A_464, %broadcast_in_dim3A_471, %select_n3A_461 : vector<16xi1>, vector<16xf32>
    %eq3A_473 = arith.constant 3 : i32
    %eq3A_474 = vector.broadcast %eq3A_473 : i32 to vector<16xi32>
    %eq3A_475 = arith.cmpi eq, %iota3A, %eq3A_474 : vector<16xi32>
    %get3A_476 = arith.constant 48 : index
    %get3A_477 = tpu.vector_load %arg33[%get3A_476] {strides = array<i32>} : memref<272xf32, #tpu.memory_space<vmem>>, vector<16xf32>,
    %reduce_sum3A_478 = arith.constant true
    %reduce_sum3A_479 = vector.broadcast %reduce_sum3A_478 : i1 to vector<16xi1>
    %reduce_sum3A_480 = tpu.scan <sum>, %get3A_477 masked %reduce_sum3A_479 : vector<16xf32>, vector<16xi1> -> vector<16xf32>
    %reduce_sum3A_481 = vector.extract %reduce_sum3A_480[15] : f32 from vector<16xf32>
    %broadcast_in_dim3A_482 = vector.broadcast %reduce_sum3A_481 : f32 to vector<16xf32>
    %select_n3A_483 = arith.select %eq3A_475, %broadcast_in_dim3A_482, %select_n3A_472 : vector<16xi1>, vector<16xf32>
    %eq3A_484 = arith.constant 4 : i32
    %eq3A_485 = vector.broadcast %eq3A_484 : i32 to vector<16xi32>
    %eq3A_486 = arith.cmpi eq, %iota3A, %eq3A_485 : vector<16xi32>
    %get3A_487 = arith.constant 64 : index
    %get3A_488 = tpu.vector_load %arg33[%get3A_487] {strides = array<i32>} : memref<272xf32, #tpu.memory_space<vmem>>, vector<16xf32>,
    %reduce_sum3A_489 = arith.constant true
    %reduce_sum3A_490 = vector.broadcast %reduce_sum3A_489 : i1 to vector<16xi1>
    %reduce_sum3A_491 = tpu.scan <sum>, %get3A_488 masked %reduce_sum3A_490 : vector<16xf32>, vector<16xi1> -> vector<16xf32>
    %reduce_sum3A_492 = vector.extract %reduce_sum3A_491[15] : f32 from vector<16xf32>
    %broadcast_in_dim3A_493 = vector.broadcast %reduce_sum3A_492 : f32 to vector<16xf32>
    %select_n3A_494 = arith.select %eq3A_486, %broadcast_in_dim3A_493, %select_n3A_483 : vector<16xi1>, vector<16xf32>
    %eq3A_495 = arith.constant 5 : i32
    %eq3A_496 = vector.broadcast %eq3A_495 : i32 to vector<16xi32>
    %eq3A_497 = arith.cmpi eq, %iota3A, %eq3A_496 : vector<16xi32>
    %get3A_498 = arith.constant 80 : index
    %get3A_499 = tpu.vector_load %arg33[%get3A_498] {strides = array<i32>} : memref<272xf32, #tpu.memory_space<vmem>>, vector<16xf32>,
    %reduce_sum3A_500 = arith.constant true
    %reduce_sum3A_501 = vector.broadcast %reduce_sum3A_500 : i1 to vector<16xi1>
    %reduce_sum3A_502 = tpu.scan <sum>, %get3A_499 masked %reduce_sum3A_501 : vector<16xf32>, vector<16xi1> -> vector<16xf32>
    %reduce_sum3A_503 = vector.extract %reduce_sum3A_502[15] : f32 from vector<16xf32>
    %broadcast_in_dim3A_504 = vector.broadcast %reduce_sum3A_503 : f32 to vector<16xf32>
    %select_n3A_505 = arith.select %eq3A_497, %broadcast_in_dim3A_504, %select_n3A_494 : vector<16xi1>, vector<16xf32>
    %eq3A_506 = arith.constant 6 : i32
    %eq3A_507 = vector.broadcast %eq3A_506 : i32 to vector<16xi32>
    %eq3A_508 = arith.cmpi eq, %iota3A, %eq3A_507 : vector<16xi32>
    %get3A_509 = arith.constant 96 : index
    %get3A_510 = tpu.vector_load %arg33[%get3A_509] {strides = array<i32>} : memref<272xf32, #tpu.memory_space<vmem>>, vector<16xf32>,
    %reduce_sum3A_511 = arith.constant true
    %reduce_sum3A_512 = vector.broadcast %reduce_sum3A_511 : i1 to vector<16xi1>
    %reduce_sum3A_513 = tpu.scan <sum>, %get3A_510 masked %reduce_sum3A_512 : vector<16xf32>, vector<16xi1> -> vector<16xf32>
    %reduce_sum3A_514 = vector.extract %reduce_sum3A_513[15] : f32 from vector<16xf32>
    %broadcast_in_dim3A_515 = vector.broadcast %reduce_sum3A_514 : f32 to vector<16xf32>
    %select_n3A_516 = arith.select %eq3A_508, %broadcast_in_dim3A_515, %select_n3A_505 : vector<16xi1>, vector<16xf32>
    %eq3A_517 = arith.constant 7 : i32
    %eq3A_518 = vector.broadcast %eq3A_517 : i32 to vector<16xi32>
    %eq3A_519 = arith.cmpi eq, %iota3A, %eq3A_518 : vector<16xi32>
    %get3A_520 = arith.constant 112 : index
    %get3A_521 = tpu.vector_load %arg33[%get3A_520] {strides = array<i32>} : memref<272xf32, #tpu.memory_space<vmem>>, vector<16xf32>,
    %reduce_sum3A_522 = arith.constant true
    %reduce_sum3A_523 = vector.broadcast %reduce_sum3A_522 : i1 to vector<16xi1>
    %reduce_sum3A_524 = tpu.scan <sum>, %get3A_521 masked %reduce_sum3A_523 : vector<16xf32>, vector<16xi1> -> vector<16xf32>
    %reduce_sum3A_525 = vector.extract %reduce_sum3A_524[15] : f32 from vector<16xf32>
    %broadcast_in_dim3A_526 = vector.broadcast %reduce_sum3A_525 : f32 to vector<16xf32>
    %select_n3A_527 = arith.select %eq3A_519, %broadcast_in_dim3A_526, %select_n3A_516 : vector<16xi1>, vector<16xf32>
    %eq3A_528 = arith.constant 8 : i32
    %eq3A_529 = vector.broadcast %eq3A_528 : i32 to vector<16xi32>
    %eq3A_530 = arith.cmpi eq, %iota3A, %eq3A_529 : vector<16xi32>
    %get3A_531 = arith.constant 128 : index
    %get3A_532 = tpu.vector_load %arg33[%get3A_531] {strides = array<i32>} : memref<272xf32, #tpu.memory_space<vmem>>, vector<16xf32>,
    %reduce_sum3A_533 = arith.constant true
    %reduce_sum3A_534 = vector.broadcast %reduce_sum3A_533 : i1 to vector<16xi1>
    %reduce_sum3A_535 = tpu.scan <sum>, %get3A_532 masked %reduce_sum3A_534 : vector<16xf32>, vector<16xi1> -> vector<16xf32>
    %reduce_sum3A_536 = vector.extract %reduce_sum3A_535[15] : f32 from vector<16xf32>
    %broadcast_in_dim3A_537 = vector.broadcast %reduce_sum3A_536 : f32 to vector<16xf32>
    %select_n3A_538 = arith.select %eq3A_530, %broadcast_in_dim3A_537, %select_n3A_527 : vector<16xi1>, vector<16xf32>
    %eq3A_539 = arith.constant 9 : i32
    %eq3A_540 = vector.broadcast %eq3A_539 : i32 to vector<16xi32>
    %eq3A_541 = arith.cmpi eq, %iota3A, %eq3A_540 : vector<16xi32>
    %get3A_542 = arith.constant 144 : index
    %get3A_543 = tpu.vector_load %arg33[%get3A_542] {strides = array<i32>} : memref<272xf32, #tpu.memory_space<vmem>>, vector<16xf32>,
    %reduce_sum3A_544 = arith.constant true
    %reduce_sum3A_545 = vector.broadcast %reduce_sum3A_544 : i1 to vector<16xi1>
    %reduce_sum3A_546 = tpu.scan <sum>, %get3A_543 masked %reduce_sum3A_545 : vector<16xf32>, vector<16xi1> -> vector<16xf32>
    %reduce_sum3A_547 = vector.extract %reduce_sum3A_546[15] : f32 from vector<16xf32>
    %broadcast_in_dim3A_548 = vector.broadcast %reduce_sum3A_547 : f32 to vector<16xf32>
    %select_n3A_549 = arith.select %eq3A_541, %broadcast_in_dim3A_548, %select_n3A_538 : vector<16xi1>, vector<16xf32>
    %eq3A_550 = arith.constant 10 : i32
    %eq3A_551 = vector.broadcast %eq3A_550 : i32 to vector<16xi32>
    %eq3A_552 = arith.cmpi eq, %iota3A, %eq3A_551 : vector<16xi32>
    %get3A_553 = arith.constant 160 : index
    %get3A_554 = tpu.vector_load %arg33[%get3A_553] {strides = array<i32>} : memref<272xf32, #tpu.memory_space<vmem>>, vector<16xf32>,
    %reduce_sum3A_555 = arith.constant true
    %reduce_sum3A_556 = vector.broadcast %reduce_sum3A_555 : i1 to vector<16xi1>
    %reduce_sum3A_557 = tpu.scan <sum>, %get3A_554 masked %reduce_sum3A_556 : vector<16xf32>, vector<16xi1> -> vector<16xf32>
    %reduce_sum3A_558 = vector.extract %reduce_sum3A_557[15] : f32 from vector<16xf32>
    %broadcast_in_dim3A_559 = vector.broadcast %reduce_sum3A_558 : f32 to vector<16xf32>
    %select_n3A_560 = arith.select %eq3A_552, %broadcast_in_dim3A_559, %select_n3A_549 : vector<16xi1>, vector<16xf32>
    %eq3A_561 = arith.constant 11 : i32
    %eq3A_562 = vector.broadcast %eq3A_561 : i32 to vector<16xi32>
    %eq3A_563 = arith.cmpi eq, %iota3A, %eq3A_562 : vector<16xi32>
    %get3A_564 = arith.constant 176 : index
    %get3A_565 = tpu.vector_load %arg33[%get3A_564] {strides = array<i32>} : memref<272xf32, #tpu.memory_space<vmem>>, vector<16xf32>,
    %reduce_sum3A_566 = arith.constant true
    %reduce_sum3A_567 = vector.broadcast %reduce_sum3A_566 : i1 to vector<16xi1>
    %reduce_sum3A_568 = tpu.scan <sum>, %get3A_565 masked %reduce_sum3A_567 : vector<16xf32>, vector<16xi1> -> vector<16xf32>
    %reduce_sum3A_569 = vector.extract %reduce_sum3A_568[15] : f32 from vector<16xf32>
    %broadcast_in_dim3A_570 = vector.broadcast %reduce_sum3A_569 : f32 to vector<16xf32>
    %select_n3A_571 = arith.select %eq3A_563, %broadcast_in_dim3A_570, %select_n3A_560 : vector<16xi1>, vector<16xf32>
    %eq3A_572 = arith.constant 12 : i32
    %eq3A_573 = vector.broadcast %eq3A_572 : i32 to vector<16xi32>
    %eq3A_574 = arith.cmpi eq, %iota3A, %eq3A_573 : vector<16xi32>
    %get3A_575 = arith.constant 192 : index
    %get3A_576 = tpu.vector_load %arg33[%get3A_575] {strides = array<i32>} : memref<272xf32, #tpu.memory_space<vmem>>, vector<16xf32>,
    %reduce_sum3A_577 = arith.constant true
    %reduce_sum3A_578 = vector.broadcast %reduce_sum3A_577 : i1 to vector<16xi1>
    %reduce_sum3A_579 = tpu.scan <sum>, %get3A_576 masked %reduce_sum3A_578 : vector<16xf32>, vector<16xi1> -> vector<16xf32>
    %reduce_sum3A_580 = vector.extract %reduce_sum3A_579[15] : f32 from vector<16xf32>
    %broadcast_in_dim3A_581 = vector.broadcast %reduce_sum3A_580 : f32 to vector<16xf32>
    %select_n3A_582 = arith.select %eq3A_574, %broadcast_in_dim3A_581, %select_n3A_571 : vector<16xi1>, vector<16xf32>
    %eq3A_583 = arith.constant 13 : i32
    %eq3A_584 = vector.broadcast %eq3A_583 : i32 to vector<16xi32>
    %eq3A_585 = arith.cmpi eq, %iota3A, %eq3A_584 : vector<16xi32>
    %get3A_586 = arith.constant 208 : index
    %get3A_587 = tpu.vector_load %arg33[%get3A_586] {strides = array<i32>} : memref<272xf32, #tpu.memory_space<vmem>>, vector<16xf32>,
    %reduce_sum3A_588 = arith.constant true
    %reduce_sum3A_589 = vector.broadcast %reduce_sum3A_588 : i1 to vector<16xi1>
    %reduce_sum3A_590 = tpu.scan <sum>, %get3A_587 masked %reduce_sum3A_589 : vector<16xf32>, vector<16xi1> -> vector<16xf32>
    %reduce_sum3A_591 = vector.extract %reduce_sum3A_590[15] : f32 from vector<16xf32>
    %broadcast_in_dim3A_592 = vector.broadcast %reduce_sum3A_591 : f32 to vector<16xf32>
    %select_n3A_593 = arith.select %eq3A_585, %broadcast_in_dim3A_592, %select_n3A_582 : vector<16xi1>, vector<16xf32>
    %eq3A_594 = arith.constant 14 : i32
    %eq3A_595 = vector.broadcast %eq3A_594 : i32 to vector<16xi32>
    %eq3A_596 = arith.cmpi eq, %iota3A, %eq3A_595 : vector<16xi32>
    %get3A_597 = arith.constant 224 : index
    %get3A_598 = tpu.vector_load %arg33[%get3A_597] {strides = array<i32>} : memref<272xf32, #tpu.memory_space<vmem>>, vector<16xf32>,
    %reduce_sum3A_599 = arith.constant true
    %reduce_sum3A_600 = vector.broadcast %reduce_sum3A_599 : i1 to vector<16xi1>
    %reduce_sum3A_601 = tpu.scan <sum>, %get3A_598 masked %reduce_sum3A_600 : vector<16xf32>, vector<16xi1> -> vector<16xf32>
    %reduce_sum3A_602 = vector.extract %reduce_sum3A_601[15] : f32 from vector<16xf32>
    %broadcast_in_dim3A_603 = vector.broadcast %reduce_sum3A_602 : f32 to vector<16xf32>
    %select_n3A_604 = arith.select %eq3A_596, %broadcast_in_dim3A_603, %select_n3A_593 : vector<16xi1>, vector<16xf32>
    %eq3A_605 = arith.constant 15 : i32
    %eq3A_606 = vector.broadcast %eq3A_605 : i32 to vector<16xi32>
    %eq3A_607 = arith.cmpi eq, %iota3A, %eq3A_606 : vector<16xi32>
    %get3A_608 = arith.constant 240 : index
    %get3A_609 = tpu.vector_load %arg33[%get3A_608] {strides = array<i32>} : memref<272xf32, #tpu.memory_space<vmem>>, vector<16xf32>,
    %reduce_sum3A_610 = arith.constant true
    %reduce_sum3A_611 = vector.broadcast %reduce_sum3A_610 : i1 to vector<16xi1>
    %reduce_sum3A_612 = tpu.scan <sum>, %get3A_609 masked %reduce_sum3A_611 : vector<16xf32>, vector<16xi1> -> vector<16xf32>
    %reduce_sum3A_613 = vector.extract %reduce_sum3A_612[15] : f32 from vector<16xf32>
    %broadcast_in_dim3A_614 = vector.broadcast %reduce_sum3A_613 : f32 to vector<16xf32>
    %select_n3A_615 = arith.select %eq3A_607, %broadcast_in_dim3A_614, %select_n3A_604 : vector<16xi1>, vector<16xf32>
    %swap3A_616 = arith.constant 0 : index
    %swap3A_617 = tpu.vector_load %arg36[%swap3A_616] {strides = array<i32>} : memref<192xf32, #tpu.memory_space<vmem>>, vector<16xf32>,
    tpu.vector_store %arg36[%swap3A_616], %select_n3A_615 {strides = array<i32>} : memref<192xf32, #tpu.memory_space<vmem>>, vector<16xf32>,
    %broadcast_in_dim3A_618 = arith.constant 0.000000e+00 : f32
    %broadcast_in_dim3A_619 = vector.broadcast %broadcast_in_dim3A_618 : f32 to vector<16xf32>
    %eq3A_620 = arith.constant 0 : i32
    %eq3A_621 = vector.broadcast %eq3A_620 : i32 to vector<16xi32>
    %eq3A_622 = arith.cmpi eq, %iota3A, %eq3A_621 : vector<16xi32>
    %get3A_623 = arith.constant 0 : index
    %get3A_624 = tpu.vector_load %arg34[%get3A_623] {strides = array<i32>} : memref<272xf32, #tpu.memory_space<vmem>>, vector<16xf32>,
    %reduce_sum3A_625 = arith.constant true
    %reduce_sum3A_626 = vector.broadcast %reduce_sum3A_625 : i1 to vector<16xi1>
    %reduce_sum3A_627 = tpu.scan <sum>, %get3A_624 masked %reduce_sum3A_626 : vector<16xf32>, vector<16xi1> -> vector<16xf32>
    %reduce_sum3A_628 = vector.extract %reduce_sum3A_627[15] : f32 from vector<16xf32>
    %broadcast_in_dim3A_629 = vector.broadcast %reduce_sum3A_628 : f32 to vector<16xf32>
    %select_n3A_630 = arith.select %eq3A_622, %broadcast_in_dim3A_629, %broadcast_in_dim3A_619 : vector<16xi1>, vector<16xf32>
    %eq3A_631 = arith.constant 1 : i32
    %eq3A_632 = vector.broadcast %eq3A_631 : i32 to vector<16xi32>
    %eq3A_633 = arith.cmpi eq, %iota3A, %eq3A_632 : vector<16xi32>
    %get3A_634 = arith.constant 16 : index
    %get3A_635 = tpu.vector_load %arg34[%get3A_634] {strides = array<i32>} : memref<272xf32, #tpu.memory_space<vmem>>, vector<16xf32>,
    %reduce_sum3A_636 = arith.constant true
    %reduce_sum3A_637 = vector.broadcast %reduce_sum3A_636 : i1 to vector<16xi1>
    %reduce_sum3A_638 = tpu.scan <sum>, %get3A_635 masked %reduce_sum3A_637 : vector<16xf32>, vector<16xi1> -> vector<16xf32>
    %reduce_sum3A_639 = vector.extract %reduce_sum3A_638[15] : f32 from vector<16xf32>
    %broadcast_in_dim3A_640 = vector.broadcast %reduce_sum3A_639 : f32 to vector<16xf32>
    %select_n3A_641 = arith.select %eq3A_633, %broadcast_in_dim3A_640, %select_n3A_630 : vector<16xi1>, vector<16xf32>
    %eq3A_642 = arith.constant 2 : i32
    %eq3A_643 = vector.broadcast %eq3A_642 : i32 to vector<16xi32>
    %eq3A_644 = arith.cmpi eq, %iota3A, %eq3A_643 : vector<16xi32>
    %get3A_645 = arith.constant 32 : index
    %get3A_646 = tpu.vector_load %arg34[%get3A_645] {strides = array<i32>} : memref<272xf32, #tpu.memory_space<vmem>>, vector<16xf32>,
    %reduce_sum3A_647 = arith.constant true
    %reduce_sum3A_648 = vector.broadcast %reduce_sum3A_647 : i1 to vector<16xi1>
    %reduce_sum3A_649 = tpu.scan <sum>, %get3A_646 masked %reduce_sum3A_648 : vector<16xf32>, vector<16xi1> -> vector<16xf32>
    %reduce_sum3A_650 = vector.extract %reduce_sum3A_649[15] : f32 from vector<16xf32>
    %broadcast_in_dim3A_651 = vector.broadcast %reduce_sum3A_650 : f32 to vector<16xf32>
    %select_n3A_652 = arith.select %eq3A_644, %broadcast_in_dim3A_651, %select_n3A_641 : vector<16xi1>, vector<16xf32>
    %eq3A_653 = arith.constant 3 : i32
    %eq3A_654 = vector.broadcast %eq3A_653 : i32 to vector<16xi32>
    %eq3A_655 = arith.cmpi eq, %iota3A, %eq3A_654 : vector<16xi32>
    %get3A_656 = arith.constant 48 : index
    %get3A_657 = tpu.vector_load %arg34[%get3A_656] {strides = array<i32>} : memref<272xf32, #tpu.memory_space<vmem>>, vector<16xf32>,
    %reduce_sum3A_658 = arith.constant true
    %reduce_sum3A_659 = vector.broadcast %reduce_sum3A_658 : i1 to vector<16xi1>
    %reduce_sum3A_660 = tpu.scan <sum>, %get3A_657 masked %reduce_sum3A_659 : vector<16xf32>, vector<16xi1> -> vector<16xf32>
    %reduce_sum3A_661 = vector.extract %reduce_sum3A_660[15] : f32 from vector<16xf32>
    %broadcast_in_dim3A_662 = vector.broadcast %reduce_sum3A_661 : f32 to vector<16xf32>
    %select_n3A_663 = arith.select %eq3A_655, %broadcast_in_dim3A_662, %select_n3A_652 : vector<16xi1>, vector<16xf32>
    %eq3A_664 = arith.constant 4 : i32
    %eq3A_665 = vector.broadcast %eq3A_664 : i32 to vector<16xi32>
    %eq3A_666 = arith.cmpi eq, %iota3A, %eq3A_665 : vector<16xi32>
    %get3A_667 = arith.constant 64 : index
    %get3A_668 = tpu.vector_load %arg34[%get3A_667] {strides = array<i32>} : memref<272xf32, #tpu.memory_space<vmem>>, vector<16xf32>,
    %reduce_sum3A_669 = arith.constant true
    %reduce_sum3A_670 = vector.broadcast %reduce_sum3A_669 : i1 to vector<16xi1>
    %reduce_sum3A_671 = tpu.scan <sum>, %get3A_668 masked %reduce_sum3A_670 : vector<16xf32>, vector<16xi1> -> vector<16xf32>
    %reduce_sum3A_672 = vector.extract %reduce_sum3A_671[15] : f32 from vector<16xf32>
    %broadcast_in_dim3A_673 = vector.broadcast %reduce_sum3A_672 : f32 to vector<16xf32>
    %select_n3A_674 = arith.select %eq3A_666, %broadcast_in_dim3A_673, %select_n3A_663 : vector<16xi1>, vector<16xf32>
    %eq3A_675 = arith.constant 5 : i32
    %eq3A_676 = vector.broadcast %eq3A_675 : i32 to vector<16xi32>
    %eq3A_677 = arith.cmpi eq, %iota3A, %eq3A_676 : vector<16xi32>
    %get3A_678 = arith.constant 80 : index
    %get3A_679 = tpu.vector_load %arg34[%get3A_678] {strides = array<i32>} : memref<272xf32, #tpu.memory_space<vmem>>, vector<16xf32>,
    %reduce_sum3A_680 = arith.constant true
    %reduce_sum3A_681 = vector.broadcast %reduce_sum3A_680 : i1 to vector<16xi1>
    %reduce_sum3A_682 = tpu.scan <sum>, %get3A_679 masked %reduce_sum3A_681 : vector<16xf32>, vector<16xi1> -> vector<16xf32>
    %reduce_sum3A_683 = vector.extract %reduce_sum3A_682[15] : f32 from vector<16xf32>
    %broadcast_in_dim3A_684 = vector.broadcast %reduce_sum3A_683 : f32 to vector<16xf32>
    %select_n3A_685 = arith.select %eq3A_677, %broadcast_in_dim3A_684, %select_n3A_674 : vector<16xi1>, vector<16xf32>
    %eq3A_686 = arith.constant 6 : i32
    %eq3A_687 = vector.broadcast %eq3A_686 : i32 to vector<16xi32>
    %eq3A_688 = arith.cmpi eq, %iota3A, %eq3A_687 : vector<16xi32>
    %get3A_689 = arith.constant 96 : index
    %get3A_690 = tpu.vector_load %arg34[%get3A_689] {strides = array<i32>} : memref<272xf32, #tpu.memory_space<vmem>>, vector<16xf32>,
    %reduce_sum3A_691 = arith.constant true
    %reduce_sum3A_692 = vector.broadcast %reduce_sum3A_691 : i1 to vector<16xi1>
    %reduce_sum3A_693 = tpu.scan <sum>, %get3A_690 masked %reduce_sum3A_692 : vector<16xf32>, vector<16xi1> -> vector<16xf32>
    %reduce_sum3A_694 = vector.extract %reduce_sum3A_693[15] : f32 from vector<16xf32>
    %broadcast_in_dim3A_695 = vector.broadcast %reduce_sum3A_694 : f32 to vector<16xf32>
    %select_n3A_696 = arith.select %eq3A_688, %broadcast_in_dim3A_695, %select_n3A_685 : vector<16xi1>, vector<16xf32>
    %eq3A_697 = arith.constant 7 : i32
    %eq3A_698 = vector.broadcast %eq3A_697 : i32 to vector<16xi32>
    %eq3A_699 = arith.cmpi eq, %iota3A, %eq3A_698 : vector<16xi32>
    %get3A_700 = arith.constant 112 : index
    %get3A_701 = tpu.vector_load %arg34[%get3A_700] {strides = array<i32>} : memref<272xf32, #tpu.memory_space<vmem>>, vector<16xf32>,
    %reduce_sum3A_702 = arith.constant true
    %reduce_sum3A_703 = vector.broadcast %reduce_sum3A_702 : i1 to vector<16xi1>
    %reduce_sum3A_704 = tpu.scan <sum>, %get3A_701 masked %reduce_sum3A_703 : vector<16xf32>, vector<16xi1> -> vector<16xf32>
    %reduce_sum3A_705 = vector.extract %reduce_sum3A_704[15] : f32 from vector<16xf32>
    %broadcast_in_dim3A_706 = vector.broadcast %reduce_sum3A_705 : f32 to vector<16xf32>
    %select_n3A_707 = arith.select %eq3A_699, %broadcast_in_dim3A_706, %select_n3A_696 : vector<16xi1>, vector<16xf32>
    %eq3A_708 = arith.constant 8 : i32
    %eq3A_709 = vector.broadcast %eq3A_708 : i32 to vector<16xi32>
    %eq3A_710 = arith.cmpi eq, %iota3A, %eq3A_709 : vector<16xi32>
    %get3A_711 = arith.constant 128 : index
    %get3A_712 = tpu.vector_load %arg34[%get3A_711] {strides = array<i32>} : memref<272xf32, #tpu.memory_space<vmem>>, vector<16xf32>,
    %reduce_sum3A_713 = arith.constant true
    %reduce_sum3A_714 = vector.broadcast %reduce_sum3A_713 : i1 to vector<16xi1>
    %reduce_sum3A_715 = tpu.scan <sum>, %get3A_712 masked %reduce_sum3A_714 : vector<16xf32>, vector<16xi1> -> vector<16xf32>
    %reduce_sum3A_716 = vector.extract %reduce_sum3A_715[15] : f32 from vector<16xf32>
    %broadcast_in_dim3A_717 = vector.broadcast %reduce_sum3A_716 : f32 to vector<16xf32>
    %select_n3A_718 = arith.select %eq3A_710, %broadcast_in_dim3A_717, %select_n3A_707 : vector<16xi1>, vector<16xf32>
    %eq3A_719 = arith.constant 9 : i32
    %eq3A_720 = vector.broadcast %eq3A_719 : i32 to vector<16xi32>
    %eq3A_721 = arith.cmpi eq, %iota3A, %eq3A_720 : vector<16xi32>
    %get3A_722 = arith.constant 144 : index
    %get3A_723 = tpu.vector_load %arg34[%get3A_722] {strides = array<i32>} : memref<272xf32, #tpu.memory_space<vmem>>, vector<16xf32>,
    %reduce_sum3A_724 = arith.constant true
    %reduce_sum3A_725 = vector.broadcast %reduce_sum3A_724 : i1 to vector<16xi1>
    %reduce_sum3A_726 = tpu.scan <sum>, %get3A_723 masked %reduce_sum3A_725 : vector<16xf32>, vector<16xi1> -> vector<16xf32>
    %reduce_sum3A_727 = vector.extract %reduce_sum3A_726[15] : f32 from vector<16xf32>
    %broadcast_in_dim3A_728 = vector.broadcast %reduce_sum3A_727 : f32 to vector<16xf32>
    %select_n3A_729 = arith.select %eq3A_721, %broadcast_in_dim3A_728, %select_n3A_718 : vector<16xi1>, vector<16xf32>
    %eq3A_730 = arith.constant 10 : i32
    %eq3A_731 = vector.broadcast %eq3A_730 : i32 to vector<16xi32>
    %eq3A_732 = arith.cmpi eq, %iota3A, %eq3A_731 : vector<16xi32>
    %get3A_733 = arith.constant 160 : index
    %get3A_734 = tpu.vector_load %arg34[%get3A_733] {strides = array<i32>} : memref<272xf32, #tpu.memory_space<vmem>>, vector<16xf32>,
    %reduce_sum3A_735 = arith.constant true
    %reduce_sum3A_736 = vector.broadcast %reduce_sum3A_735 : i1 to vector<16xi1>
    %reduce_sum3A_737 = tpu.scan <sum>, %get3A_734 masked %reduce_sum3A_736 : vector<16xf32>, vector<16xi1> -> vector<16xf32>
    %reduce_sum3A_738 = vector.extract %reduce_sum3A_737[15] : f32 from vector<16xf32>
    %broadcast_in_dim3A_739 = vector.broadcast %reduce_sum3A_738 : f32 to vector<16xf32>
    %select_n3A_740 = arith.select %eq3A_732, %broadcast_in_dim3A_739, %select_n3A_729 : vector<16xi1>, vector<16xf32>
    %eq3A_741 = arith.constant 11 : i32
    %eq3A_742 = vector.broadcast %eq3A_741 : i32 to vector<16xi32>
    %eq3A_743 = arith.cmpi eq, %iota3A, %eq3A_742 : vector<16xi32>
    %get3A_744 = arith.constant 176 : index
    %get3A_745 = tpu.vector_load %arg34[%get3A_744] {strides = array<i32>} : memref<272xf32, #tpu.memory_space<vmem>>, vector<16xf32>,
    %reduce_sum3A_746 = arith.constant true
    %reduce_sum3A_747 = vector.broadcast %reduce_sum3A_746 : i1 to vector<16xi1>
    %reduce_sum3A_748 = tpu.scan <sum>, %get3A_745 masked %reduce_sum3A_747 : vector<16xf32>, vector<16xi1> -> vector<16xf32>
    %reduce_sum3A_749 = vector.extract %reduce_sum3A_748[15] : f32 from vector<16xf32>
    %broadcast_in_dim3A_750 = vector.broadcast %reduce_sum3A_749 : f32 to vector<16xf32>
    %select_n3A_751 = arith.select %eq3A_743, %broadcast_in_dim3A_750, %select_n3A_740 : vector<16xi1>, vector<16xf32>
    %eq3A_752 = arith.constant 12 : i32
    %eq3A_753 = vector.broadcast %eq3A_752 : i32 to vector<16xi32>
    %eq3A_754 = arith.cmpi eq, %iota3A, %eq3A_753 : vector<16xi32>
    %get3A_755 = arith.constant 192 : index
    %get3A_756 = tpu.vector_load %arg34[%get3A_755] {strides = array<i32>} : memref<272xf32, #tpu.memory_space<vmem>>, vector<16xf32>,
    %reduce_sum3A_757 = arith.constant true
    %reduce_sum3A_758 = vector.broadcast %reduce_sum3A_757 : i1 to vector<16xi1>
    %reduce_sum3A_759 = tpu.scan <sum>, %get3A_756 masked %reduce_sum3A_758 : vector<16xf32>, vector<16xi1> -> vector<16xf32>
    %reduce_sum3A_760 = vector.extract %reduce_sum3A_759[15] : f32 from vector<16xf32>
    %broadcast_in_dim3A_761 = vector.broadcast %reduce_sum3A_760 : f32 to vector<16xf32>
    %select_n3A_762 = arith.select %eq3A_754, %broadcast_in_dim3A_761, %select_n3A_751 : vector<16xi1>, vector<16xf32>
    %eq3A_763 = arith.constant 13 : i32
    %eq3A_764 = vector.broadcast %eq3A_763 : i32 to vector<16xi32>
    %eq3A_765 = arith.cmpi eq, %iota3A, %eq3A_764 : vector<16xi32>
    %get3A_766 = arith.constant 208 : index
    %get3A_767 = tpu.vector_load %arg34[%get3A_766] {strides = array<i32>} : memref<272xf32, #tpu.memory_space<vmem>>, vector<16xf32>,
    %reduce_sum3A_768 = arith.constant true
    %reduce_sum3A_769 = vector.broadcast %reduce_sum3A_768 : i1 to vector<16xi1>
    %reduce_sum3A_770 = tpu.scan <sum>, %get3A_767 masked %reduce_sum3A_769 : vector<16xf32>, vector<16xi1> -> vector<16xf32>
    %reduce_sum3A_771 = vector.extract %reduce_sum3A_770[15] : f32 from vector<16xf32>
    %broadcast_in_dim3A_772 = vector.broadcast %reduce_sum3A_771 : f32 to vector<16xf32>
    %select_n3A_773 = arith.select %eq3A_765, %broadcast_in_dim3A_772, %select_n3A_762 : vector<16xi1>, vector<16xf32>
    %eq3A_774 = arith.constant 14 : i32
    %eq3A_775 = vector.broadcast %eq3A_774 : i32 to vector<16xi32>
    %eq3A_776 = arith.cmpi eq, %iota3A, %eq3A_775 : vector<16xi32>
    %get3A_777 = arith.constant 224 : index
    %get3A_778 = tpu.vector_load %arg34[%get3A_777] {strides = array<i32>} : memref<272xf32, #tpu.memory_space<vmem>>, vector<16xf32>,
    %reduce_sum3A_779 = arith.constant true
    %reduce_sum3A_780 = vector.broadcast %reduce_sum3A_779 : i1 to vector<16xi1>
    %reduce_sum3A_781 = tpu.scan <sum>, %get3A_778 masked %reduce_sum3A_780 : vector<16xf32>, vector<16xi1> -> vector<16xf32>
    %reduce_sum3A_782 = vector.extract %reduce_sum3A_781[15] : f32 from vector<16xf32>
    %broadcast_in_dim3A_783 = vector.broadcast %reduce_sum3A_782 : f32 to vector<16xf32>
    %select_n3A_784 = arith.select %eq3A_776, %broadcast_in_dim3A_783, %select_n3A_773 : vector<16xi1>, vector<16xf32>
    %eq3A_785 = arith.constant 15 : i32
    %eq3A_786 = vector.broadcast %eq3A_785 : i32 to vector<16xi32>
    %eq3A_787 = arith.cmpi eq, %iota3A, %eq3A_786 : vector<16xi32>
    %get3A_788 = arith.constant 240 : index
    %get3A_789 = tpu.vector_load %arg34[%get3A_788] {strides = array<i32>} : memref<272xf32, #tpu.memory_space<vmem>>, vector<16xf32>,
    %reduce_sum3A_790 = arith.constant true
    %reduce_sum3A_791 = vector.broadcast %reduce_sum3A_790 : i1 to vector<16xi1>
    %reduce_sum3A_792 = tpu.scan <sum>, %get3A_789 masked %reduce_sum3A_791 : vector<16xf32>, vector<16xi1> -> vector<16xf32>
    %reduce_sum3A_793 = vector.extract %reduce_sum3A_792[15] : f32 from vector<16xf32>
    %broadcast_in_dim3A_794 = vector.broadcast %reduce_sum3A_793 : f32 to vector<16xf32>
    %select_n3A_795 = arith.select %eq3A_787, %broadcast_in_dim3A_794, %select_n3A_784 : vector<16xi1>, vector<16xf32>
    %swap3A_796 = arith.constant 64 : index
    %swap3A_797 = tpu.vector_load %arg36[%swap3A_796] {strides = array<i32>} : memref<192xf32, #tpu.memory_space<vmem>>, vector<16xf32>,
    tpu.vector_store %arg36[%swap3A_796], %select_n3A_795 {strides = array<i32>} : memref<192xf32, #tpu.memory_space<vmem>>, vector<16xf32>,
    %broadcast_in_dim3A_798 = arith.constant 0.000000e+00 : f32
    %broadcast_in_dim3A_799 = vector.broadcast %broadcast_in_dim3A_798 : f32 to vector<16xf32>
    %eq3A_800 = arith.constant 0 : i32
    %eq3A_801 = vector.broadcast %eq3A_800 : i32 to vector<16xi32>
    %eq3A_802 = arith.cmpi eq, %iota3A, %eq3A_801 : vector<16xi32>
    %get3A_803 = arith.constant 0 : index
    %get3A_804 = tpu.vector_load %arg35[%get3A_803] {strides = array<i32>} : memref<272xf32, #tpu.memory_space<vmem>>, vector<16xf32>,
    %reduce_sum3A_805 = arith.constant true
    %reduce_sum3A_806 = vector.broadcast %reduce_sum3A_805 : i1 to vector<16xi1>
    %reduce_sum3A_807 = tpu.scan <sum>, %get3A_804 masked %reduce_sum3A_806 : vector<16xf32>, vector<16xi1> -> vector<16xf32>
    %reduce_sum3A_808 = vector.extract %reduce_sum3A_807[15] : f32 from vector<16xf32>
    %broadcast_in_dim3A_809 = vector.broadcast %reduce_sum3A_808 : f32 to vector<16xf32>
    %select_n3A_810 = arith.select %eq3A_802, %broadcast_in_dim3A_809, %broadcast_in_dim3A_799 : vector<16xi1>, vector<16xf32>
    %eq3A_811 = arith.constant 1 : i32
    %eq3A_812 = vector.broadcast %eq3A_811 : i32 to vector<16xi32>
    %eq3A_813 = arith.cmpi eq, %iota3A, %eq3A_812 : vector<16xi32>
    %get3A_814 = arith.constant 16 : index
    %get3A_815 = tpu.vector_load %arg35[%get3A_814] {strides = array<i32>} : memref<272xf32, #tpu.memory_space<vmem>>, vector<16xf32>,
    %reduce_sum3A_816 = arith.constant true
    %reduce_sum3A_817 = vector.broadcast %reduce_sum3A_816 : i1 to vector<16xi1>
    %reduce_sum3A_818 = tpu.scan <sum>, %get3A_815 masked %reduce_sum3A_817 : vector<16xf32>, vector<16xi1> -> vector<16xf32>
    %reduce_sum3A_819 = vector.extract %reduce_sum3A_818[15] : f32 from vector<16xf32>
    %broadcast_in_dim3A_820 = vector.broadcast %reduce_sum3A_819 : f32 to vector<16xf32>
    %select_n3A_821 = arith.select %eq3A_813, %broadcast_in_dim3A_820, %select_n3A_810 : vector<16xi1>, vector<16xf32>
    %eq3A_822 = arith.constant 2 : i32
    %eq3A_823 = vector.broadcast %eq3A_822 : i32 to vector<16xi32>
    %eq3A_824 = arith.cmpi eq, %iota3A, %eq3A_823 : vector<16xi32>
    %get3A_825 = arith.constant 32 : index
    %get3A_826 = tpu.vector_load %arg35[%get3A_825] {strides = array<i32>} : memref<272xf32, #tpu.memory_space<vmem>>, vector<16xf32>,
    %reduce_sum3A_827 = arith.constant true
    %reduce_sum3A_828 = vector.broadcast %reduce_sum3A_827 : i1 to vector<16xi1>
    %reduce_sum3A_829 = tpu.scan <sum>, %get3A_826 masked %reduce_sum3A_828 : vector<16xf32>, vector<16xi1> -> vector<16xf32>
    %reduce_sum3A_830 = vector.extract %reduce_sum3A_829[15] : f32 from vector<16xf32>
    %broadcast_in_dim3A_831 = vector.broadcast %reduce_sum3A_830 : f32 to vector<16xf32>
    %select_n3A_832 = arith.select %eq3A_824, %broadcast_in_dim3A_831, %select_n3A_821 : vector<16xi1>, vector<16xf32>
    %eq3A_833 = arith.constant 3 : i32
    %eq3A_834 = vector.broadcast %eq3A_833 : i32 to vector<16xi32>
    %eq3A_835 = arith.cmpi eq, %iota3A, %eq3A_834 : vector<16xi32>
    %get3A_836 = arith.constant 48 : index
    %get3A_837 = tpu.vector_load %arg35[%get3A_836] {strides = array<i32>} : memref<272xf32, #tpu.memory_space<vmem>>, vector<16xf32>,
    %reduce_sum3A_838 = arith.constant true
    %reduce_sum3A_839 = vector.broadcast %reduce_sum3A_838 : i1 to vector<16xi1>
    %reduce_sum3A_840 = tpu.scan <sum>, %get3A_837 masked %reduce_sum3A_839 : vector<16xf32>, vector<16xi1> -> vector<16xf32>
    %reduce_sum3A_841 = vector.extract %reduce_sum3A_840[15] : f32 from vector<16xf32>
    %broadcast_in_dim3A_842 = vector.broadcast %reduce_sum3A_841 : f32 to vector<16xf32>
    %select_n3A_843 = arith.select %eq3A_835, %broadcast_in_dim3A_842, %select_n3A_832 : vector<16xi1>, vector<16xf32>
    %eq3A_844 = arith.constant 4 : i32
    %eq3A_845 = vector.broadcast %eq3A_844 : i32 to vector<16xi32>
    %eq3A_846 = arith.cmpi eq, %iota3A, %eq3A_845 : vector<16xi32>
    %get3A_847 = arith.constant 64 : index
    %get3A_848 = tpu.vector_load %arg35[%get3A_847] {strides = array<i32>} : memref<272xf32, #tpu.memory_space<vmem>>, vector<16xf32>,
    %reduce_sum3A_849 = arith.constant true
    %reduce_sum3A_850 = vector.broadcast %reduce_sum3A_849 : i1 to vector<16xi1>
    %reduce_sum3A_851 = tpu.scan <sum>, %get3A_848 masked %reduce_sum3A_850 : vector<16xf32>, vector<16xi1> -> vector<16xf32>
    %reduce_sum3A_852 = vector.extract %reduce_sum3A_851[15] : f32 from vector<16xf32>
    %broadcast_in_dim3A_853 = vector.broadcast %reduce_sum3A_852 : f32 to vector<16xf32>
    %select_n3A_854 = arith.select %eq3A_846, %broadcast_in_dim3A_853, %select_n3A_843 : vector<16xi1>, vector<16xf32>
    %eq3A_855 = arith.constant 5 : i32
    %eq3A_856 = vector.broadcast %eq3A_855 : i32 to vector<16xi32>
    %eq3A_857 = arith.cmpi eq, %iota3A, %eq3A_856 : vector<16xi32>
    %get3A_858 = arith.constant 80 : index
    %get3A_859 = tpu.vector_load %arg35[%get3A_858] {strides = array<i32>} : memref<272xf32, #tpu.memory_space<vmem>>, vector<16xf32>,
    %reduce_sum3A_860 = arith.constant true
    %reduce_sum3A_861 = vector.broadcast %reduce_sum3A_860 : i1 to vector<16xi1>
    %reduce_sum3A_862 = tpu.scan <sum>, %get3A_859 masked %reduce_sum3A_861 : vector<16xf32>, vector<16xi1> -> vector<16xf32>
    %reduce_sum3A_863 = vector.extract %reduce_sum3A_862[15] : f32 from vector<16xf32>
    %broadcast_in_dim3A_864 = vector.broadcast %reduce_sum3A_863 : f32 to vector<16xf32>
    %select_n3A_865 = arith.select %eq3A_857, %broadcast_in_dim3A_864, %select_n3A_854 : vector<16xi1>, vector<16xf32>
    %eq3A_866 = arith.constant 6 : i32
    %eq3A_867 = vector.broadcast %eq3A_866 : i32 to vector<16xi32>
    %eq3A_868 = arith.cmpi eq, %iota3A, %eq3A_867 : vector<16xi32>
    %get3A_869 = arith.constant 96 : index
    %get3A_870 = tpu.vector_load %arg35[%get3A_869] {strides = array<i32>} : memref<272xf32, #tpu.memory_space<vmem>>, vector<16xf32>,
    %reduce_sum3A_871 = arith.constant true
    %reduce_sum3A_872 = vector.broadcast %reduce_sum3A_871 : i1 to vector<16xi1>
    %reduce_sum3A_873 = tpu.scan <sum>, %get3A_870 masked %reduce_sum3A_872 : vector<16xf32>, vector<16xi1> -> vector<16xf32>
    %reduce_sum3A_874 = vector.extract %reduce_sum3A_873[15] : f32 from vector<16xf32>
    %broadcast_in_dim3A_875 = vector.broadcast %reduce_sum3A_874 : f32 to vector<16xf32>
    %select_n3A_876 = arith.select %eq3A_868, %broadcast_in_dim3A_875, %select_n3A_865 : vector<16xi1>, vector<16xf32>
    %eq3A_877 = arith.constant 7 : i32
    %eq3A_878 = vector.broadcast %eq3A_877 : i32 to vector<16xi32>
    %eq3A_879 = arith.cmpi eq, %iota3A, %eq3A_878 : vector<16xi32>
    %get3A_880 = arith.constant 112 : index
    %get3A_881 = tpu.vector_load %arg35[%get3A_880] {strides = array<i32>} : memref<272xf32, #tpu.memory_space<vmem>>, vector<16xf32>,
    %reduce_sum3A_882 = arith.constant true
    %reduce_sum3A_883 = vector.broadcast %reduce_sum3A_882 : i1 to vector<16xi1>
    %reduce_sum3A_884 = tpu.scan <sum>, %get3A_881 masked %reduce_sum3A_883 : vector<16xf32>, vector<16xi1> -> vector<16xf32>
    %reduce_sum3A_885 = vector.extract %reduce_sum3A_884[15] : f32 from vector<16xf32>
    %broadcast_in_dim3A_886 = vector.broadcast %reduce_sum3A_885 : f32 to vector<16xf32>
    %select_n3A_887 = arith.select %eq3A_879, %broadcast_in_dim3A_886, %select_n3A_876 : vector<16xi1>, vector<16xf32>
    %eq3A_888 = arith.constant 8 : i32
    %eq3A_889 = vector.broadcast %eq3A_888 : i32 to vector<16xi32>
    %eq3A_890 = arith.cmpi eq, %iota3A, %eq3A_889 : vector<16xi32>
    %get3A_891 = arith.constant 128 : index
    %get3A_892 = tpu.vector_load %arg35[%get3A_891] {strides = array<i32>} : memref<272xf32, #tpu.memory_space<vmem>>, vector<16xf32>,
    %reduce_sum3A_893 = arith.constant true
    %reduce_sum3A_894 = vector.broadcast %reduce_sum3A_893 : i1 to vector<16xi1>
    %reduce_sum3A_895 = tpu.scan <sum>, %get3A_892 masked %reduce_sum3A_894 : vector<16xf32>, vector<16xi1> -> vector<16xf32>
    %reduce_sum3A_896 = vector.extract %reduce_sum3A_895[15] : f32 from vector<16xf32>
    %broadcast_in_dim3A_897 = vector.broadcast %reduce_sum3A_896 : f32 to vector<16xf32>
    %select_n3A_898 = arith.select %eq3A_890, %broadcast_in_dim3A_897, %select_n3A_887 : vector<16xi1>, vector<16xf32>
    %eq3A_899 = arith.constant 9 : i32
    %eq3A_900 = vector.broadcast %eq3A_899 : i32 to vector<16xi32>
    %eq3A_901 = arith.cmpi eq, %iota3A, %eq3A_900 : vector<16xi32>
    %get3A_902 = arith.constant 144 : index
    %get3A_903 = tpu.vector_load %arg35[%get3A_902] {strides = array<i32>} : memref<272xf32, #tpu.memory_space<vmem>>, vector<16xf32>,
    %reduce_sum3A_904 = arith.constant true
    %reduce_sum3A_905 = vector.broadcast %reduce_sum3A_904 : i1 to vector<16xi1>
    %reduce_sum3A_906 = tpu.scan <sum>, %get3A_903 masked %reduce_sum3A_905 : vector<16xf32>, vector<16xi1> -> vector<16xf32>
    %reduce_sum3A_907 = vector.extract %reduce_sum3A_906[15] : f32 from vector<16xf32>
    %broadcast_in_dim3A_908 = vector.broadcast %reduce_sum3A_907 : f32 to vector<16xf32>
    %select_n3A_909 = arith.select %eq3A_901, %broadcast_in_dim3A_908, %select_n3A_898 : vector<16xi1>, vector<16xf32>
    %eq3A_910 = arith.constant 10 : i32
    %eq3A_911 = vector.broadcast %eq3A_910 : i32 to vector<16xi32>
    %eq3A_912 = arith.cmpi eq, %iota3A, %eq3A_911 : vector<16xi32>
    %get3A_913 = arith.constant 160 : index
    %get3A_914 = tpu.vector_load %arg35[%get3A_913] {strides = array<i32>} : memref<272xf32, #tpu.memory_space<vmem>>, vector<16xf32>,
    %reduce_sum3A_915 = arith.constant true
    %reduce_sum3A_916 = vector.broadcast %reduce_sum3A_915 : i1 to vector<16xi1>
    %reduce_sum3A_917 = tpu.scan <sum>, %get3A_914 masked %reduce_sum3A_916 : vector<16xf32>, vector<16xi1> -> vector<16xf32>
    %reduce_sum3A_918 = vector.extract %reduce_sum3A_917[15] : f32 from vector<16xf32>
    %broadcast_in_dim3A_919 = vector.broadcast %reduce_sum3A_918 : f32 to vector<16xf32>
    %select_n3A_920 = arith.select %eq3A_912, %broadcast_in_dim3A_919, %select_n3A_909 : vector<16xi1>, vector<16xf32>
    %eq3A_921 = arith.constant 11 : i32
    %eq3A_922 = vector.broadcast %eq3A_921 : i32 to vector<16xi32>
    %eq3A_923 = arith.cmpi eq, %iota3A, %eq3A_922 : vector<16xi32>
    %get3A_924 = arith.constant 176 : index
    %get3A_925 = tpu.vector_load %arg35[%get3A_924] {strides = array<i32>} : memref<272xf32, #tpu.memory_space<vmem>>, vector<16xf32>,
    %reduce_sum3A_926 = arith.constant true
    %reduce_sum3A_927 = vector.broadcast %reduce_sum3A_926 : i1 to vector<16xi1>
    %reduce_sum3A_928 = tpu.scan <sum>, %get3A_925 masked %reduce_sum3A_927 : vector<16xf32>, vector<16xi1> -> vector<16xf32>
    %reduce_sum3A_929 = vector.extract %reduce_sum3A_928[15] : f32 from vector<16xf32>
    %broadcast_in_dim3A_930 = vector.broadcast %reduce_sum3A_929 : f32 to vector<16xf32>
    %select_n3A_931 = arith.select %eq3A_923, %broadcast_in_dim3A_930, %select_n3A_920 : vector<16xi1>, vector<16xf32>
    %eq3A_932 = arith.constant 12 : i32
    %eq3A_933 = vector.broadcast %eq3A_932 : i32 to vector<16xi32>
    %eq3A_934 = arith.cmpi eq, %iota3A, %eq3A_933 : vector<16xi32>
    %get3A_935 = arith.constant 192 : index
    %get3A_936 = tpu.vector_load %arg35[%get3A_935] {strides = array<i32>} : memref<272xf32, #tpu.memory_space<vmem>>, vector<16xf32>,
    %reduce_sum3A_937 = arith.constant true
    %reduce_sum3A_938 = vector.broadcast %reduce_sum3A_937 : i1 to vector<16xi1>
    %reduce_sum3A_939 = tpu.scan <sum>, %get3A_936 masked %reduce_sum3A_938 : vector<16xf32>, vector<16xi1> -> vector<16xf32>
    %reduce_sum3A_940 = vector.extract %reduce_sum3A_939[15] : f32 from vector<16xf32>
    %broadcast_in_dim3A_941 = vector.broadcast %reduce_sum3A_940 : f32 to vector<16xf32>
    %select_n3A_942 = arith.select %eq3A_934, %broadcast_in_dim3A_941, %select_n3A_931 : vector<16xi1>, vector<16xf32>
    %eq3A_943 = arith.constant 13 : i32
    %eq3A_944 = vector.broadcast %eq3A_943 : i32 to vector<16xi32>
    %eq3A_945 = arith.cmpi eq, %iota3A, %eq3A_944 : vector<16xi32>
    %get3A_946 = arith.constant 208 : index
    %get3A_947 = tpu.vector_load %arg35[%get3A_946] {strides = array<i32>} : memref<272xf32, #tpu.memory_space<vmem>>, vector<16xf32>,
    %reduce_sum3A_948 = arith.constant true
    %reduce_sum3A_949 = vector.broadcast %reduce_sum3A_948 : i1 to vector<16xi1>
    %reduce_sum3A_950 = tpu.scan <sum>, %get3A_947 masked %reduce_sum3A_949 : vector<16xf32>, vector<16xi1> -> vector<16xf32>
    %reduce_sum3A_951 = vector.extract %reduce_sum3A_950[15] : f32 from vector<16xf32>
    %broadcast_in_dim3A_952 = vector.broadcast %reduce_sum3A_951 : f32 to vector<16xf32>
    %select_n3A_953 = arith.select %eq3A_945, %broadcast_in_dim3A_952, %select_n3A_942 : vector<16xi1>, vector<16xf32>
    %eq3A_954 = arith.constant 14 : i32
    %eq3A_955 = vector.broadcast %eq3A_954 : i32 to vector<16xi32>
    %eq3A_956 = arith.cmpi eq, %iota3A, %eq3A_955 : vector<16xi32>
    %get3A_957 = arith.constant 224 : index
    %get3A_958 = tpu.vector_load %arg35[%get3A_957] {strides = array<i32>} : memref<272xf32, #tpu.memory_space<vmem>>, vector<16xf32>,
    %reduce_sum3A_959 = arith.constant true
    %reduce_sum3A_960 = vector.broadcast %reduce_sum3A_959 : i1 to vector<16xi1>
    %reduce_sum3A_961 = tpu.scan <sum>, %get3A_958 masked %reduce_sum3A_960 : vector<16xf32>, vector<16xi1> -> vector<16xf32>
    %reduce_sum3A_962 = vector.extract %reduce_sum3A_961[15] : f32 from vector<16xf32>
    %broadcast_in_dim3A_963 = vector.broadcast %reduce_sum3A_962 : f32 to vector<16xf32>
    %select_n3A_964 = arith.select %eq3A_956, %broadcast_in_dim3A_963, %select_n3A_953 : vector<16xi1>, vector<16xf32>
    %eq3A_965 = arith.constant 15 : i32
    %eq3A_966 = vector.broadcast %eq3A_965 : i32 to vector<16xi32>
    %eq3A_967 = arith.cmpi eq, %iota3A, %eq3A_966 : vector<16xi32>
    %get3A_968 = arith.constant 240 : index
    %get3A_969 = tpu.vector_load %arg35[%get3A_968] {strides = array<i32>} : memref<272xf32, #tpu.memory_space<vmem>>, vector<16xf32>,
    %reduce_sum3A_970 = arith.constant true
    %reduce_sum3A_971 = vector.broadcast %reduce_sum3A_970 : i1 to vector<16xi1>
    %reduce_sum3A_972 = tpu.scan <sum>, %get3A_969 masked %reduce_sum3A_971 : vector<16xf32>, vector<16xi1> -> vector<16xf32>
    %reduce_sum3A_973 = vector.extract %reduce_sum3A_972[15] : f32 from vector<16xf32>
    %broadcast_in_dim3A_974 = vector.broadcast %reduce_sum3A_973 : f32 to vector<16xf32>
    %select_n3A_975 = arith.select %eq3A_967, %broadcast_in_dim3A_974, %select_n3A_964 : vector<16xi1>, vector<16xf32>
    %swap3A_976 = arith.constant 128 : index
    %swap3A_977 = tpu.vector_load %arg36[%swap3A_976] {strides = array<i32>} : memref<192xf32, #tpu.memory_space<vmem>>, vector<16xf32>,
    tpu.vector_store %arg36[%swap3A_976], %select_n3A_975 {strides = array<i32>} : memref<192xf32, #tpu.memory_space<vmem>>, vector<16xf32>,
    %mul3A_978 = arith.constant 192 : i32
    %mul3A_979 = arith.muli %add3A, %mul3A_978 : i32
    "tpu.region"() ({
      %run_scoped3A = tpu.sem_alloc : memref<!tpu.dma_semaphore, #tpu.memory_space<semaphore_mem>>
      %dma_start3A_980 = tpu.memref_slice %arg5[%mul3A_979] : memref<6144xf32, #tpu.memory_space<hbm>> -> memref<192xf32, #tpu.memory_space<hbm>>
      %dma_start3A_981 = tpu.memref_slice %arg5[%mul3A_979] : memref<6144xf32, #tpu.memory_space<hbm>> -> memref<192xf32, #tpu.memory_space<hbm>>
      tpu.enqueue_dma source(%arg36 : memref<192xf32, #tpu.memory_space<vmem>>) target(%dma_start3A_981 : memref<192xf32, #tpu.memory_space<hbm>>) target_semaphore(%run_scoped3A : memref<!tpu.dma_semaphore, #tpu.memory_space<semaphore_mem>>)
      %dma_wait3A = tpu.memref_slice %arg5[%mul3A_979] : memref<6144xf32, #tpu.memory_space<hbm>> -> memref<192xf32, #tpu.memory_space<hbm>>
      %dma_wait3A_982 = tpu.memref_slice %arg5[%mul3A_979] : memref<6144xf32, #tpu.memory_space<hbm>> -> memref<192xf32, #tpu.memory_space<hbm>>
      tpu.wait_dma2 semaphore(%run_scoped3A : memref<!tpu.dma_semaphore, #tpu.memory_space<semaphore_mem>>) src(%arg36 : memref<192xf32, #tpu.memory_space<vmem>>) dst(%dma_wait3A_982 : memref<192xf32, #tpu.memory_space<hbm>>)
      tpu.yield
    }) : () -> ()
    return
  }
}

module attributes {stable_mosaic.version = 14 : i64} {
  func.func @_tc_body(%arg0: i32, %arg1: memref<1x3x128x512xf32, #tpu.memory_space<vmem>>, %arg2: memref<1x3x128x512xf32, #tpu.memory_space<vmem>>, %arg3: memref<1x3x128x512xf32, #tpu.memory_space<vmem>>, %arg4: memref<48xf32, #tpu.memory_space<smem>>) attributes {dimension_semantics = [#tpu.dimension_semantics<arbitrary>], iteration_bounds = array<i64: 28>, scalar_prefetch = 0 : i64, scratch_operands = 0 : i64, tpu.core_type = #tpu.core_type<tc>, window_params = [{transform_indices = @transform_0, window_bounds = array<i64: 1, 3, 128, 512>}, {transform_indices = @transform_1, window_bounds = array<i64: 1, 3, 128, 512>}, {transform_indices = @transform_2, window_bounds = array<i64: 1, 3, 128, 512>}, {transform_indices = @transform_3, window_bounds = array<i64: 48>}]} {
    %eq3A = arith.constant 0 : i32
    %eq3A_0 = arith.cmpi eq, %arg0, %eq3A : i32
    %convert_element_type3A = arith.extui %eq3A_0 : i1 to i32
    %cond3A = arith.constant 0 : i32
    %cond3A_1 = arith.cmpi ne, %convert_element_type3A, %cond3A : i32
    scf.if %cond3A_1 {
      %swap3A_769 = arith.constant 0.000000e+00 : f32
      %swap3A_770 = arith.constant 0 : index
      %swap3A_771 = memref.load %arg4[%swap3A_770] : memref<48xf32, #tpu.memory_space<smem>>
      memref.store %swap3A_769, %arg4[%swap3A_770] : memref<48xf32, #tpu.memory_space<smem>>
      %swap3A_772 = arith.constant 0.000000e+00 : f32
      %swap3A_773 = arith.constant 1 : index
      %swap3A_774 = memref.load %arg4[%swap3A_773] : memref<48xf32, #tpu.memory_space<smem>>
      memref.store %swap3A_772, %arg4[%swap3A_773] : memref<48xf32, #tpu.memory_space<smem>>
      %swap3A_775 = arith.constant 0.000000e+00 : f32
      %swap3A_776 = arith.constant 2 : index
      %swap3A_777 = memref.load %arg4[%swap3A_776] : memref<48xf32, #tpu.memory_space<smem>>
      memref.store %swap3A_775, %arg4[%swap3A_776] : memref<48xf32, #tpu.memory_space<smem>>
      %swap3A_778 = arith.constant 0.000000e+00 : f32
      %swap3A_779 = arith.constant 3 : index
      %swap3A_780 = memref.load %arg4[%swap3A_779] : memref<48xf32, #tpu.memory_space<smem>>
      memref.store %swap3A_778, %arg4[%swap3A_779] : memref<48xf32, #tpu.memory_space<smem>>
      %swap3A_781 = arith.constant 0.000000e+00 : f32
      %swap3A_782 = arith.constant 4 : index
      %swap3A_783 = memref.load %arg4[%swap3A_782] : memref<48xf32, #tpu.memory_space<smem>>
      memref.store %swap3A_781, %arg4[%swap3A_782] : memref<48xf32, #tpu.memory_space<smem>>
      %swap3A_784 = arith.constant 0.000000e+00 : f32
      %swap3A_785 = arith.constant 5 : index
      %swap3A_786 = memref.load %arg4[%swap3A_785] : memref<48xf32, #tpu.memory_space<smem>>
      memref.store %swap3A_784, %arg4[%swap3A_785] : memref<48xf32, #tpu.memory_space<smem>>
      %swap3A_787 = arith.constant 0.000000e+00 : f32
      %swap3A_788 = arith.constant 6 : index
      %swap3A_789 = memref.load %arg4[%swap3A_788] : memref<48xf32, #tpu.memory_space<smem>>
      memref.store %swap3A_787, %arg4[%swap3A_788] : memref<48xf32, #tpu.memory_space<smem>>
      %swap3A_790 = arith.constant 0.000000e+00 : f32
      %swap3A_791 = arith.constant 7 : index
      %swap3A_792 = memref.load %arg4[%swap3A_791] : memref<48xf32, #tpu.memory_space<smem>>
      memref.store %swap3A_790, %arg4[%swap3A_791] : memref<48xf32, #tpu.memory_space<smem>>
      %swap3A_793 = arith.constant 0.000000e+00 : f32
      %swap3A_794 = arith.constant 8 : index
      %swap3A_795 = memref.load %arg4[%swap3A_794] : memref<48xf32, #tpu.memory_space<smem>>
      memref.store %swap3A_793, %arg4[%swap3A_794] : memref<48xf32, #tpu.memory_space<smem>>
      %swap3A_796 = arith.constant 0.000000e+00 : f32
      %swap3A_797 = arith.constant 9 : index
      %swap3A_798 = memref.load %arg4[%swap3A_797] : memref<48xf32, #tpu.memory_space<smem>>
      memref.store %swap3A_796, %arg4[%swap3A_797] : memref<48xf32, #tpu.memory_space<smem>>
      %swap3A_799 = arith.constant 0.000000e+00 : f32
      %swap3A_800 = arith.constant 10 : index
      %swap3A_801 = memref.load %arg4[%swap3A_800] : memref<48xf32, #tpu.memory_space<smem>>
      memref.store %swap3A_799, %arg4[%swap3A_800] : memref<48xf32, #tpu.memory_space<smem>>
      %swap3A_802 = arith.constant 0.000000e+00 : f32
      %swap3A_803 = arith.constant 11 : index
      %swap3A_804 = memref.load %arg4[%swap3A_803] : memref<48xf32, #tpu.memory_space<smem>>
      memref.store %swap3A_802, %arg4[%swap3A_803] : memref<48xf32, #tpu.memory_space<smem>>
      %swap3A_805 = arith.constant 0.000000e+00 : f32
      %swap3A_806 = arith.constant 12 : index
      %swap3A_807 = memref.load %arg4[%swap3A_806] : memref<48xf32, #tpu.memory_space<smem>>
      memref.store %swap3A_805, %arg4[%swap3A_806] : memref<48xf32, #tpu.memory_space<smem>>
      %swap3A_808 = arith.constant 0.000000e+00 : f32
      %swap3A_809 = arith.constant 13 : index
      %swap3A_810 = memref.load %arg4[%swap3A_809] : memref<48xf32, #tpu.memory_space<smem>>
      memref.store %swap3A_808, %arg4[%swap3A_809] : memref<48xf32, #tpu.memory_space<smem>>
      %swap3A_811 = arith.constant 0.000000e+00 : f32
      %swap3A_812 = arith.constant 14 : index
      %swap3A_813 = memref.load %arg4[%swap3A_812] : memref<48xf32, #tpu.memory_space<smem>>
      memref.store %swap3A_811, %arg4[%swap3A_812] : memref<48xf32, #tpu.memory_space<smem>>
      %swap3A_814 = arith.constant 0.000000e+00 : f32
      %swap3A_815 = arith.constant 15 : index
      %swap3A_816 = memref.load %arg4[%swap3A_815] : memref<48xf32, #tpu.memory_space<smem>>
      memref.store %swap3A_814, %arg4[%swap3A_815] : memref<48xf32, #tpu.memory_space<smem>>
      %swap3A_817 = arith.constant 0.000000e+00 : f32
      %swap3A_818 = arith.constant 16 : index
      %swap3A_819 = memref.load %arg4[%swap3A_818] : memref<48xf32, #tpu.memory_space<smem>>
      memref.store %swap3A_817, %arg4[%swap3A_818] : memref<48xf32, #tpu.memory_space<smem>>
      %swap3A_820 = arith.constant 0.000000e+00 : f32
      %swap3A_821 = arith.constant 17 : index
      %swap3A_822 = memref.load %arg4[%swap3A_821] : memref<48xf32, #tpu.memory_space<smem>>
      memref.store %swap3A_820, %arg4[%swap3A_821] : memref<48xf32, #tpu.memory_space<smem>>
      %swap3A_823 = arith.constant 0.000000e+00 : f32
      %swap3A_824 = arith.constant 18 : index
      %swap3A_825 = memref.load %arg4[%swap3A_824] : memref<48xf32, #tpu.memory_space<smem>>
      memref.store %swap3A_823, %arg4[%swap3A_824] : memref<48xf32, #tpu.memory_space<smem>>
      %swap3A_826 = arith.constant 0.000000e+00 : f32
      %swap3A_827 = arith.constant 19 : index
      %swap3A_828 = memref.load %arg4[%swap3A_827] : memref<48xf32, #tpu.memory_space<smem>>
      memref.store %swap3A_826, %arg4[%swap3A_827] : memref<48xf32, #tpu.memory_space<smem>>
      %swap3A_829 = arith.constant 0.000000e+00 : f32
      %swap3A_830 = arith.constant 20 : index
      %swap3A_831 = memref.load %arg4[%swap3A_830] : memref<48xf32, #tpu.memory_space<smem>>
      memref.store %swap3A_829, %arg4[%swap3A_830] : memref<48xf32, #tpu.memory_space<smem>>
      %swap3A_832 = arith.constant 0.000000e+00 : f32
      %swap3A_833 = arith.constant 21 : index
      %swap3A_834 = memref.load %arg4[%swap3A_833] : memref<48xf32, #tpu.memory_space<smem>>
      memref.store %swap3A_832, %arg4[%swap3A_833] : memref<48xf32, #tpu.memory_space<smem>>
      %swap3A_835 = arith.constant 0.000000e+00 : f32
      %swap3A_836 = arith.constant 22 : index
      %swap3A_837 = memref.load %arg4[%swap3A_836] : memref<48xf32, #tpu.memory_space<smem>>
      memref.store %swap3A_835, %arg4[%swap3A_836] : memref<48xf32, #tpu.memory_space<smem>>
      %swap3A_838 = arith.constant 0.000000e+00 : f32
      %swap3A_839 = arith.constant 23 : index
      %swap3A_840 = memref.load %arg4[%swap3A_839] : memref<48xf32, #tpu.memory_space<smem>>
      memref.store %swap3A_838, %arg4[%swap3A_839] : memref<48xf32, #tpu.memory_space<smem>>
      %swap3A_841 = arith.constant 0.000000e+00 : f32
      %swap3A_842 = arith.constant 24 : index
      %swap3A_843 = memref.load %arg4[%swap3A_842] : memref<48xf32, #tpu.memory_space<smem>>
      memref.store %swap3A_841, %arg4[%swap3A_842] : memref<48xf32, #tpu.memory_space<smem>>
      %swap3A_844 = arith.constant 0.000000e+00 : f32
      %swap3A_845 = arith.constant 25 : index
      %swap3A_846 = memref.load %arg4[%swap3A_845] : memref<48xf32, #tpu.memory_space<smem>>
      memref.store %swap3A_844, %arg4[%swap3A_845] : memref<48xf32, #tpu.memory_space<smem>>
      %swap3A_847 = arith.constant 0.000000e+00 : f32
      %swap3A_848 = arith.constant 26 : index
      %swap3A_849 = memref.load %arg4[%swap3A_848] : memref<48xf32, #tpu.memory_space<smem>>
      memref.store %swap3A_847, %arg4[%swap3A_848] : memref<48xf32, #tpu.memory_space<smem>>
      %swap3A_850 = arith.constant 0.000000e+00 : f32
      %swap3A_851 = arith.constant 27 : index
      %swap3A_852 = memref.load %arg4[%swap3A_851] : memref<48xf32, #tpu.memory_space<smem>>
      memref.store %swap3A_850, %arg4[%swap3A_851] : memref<48xf32, #tpu.memory_space<smem>>
      %swap3A_853 = arith.constant 0.000000e+00 : f32
      %swap3A_854 = arith.constant 28 : index
      %swap3A_855 = memref.load %arg4[%swap3A_854] : memref<48xf32, #tpu.memory_space<smem>>
      memref.store %swap3A_853, %arg4[%swap3A_854] : memref<48xf32, #tpu.memory_space<smem>>
      %swap3A_856 = arith.constant 0.000000e+00 : f32
      %swap3A_857 = arith.constant 29 : index
      %swap3A_858 = memref.load %arg4[%swap3A_857] : memref<48xf32, #tpu.memory_space<smem>>
      memref.store %swap3A_856, %arg4[%swap3A_857] : memref<48xf32, #tpu.memory_space<smem>>
      %swap3A_859 = arith.constant 0.000000e+00 : f32
      %swap3A_860 = arith.constant 30 : index
      %swap3A_861 = memref.load %arg4[%swap3A_860] : memref<48xf32, #tpu.memory_space<smem>>
      memref.store %swap3A_859, %arg4[%swap3A_860] : memref<48xf32, #tpu.memory_space<smem>>
      %swap3A_862 = arith.constant 0.000000e+00 : f32
      %swap3A_863 = arith.constant 31 : index
      %swap3A_864 = memref.load %arg4[%swap3A_863] : memref<48xf32, #tpu.memory_space<smem>>
      memref.store %swap3A_862, %arg4[%swap3A_863] : memref<48xf32, #tpu.memory_space<smem>>
      %swap3A_865 = arith.constant 0.000000e+00 : f32
      %swap3A_866 = arith.constant 32 : index
      %swap3A_867 = memref.load %arg4[%swap3A_866] : memref<48xf32, #tpu.memory_space<smem>>
      memref.store %swap3A_865, %arg4[%swap3A_866] : memref<48xf32, #tpu.memory_space<smem>>
      %swap3A_868 = arith.constant 0.000000e+00 : f32
      %swap3A_869 = arith.constant 33 : index
      %swap3A_870 = memref.load %arg4[%swap3A_869] : memref<48xf32, #tpu.memory_space<smem>>
      memref.store %swap3A_868, %arg4[%swap3A_869] : memref<48xf32, #tpu.memory_space<smem>>
      %swap3A_871 = arith.constant 0.000000e+00 : f32
      %swap3A_872 = arith.constant 34 : index
      %swap3A_873 = memref.load %arg4[%swap3A_872] : memref<48xf32, #tpu.memory_space<smem>>
      memref.store %swap3A_871, %arg4[%swap3A_872] : memref<48xf32, #tpu.memory_space<smem>>
      %swap3A_874 = arith.constant 0.000000e+00 : f32
      %swap3A_875 = arith.constant 35 : index
      %swap3A_876 = memref.load %arg4[%swap3A_875] : memref<48xf32, #tpu.memory_space<smem>>
      memref.store %swap3A_874, %arg4[%swap3A_875] : memref<48xf32, #tpu.memory_space<smem>>
      %swap3A_877 = arith.constant 0.000000e+00 : f32
      %swap3A_878 = arith.constant 36 : index
      %swap3A_879 = memref.load %arg4[%swap3A_878] : memref<48xf32, #tpu.memory_space<smem>>
      memref.store %swap3A_877, %arg4[%swap3A_878] : memref<48xf32, #tpu.memory_space<smem>>
      %swap3A_880 = arith.constant 0.000000e+00 : f32
      %swap3A_881 = arith.constant 37 : index
      %swap3A_882 = memref.load %arg4[%swap3A_881] : memref<48xf32, #tpu.memory_space<smem>>
      memref.store %swap3A_880, %arg4[%swap3A_881] : memref<48xf32, #tpu.memory_space<smem>>
      %swap3A_883 = arith.constant 0.000000e+00 : f32
      %swap3A_884 = arith.constant 38 : index
      %swap3A_885 = memref.load %arg4[%swap3A_884] : memref<48xf32, #tpu.memory_space<smem>>
      memref.store %swap3A_883, %arg4[%swap3A_884] : memref<48xf32, #tpu.memory_space<smem>>
      %swap3A_886 = arith.constant 0.000000e+00 : f32
      %swap3A_887 = arith.constant 39 : index
      %swap3A_888 = memref.load %arg4[%swap3A_887] : memref<48xf32, #tpu.memory_space<smem>>
      memref.store %swap3A_886, %arg4[%swap3A_887] : memref<48xf32, #tpu.memory_space<smem>>
      %swap3A_889 = arith.constant 0.000000e+00 : f32
      %swap3A_890 = arith.constant 40 : index
      %swap3A_891 = memref.load %arg4[%swap3A_890] : memref<48xf32, #tpu.memory_space<smem>>
      memref.store %swap3A_889, %arg4[%swap3A_890] : memref<48xf32, #tpu.memory_space<smem>>
      %swap3A_892 = arith.constant 0.000000e+00 : f32
      %swap3A_893 = arith.constant 41 : index
      %swap3A_894 = memref.load %arg4[%swap3A_893] : memref<48xf32, #tpu.memory_space<smem>>
      memref.store %swap3A_892, %arg4[%swap3A_893] : memref<48xf32, #tpu.memory_space<smem>>
      %swap3A_895 = arith.constant 0.000000e+00 : f32
      %swap3A_896 = arith.constant 42 : index
      %swap3A_897 = memref.load %arg4[%swap3A_896] : memref<48xf32, #tpu.memory_space<smem>>
      memref.store %swap3A_895, %arg4[%swap3A_896] : memref<48xf32, #tpu.memory_space<smem>>
      %swap3A_898 = arith.constant 0.000000e+00 : f32
      %swap3A_899 = arith.constant 43 : index
      %swap3A_900 = memref.load %arg4[%swap3A_899] : memref<48xf32, #tpu.memory_space<smem>>
      memref.store %swap3A_898, %arg4[%swap3A_899] : memref<48xf32, #tpu.memory_space<smem>>
      %swap3A_901 = arith.constant 0.000000e+00 : f32
      %swap3A_902 = arith.constant 44 : index
      %swap3A_903 = memref.load %arg4[%swap3A_902] : memref<48xf32, #tpu.memory_space<smem>>
      memref.store %swap3A_901, %arg4[%swap3A_902] : memref<48xf32, #tpu.memory_space<smem>>
      %swap3A_904 = arith.constant 0.000000e+00 : f32
      %swap3A_905 = arith.constant 45 : index
      %swap3A_906 = memref.load %arg4[%swap3A_905] : memref<48xf32, #tpu.memory_space<smem>>
      memref.store %swap3A_904, %arg4[%swap3A_905] : memref<48xf32, #tpu.memory_space<smem>>
      %swap3A_907 = arith.constant 0.000000e+00 : f32
      %swap3A_908 = arith.constant 46 : index
      %swap3A_909 = memref.load %arg4[%swap3A_908] : memref<48xf32, #tpu.memory_space<smem>>
      memref.store %swap3A_907, %arg4[%swap3A_908] : memref<48xf32, #tpu.memory_space<smem>>
      %swap3A_910 = arith.constant 0.000000e+00 : f32
      %swap3A_911 = arith.constant 47 : index
      %swap3A_912 = memref.load %arg4[%swap3A_911] : memref<48xf32, #tpu.memory_space<smem>>
      memref.store %swap3A_910, %arg4[%swap3A_911] : memref<48xf32, #tpu.memory_space<smem>>
    } else {
    }
    %get3A = arith.constant 0 : index
    %get3A_2 = arith.constant 0 : index
    %get3A_3 = arith.constant 0 : index
    %get3A_4 = arith.constant 0 : index
    %get3A_5 = vector.load %arg1[%get3A, %get3A_2, %get3A_3, %get3A_4] : memref<1x3x128x512xf32, #tpu.memory_space<vmem>>, vector<1x3x128x512xf32>
    %get3A_6 = vector.shape_cast %get3A_5 : vector<1x3x128x512xf32> to vector<3x128x512xf32>
    %slice3A = vector.extract_strided_slice %get3A_6 {offsets = [0, 0, 0], sizes = [1, 128, 512], strides = [1, 1, 1]} : vector<3x128x512xf32> to vector<1x128x512xf32>
    %squeeze3A = vector.shape_cast %slice3A : vector<1x128x512xf32> to vector<128x512xf32>
    %mul3A = arith.constant 2.990000e-01 : f32
    %mul3A_7 = vector.broadcast %mul3A : f32 to vector<128x512xf32>
    %mul3A_8 = arith.mulf %mul3A_7, %squeeze3A : vector<128x512xf32>
    %slice3A_9 = vector.extract_strided_slice %get3A_6 {offsets = [1, 0, 0], sizes = [1, 128, 512], strides = [1, 1, 1]} : vector<3x128x512xf32> to vector<1x128x512xf32>
    %squeeze3A_10 = vector.shape_cast %slice3A_9 : vector<1x128x512xf32> to vector<128x512xf32>
    %mul3A_11 = arith.constant 5.870000e-01 : f32
    %mul3A_12 = vector.broadcast %mul3A_11 : f32 to vector<128x512xf32>
    %mul3A_13 = arith.mulf %mul3A_12, %squeeze3A_10 : vector<128x512xf32>
    %add3A = arith.addf %mul3A_8, %mul3A_13 : vector<128x512xf32>
    %slice3A_14 = vector.extract_strided_slice %get3A_6 {offsets = [2, 0, 0], sizes = [1, 128, 512], strides = [1, 1, 1]} : vector<3x128x512xf32> to vector<1x128x512xf32>
    %squeeze3A_15 = vector.shape_cast %slice3A_14 : vector<1x128x512xf32> to vector<128x512xf32>
    %mul3A_16 = arith.constant 1.140000e-01 : f32
    %mul3A_17 = vector.broadcast %mul3A_16 : f32 to vector<128x512xf32>
    %mul3A_18 = arith.mulf %mul3A_17, %squeeze3A_15 : vector<128x512xf32>
    %add3A_19 = arith.addf %add3A, %mul3A_18 : vector<128x512xf32>
    %get3A_20 = arith.constant 0 : index
    %get3A_21 = arith.constant 0 : index
    %get3A_22 = arith.constant 0 : index
    %get3A_23 = arith.constant 0 : index
    %get3A_24 = vector.load %arg2[%get3A_20, %get3A_21, %get3A_22, %get3A_23] : memref<1x3x128x512xf32, #tpu.memory_space<vmem>>, vector<1x3x128x512xf32>
    %get3A_25 = vector.shape_cast %get3A_24 : vector<1x3x128x512xf32> to vector<3x128x512xf32>
    %slice3A_26 = vector.extract_strided_slice %get3A_25 {offsets = [0, 0, 0], sizes = [1, 128, 512], strides = [1, 1, 1]} : vector<3x128x512xf32> to vector<1x128x512xf32>
    %squeeze3A_27 = vector.shape_cast %slice3A_26 : vector<1x128x512xf32> to vector<128x512xf32>
    %mul3A_28 = arith.constant 2.990000e-01 : f32
    %mul3A_29 = vector.broadcast %mul3A_28 : f32 to vector<128x512xf32>
    %mul3A_30 = arith.mulf %mul3A_29, %squeeze3A_27 : vector<128x512xf32>
    %slice3A_31 = vector.extract_strided_slice %get3A_25 {offsets = [1, 0, 0], sizes = [1, 128, 512], strides = [1, 1, 1]} : vector<3x128x512xf32> to vector<1x128x512xf32>
    %squeeze3A_32 = vector.shape_cast %slice3A_31 : vector<1x128x512xf32> to vector<128x512xf32>
    %mul3A_33 = arith.constant 5.870000e-01 : f32
    %mul3A_34 = vector.broadcast %mul3A_33 : f32 to vector<128x512xf32>
    %mul3A_35 = arith.mulf %mul3A_34, %squeeze3A_32 : vector<128x512xf32>
    %add3A_36 = arith.addf %mul3A_30, %mul3A_35 : vector<128x512xf32>
    %slice3A_37 = vector.extract_strided_slice %get3A_25 {offsets = [2, 0, 0], sizes = [1, 128, 512], strides = [1, 1, 1]} : vector<3x128x512xf32> to vector<1x128x512xf32>
    %squeeze3A_38 = vector.shape_cast %slice3A_37 : vector<1x128x512xf32> to vector<128x512xf32>
    %mul3A_39 = arith.constant 1.140000e-01 : f32
    %mul3A_40 = vector.broadcast %mul3A_39 : f32 to vector<128x512xf32>
    %mul3A_41 = arith.mulf %mul3A_40, %squeeze3A_38 : vector<128x512xf32>
    %add3A_42 = arith.addf %add3A_36, %mul3A_41 : vector<128x512xf32>
    %get3A_43 = arith.constant 0 : index
    %get3A_44 = arith.constant 0 : index
    %get3A_45 = arith.constant 0 : index
    %get3A_46 = arith.constant 0 : index
    %get3A_47 = vector.load %arg3[%get3A_43, %get3A_44, %get3A_45, %get3A_46] : memref<1x3x128x512xf32, #tpu.memory_space<vmem>>, vector<1x3x128x512xf32>
    %get3A_48 = vector.shape_cast %get3A_47 : vector<1x3x128x512xf32> to vector<3x128x512xf32>
    %slice3A_49 = vector.extract_strided_slice %get3A_48 {offsets = [0, 0, 0], sizes = [1, 128, 512], strides = [1, 1, 1]} : vector<3x128x512xf32> to vector<1x128x512xf32>
    %squeeze3A_50 = vector.shape_cast %slice3A_49 : vector<1x128x512xf32> to vector<128x512xf32>
    %mul3A_51 = arith.constant 2.990000e-01 : f32
    %mul3A_52 = vector.broadcast %mul3A_51 : f32 to vector<128x512xf32>
    %mul3A_53 = arith.mulf %mul3A_52, %squeeze3A_50 : vector<128x512xf32>
    %slice3A_54 = vector.extract_strided_slice %get3A_48 {offsets = [1, 0, 0], sizes = [1, 128, 512], strides = [1, 1, 1]} : vector<3x128x512xf32> to vector<1x128x512xf32>
    %squeeze3A_55 = vector.shape_cast %slice3A_54 : vector<1x128x512xf32> to vector<128x512xf32>
    %mul3A_56 = arith.constant 5.870000e-01 : f32
    %mul3A_57 = vector.broadcast %mul3A_56 : f32 to vector<128x512xf32>
    %mul3A_58 = arith.mulf %mul3A_57, %squeeze3A_55 : vector<128x512xf32>
    %add3A_59 = arith.addf %mul3A_53, %mul3A_58 : vector<128x512xf32>
    %slice3A_60 = vector.extract_strided_slice %get3A_48 {offsets = [2, 0, 0], sizes = [1, 128, 512], strides = [1, 1, 1]} : vector<3x128x512xf32> to vector<1x128x512xf32>
    %squeeze3A_61 = vector.shape_cast %slice3A_60 : vector<1x128x512xf32> to vector<128x512xf32>
    %mul3A_62 = arith.constant 1.140000e-01 : f32
    %mul3A_63 = vector.broadcast %mul3A_62 : f32 to vector<128x512xf32>
    %mul3A_64 = arith.mulf %mul3A_63, %squeeze3A_61 : vector<128x512xf32>
    %add3A_65 = arith.addf %add3A_59, %mul3A_64 : vector<128x512xf32>
    %mul3A_66 = arith.constant 1.600000e+01 : f32
    %mul3A_67 = vector.broadcast %mul3A_66 : f32 to vector<128x512xf32>
    %mul3A_68 = arith.mulf %add3A_19, %mul3A_67 : vector<128x512xf32>
    %convert_element_type3A_69 = arith.fptosi %mul3A_68 : vector<128x512xf32> to vector<128x512xi32>
    %eq3A_70 = arith.constant 0 : i32
    %eq3A_71 = vector.broadcast %eq3A_70 : i32 to vector<128x512xi32>
    %eq3A_72 = arith.cmpi eq, %convert_element_type3A_69, %eq3A_71 : vector<128x512xi32>
    %get3A_73 = arith.constant 0 : index
    %get3A_74 = memref.load %arg4[%get3A_73] : memref<48xf32, #tpu.memory_space<smem>>
    %jit3A = arith.constant 1.000000e+00 : f32
    %jit3A_75 = arith.constant 0.000000e+00 : f32
    %broadcast_in_dim3A = vector.broadcast %jit3A : f32 to vector<128x512xf32>
    %broadcast_in_dim3A_76 = vector.broadcast %jit3A_75 : f32 to vector<128x512xf32>
    %select_n3A = arith.select %eq3A_72, %broadcast_in_dim3A, %broadcast_in_dim3A_76 : vector<128x512xi1>, vector<128x512xf32>
    %reduce_sum3A = vector.shape_cast %select_n3A : vector<128x512xf32> to vector<1x128x512xf32>
    %reduce_sum3A_77 = arith.constant dense<0.000000e+00> : vector<1xf32>
    %reduce_sum3A_78 = vector.multi_reduction <add>, %reduce_sum3A, %reduce_sum3A_77 [1, 2] : vector<1x128x512xf32> to vector<1xf32>
    %reduce_sum3A_79 = vector.shape_cast %reduce_sum3A_78 : vector<1xf32> to vector<1x1x1xf32>
    %reduce_sum3A_80 = vector.extract %reduce_sum3A_79[0, 0, 0] : f32 from vector<1x1x1xf32>
    %add3A_81 = arith.addf %get3A_74, %reduce_sum3A_80 : f32
    %swap3A = arith.constant 0 : index
    %swap3A_82 = memref.load %arg4[%swap3A] : memref<48xf32, #tpu.memory_space<smem>>
    memref.store %add3A_81, %arg4[%swap3A] : memref<48xf32, #tpu.memory_space<smem>>
    %get3A_83 = arith.constant 16 : index
    %get3A_84 = memref.load %arg4[%get3A_83] : memref<48xf32, #tpu.memory_space<smem>>
    %jit3A_85 = arith.constant 0.000000e+00 : f32
    %broadcast_in_dim3A_86 = vector.broadcast %jit3A_85 : f32 to vector<128x512xf32>
    %select_n3A_87 = arith.select %eq3A_72, %add3A_42, %broadcast_in_dim3A_86 : vector<128x512xi1>, vector<128x512xf32>
    %reduce_sum3A_88 = vector.shape_cast %select_n3A_87 : vector<128x512xf32> to vector<1x128x512xf32>
    %reduce_sum3A_89 = arith.constant dense<0.000000e+00> : vector<1xf32>
    %reduce_sum3A_90 = vector.multi_reduction <add>, %reduce_sum3A_88, %reduce_sum3A_89 [1, 2] : vector<1x128x512xf32> to vector<1xf32>
    %reduce_sum3A_91 = vector.shape_cast %reduce_sum3A_90 : vector<1xf32> to vector<1x1x1xf32>
    %reduce_sum3A_92 = vector.extract %reduce_sum3A_91[0, 0, 0] : f32 from vector<1x1x1xf32>
    %add3A_93 = arith.addf %get3A_84, %reduce_sum3A_92 : f32
    %swap3A_94 = arith.constant 16 : index
    %swap3A_95 = memref.load %arg4[%swap3A_94] : memref<48xf32, #tpu.memory_space<smem>>
    memref.store %add3A_93, %arg4[%swap3A_94] : memref<48xf32, #tpu.memory_space<smem>>
    %get3A_96 = arith.constant 32 : index
    %get3A_97 = memref.load %arg4[%get3A_96] : memref<48xf32, #tpu.memory_space<smem>>
    %jit3A_98 = arith.constant 0.000000e+00 : f32
    %broadcast_in_dim3A_99 = vector.broadcast %jit3A_98 : f32 to vector<128x512xf32>
    %select_n3A_100 = arith.select %eq3A_72, %add3A_65, %broadcast_in_dim3A_99 : vector<128x512xi1>, vector<128x512xf32>
    %reduce_sum3A_101 = vector.shape_cast %select_n3A_100 : vector<128x512xf32> to vector<1x128x512xf32>
    %reduce_sum3A_102 = arith.constant dense<0.000000e+00> : vector<1xf32>
    %reduce_sum3A_103 = vector.multi_reduction <add>, %reduce_sum3A_101, %reduce_sum3A_102 [1, 2] : vector<1x128x512xf32> to vector<1xf32>
    %reduce_sum3A_104 = vector.shape_cast %reduce_sum3A_103 : vector<1xf32> to vector<1x1x1xf32>
    %reduce_sum3A_105 = vector.extract %reduce_sum3A_104[0, 0, 0] : f32 from vector<1x1x1xf32>
    %add3A_106 = arith.addf %get3A_97, %reduce_sum3A_105 : f32
    %swap3A_107 = arith.constant 32 : index
    %swap3A_108 = memref.load %arg4[%swap3A_107] : memref<48xf32, #tpu.memory_space<smem>>
    memref.store %add3A_106, %arg4[%swap3A_107] : memref<48xf32, #tpu.memory_space<smem>>
    %eq3A_109 = arith.constant 1 : i32
    %eq3A_110 = vector.broadcast %eq3A_109 : i32 to vector<128x512xi32>
    %eq3A_111 = arith.cmpi eq, %convert_element_type3A_69, %eq3A_110 : vector<128x512xi32>
    %get3A_112 = arith.constant 1 : index
    %get3A_113 = memref.load %arg4[%get3A_112] : memref<48xf32, #tpu.memory_space<smem>>
    %jit3A_114 = arith.constant 1.000000e+00 : f32
    %jit3A_115 = arith.constant 0.000000e+00 : f32
    %broadcast_in_dim3A_116 = vector.broadcast %jit3A_114 : f32 to vector<128x512xf32>
    %broadcast_in_dim3A_117 = vector.broadcast %jit3A_115 : f32 to vector<128x512xf32>
    %select_n3A_118 = arith.select %eq3A_111, %broadcast_in_dim3A_116, %broadcast_in_dim3A_117 : vector<128x512xi1>, vector<128x512xf32>
    %reduce_sum3A_119 = vector.shape_cast %select_n3A_118 : vector<128x512xf32> to vector<1x128x512xf32>
    %reduce_sum3A_120 = arith.constant dense<0.000000e+00> : vector<1xf32>
    %reduce_sum3A_121 = vector.multi_reduction <add>, %reduce_sum3A_119, %reduce_sum3A_120 [1, 2] : vector<1x128x512xf32> to vector<1xf32>
    %reduce_sum3A_122 = vector.shape_cast %reduce_sum3A_121 : vector<1xf32> to vector<1x1x1xf32>
    %reduce_sum3A_123 = vector.extract %reduce_sum3A_122[0, 0, 0] : f32 from vector<1x1x1xf32>
    %add3A_124 = arith.addf %get3A_113, %reduce_sum3A_123 : f32
    %swap3A_125 = arith.constant 1 : index
    %swap3A_126 = memref.load %arg4[%swap3A_125] : memref<48xf32, #tpu.memory_space<smem>>
    memref.store %add3A_124, %arg4[%swap3A_125] : memref<48xf32, #tpu.memory_space<smem>>
    %get3A_127 = arith.constant 17 : index
    %get3A_128 = memref.load %arg4[%get3A_127] : memref<48xf32, #tpu.memory_space<smem>>
    %jit3A_129 = arith.constant 0.000000e+00 : f32
    %broadcast_in_dim3A_130 = vector.broadcast %jit3A_129 : f32 to vector<128x512xf32>
    %select_n3A_131 = arith.select %eq3A_111, %add3A_42, %broadcast_in_dim3A_130 : vector<128x512xi1>, vector<128x512xf32>
    %reduce_sum3A_132 = vector.shape_cast %select_n3A_131 : vector<128x512xf32> to vector<1x128x512xf32>
    %reduce_sum3A_133 = arith.constant dense<0.000000e+00> : vector<1xf32>
    %reduce_sum3A_134 = vector.multi_reduction <add>, %reduce_sum3A_132, %reduce_sum3A_133 [1, 2] : vector<1x128x512xf32> to vector<1xf32>
    %reduce_sum3A_135 = vector.shape_cast %reduce_sum3A_134 : vector<1xf32> to vector<1x1x1xf32>
    %reduce_sum3A_136 = vector.extract %reduce_sum3A_135[0, 0, 0] : f32 from vector<1x1x1xf32>
    %add3A_137 = arith.addf %get3A_128, %reduce_sum3A_136 : f32
    %swap3A_138 = arith.constant 17 : index
    %swap3A_139 = memref.load %arg4[%swap3A_138] : memref<48xf32, #tpu.memory_space<smem>>
    memref.store %add3A_137, %arg4[%swap3A_138] : memref<48xf32, #tpu.memory_space<smem>>
    %get3A_140 = arith.constant 33 : index
    %get3A_141 = memref.load %arg4[%get3A_140] : memref<48xf32, #tpu.memory_space<smem>>
    %jit3A_142 = arith.constant 0.000000e+00 : f32
    %broadcast_in_dim3A_143 = vector.broadcast %jit3A_142 : f32 to vector<128x512xf32>
    %select_n3A_144 = arith.select %eq3A_111, %add3A_65, %broadcast_in_dim3A_143 : vector<128x512xi1>, vector<128x512xf32>
    %reduce_sum3A_145 = vector.shape_cast %select_n3A_144 : vector<128x512xf32> to vector<1x128x512xf32>
    %reduce_sum3A_146 = arith.constant dense<0.000000e+00> : vector<1xf32>
    %reduce_sum3A_147 = vector.multi_reduction <add>, %reduce_sum3A_145, %reduce_sum3A_146 [1, 2] : vector<1x128x512xf32> to vector<1xf32>
    %reduce_sum3A_148 = vector.shape_cast %reduce_sum3A_147 : vector<1xf32> to vector<1x1x1xf32>
    %reduce_sum3A_149 = vector.extract %reduce_sum3A_148[0, 0, 0] : f32 from vector<1x1x1xf32>
    %add3A_150 = arith.addf %get3A_141, %reduce_sum3A_149 : f32
    %swap3A_151 = arith.constant 33 : index
    %swap3A_152 = memref.load %arg4[%swap3A_151] : memref<48xf32, #tpu.memory_space<smem>>
    memref.store %add3A_150, %arg4[%swap3A_151] : memref<48xf32, #tpu.memory_space<smem>>
    %eq3A_153 = arith.constant 2 : i32
    %eq3A_154 = vector.broadcast %eq3A_153 : i32 to vector<128x512xi32>
    %eq3A_155 = arith.cmpi eq, %convert_element_type3A_69, %eq3A_154 : vector<128x512xi32>
    %get3A_156 = arith.constant 2 : index
    %get3A_157 = memref.load %arg4[%get3A_156] : memref<48xf32, #tpu.memory_space<smem>>
    %jit3A_158 = arith.constant 1.000000e+00 : f32
    %jit3A_159 = arith.constant 0.000000e+00 : f32
    %broadcast_in_dim3A_160 = vector.broadcast %jit3A_158 : f32 to vector<128x512xf32>
    %broadcast_in_dim3A_161 = vector.broadcast %jit3A_159 : f32 to vector<128x512xf32>
    %select_n3A_162 = arith.select %eq3A_155, %broadcast_in_dim3A_160, %broadcast_in_dim3A_161 : vector<128x512xi1>, vector<128x512xf32>
    %reduce_sum3A_163 = vector.shape_cast %select_n3A_162 : vector<128x512xf32> to vector<1x128x512xf32>
    %reduce_sum3A_164 = arith.constant dense<0.000000e+00> : vector<1xf32>
    %reduce_sum3A_165 = vector.multi_reduction <add>, %reduce_sum3A_163, %reduce_sum3A_164 [1, 2] : vector<1x128x512xf32> to vector<1xf32>
    %reduce_sum3A_166 = vector.shape_cast %reduce_sum3A_165 : vector<1xf32> to vector<1x1x1xf32>
    %reduce_sum3A_167 = vector.extract %reduce_sum3A_166[0, 0, 0] : f32 from vector<1x1x1xf32>
    %add3A_168 = arith.addf %get3A_157, %reduce_sum3A_167 : f32
    %swap3A_169 = arith.constant 2 : index
    %swap3A_170 = memref.load %arg4[%swap3A_169] : memref<48xf32, #tpu.memory_space<smem>>
    memref.store %add3A_168, %arg4[%swap3A_169] : memref<48xf32, #tpu.memory_space<smem>>
    %get3A_171 = arith.constant 18 : index
    %get3A_172 = memref.load %arg4[%get3A_171] : memref<48xf32, #tpu.memory_space<smem>>
    %jit3A_173 = arith.constant 0.000000e+00 : f32
    %broadcast_in_dim3A_174 = vector.broadcast %jit3A_173 : f32 to vector<128x512xf32>
    %select_n3A_175 = arith.select %eq3A_155, %add3A_42, %broadcast_in_dim3A_174 : vector<128x512xi1>, vector<128x512xf32>
    %reduce_sum3A_176 = vector.shape_cast %select_n3A_175 : vector<128x512xf32> to vector<1x128x512xf32>
    %reduce_sum3A_177 = arith.constant dense<0.000000e+00> : vector<1xf32>
    %reduce_sum3A_178 = vector.multi_reduction <add>, %reduce_sum3A_176, %reduce_sum3A_177 [1, 2] : vector<1x128x512xf32> to vector<1xf32>
    %reduce_sum3A_179 = vector.shape_cast %reduce_sum3A_178 : vector<1xf32> to vector<1x1x1xf32>
    %reduce_sum3A_180 = vector.extract %reduce_sum3A_179[0, 0, 0] : f32 from vector<1x1x1xf32>
    %add3A_181 = arith.addf %get3A_172, %reduce_sum3A_180 : f32
    %swap3A_182 = arith.constant 18 : index
    %swap3A_183 = memref.load %arg4[%swap3A_182] : memref<48xf32, #tpu.memory_space<smem>>
    memref.store %add3A_181, %arg4[%swap3A_182] : memref<48xf32, #tpu.memory_space<smem>>
    %get3A_184 = arith.constant 34 : index
    %get3A_185 = memref.load %arg4[%get3A_184] : memref<48xf32, #tpu.memory_space<smem>>
    %jit3A_186 = arith.constant 0.000000e+00 : f32
    %broadcast_in_dim3A_187 = vector.broadcast %jit3A_186 : f32 to vector<128x512xf32>
    %select_n3A_188 = arith.select %eq3A_155, %add3A_65, %broadcast_in_dim3A_187 : vector<128x512xi1>, vector<128x512xf32>
    %reduce_sum3A_189 = vector.shape_cast %select_n3A_188 : vector<128x512xf32> to vector<1x128x512xf32>
    %reduce_sum3A_190 = arith.constant dense<0.000000e+00> : vector<1xf32>
    %reduce_sum3A_191 = vector.multi_reduction <add>, %reduce_sum3A_189, %reduce_sum3A_190 [1, 2] : vector<1x128x512xf32> to vector<1xf32>
    %reduce_sum3A_192 = vector.shape_cast %reduce_sum3A_191 : vector<1xf32> to vector<1x1x1xf32>
    %reduce_sum3A_193 = vector.extract %reduce_sum3A_192[0, 0, 0] : f32 from vector<1x1x1xf32>
    %add3A_194 = arith.addf %get3A_185, %reduce_sum3A_193 : f32
    %swap3A_195 = arith.constant 34 : index
    %swap3A_196 = memref.load %arg4[%swap3A_195] : memref<48xf32, #tpu.memory_space<smem>>
    memref.store %add3A_194, %arg4[%swap3A_195] : memref<48xf32, #tpu.memory_space<smem>>
    %eq3A_197 = arith.constant 3 : i32
    %eq3A_198 = vector.broadcast %eq3A_197 : i32 to vector<128x512xi32>
    %eq3A_199 = arith.cmpi eq, %convert_element_type3A_69, %eq3A_198 : vector<128x512xi32>
    %get3A_200 = arith.constant 3 : index
    %get3A_201 = memref.load %arg4[%get3A_200] : memref<48xf32, #tpu.memory_space<smem>>
    %jit3A_202 = arith.constant 1.000000e+00 : f32
    %jit3A_203 = arith.constant 0.000000e+00 : f32
    %broadcast_in_dim3A_204 = vector.broadcast %jit3A_202 : f32 to vector<128x512xf32>
    %broadcast_in_dim3A_205 = vector.broadcast %jit3A_203 : f32 to vector<128x512xf32>
    %select_n3A_206 = arith.select %eq3A_199, %broadcast_in_dim3A_204, %broadcast_in_dim3A_205 : vector<128x512xi1>, vector<128x512xf32>
    %reduce_sum3A_207 = vector.shape_cast %select_n3A_206 : vector<128x512xf32> to vector<1x128x512xf32>
    %reduce_sum3A_208 = arith.constant dense<0.000000e+00> : vector<1xf32>
    %reduce_sum3A_209 = vector.multi_reduction <add>, %reduce_sum3A_207, %reduce_sum3A_208 [1, 2] : vector<1x128x512xf32> to vector<1xf32>
    %reduce_sum3A_210 = vector.shape_cast %reduce_sum3A_209 : vector<1xf32> to vector<1x1x1xf32>
    %reduce_sum3A_211 = vector.extract %reduce_sum3A_210[0, 0, 0] : f32 from vector<1x1x1xf32>
    %add3A_212 = arith.addf %get3A_201, %reduce_sum3A_211 : f32
    %swap3A_213 = arith.constant 3 : index
    %swap3A_214 = memref.load %arg4[%swap3A_213] : memref<48xf32, #tpu.memory_space<smem>>
    memref.store %add3A_212, %arg4[%swap3A_213] : memref<48xf32, #tpu.memory_space<smem>>
    %get3A_215 = arith.constant 19 : index
    %get3A_216 = memref.load %arg4[%get3A_215] : memref<48xf32, #tpu.memory_space<smem>>
    %jit3A_217 = arith.constant 0.000000e+00 : f32
    %broadcast_in_dim3A_218 = vector.broadcast %jit3A_217 : f32 to vector<128x512xf32>
    %select_n3A_219 = arith.select %eq3A_199, %add3A_42, %broadcast_in_dim3A_218 : vector<128x512xi1>, vector<128x512xf32>
    %reduce_sum3A_220 = vector.shape_cast %select_n3A_219 : vector<128x512xf32> to vector<1x128x512xf32>
    %reduce_sum3A_221 = arith.constant dense<0.000000e+00> : vector<1xf32>
    %reduce_sum3A_222 = vector.multi_reduction <add>, %reduce_sum3A_220, %reduce_sum3A_221 [1, 2] : vector<1x128x512xf32> to vector<1xf32>
    %reduce_sum3A_223 = vector.shape_cast %reduce_sum3A_222 : vector<1xf32> to vector<1x1x1xf32>
    %reduce_sum3A_224 = vector.extract %reduce_sum3A_223[0, 0, 0] : f32 from vector<1x1x1xf32>
    %add3A_225 = arith.addf %get3A_216, %reduce_sum3A_224 : f32
    %swap3A_226 = arith.constant 19 : index
    %swap3A_227 = memref.load %arg4[%swap3A_226] : memref<48xf32, #tpu.memory_space<smem>>
    memref.store %add3A_225, %arg4[%swap3A_226] : memref<48xf32, #tpu.memory_space<smem>>
    %get3A_228 = arith.constant 35 : index
    %get3A_229 = memref.load %arg4[%get3A_228] : memref<48xf32, #tpu.memory_space<smem>>
    %jit3A_230 = arith.constant 0.000000e+00 : f32
    %broadcast_in_dim3A_231 = vector.broadcast %jit3A_230 : f32 to vector<128x512xf32>
    %select_n3A_232 = arith.select %eq3A_199, %add3A_65, %broadcast_in_dim3A_231 : vector<128x512xi1>, vector<128x512xf32>
    %reduce_sum3A_233 = vector.shape_cast %select_n3A_232 : vector<128x512xf32> to vector<1x128x512xf32>
    %reduce_sum3A_234 = arith.constant dense<0.000000e+00> : vector<1xf32>
    %reduce_sum3A_235 = vector.multi_reduction <add>, %reduce_sum3A_233, %reduce_sum3A_234 [1, 2] : vector<1x128x512xf32> to vector<1xf32>
    %reduce_sum3A_236 = vector.shape_cast %reduce_sum3A_235 : vector<1xf32> to vector<1x1x1xf32>
    %reduce_sum3A_237 = vector.extract %reduce_sum3A_236[0, 0, 0] : f32 from vector<1x1x1xf32>
    %add3A_238 = arith.addf %get3A_229, %reduce_sum3A_237 : f32
    %swap3A_239 = arith.constant 35 : index
    %swap3A_240 = memref.load %arg4[%swap3A_239] : memref<48xf32, #tpu.memory_space<smem>>
    memref.store %add3A_238, %arg4[%swap3A_239] : memref<48xf32, #tpu.memory_space<smem>>
    %eq3A_241 = arith.constant 4 : i32
    %eq3A_242 = vector.broadcast %eq3A_241 : i32 to vector<128x512xi32>
    %eq3A_243 = arith.cmpi eq, %convert_element_type3A_69, %eq3A_242 : vector<128x512xi32>
    %get3A_244 = arith.constant 4 : index
    %get3A_245 = memref.load %arg4[%get3A_244] : memref<48xf32, #tpu.memory_space<smem>>
    %jit3A_246 = arith.constant 1.000000e+00 : f32
    %jit3A_247 = arith.constant 0.000000e+00 : f32
    %broadcast_in_dim3A_248 = vector.broadcast %jit3A_246 : f32 to vector<128x512xf32>
    %broadcast_in_dim3A_249 = vector.broadcast %jit3A_247 : f32 to vector<128x512xf32>
    %select_n3A_250 = arith.select %eq3A_243, %broadcast_in_dim3A_248, %broadcast_in_dim3A_249 : vector<128x512xi1>, vector<128x512xf32>
    %reduce_sum3A_251 = vector.shape_cast %select_n3A_250 : vector<128x512xf32> to vector<1x128x512xf32>
    %reduce_sum3A_252 = arith.constant dense<0.000000e+00> : vector<1xf32>
    %reduce_sum3A_253 = vector.multi_reduction <add>, %reduce_sum3A_251, %reduce_sum3A_252 [1, 2] : vector<1x128x512xf32> to vector<1xf32>
    %reduce_sum3A_254 = vector.shape_cast %reduce_sum3A_253 : vector<1xf32> to vector<1x1x1xf32>
    %reduce_sum3A_255 = vector.extract %reduce_sum3A_254[0, 0, 0] : f32 from vector<1x1x1xf32>
    %add3A_256 = arith.addf %get3A_245, %reduce_sum3A_255 : f32
    %swap3A_257 = arith.constant 4 : index
    %swap3A_258 = memref.load %arg4[%swap3A_257] : memref<48xf32, #tpu.memory_space<smem>>
    memref.store %add3A_256, %arg4[%swap3A_257] : memref<48xf32, #tpu.memory_space<smem>>
    %get3A_259 = arith.constant 20 : index
    %get3A_260 = memref.load %arg4[%get3A_259] : memref<48xf32, #tpu.memory_space<smem>>
    %jit3A_261 = arith.constant 0.000000e+00 : f32
    %broadcast_in_dim3A_262 = vector.broadcast %jit3A_261 : f32 to vector<128x512xf32>
    %select_n3A_263 = arith.select %eq3A_243, %add3A_42, %broadcast_in_dim3A_262 : vector<128x512xi1>, vector<128x512xf32>
    %reduce_sum3A_264 = vector.shape_cast %select_n3A_263 : vector<128x512xf32> to vector<1x128x512xf32>
    %reduce_sum3A_265 = arith.constant dense<0.000000e+00> : vector<1xf32>
    %reduce_sum3A_266 = vector.multi_reduction <add>, %reduce_sum3A_264, %reduce_sum3A_265 [1, 2] : vector<1x128x512xf32> to vector<1xf32>
    %reduce_sum3A_267 = vector.shape_cast %reduce_sum3A_266 : vector<1xf32> to vector<1x1x1xf32>
    %reduce_sum3A_268 = vector.extract %reduce_sum3A_267[0, 0, 0] : f32 from vector<1x1x1xf32>
    %add3A_269 = arith.addf %get3A_260, %reduce_sum3A_268 : f32
    %swap3A_270 = arith.constant 20 : index
    %swap3A_271 = memref.load %arg4[%swap3A_270] : memref<48xf32, #tpu.memory_space<smem>>
    memref.store %add3A_269, %arg4[%swap3A_270] : memref<48xf32, #tpu.memory_space<smem>>
    %get3A_272 = arith.constant 36 : index
    %get3A_273 = memref.load %arg4[%get3A_272] : memref<48xf32, #tpu.memory_space<smem>>
    %jit3A_274 = arith.constant 0.000000e+00 : f32
    %broadcast_in_dim3A_275 = vector.broadcast %jit3A_274 : f32 to vector<128x512xf32>
    %select_n3A_276 = arith.select %eq3A_243, %add3A_65, %broadcast_in_dim3A_275 : vector<128x512xi1>, vector<128x512xf32>
    %reduce_sum3A_277 = vector.shape_cast %select_n3A_276 : vector<128x512xf32> to vector<1x128x512xf32>
    %reduce_sum3A_278 = arith.constant dense<0.000000e+00> : vector<1xf32>
    %reduce_sum3A_279 = vector.multi_reduction <add>, %reduce_sum3A_277, %reduce_sum3A_278 [1, 2] : vector<1x128x512xf32> to vector<1xf32>
    %reduce_sum3A_280 = vector.shape_cast %reduce_sum3A_279 : vector<1xf32> to vector<1x1x1xf32>
    %reduce_sum3A_281 = vector.extract %reduce_sum3A_280[0, 0, 0] : f32 from vector<1x1x1xf32>
    %add3A_282 = arith.addf %get3A_273, %reduce_sum3A_281 : f32
    %swap3A_283 = arith.constant 36 : index
    %swap3A_284 = memref.load %arg4[%swap3A_283] : memref<48xf32, #tpu.memory_space<smem>>
    memref.store %add3A_282, %arg4[%swap3A_283] : memref<48xf32, #tpu.memory_space<smem>>
    %eq3A_285 = arith.constant 5 : i32
    %eq3A_286 = vector.broadcast %eq3A_285 : i32 to vector<128x512xi32>
    %eq3A_287 = arith.cmpi eq, %convert_element_type3A_69, %eq3A_286 : vector<128x512xi32>
    %get3A_288 = arith.constant 5 : index
    %get3A_289 = memref.load %arg4[%get3A_288] : memref<48xf32, #tpu.memory_space<smem>>
    %jit3A_290 = arith.constant 1.000000e+00 : f32
    %jit3A_291 = arith.constant 0.000000e+00 : f32
    %broadcast_in_dim3A_292 = vector.broadcast %jit3A_290 : f32 to vector<128x512xf32>
    %broadcast_in_dim3A_293 = vector.broadcast %jit3A_291 : f32 to vector<128x512xf32>
    %select_n3A_294 = arith.select %eq3A_287, %broadcast_in_dim3A_292, %broadcast_in_dim3A_293 : vector<128x512xi1>, vector<128x512xf32>
    %reduce_sum3A_295 = vector.shape_cast %select_n3A_294 : vector<128x512xf32> to vector<1x128x512xf32>
    %reduce_sum3A_296 = arith.constant dense<0.000000e+00> : vector<1xf32>
    %reduce_sum3A_297 = vector.multi_reduction <add>, %reduce_sum3A_295, %reduce_sum3A_296 [1, 2] : vector<1x128x512xf32> to vector<1xf32>
    %reduce_sum3A_298 = vector.shape_cast %reduce_sum3A_297 : vector<1xf32> to vector<1x1x1xf32>
    %reduce_sum3A_299 = vector.extract %reduce_sum3A_298[0, 0, 0] : f32 from vector<1x1x1xf32>
    %add3A_300 = arith.addf %get3A_289, %reduce_sum3A_299 : f32
    %swap3A_301 = arith.constant 5 : index
    %swap3A_302 = memref.load %arg4[%swap3A_301] : memref<48xf32, #tpu.memory_space<smem>>
    memref.store %add3A_300, %arg4[%swap3A_301] : memref<48xf32, #tpu.memory_space<smem>>
    %get3A_303 = arith.constant 21 : index
    %get3A_304 = memref.load %arg4[%get3A_303] : memref<48xf32, #tpu.memory_space<smem>>
    %jit3A_305 = arith.constant 0.000000e+00 : f32
    %broadcast_in_dim3A_306 = vector.broadcast %jit3A_305 : f32 to vector<128x512xf32>
    %select_n3A_307 = arith.select %eq3A_287, %add3A_42, %broadcast_in_dim3A_306 : vector<128x512xi1>, vector<128x512xf32>
    %reduce_sum3A_308 = vector.shape_cast %select_n3A_307 : vector<128x512xf32> to vector<1x128x512xf32>
    %reduce_sum3A_309 = arith.constant dense<0.000000e+00> : vector<1xf32>
    %reduce_sum3A_310 = vector.multi_reduction <add>, %reduce_sum3A_308, %reduce_sum3A_309 [1, 2] : vector<1x128x512xf32> to vector<1xf32>
    %reduce_sum3A_311 = vector.shape_cast %reduce_sum3A_310 : vector<1xf32> to vector<1x1x1xf32>
    %reduce_sum3A_312 = vector.extract %reduce_sum3A_311[0, 0, 0] : f32 from vector<1x1x1xf32>
    %add3A_313 = arith.addf %get3A_304, %reduce_sum3A_312 : f32
    %swap3A_314 = arith.constant 21 : index
    %swap3A_315 = memref.load %arg4[%swap3A_314] : memref<48xf32, #tpu.memory_space<smem>>
    memref.store %add3A_313, %arg4[%swap3A_314] : memref<48xf32, #tpu.memory_space<smem>>
    %get3A_316 = arith.constant 37 : index
    %get3A_317 = memref.load %arg4[%get3A_316] : memref<48xf32, #tpu.memory_space<smem>>
    %jit3A_318 = arith.constant 0.000000e+00 : f32
    %broadcast_in_dim3A_319 = vector.broadcast %jit3A_318 : f32 to vector<128x512xf32>
    %select_n3A_320 = arith.select %eq3A_287, %add3A_65, %broadcast_in_dim3A_319 : vector<128x512xi1>, vector<128x512xf32>
    %reduce_sum3A_321 = vector.shape_cast %select_n3A_320 : vector<128x512xf32> to vector<1x128x512xf32>
    %reduce_sum3A_322 = arith.constant dense<0.000000e+00> : vector<1xf32>
    %reduce_sum3A_323 = vector.multi_reduction <add>, %reduce_sum3A_321, %reduce_sum3A_322 [1, 2] : vector<1x128x512xf32> to vector<1xf32>
    %reduce_sum3A_324 = vector.shape_cast %reduce_sum3A_323 : vector<1xf32> to vector<1x1x1xf32>
    %reduce_sum3A_325 = vector.extract %reduce_sum3A_324[0, 0, 0] : f32 from vector<1x1x1xf32>
    %add3A_326 = arith.addf %get3A_317, %reduce_sum3A_325 : f32
    %swap3A_327 = arith.constant 37 : index
    %swap3A_328 = memref.load %arg4[%swap3A_327] : memref<48xf32, #tpu.memory_space<smem>>
    memref.store %add3A_326, %arg4[%swap3A_327] : memref<48xf32, #tpu.memory_space<smem>>
    %eq3A_329 = arith.constant 6 : i32
    %eq3A_330 = vector.broadcast %eq3A_329 : i32 to vector<128x512xi32>
    %eq3A_331 = arith.cmpi eq, %convert_element_type3A_69, %eq3A_330 : vector<128x512xi32>
    %get3A_332 = arith.constant 6 : index
    %get3A_333 = memref.load %arg4[%get3A_332] : memref<48xf32, #tpu.memory_space<smem>>
    %jit3A_334 = arith.constant 1.000000e+00 : f32
    %jit3A_335 = arith.constant 0.000000e+00 : f32
    %broadcast_in_dim3A_336 = vector.broadcast %jit3A_334 : f32 to vector<128x512xf32>
    %broadcast_in_dim3A_337 = vector.broadcast %jit3A_335 : f32 to vector<128x512xf32>
    %select_n3A_338 = arith.select %eq3A_331, %broadcast_in_dim3A_336, %broadcast_in_dim3A_337 : vector<128x512xi1>, vector<128x512xf32>
    %reduce_sum3A_339 = vector.shape_cast %select_n3A_338 : vector<128x512xf32> to vector<1x128x512xf32>
    %reduce_sum3A_340 = arith.constant dense<0.000000e+00> : vector<1xf32>
    %reduce_sum3A_341 = vector.multi_reduction <add>, %reduce_sum3A_339, %reduce_sum3A_340 [1, 2] : vector<1x128x512xf32> to vector<1xf32>
    %reduce_sum3A_342 = vector.shape_cast %reduce_sum3A_341 : vector<1xf32> to vector<1x1x1xf32>
    %reduce_sum3A_343 = vector.extract %reduce_sum3A_342[0, 0, 0] : f32 from vector<1x1x1xf32>
    %add3A_344 = arith.addf %get3A_333, %reduce_sum3A_343 : f32
    %swap3A_345 = arith.constant 6 : index
    %swap3A_346 = memref.load %arg4[%swap3A_345] : memref<48xf32, #tpu.memory_space<smem>>
    memref.store %add3A_344, %arg4[%swap3A_345] : memref<48xf32, #tpu.memory_space<smem>>
    %get3A_347 = arith.constant 22 : index
    %get3A_348 = memref.load %arg4[%get3A_347] : memref<48xf32, #tpu.memory_space<smem>>
    %jit3A_349 = arith.constant 0.000000e+00 : f32
    %broadcast_in_dim3A_350 = vector.broadcast %jit3A_349 : f32 to vector<128x512xf32>
    %select_n3A_351 = arith.select %eq3A_331, %add3A_42, %broadcast_in_dim3A_350 : vector<128x512xi1>, vector<128x512xf32>
    %reduce_sum3A_352 = vector.shape_cast %select_n3A_351 : vector<128x512xf32> to vector<1x128x512xf32>
    %reduce_sum3A_353 = arith.constant dense<0.000000e+00> : vector<1xf32>
    %reduce_sum3A_354 = vector.multi_reduction <add>, %reduce_sum3A_352, %reduce_sum3A_353 [1, 2] : vector<1x128x512xf32> to vector<1xf32>
    %reduce_sum3A_355 = vector.shape_cast %reduce_sum3A_354 : vector<1xf32> to vector<1x1x1xf32>
    %reduce_sum3A_356 = vector.extract %reduce_sum3A_355[0, 0, 0] : f32 from vector<1x1x1xf32>
    %add3A_357 = arith.addf %get3A_348, %reduce_sum3A_356 : f32
    %swap3A_358 = arith.constant 22 : index
    %swap3A_359 = memref.load %arg4[%swap3A_358] : memref<48xf32, #tpu.memory_space<smem>>
    memref.store %add3A_357, %arg4[%swap3A_358] : memref<48xf32, #tpu.memory_space<smem>>
    %get3A_360 = arith.constant 38 : index
    %get3A_361 = memref.load %arg4[%get3A_360] : memref<48xf32, #tpu.memory_space<smem>>
    %jit3A_362 = arith.constant 0.000000e+00 : f32
    %broadcast_in_dim3A_363 = vector.broadcast %jit3A_362 : f32 to vector<128x512xf32>
    %select_n3A_364 = arith.select %eq3A_331, %add3A_65, %broadcast_in_dim3A_363 : vector<128x512xi1>, vector<128x512xf32>
    %reduce_sum3A_365 = vector.shape_cast %select_n3A_364 : vector<128x512xf32> to vector<1x128x512xf32>
    %reduce_sum3A_366 = arith.constant dense<0.000000e+00> : vector<1xf32>
    %reduce_sum3A_367 = vector.multi_reduction <add>, %reduce_sum3A_365, %reduce_sum3A_366 [1, 2] : vector<1x128x512xf32> to vector<1xf32>
    %reduce_sum3A_368 = vector.shape_cast %reduce_sum3A_367 : vector<1xf32> to vector<1x1x1xf32>
    %reduce_sum3A_369 = vector.extract %reduce_sum3A_368[0, 0, 0] : f32 from vector<1x1x1xf32>
    %add3A_370 = arith.addf %get3A_361, %reduce_sum3A_369 : f32
    %swap3A_371 = arith.constant 38 : index
    %swap3A_372 = memref.load %arg4[%swap3A_371] : memref<48xf32, #tpu.memory_space<smem>>
    memref.store %add3A_370, %arg4[%swap3A_371] : memref<48xf32, #tpu.memory_space<smem>>
    %eq3A_373 = arith.constant 7 : i32
    %eq3A_374 = vector.broadcast %eq3A_373 : i32 to vector<128x512xi32>
    %eq3A_375 = arith.cmpi eq, %convert_element_type3A_69, %eq3A_374 : vector<128x512xi32>
    %get3A_376 = arith.constant 7 : index
    %get3A_377 = memref.load %arg4[%get3A_376] : memref<48xf32, #tpu.memory_space<smem>>
    %jit3A_378 = arith.constant 1.000000e+00 : f32
    %jit3A_379 = arith.constant 0.000000e+00 : f32
    %broadcast_in_dim3A_380 = vector.broadcast %jit3A_378 : f32 to vector<128x512xf32>
    %broadcast_in_dim3A_381 = vector.broadcast %jit3A_379 : f32 to vector<128x512xf32>
    %select_n3A_382 = arith.select %eq3A_375, %broadcast_in_dim3A_380, %broadcast_in_dim3A_381 : vector<128x512xi1>, vector<128x512xf32>
    %reduce_sum3A_383 = vector.shape_cast %select_n3A_382 : vector<128x512xf32> to vector<1x128x512xf32>
    %reduce_sum3A_384 = arith.constant dense<0.000000e+00> : vector<1xf32>
    %reduce_sum3A_385 = vector.multi_reduction <add>, %reduce_sum3A_383, %reduce_sum3A_384 [1, 2] : vector<1x128x512xf32> to vector<1xf32>
    %reduce_sum3A_386 = vector.shape_cast %reduce_sum3A_385 : vector<1xf32> to vector<1x1x1xf32>
    %reduce_sum3A_387 = vector.extract %reduce_sum3A_386[0, 0, 0] : f32 from vector<1x1x1xf32>
    %add3A_388 = arith.addf %get3A_377, %reduce_sum3A_387 : f32
    %swap3A_389 = arith.constant 7 : index
    %swap3A_390 = memref.load %arg4[%swap3A_389] : memref<48xf32, #tpu.memory_space<smem>>
    memref.store %add3A_388, %arg4[%swap3A_389] : memref<48xf32, #tpu.memory_space<smem>>
    %get3A_391 = arith.constant 23 : index
    %get3A_392 = memref.load %arg4[%get3A_391] : memref<48xf32, #tpu.memory_space<smem>>
    %jit3A_393 = arith.constant 0.000000e+00 : f32
    %broadcast_in_dim3A_394 = vector.broadcast %jit3A_393 : f32 to vector<128x512xf32>
    %select_n3A_395 = arith.select %eq3A_375, %add3A_42, %broadcast_in_dim3A_394 : vector<128x512xi1>, vector<128x512xf32>
    %reduce_sum3A_396 = vector.shape_cast %select_n3A_395 : vector<128x512xf32> to vector<1x128x512xf32>
    %reduce_sum3A_397 = arith.constant dense<0.000000e+00> : vector<1xf32>
    %reduce_sum3A_398 = vector.multi_reduction <add>, %reduce_sum3A_396, %reduce_sum3A_397 [1, 2] : vector<1x128x512xf32> to vector<1xf32>
    %reduce_sum3A_399 = vector.shape_cast %reduce_sum3A_398 : vector<1xf32> to vector<1x1x1xf32>
    %reduce_sum3A_400 = vector.extract %reduce_sum3A_399[0, 0, 0] : f32 from vector<1x1x1xf32>
    %add3A_401 = arith.addf %get3A_392, %reduce_sum3A_400 : f32
    %swap3A_402 = arith.constant 23 : index
    %swap3A_403 = memref.load %arg4[%swap3A_402] : memref<48xf32, #tpu.memory_space<smem>>
    memref.store %add3A_401, %arg4[%swap3A_402] : memref<48xf32, #tpu.memory_space<smem>>
    %get3A_404 = arith.constant 39 : index
    %get3A_405 = memref.load %arg4[%get3A_404] : memref<48xf32, #tpu.memory_space<smem>>
    %jit3A_406 = arith.constant 0.000000e+00 : f32
    %broadcast_in_dim3A_407 = vector.broadcast %jit3A_406 : f32 to vector<128x512xf32>
    %select_n3A_408 = arith.select %eq3A_375, %add3A_65, %broadcast_in_dim3A_407 : vector<128x512xi1>, vector<128x512xf32>
    %reduce_sum3A_409 = vector.shape_cast %select_n3A_408 : vector<128x512xf32> to vector<1x128x512xf32>
    %reduce_sum3A_410 = arith.constant dense<0.000000e+00> : vector<1xf32>
    %reduce_sum3A_411 = vector.multi_reduction <add>, %reduce_sum3A_409, %reduce_sum3A_410 [1, 2] : vector<1x128x512xf32> to vector<1xf32>
    %reduce_sum3A_412 = vector.shape_cast %reduce_sum3A_411 : vector<1xf32> to vector<1x1x1xf32>
    %reduce_sum3A_413 = vector.extract %reduce_sum3A_412[0, 0, 0] : f32 from vector<1x1x1xf32>
    %add3A_414 = arith.addf %get3A_405, %reduce_sum3A_413 : f32
    %swap3A_415 = arith.constant 39 : index
    %swap3A_416 = memref.load %arg4[%swap3A_415] : memref<48xf32, #tpu.memory_space<smem>>
    memref.store %add3A_414, %arg4[%swap3A_415] : memref<48xf32, #tpu.memory_space<smem>>
    %eq3A_417 = arith.constant 8 : i32
    %eq3A_418 = vector.broadcast %eq3A_417 : i32 to vector<128x512xi32>
    %eq3A_419 = arith.cmpi eq, %convert_element_type3A_69, %eq3A_418 : vector<128x512xi32>
    %get3A_420 = arith.constant 8 : index
    %get3A_421 = memref.load %arg4[%get3A_420] : memref<48xf32, #tpu.memory_space<smem>>
    %jit3A_422 = arith.constant 1.000000e+00 : f32
    %jit3A_423 = arith.constant 0.000000e+00 : f32
    %broadcast_in_dim3A_424 = vector.broadcast %jit3A_422 : f32 to vector<128x512xf32>
    %broadcast_in_dim3A_425 = vector.broadcast %jit3A_423 : f32 to vector<128x512xf32>
    %select_n3A_426 = arith.select %eq3A_419, %broadcast_in_dim3A_424, %broadcast_in_dim3A_425 : vector<128x512xi1>, vector<128x512xf32>
    %reduce_sum3A_427 = vector.shape_cast %select_n3A_426 : vector<128x512xf32> to vector<1x128x512xf32>
    %reduce_sum3A_428 = arith.constant dense<0.000000e+00> : vector<1xf32>
    %reduce_sum3A_429 = vector.multi_reduction <add>, %reduce_sum3A_427, %reduce_sum3A_428 [1, 2] : vector<1x128x512xf32> to vector<1xf32>
    %reduce_sum3A_430 = vector.shape_cast %reduce_sum3A_429 : vector<1xf32> to vector<1x1x1xf32>
    %reduce_sum3A_431 = vector.extract %reduce_sum3A_430[0, 0, 0] : f32 from vector<1x1x1xf32>
    %add3A_432 = arith.addf %get3A_421, %reduce_sum3A_431 : f32
    %swap3A_433 = arith.constant 8 : index
    %swap3A_434 = memref.load %arg4[%swap3A_433] : memref<48xf32, #tpu.memory_space<smem>>
    memref.store %add3A_432, %arg4[%swap3A_433] : memref<48xf32, #tpu.memory_space<smem>>
    %get3A_435 = arith.constant 24 : index
    %get3A_436 = memref.load %arg4[%get3A_435] : memref<48xf32, #tpu.memory_space<smem>>
    %jit3A_437 = arith.constant 0.000000e+00 : f32
    %broadcast_in_dim3A_438 = vector.broadcast %jit3A_437 : f32 to vector<128x512xf32>
    %select_n3A_439 = arith.select %eq3A_419, %add3A_42, %broadcast_in_dim3A_438 : vector<128x512xi1>, vector<128x512xf32>
    %reduce_sum3A_440 = vector.shape_cast %select_n3A_439 : vector<128x512xf32> to vector<1x128x512xf32>
    %reduce_sum3A_441 = arith.constant dense<0.000000e+00> : vector<1xf32>
    %reduce_sum3A_442 = vector.multi_reduction <add>, %reduce_sum3A_440, %reduce_sum3A_441 [1, 2] : vector<1x128x512xf32> to vector<1xf32>
    %reduce_sum3A_443 = vector.shape_cast %reduce_sum3A_442 : vector<1xf32> to vector<1x1x1xf32>
    %reduce_sum3A_444 = vector.extract %reduce_sum3A_443[0, 0, 0] : f32 from vector<1x1x1xf32>
    %add3A_445 = arith.addf %get3A_436, %reduce_sum3A_444 : f32
    %swap3A_446 = arith.constant 24 : index
    %swap3A_447 = memref.load %arg4[%swap3A_446] : memref<48xf32, #tpu.memory_space<smem>>
    memref.store %add3A_445, %arg4[%swap3A_446] : memref<48xf32, #tpu.memory_space<smem>>
    %get3A_448 = arith.constant 40 : index
    %get3A_449 = memref.load %arg4[%get3A_448] : memref<48xf32, #tpu.memory_space<smem>>
    %jit3A_450 = arith.constant 0.000000e+00 : f32
    %broadcast_in_dim3A_451 = vector.broadcast %jit3A_450 : f32 to vector<128x512xf32>
    %select_n3A_452 = arith.select %eq3A_419, %add3A_65, %broadcast_in_dim3A_451 : vector<128x512xi1>, vector<128x512xf32>
    %reduce_sum3A_453 = vector.shape_cast %select_n3A_452 : vector<128x512xf32> to vector<1x128x512xf32>
    %reduce_sum3A_454 = arith.constant dense<0.000000e+00> : vector<1xf32>
    %reduce_sum3A_455 = vector.multi_reduction <add>, %reduce_sum3A_453, %reduce_sum3A_454 [1, 2] : vector<1x128x512xf32> to vector<1xf32>
    %reduce_sum3A_456 = vector.shape_cast %reduce_sum3A_455 : vector<1xf32> to vector<1x1x1xf32>
    %reduce_sum3A_457 = vector.extract %reduce_sum3A_456[0, 0, 0] : f32 from vector<1x1x1xf32>
    %add3A_458 = arith.addf %get3A_449, %reduce_sum3A_457 : f32
    %swap3A_459 = arith.constant 40 : index
    %swap3A_460 = memref.load %arg4[%swap3A_459] : memref<48xf32, #tpu.memory_space<smem>>
    memref.store %add3A_458, %arg4[%swap3A_459] : memref<48xf32, #tpu.memory_space<smem>>
    %eq3A_461 = arith.constant 9 : i32
    %eq3A_462 = vector.broadcast %eq3A_461 : i32 to vector<128x512xi32>
    %eq3A_463 = arith.cmpi eq, %convert_element_type3A_69, %eq3A_462 : vector<128x512xi32>
    %get3A_464 = arith.constant 9 : index
    %get3A_465 = memref.load %arg4[%get3A_464] : memref<48xf32, #tpu.memory_space<smem>>
    %jit3A_466 = arith.constant 1.000000e+00 : f32
    %jit3A_467 = arith.constant 0.000000e+00 : f32
    %broadcast_in_dim3A_468 = vector.broadcast %jit3A_466 : f32 to vector<128x512xf32>
    %broadcast_in_dim3A_469 = vector.broadcast %jit3A_467 : f32 to vector<128x512xf32>
    %select_n3A_470 = arith.select %eq3A_463, %broadcast_in_dim3A_468, %broadcast_in_dim3A_469 : vector<128x512xi1>, vector<128x512xf32>
    %reduce_sum3A_471 = vector.shape_cast %select_n3A_470 : vector<128x512xf32> to vector<1x128x512xf32>
    %reduce_sum3A_472 = arith.constant dense<0.000000e+00> : vector<1xf32>
    %reduce_sum3A_473 = vector.multi_reduction <add>, %reduce_sum3A_471, %reduce_sum3A_472 [1, 2] : vector<1x128x512xf32> to vector<1xf32>
    %reduce_sum3A_474 = vector.shape_cast %reduce_sum3A_473 : vector<1xf32> to vector<1x1x1xf32>
    %reduce_sum3A_475 = vector.extract %reduce_sum3A_474[0, 0, 0] : f32 from vector<1x1x1xf32>
    %add3A_476 = arith.addf %get3A_465, %reduce_sum3A_475 : f32
    %swap3A_477 = arith.constant 9 : index
    %swap3A_478 = memref.load %arg4[%swap3A_477] : memref<48xf32, #tpu.memory_space<smem>>
    memref.store %add3A_476, %arg4[%swap3A_477] : memref<48xf32, #tpu.memory_space<smem>>
    %get3A_479 = arith.constant 25 : index
    %get3A_480 = memref.load %arg4[%get3A_479] : memref<48xf32, #tpu.memory_space<smem>>
    %jit3A_481 = arith.constant 0.000000e+00 : f32
    %broadcast_in_dim3A_482 = vector.broadcast %jit3A_481 : f32 to vector<128x512xf32>
    %select_n3A_483 = arith.select %eq3A_463, %add3A_42, %broadcast_in_dim3A_482 : vector<128x512xi1>, vector<128x512xf32>
    %reduce_sum3A_484 = vector.shape_cast %select_n3A_483 : vector<128x512xf32> to vector<1x128x512xf32>
    %reduce_sum3A_485 = arith.constant dense<0.000000e+00> : vector<1xf32>
    %reduce_sum3A_486 = vector.multi_reduction <add>, %reduce_sum3A_484, %reduce_sum3A_485 [1, 2] : vector<1x128x512xf32> to vector<1xf32>
    %reduce_sum3A_487 = vector.shape_cast %reduce_sum3A_486 : vector<1xf32> to vector<1x1x1xf32>
    %reduce_sum3A_488 = vector.extract %reduce_sum3A_487[0, 0, 0] : f32 from vector<1x1x1xf32>
    %add3A_489 = arith.addf %get3A_480, %reduce_sum3A_488 : f32
    %swap3A_490 = arith.constant 25 : index
    %swap3A_491 = memref.load %arg4[%swap3A_490] : memref<48xf32, #tpu.memory_space<smem>>
    memref.store %add3A_489, %arg4[%swap3A_490] : memref<48xf32, #tpu.memory_space<smem>>
    %get3A_492 = arith.constant 41 : index
    %get3A_493 = memref.load %arg4[%get3A_492] : memref<48xf32, #tpu.memory_space<smem>>
    %jit3A_494 = arith.constant 0.000000e+00 : f32
    %broadcast_in_dim3A_495 = vector.broadcast %jit3A_494 : f32 to vector<128x512xf32>
    %select_n3A_496 = arith.select %eq3A_463, %add3A_65, %broadcast_in_dim3A_495 : vector<128x512xi1>, vector<128x512xf32>
    %reduce_sum3A_497 = vector.shape_cast %select_n3A_496 : vector<128x512xf32> to vector<1x128x512xf32>
    %reduce_sum3A_498 = arith.constant dense<0.000000e+00> : vector<1xf32>
    %reduce_sum3A_499 = vector.multi_reduction <add>, %reduce_sum3A_497, %reduce_sum3A_498 [1, 2] : vector<1x128x512xf32> to vector<1xf32>
    %reduce_sum3A_500 = vector.shape_cast %reduce_sum3A_499 : vector<1xf32> to vector<1x1x1xf32>
    %reduce_sum3A_501 = vector.extract %reduce_sum3A_500[0, 0, 0] : f32 from vector<1x1x1xf32>
    %add3A_502 = arith.addf %get3A_493, %reduce_sum3A_501 : f32
    %swap3A_503 = arith.constant 41 : index
    %swap3A_504 = memref.load %arg4[%swap3A_503] : memref<48xf32, #tpu.memory_space<smem>>
    memref.store %add3A_502, %arg4[%swap3A_503] : memref<48xf32, #tpu.memory_space<smem>>
    %eq3A_505 = arith.constant 10 : i32
    %eq3A_506 = vector.broadcast %eq3A_505 : i32 to vector<128x512xi32>
    %eq3A_507 = arith.cmpi eq, %convert_element_type3A_69, %eq3A_506 : vector<128x512xi32>
    %get3A_508 = arith.constant 10 : index
    %get3A_509 = memref.load %arg4[%get3A_508] : memref<48xf32, #tpu.memory_space<smem>>
    %jit3A_510 = arith.constant 1.000000e+00 : f32
    %jit3A_511 = arith.constant 0.000000e+00 : f32
    %broadcast_in_dim3A_512 = vector.broadcast %jit3A_510 : f32 to vector<128x512xf32>
    %broadcast_in_dim3A_513 = vector.broadcast %jit3A_511 : f32 to vector<128x512xf32>
    %select_n3A_514 = arith.select %eq3A_507, %broadcast_in_dim3A_512, %broadcast_in_dim3A_513 : vector<128x512xi1>, vector<128x512xf32>
    %reduce_sum3A_515 = vector.shape_cast %select_n3A_514 : vector<128x512xf32> to vector<1x128x512xf32>
    %reduce_sum3A_516 = arith.constant dense<0.000000e+00> : vector<1xf32>
    %reduce_sum3A_517 = vector.multi_reduction <add>, %reduce_sum3A_515, %reduce_sum3A_516 [1, 2] : vector<1x128x512xf32> to vector<1xf32>
    %reduce_sum3A_518 = vector.shape_cast %reduce_sum3A_517 : vector<1xf32> to vector<1x1x1xf32>
    %reduce_sum3A_519 = vector.extract %reduce_sum3A_518[0, 0, 0] : f32 from vector<1x1x1xf32>
    %add3A_520 = arith.addf %get3A_509, %reduce_sum3A_519 : f32
    %swap3A_521 = arith.constant 10 : index
    %swap3A_522 = memref.load %arg4[%swap3A_521] : memref<48xf32, #tpu.memory_space<smem>>
    memref.store %add3A_520, %arg4[%swap3A_521] : memref<48xf32, #tpu.memory_space<smem>>
    %get3A_523 = arith.constant 26 : index
    %get3A_524 = memref.load %arg4[%get3A_523] : memref<48xf32, #tpu.memory_space<smem>>
    %jit3A_525 = arith.constant 0.000000e+00 : f32
    %broadcast_in_dim3A_526 = vector.broadcast %jit3A_525 : f32 to vector<128x512xf32>
    %select_n3A_527 = arith.select %eq3A_507, %add3A_42, %broadcast_in_dim3A_526 : vector<128x512xi1>, vector<128x512xf32>
    %reduce_sum3A_528 = vector.shape_cast %select_n3A_527 : vector<128x512xf32> to vector<1x128x512xf32>
    %reduce_sum3A_529 = arith.constant dense<0.000000e+00> : vector<1xf32>
    %reduce_sum3A_530 = vector.multi_reduction <add>, %reduce_sum3A_528, %reduce_sum3A_529 [1, 2] : vector<1x128x512xf32> to vector<1xf32>
    %reduce_sum3A_531 = vector.shape_cast %reduce_sum3A_530 : vector<1xf32> to vector<1x1x1xf32>
    %reduce_sum3A_532 = vector.extract %reduce_sum3A_531[0, 0, 0] : f32 from vector<1x1x1xf32>
    %add3A_533 = arith.addf %get3A_524, %reduce_sum3A_532 : f32
    %swap3A_534 = arith.constant 26 : index
    %swap3A_535 = memref.load %arg4[%swap3A_534] : memref<48xf32, #tpu.memory_space<smem>>
    memref.store %add3A_533, %arg4[%swap3A_534] : memref<48xf32, #tpu.memory_space<smem>>
    %get3A_536 = arith.constant 42 : index
    %get3A_537 = memref.load %arg4[%get3A_536] : memref<48xf32, #tpu.memory_space<smem>>
    %jit3A_538 = arith.constant 0.000000e+00 : f32
    %broadcast_in_dim3A_539 = vector.broadcast %jit3A_538 : f32 to vector<128x512xf32>
    %select_n3A_540 = arith.select %eq3A_507, %add3A_65, %broadcast_in_dim3A_539 : vector<128x512xi1>, vector<128x512xf32>
    %reduce_sum3A_541 = vector.shape_cast %select_n3A_540 : vector<128x512xf32> to vector<1x128x512xf32>
    %reduce_sum3A_542 = arith.constant dense<0.000000e+00> : vector<1xf32>
    %reduce_sum3A_543 = vector.multi_reduction <add>, %reduce_sum3A_541, %reduce_sum3A_542 [1, 2] : vector<1x128x512xf32> to vector<1xf32>
    %reduce_sum3A_544 = vector.shape_cast %reduce_sum3A_543 : vector<1xf32> to vector<1x1x1xf32>
    %reduce_sum3A_545 = vector.extract %reduce_sum3A_544[0, 0, 0] : f32 from vector<1x1x1xf32>
    %add3A_546 = arith.addf %get3A_537, %reduce_sum3A_545 : f32
    %swap3A_547 = arith.constant 42 : index
    %swap3A_548 = memref.load %arg4[%swap3A_547] : memref<48xf32, #tpu.memory_space<smem>>
    memref.store %add3A_546, %arg4[%swap3A_547] : memref<48xf32, #tpu.memory_space<smem>>
    %eq3A_549 = arith.constant 11 : i32
    %eq3A_550 = vector.broadcast %eq3A_549 : i32 to vector<128x512xi32>
    %eq3A_551 = arith.cmpi eq, %convert_element_type3A_69, %eq3A_550 : vector<128x512xi32>
    %get3A_552 = arith.constant 11 : index
    %get3A_553 = memref.load %arg4[%get3A_552] : memref<48xf32, #tpu.memory_space<smem>>
    %jit3A_554 = arith.constant 1.000000e+00 : f32
    %jit3A_555 = arith.constant 0.000000e+00 : f32
    %broadcast_in_dim3A_556 = vector.broadcast %jit3A_554 : f32 to vector<128x512xf32>
    %broadcast_in_dim3A_557 = vector.broadcast %jit3A_555 : f32 to vector<128x512xf32>
    %select_n3A_558 = arith.select %eq3A_551, %broadcast_in_dim3A_556, %broadcast_in_dim3A_557 : vector<128x512xi1>, vector<128x512xf32>
    %reduce_sum3A_559 = vector.shape_cast %select_n3A_558 : vector<128x512xf32> to vector<1x128x512xf32>
    %reduce_sum3A_560 = arith.constant dense<0.000000e+00> : vector<1xf32>
    %reduce_sum3A_561 = vector.multi_reduction <add>, %reduce_sum3A_559, %reduce_sum3A_560 [1, 2] : vector<1x128x512xf32> to vector<1xf32>
    %reduce_sum3A_562 = vector.shape_cast %reduce_sum3A_561 : vector<1xf32> to vector<1x1x1xf32>
    %reduce_sum3A_563 = vector.extract %reduce_sum3A_562[0, 0, 0] : f32 from vector<1x1x1xf32>
    %add3A_564 = arith.addf %get3A_553, %reduce_sum3A_563 : f32
    %swap3A_565 = arith.constant 11 : index
    %swap3A_566 = memref.load %arg4[%swap3A_565] : memref<48xf32, #tpu.memory_space<smem>>
    memref.store %add3A_564, %arg4[%swap3A_565] : memref<48xf32, #tpu.memory_space<smem>>
    %get3A_567 = arith.constant 27 : index
    %get3A_568 = memref.load %arg4[%get3A_567] : memref<48xf32, #tpu.memory_space<smem>>
    %jit3A_569 = arith.constant 0.000000e+00 : f32
    %broadcast_in_dim3A_570 = vector.broadcast %jit3A_569 : f32 to vector<128x512xf32>
    %select_n3A_571 = arith.select %eq3A_551, %add3A_42, %broadcast_in_dim3A_570 : vector<128x512xi1>, vector<128x512xf32>
    %reduce_sum3A_572 = vector.shape_cast %select_n3A_571 : vector<128x512xf32> to vector<1x128x512xf32>
    %reduce_sum3A_573 = arith.constant dense<0.000000e+00> : vector<1xf32>
    %reduce_sum3A_574 = vector.multi_reduction <add>, %reduce_sum3A_572, %reduce_sum3A_573 [1, 2] : vector<1x128x512xf32> to vector<1xf32>
    %reduce_sum3A_575 = vector.shape_cast %reduce_sum3A_574 : vector<1xf32> to vector<1x1x1xf32>
    %reduce_sum3A_576 = vector.extract %reduce_sum3A_575[0, 0, 0] : f32 from vector<1x1x1xf32>
    %add3A_577 = arith.addf %get3A_568, %reduce_sum3A_576 : f32
    %swap3A_578 = arith.constant 27 : index
    %swap3A_579 = memref.load %arg4[%swap3A_578] : memref<48xf32, #tpu.memory_space<smem>>
    memref.store %add3A_577, %arg4[%swap3A_578] : memref<48xf32, #tpu.memory_space<smem>>
    %get3A_580 = arith.constant 43 : index
    %get3A_581 = memref.load %arg4[%get3A_580] : memref<48xf32, #tpu.memory_space<smem>>
    %jit3A_582 = arith.constant 0.000000e+00 : f32
    %broadcast_in_dim3A_583 = vector.broadcast %jit3A_582 : f32 to vector<128x512xf32>
    %select_n3A_584 = arith.select %eq3A_551, %add3A_65, %broadcast_in_dim3A_583 : vector<128x512xi1>, vector<128x512xf32>
    %reduce_sum3A_585 = vector.shape_cast %select_n3A_584 : vector<128x512xf32> to vector<1x128x512xf32>
    %reduce_sum3A_586 = arith.constant dense<0.000000e+00> : vector<1xf32>
    %reduce_sum3A_587 = vector.multi_reduction <add>, %reduce_sum3A_585, %reduce_sum3A_586 [1, 2] : vector<1x128x512xf32> to vector<1xf32>
    %reduce_sum3A_588 = vector.shape_cast %reduce_sum3A_587 : vector<1xf32> to vector<1x1x1xf32>
    %reduce_sum3A_589 = vector.extract %reduce_sum3A_588[0, 0, 0] : f32 from vector<1x1x1xf32>
    %add3A_590 = arith.addf %get3A_581, %reduce_sum3A_589 : f32
    %swap3A_591 = arith.constant 43 : index
    %swap3A_592 = memref.load %arg4[%swap3A_591] : memref<48xf32, #tpu.memory_space<smem>>
    memref.store %add3A_590, %arg4[%swap3A_591] : memref<48xf32, #tpu.memory_space<smem>>
    %eq3A_593 = arith.constant 12 : i32
    %eq3A_594 = vector.broadcast %eq3A_593 : i32 to vector<128x512xi32>
    %eq3A_595 = arith.cmpi eq, %convert_element_type3A_69, %eq3A_594 : vector<128x512xi32>
    %get3A_596 = arith.constant 12 : index
    %get3A_597 = memref.load %arg4[%get3A_596] : memref<48xf32, #tpu.memory_space<smem>>
    %jit3A_598 = arith.constant 1.000000e+00 : f32
    %jit3A_599 = arith.constant 0.000000e+00 : f32
    %broadcast_in_dim3A_600 = vector.broadcast %jit3A_598 : f32 to vector<128x512xf32>
    %broadcast_in_dim3A_601 = vector.broadcast %jit3A_599 : f32 to vector<128x512xf32>
    %select_n3A_602 = arith.select %eq3A_595, %broadcast_in_dim3A_600, %broadcast_in_dim3A_601 : vector<128x512xi1>, vector<128x512xf32>
    %reduce_sum3A_603 = vector.shape_cast %select_n3A_602 : vector<128x512xf32> to vector<1x128x512xf32>
    %reduce_sum3A_604 = arith.constant dense<0.000000e+00> : vector<1xf32>
    %reduce_sum3A_605 = vector.multi_reduction <add>, %reduce_sum3A_603, %reduce_sum3A_604 [1, 2] : vector<1x128x512xf32> to vector<1xf32>
    %reduce_sum3A_606 = vector.shape_cast %reduce_sum3A_605 : vector<1xf32> to vector<1x1x1xf32>
    %reduce_sum3A_607 = vector.extract %reduce_sum3A_606[0, 0, 0] : f32 from vector<1x1x1xf32>
    %add3A_608 = arith.addf %get3A_597, %reduce_sum3A_607 : f32
    %swap3A_609 = arith.constant 12 : index
    %swap3A_610 = memref.load %arg4[%swap3A_609] : memref<48xf32, #tpu.memory_space<smem>>
    memref.store %add3A_608, %arg4[%swap3A_609] : memref<48xf32, #tpu.memory_space<smem>>
    %get3A_611 = arith.constant 28 : index
    %get3A_612 = memref.load %arg4[%get3A_611] : memref<48xf32, #tpu.memory_space<smem>>
    %jit3A_613 = arith.constant 0.000000e+00 : f32
    %broadcast_in_dim3A_614 = vector.broadcast %jit3A_613 : f32 to vector<128x512xf32>
    %select_n3A_615 = arith.select %eq3A_595, %add3A_42, %broadcast_in_dim3A_614 : vector<128x512xi1>, vector<128x512xf32>
    %reduce_sum3A_616 = vector.shape_cast %select_n3A_615 : vector<128x512xf32> to vector<1x128x512xf32>
    %reduce_sum3A_617 = arith.constant dense<0.000000e+00> : vector<1xf32>
    %reduce_sum3A_618 = vector.multi_reduction <add>, %reduce_sum3A_616, %reduce_sum3A_617 [1, 2] : vector<1x128x512xf32> to vector<1xf32>
    %reduce_sum3A_619 = vector.shape_cast %reduce_sum3A_618 : vector<1xf32> to vector<1x1x1xf32>
    %reduce_sum3A_620 = vector.extract %reduce_sum3A_619[0, 0, 0] : f32 from vector<1x1x1xf32>
    %add3A_621 = arith.addf %get3A_612, %reduce_sum3A_620 : f32
    %swap3A_622 = arith.constant 28 : index
    %swap3A_623 = memref.load %arg4[%swap3A_622] : memref<48xf32, #tpu.memory_space<smem>>
    memref.store %add3A_621, %arg4[%swap3A_622] : memref<48xf32, #tpu.memory_space<smem>>
    %get3A_624 = arith.constant 44 : index
    %get3A_625 = memref.load %arg4[%get3A_624] : memref<48xf32, #tpu.memory_space<smem>>
    %jit3A_626 = arith.constant 0.000000e+00 : f32
    %broadcast_in_dim3A_627 = vector.broadcast %jit3A_626 : f32 to vector<128x512xf32>
    %select_n3A_628 = arith.select %eq3A_595, %add3A_65, %broadcast_in_dim3A_627 : vector<128x512xi1>, vector<128x512xf32>
    %reduce_sum3A_629 = vector.shape_cast %select_n3A_628 : vector<128x512xf32> to vector<1x128x512xf32>
    %reduce_sum3A_630 = arith.constant dense<0.000000e+00> : vector<1xf32>
    %reduce_sum3A_631 = vector.multi_reduction <add>, %reduce_sum3A_629, %reduce_sum3A_630 [1, 2] : vector<1x128x512xf32> to vector<1xf32>
    %reduce_sum3A_632 = vector.shape_cast %reduce_sum3A_631 : vector<1xf32> to vector<1x1x1xf32>
    %reduce_sum3A_633 = vector.extract %reduce_sum3A_632[0, 0, 0] : f32 from vector<1x1x1xf32>
    %add3A_634 = arith.addf %get3A_625, %reduce_sum3A_633 : f32
    %swap3A_635 = arith.constant 44 : index
    %swap3A_636 = memref.load %arg4[%swap3A_635] : memref<48xf32, #tpu.memory_space<smem>>
    memref.store %add3A_634, %arg4[%swap3A_635] : memref<48xf32, #tpu.memory_space<smem>>
    %eq3A_637 = arith.constant 13 : i32
    %eq3A_638 = vector.broadcast %eq3A_637 : i32 to vector<128x512xi32>
    %eq3A_639 = arith.cmpi eq, %convert_element_type3A_69, %eq3A_638 : vector<128x512xi32>
    %get3A_640 = arith.constant 13 : index
    %get3A_641 = memref.load %arg4[%get3A_640] : memref<48xf32, #tpu.memory_space<smem>>
    %jit3A_642 = arith.constant 1.000000e+00 : f32
    %jit3A_643 = arith.constant 0.000000e+00 : f32
    %broadcast_in_dim3A_644 = vector.broadcast %jit3A_642 : f32 to vector<128x512xf32>
    %broadcast_in_dim3A_645 = vector.broadcast %jit3A_643 : f32 to vector<128x512xf32>
    %select_n3A_646 = arith.select %eq3A_639, %broadcast_in_dim3A_644, %broadcast_in_dim3A_645 : vector<128x512xi1>, vector<128x512xf32>
    %reduce_sum3A_647 = vector.shape_cast %select_n3A_646 : vector<128x512xf32> to vector<1x128x512xf32>
    %reduce_sum3A_648 = arith.constant dense<0.000000e+00> : vector<1xf32>
    %reduce_sum3A_649 = vector.multi_reduction <add>, %reduce_sum3A_647, %reduce_sum3A_648 [1, 2] : vector<1x128x512xf32> to vector<1xf32>
    %reduce_sum3A_650 = vector.shape_cast %reduce_sum3A_649 : vector<1xf32> to vector<1x1x1xf32>
    %reduce_sum3A_651 = vector.extract %reduce_sum3A_650[0, 0, 0] : f32 from vector<1x1x1xf32>
    %add3A_652 = arith.addf %get3A_641, %reduce_sum3A_651 : f32
    %swap3A_653 = arith.constant 13 : index
    %swap3A_654 = memref.load %arg4[%swap3A_653] : memref<48xf32, #tpu.memory_space<smem>>
    memref.store %add3A_652, %arg4[%swap3A_653] : memref<48xf32, #tpu.memory_space<smem>>
    %get3A_655 = arith.constant 29 : index
    %get3A_656 = memref.load %arg4[%get3A_655] : memref<48xf32, #tpu.memory_space<smem>>
    %jit3A_657 = arith.constant 0.000000e+00 : f32
    %broadcast_in_dim3A_658 = vector.broadcast %jit3A_657 : f32 to vector<128x512xf32>
    %select_n3A_659 = arith.select %eq3A_639, %add3A_42, %broadcast_in_dim3A_658 : vector<128x512xi1>, vector<128x512xf32>
    %reduce_sum3A_660 = vector.shape_cast %select_n3A_659 : vector<128x512xf32> to vector<1x128x512xf32>
    %reduce_sum3A_661 = arith.constant dense<0.000000e+00> : vector<1xf32>
    %reduce_sum3A_662 = vector.multi_reduction <add>, %reduce_sum3A_660, %reduce_sum3A_661 [1, 2] : vector<1x128x512xf32> to vector<1xf32>
    %reduce_sum3A_663 = vector.shape_cast %reduce_sum3A_662 : vector<1xf32> to vector<1x1x1xf32>
    %reduce_sum3A_664 = vector.extract %reduce_sum3A_663[0, 0, 0] : f32 from vector<1x1x1xf32>
    %add3A_665 = arith.addf %get3A_656, %reduce_sum3A_664 : f32
    %swap3A_666 = arith.constant 29 : index
    %swap3A_667 = memref.load %arg4[%swap3A_666] : memref<48xf32, #tpu.memory_space<smem>>
    memref.store %add3A_665, %arg4[%swap3A_666] : memref<48xf32, #tpu.memory_space<smem>>
    %get3A_668 = arith.constant 45 : index
    %get3A_669 = memref.load %arg4[%get3A_668] : memref<48xf32, #tpu.memory_space<smem>>
    %jit3A_670 = arith.constant 0.000000e+00 : f32
    %broadcast_in_dim3A_671 = vector.broadcast %jit3A_670 : f32 to vector<128x512xf32>
    %select_n3A_672 = arith.select %eq3A_639, %add3A_65, %broadcast_in_dim3A_671 : vector<128x512xi1>, vector<128x512xf32>
    %reduce_sum3A_673 = vector.shape_cast %select_n3A_672 : vector<128x512xf32> to vector<1x128x512xf32>
    %reduce_sum3A_674 = arith.constant dense<0.000000e+00> : vector<1xf32>
    %reduce_sum3A_675 = vector.multi_reduction <add>, %reduce_sum3A_673, %reduce_sum3A_674 [1, 2] : vector<1x128x512xf32> to vector<1xf32>
    %reduce_sum3A_676 = vector.shape_cast %reduce_sum3A_675 : vector<1xf32> to vector<1x1x1xf32>
    %reduce_sum3A_677 = vector.extract %reduce_sum3A_676[0, 0, 0] : f32 from vector<1x1x1xf32>
    %add3A_678 = arith.addf %get3A_669, %reduce_sum3A_677 : f32
    %swap3A_679 = arith.constant 45 : index
    %swap3A_680 = memref.load %arg4[%swap3A_679] : memref<48xf32, #tpu.memory_space<smem>>
    memref.store %add3A_678, %arg4[%swap3A_679] : memref<48xf32, #tpu.memory_space<smem>>
    %eq3A_681 = arith.constant 14 : i32
    %eq3A_682 = vector.broadcast %eq3A_681 : i32 to vector<128x512xi32>
    %eq3A_683 = arith.cmpi eq, %convert_element_type3A_69, %eq3A_682 : vector<128x512xi32>
    %get3A_684 = arith.constant 14 : index
    %get3A_685 = memref.load %arg4[%get3A_684] : memref<48xf32, #tpu.memory_space<smem>>
    %jit3A_686 = arith.constant 1.000000e+00 : f32
    %jit3A_687 = arith.constant 0.000000e+00 : f32
    %broadcast_in_dim3A_688 = vector.broadcast %jit3A_686 : f32 to vector<128x512xf32>
    %broadcast_in_dim3A_689 = vector.broadcast %jit3A_687 : f32 to vector<128x512xf32>
    %select_n3A_690 = arith.select %eq3A_683, %broadcast_in_dim3A_688, %broadcast_in_dim3A_689 : vector<128x512xi1>, vector<128x512xf32>
    %reduce_sum3A_691 = vector.shape_cast %select_n3A_690 : vector<128x512xf32> to vector<1x128x512xf32>
    %reduce_sum3A_692 = arith.constant dense<0.000000e+00> : vector<1xf32>
    %reduce_sum3A_693 = vector.multi_reduction <add>, %reduce_sum3A_691, %reduce_sum3A_692 [1, 2] : vector<1x128x512xf32> to vector<1xf32>
    %reduce_sum3A_694 = vector.shape_cast %reduce_sum3A_693 : vector<1xf32> to vector<1x1x1xf32>
    %reduce_sum3A_695 = vector.extract %reduce_sum3A_694[0, 0, 0] : f32 from vector<1x1x1xf32>
    %add3A_696 = arith.addf %get3A_685, %reduce_sum3A_695 : f32
    %swap3A_697 = arith.constant 14 : index
    %swap3A_698 = memref.load %arg4[%swap3A_697] : memref<48xf32, #tpu.memory_space<smem>>
    memref.store %add3A_696, %arg4[%swap3A_697] : memref<48xf32, #tpu.memory_space<smem>>
    %get3A_699 = arith.constant 30 : index
    %get3A_700 = memref.load %arg4[%get3A_699] : memref<48xf32, #tpu.memory_space<smem>>
    %jit3A_701 = arith.constant 0.000000e+00 : f32
    %broadcast_in_dim3A_702 = vector.broadcast %jit3A_701 : f32 to vector<128x512xf32>
    %select_n3A_703 = arith.select %eq3A_683, %add3A_42, %broadcast_in_dim3A_702 : vector<128x512xi1>, vector<128x512xf32>
    %reduce_sum3A_704 = vector.shape_cast %select_n3A_703 : vector<128x512xf32> to vector<1x128x512xf32>
    %reduce_sum3A_705 = arith.constant dense<0.000000e+00> : vector<1xf32>
    %reduce_sum3A_706 = vector.multi_reduction <add>, %reduce_sum3A_704, %reduce_sum3A_705 [1, 2] : vector<1x128x512xf32> to vector<1xf32>
    %reduce_sum3A_707 = vector.shape_cast %reduce_sum3A_706 : vector<1xf32> to vector<1x1x1xf32>
    %reduce_sum3A_708 = vector.extract %reduce_sum3A_707[0, 0, 0] : f32 from vector<1x1x1xf32>
    %add3A_709 = arith.addf %get3A_700, %reduce_sum3A_708 : f32
    %swap3A_710 = arith.constant 30 : index
    %swap3A_711 = memref.load %arg4[%swap3A_710] : memref<48xf32, #tpu.memory_space<smem>>
    memref.store %add3A_709, %arg4[%swap3A_710] : memref<48xf32, #tpu.memory_space<smem>>
    %get3A_712 = arith.constant 46 : index
    %get3A_713 = memref.load %arg4[%get3A_712] : memref<48xf32, #tpu.memory_space<smem>>
    %jit3A_714 = arith.constant 0.000000e+00 : f32
    %broadcast_in_dim3A_715 = vector.broadcast %jit3A_714 : f32 to vector<128x512xf32>
    %select_n3A_716 = arith.select %eq3A_683, %add3A_65, %broadcast_in_dim3A_715 : vector<128x512xi1>, vector<128x512xf32>
    %reduce_sum3A_717 = vector.shape_cast %select_n3A_716 : vector<128x512xf32> to vector<1x128x512xf32>
    %reduce_sum3A_718 = arith.constant dense<0.000000e+00> : vector<1xf32>
    %reduce_sum3A_719 = vector.multi_reduction <add>, %reduce_sum3A_717, %reduce_sum3A_718 [1, 2] : vector<1x128x512xf32> to vector<1xf32>
    %reduce_sum3A_720 = vector.shape_cast %reduce_sum3A_719 : vector<1xf32> to vector<1x1x1xf32>
    %reduce_sum3A_721 = vector.extract %reduce_sum3A_720[0, 0, 0] : f32 from vector<1x1x1xf32>
    %add3A_722 = arith.addf %get3A_713, %reduce_sum3A_721 : f32
    %swap3A_723 = arith.constant 46 : index
    %swap3A_724 = memref.load %arg4[%swap3A_723] : memref<48xf32, #tpu.memory_space<smem>>
    memref.store %add3A_722, %arg4[%swap3A_723] : memref<48xf32, #tpu.memory_space<smem>>
    %eq3A_725 = arith.constant 15 : i32
    %eq3A_726 = vector.broadcast %eq3A_725 : i32 to vector<128x512xi32>
    %eq3A_727 = arith.cmpi eq, %convert_element_type3A_69, %eq3A_726 : vector<128x512xi32>
    %get3A_728 = arith.constant 15 : index
    %get3A_729 = memref.load %arg4[%get3A_728] : memref<48xf32, #tpu.memory_space<smem>>
    %jit3A_730 = arith.constant 1.000000e+00 : f32
    %jit3A_731 = arith.constant 0.000000e+00 : f32
    %broadcast_in_dim3A_732 = vector.broadcast %jit3A_730 : f32 to vector<128x512xf32>
    %broadcast_in_dim3A_733 = vector.broadcast %jit3A_731 : f32 to vector<128x512xf32>
    %select_n3A_734 = arith.select %eq3A_727, %broadcast_in_dim3A_732, %broadcast_in_dim3A_733 : vector<128x512xi1>, vector<128x512xf32>
    %reduce_sum3A_735 = vector.shape_cast %select_n3A_734 : vector<128x512xf32> to vector<1x128x512xf32>
    %reduce_sum3A_736 = arith.constant dense<0.000000e+00> : vector<1xf32>
    %reduce_sum3A_737 = vector.multi_reduction <add>, %reduce_sum3A_735, %reduce_sum3A_736 [1, 2] : vector<1x128x512xf32> to vector<1xf32>
    %reduce_sum3A_738 = vector.shape_cast %reduce_sum3A_737 : vector<1xf32> to vector<1x1x1xf32>
    %reduce_sum3A_739 = vector.extract %reduce_sum3A_738[0, 0, 0] : f32 from vector<1x1x1xf32>
    %add3A_740 = arith.addf %get3A_729, %reduce_sum3A_739 : f32
    %swap3A_741 = arith.constant 15 : index
    %swap3A_742 = memref.load %arg4[%swap3A_741] : memref<48xf32, #tpu.memory_space<smem>>
    memref.store %add3A_740, %arg4[%swap3A_741] : memref<48xf32, #tpu.memory_space<smem>>
    %get3A_743 = arith.constant 31 : index
    %get3A_744 = memref.load %arg4[%get3A_743] : memref<48xf32, #tpu.memory_space<smem>>
    %jit3A_745 = arith.constant 0.000000e+00 : f32
    %broadcast_in_dim3A_746 = vector.broadcast %jit3A_745 : f32 to vector<128x512xf32>
    %select_n3A_747 = arith.select %eq3A_727, %add3A_42, %broadcast_in_dim3A_746 : vector<128x512xi1>, vector<128x512xf32>
    %reduce_sum3A_748 = vector.shape_cast %select_n3A_747 : vector<128x512xf32> to vector<1x128x512xf32>
    %reduce_sum3A_749 = arith.constant dense<0.000000e+00> : vector<1xf32>
    %reduce_sum3A_750 = vector.multi_reduction <add>, %reduce_sum3A_748, %reduce_sum3A_749 [1, 2] : vector<1x128x512xf32> to vector<1xf32>
    %reduce_sum3A_751 = vector.shape_cast %reduce_sum3A_750 : vector<1xf32> to vector<1x1x1xf32>
    %reduce_sum3A_752 = vector.extract %reduce_sum3A_751[0, 0, 0] : f32 from vector<1x1x1xf32>
    %add3A_753 = arith.addf %get3A_744, %reduce_sum3A_752 : f32
    %swap3A_754 = arith.constant 31 : index
    %swap3A_755 = memref.load %arg4[%swap3A_754] : memref<48xf32, #tpu.memory_space<smem>>
    memref.store %add3A_753, %arg4[%swap3A_754] : memref<48xf32, #tpu.memory_space<smem>>
    %get3A_756 = arith.constant 47 : index
    %get3A_757 = memref.load %arg4[%get3A_756] : memref<48xf32, #tpu.memory_space<smem>>
    %jit3A_758 = arith.constant 0.000000e+00 : f32
    %broadcast_in_dim3A_759 = vector.broadcast %jit3A_758 : f32 to vector<128x512xf32>
    %select_n3A_760 = arith.select %eq3A_727, %add3A_65, %broadcast_in_dim3A_759 : vector<128x512xi1>, vector<128x512xf32>
    %reduce_sum3A_761 = vector.shape_cast %select_n3A_760 : vector<128x512xf32> to vector<1x128x512xf32>
    %reduce_sum3A_762 = arith.constant dense<0.000000e+00> : vector<1xf32>
    %reduce_sum3A_763 = vector.multi_reduction <add>, %reduce_sum3A_761, %reduce_sum3A_762 [1, 2] : vector<1x128x512xf32> to vector<1xf32>
    %reduce_sum3A_764 = vector.shape_cast %reduce_sum3A_763 : vector<1xf32> to vector<1x1x1xf32>
    %reduce_sum3A_765 = vector.extract %reduce_sum3A_764[0, 0, 0] : f32 from vector<1x1x1xf32>
    %add3A_766 = arith.addf %get3A_757, %reduce_sum3A_765 : f32
    %swap3A_767 = arith.constant 47 : index
    %swap3A_768 = memref.load %arg4[%swap3A_767] : memref<48xf32, #tpu.memory_space<smem>>
    memref.store %add3A_766, %arg4[%swap3A_767] : memref<48xf32, #tpu.memory_space<smem>>
    return
  }
  func.func @transform_0(%arg0: i32) -> (i32, i32, i32, i32) {
    %jit3A = arith.constant 4 : i32
    %div3A = arith.divsi %arg0, %jit3A : i32
    %sign3A = arith.constant 0 : i32
    %sign3A_0 = arith.cmpi sgt, %arg0, %sign3A : i32
    %sign3A_1 = arith.extui %sign3A_0 : i1 to i32
    %sign3A_2 = arith.constant 0 : i32
    %sign3A_3 = arith.cmpi slt, %arg0, %sign3A_2 : i32
    %sign3A_4 = arith.extui %sign3A_3 : i1 to i32
    %sign3A_5 = arith.subi %sign3A_1, %sign3A_4 : i32
    %sign3A_6 = arith.constant 0 : i32
    %sign3A_7 = arith.cmpi sgt, %jit3A, %sign3A_6 : i32
    %sign3A_8 = arith.extui %sign3A_7 : i1 to i32
    %sign3A_9 = arith.constant 0 : i32
    %sign3A_10 = arith.cmpi slt, %jit3A, %sign3A_9 : i32
    %sign3A_11 = arith.extui %sign3A_10 : i1 to i32
    %sign3A_12 = arith.subi %sign3A_8, %sign3A_11 : i32
    %ne3A = arith.cmpi ne, %sign3A_5, %sign3A_12 : i32
    %rem3A = arith.remsi %arg0, %jit3A : i32
    %ne3A_13 = arith.constant 0 : i32
    %ne3A_14 = arith.cmpi ne, %rem3A, %ne3A_13 : i32
    %and3A = arith.andi %ne3A, %ne3A_14 : i1
    %sub3A = arith.constant 1 : i32
    %sub3A_15 = arith.subi %div3A, %sub3A : i32
    %select_n3A = arith.select %and3A, %sub3A_15, %div3A : i32
    %add3A = arith.constant 9 : i32
    %add3A_16 = arith.addi %add3A, %select_n3A : i32
    %jit3A_17 = arith.constant 4 : i32
    %eq3A = arith.constant 0 : i32
    %eq3A_18 = arith.cmpi eq, %jit3A_17, %eq3A : i32
    %jit3A_19 = arith.constant 1 : i32
    %select_n3A_20 = arith.select %eq3A_18, %jit3A_19, %jit3A_17 : i32
    %rem3A_21 = arith.remsi %arg0, %select_n3A_20 : i32
    %ne3A_22 = arith.constant 0 : i32
    %ne3A_23 = arith.cmpi ne, %rem3A_21, %ne3A_22 : i32
    %lt3A = arith.constant 0 : i32
    %lt3A_24 = arith.cmpi slt, %rem3A_21, %lt3A : i32
    %lt3A_25 = arith.constant 0 : i32
    %lt3A_26 = arith.cmpi slt, %select_n3A_20, %lt3A_25 : i32
    %ne3A_27 = arith.xori %lt3A_24, %lt3A_26 : i1
    %and3A_28 = arith.andi %ne3A_27, %ne3A_23 : i1
    %add3A_29 = arith.addi %rem3A_21, %select_n3A_20 : i32
    %select_n3A_30 = arith.select %and3A_28, %add3A_29, %rem3A_21 : i32
    %c0_i32 = arith.constant 0 : i32
    %c0_i32_31 = arith.constant 0 : i32
    %c0_i32_32 = arith.constant 0 : i32
    return %add3A_16, %c0_i32, %select_n3A_30, %c0_i32_31 : i32, i32, i32, i32
  }
  func.func @transform_1(%arg0: i32) -> (i32, i32, i32, i32) {
    %jit3A = arith.constant 4 : i32
    %div3A = arith.divsi %arg0, %jit3A : i32
    %sign3A = arith.constant 0 : i32
    %sign3A_0 = arith.cmpi sgt, %arg0, %sign3A : i32
    %sign3A_1 = arith.extui %sign3A_0 : i1 to i32
    %sign3A_2 = arith.constant 0 : i32
    %sign3A_3 = arith.cmpi slt, %arg0, %sign3A_2 : i32
    %sign3A_4 = arith.extui %sign3A_3 : i1 to i32
    %sign3A_5 = arith.subi %sign3A_1, %sign3A_4 : i32
    %sign3A_6 = arith.constant 0 : i32
    %sign3A_7 = arith.cmpi sgt, %jit3A, %sign3A_6 : i32
    %sign3A_8 = arith.extui %sign3A_7 : i1 to i32
    %sign3A_9 = arith.constant 0 : i32
    %sign3A_10 = arith.cmpi slt, %jit3A, %sign3A_9 : i32
    %sign3A_11 = arith.extui %sign3A_10 : i1 to i32
    %sign3A_12 = arith.subi %sign3A_8, %sign3A_11 : i32
    %ne3A = arith.cmpi ne, %sign3A_5, %sign3A_12 : i32
    %rem3A = arith.remsi %arg0, %jit3A : i32
    %ne3A_13 = arith.constant 0 : i32
    %ne3A_14 = arith.cmpi ne, %rem3A, %ne3A_13 : i32
    %and3A = arith.andi %ne3A, %ne3A_14 : i1
    %sub3A = arith.constant 1 : i32
    %sub3A_15 = arith.subi %div3A, %sub3A : i32
    %select_n3A = arith.select %and3A, %sub3A_15, %div3A : i32
    %add3A = arith.constant 9 : i32
    %add3A_16 = arith.addi %add3A, %select_n3A : i32
    %jit3A_17 = arith.constant 4 : i32
    %eq3A = arith.constant 0 : i32
    %eq3A_18 = arith.cmpi eq, %jit3A_17, %eq3A : i32
    %jit3A_19 = arith.constant 1 : i32
    %select_n3A_20 = arith.select %eq3A_18, %jit3A_19, %jit3A_17 : i32
    %rem3A_21 = arith.remsi %arg0, %select_n3A_20 : i32
    %ne3A_22 = arith.constant 0 : i32
    %ne3A_23 = arith.cmpi ne, %rem3A_21, %ne3A_22 : i32
    %lt3A = arith.constant 0 : i32
    %lt3A_24 = arith.cmpi slt, %rem3A_21, %lt3A : i32
    %lt3A_25 = arith.constant 0 : i32
    %lt3A_26 = arith.cmpi slt, %select_n3A_20, %lt3A_25 : i32
    %ne3A_27 = arith.xori %lt3A_24, %lt3A_26 : i1
    %and3A_28 = arith.andi %ne3A_27, %ne3A_23 : i1
    %add3A_29 = arith.addi %rem3A_21, %select_n3A_20 : i32
    %select_n3A_30 = arith.select %and3A_28, %add3A_29, %rem3A_21 : i32
    %c0_i32 = arith.constant 0 : i32
    %c0_i32_31 = arith.constant 0 : i32
    %c0_i32_32 = arith.constant 0 : i32
    return %add3A_16, %c0_i32, %select_n3A_30, %c0_i32_31 : i32, i32, i32, i32
  }
  func.func @transform_2(%arg0: i32) -> (i32, i32, i32, i32) {
    %jit3A = arith.constant 4 : i32
    %div3A = arith.divsi %arg0, %jit3A : i32
    %sign3A = arith.constant 0 : i32
    %sign3A_0 = arith.cmpi sgt, %arg0, %sign3A : i32
    %sign3A_1 = arith.extui %sign3A_0 : i1 to i32
    %sign3A_2 = arith.constant 0 : i32
    %sign3A_3 = arith.cmpi slt, %arg0, %sign3A_2 : i32
    %sign3A_4 = arith.extui %sign3A_3 : i1 to i32
    %sign3A_5 = arith.subi %sign3A_1, %sign3A_4 : i32
    %sign3A_6 = arith.constant 0 : i32
    %sign3A_7 = arith.cmpi sgt, %jit3A, %sign3A_6 : i32
    %sign3A_8 = arith.extui %sign3A_7 : i1 to i32
    %sign3A_9 = arith.constant 0 : i32
    %sign3A_10 = arith.cmpi slt, %jit3A, %sign3A_9 : i32
    %sign3A_11 = arith.extui %sign3A_10 : i1 to i32
    %sign3A_12 = arith.subi %sign3A_8, %sign3A_11 : i32
    %ne3A = arith.cmpi ne, %sign3A_5, %sign3A_12 : i32
    %rem3A = arith.remsi %arg0, %jit3A : i32
    %ne3A_13 = arith.constant 0 : i32
    %ne3A_14 = arith.cmpi ne, %rem3A, %ne3A_13 : i32
    %and3A = arith.andi %ne3A, %ne3A_14 : i1
    %sub3A = arith.constant 1 : i32
    %sub3A_15 = arith.subi %div3A, %sub3A : i32
    %select_n3A = arith.select %and3A, %sub3A_15, %div3A : i32
    %add3A = arith.constant 9 : i32
    %add3A_16 = arith.addi %add3A, %select_n3A : i32
    %jit3A_17 = arith.constant 4 : i32
    %eq3A = arith.constant 0 : i32
    %eq3A_18 = arith.cmpi eq, %jit3A_17, %eq3A : i32
    %jit3A_19 = arith.constant 1 : i32
    %select_n3A_20 = arith.select %eq3A_18, %jit3A_19, %jit3A_17 : i32
    %rem3A_21 = arith.remsi %arg0, %select_n3A_20 : i32
    %ne3A_22 = arith.constant 0 : i32
    %ne3A_23 = arith.cmpi ne, %rem3A_21, %ne3A_22 : i32
    %lt3A = arith.constant 0 : i32
    %lt3A_24 = arith.cmpi slt, %rem3A_21, %lt3A : i32
    %lt3A_25 = arith.constant 0 : i32
    %lt3A_26 = arith.cmpi slt, %select_n3A_20, %lt3A_25 : i32
    %ne3A_27 = arith.xori %lt3A_24, %lt3A_26 : i1
    %and3A_28 = arith.andi %ne3A_27, %ne3A_23 : i1
    %add3A_29 = arith.addi %rem3A_21, %select_n3A_20 : i32
    %select_n3A_30 = arith.select %and3A_28, %add3A_29, %rem3A_21 : i32
    %c0_i32 = arith.constant 0 : i32
    %c0_i32_31 = arith.constant 0 : i32
    %c0_i32_32 = arith.constant 0 : i32
    return %add3A_16, %c0_i32, %select_n3A_30, %c0_i32_31 : i32, i32, i32, i32
  }
  func.func @transform_3(%arg0: i32) -> i32 {
    %c0_i32 = arith.constant 0 : i32
    %c0_i32_0 = arith.constant 0 : i32
    return %c0_i32 : i32
  }
}

</mosaic_0001>

<sc_bundles>
// kernel: kernel.5.cloned.1.call-start
scs
__scs_entry_jumppad:
0x0: {  	(pc) =	sbr.rel $0x88, $3  }
0x1: {  	(tag) =	ssettag $0x0;
	lr =	simm.s32 $0x1  }
0x2: {  	[smem:$0x3F9E] =	sst lr;
	_ =	strace $0xD0000000  }
0x3: {  	_ = 	snop  }
0x4: {  	_ = 	snop  }
0x5: {  	_ = 	snop  }
0x6: {  	_ = 	snop  }
0x7: {  	_ = 	snop  }
__scs_overlays_trampoline_lowered:
0x8: {  	[smem:$0x3FAD] =	sst s0  }
0x9: {  	[smem:$0x3FAE] =	sst s1  }
0xa: {  	[smem:$0x3FAF] =	sst s2  }
0xb: {  	[smem:$0x3FB0] =	sst s3  }
0xc: {  	[smem:$0x3FB1] =	sst s4  }
0xd: {  	[smem:$0x3FB2] =	sst s5  }
0xe: {  	[smem:$0x3FB3] =	sst s6  }
0xf: {  	[smem:$0x3FB4] =	sst s7  }
0x10: {  	[smem:$0x3FB5] =	sst s8  }
0x11: {  	[smem:$0x3FB6] =	sst s9;
	s0 =	simm.s32 @!p0 $0x0  }
0x12: {  	s1 =	sld [smem:$0x3F9C];
	s0 =	simm.s32 @p0 $0x1  }
0x13: {  	[smem:$0x3FB7] =	sst s0;
	s0 =	simm.s32 @!p1 $0x0  }
0x14: {  	s2 =	sld [smem:$0x3F9B];
	s0 =	simm.s32 @p1 $0x1  }
0x15: {  	[smem:$0x3FB8] =	sst s0;
	s0 =	simm.s32 @!p2 $0x0  }
0x16: {  	s3 =	sld [smem:$0x3FDB];
	s0 =	simm.s32 @p2 $0x1  }
0x17: {  	s4 =	simm.s32 $0x1BF5;
	[smem:$0x3FBA] =	sst s0  }
0x18: {  	s0 =	sld [smem:$0x3F9D];
	_ =	swait.ge [sflag:s4], $0x0  }
0x19: {  	s7 =	sld [smem:$0x3F9E]  }
0x1a: {  	s8 =	sadd.s32 $0xFFFFE003, lr  }
0x1b: {  	s9 =	sadd.s32 $0xFFFFFEF7, lr;
	s5 =	simm.s32 $0xFFFFFFFF;
	p2 =	slt.u32 s8, $0xFFFFF086  }
0x1c: {  	p1 =	slt.u32 s9, $0xF7A;
	s5 =	simm.s32 @!p2 $0x0  }
0x1d: {  	s5 =	simm.s32 @p1 $0x1;
	p0 =	seq.s32 s7, s2  }
0x1e: {  	s7 =	smul.u32 @!p0 $0xF7A, s2;
	p2 =	seq.s32 @!p0 s5, $0x0  }
0x1f: {  	s9 =	smul.u32 $0xF7A, s1;
	s8 =	simm.s32 @!p0 $0x1BF5;
	p2 =	por !p2, p0  }
0x20: {  	[sflag:s8] =	ssyncset.s32 @!p0 $0xFFFFF086;
	s6 =	sadd.s32 @!p0 s3, s7;
	s7 =	simm.s32 @!p0 $0x108  }
0x21: {  	s3 =	sadd.s32 s3, s9;
	s6 =	sadd.s32 @!p0 $0x88, s6;
	s7 =	simm.s32 @p2 $0x1082  }
0x22: {  	[simem:s7], [sflag:s8] =	dma.local @!p0 [hbm:s6], $0xF7A  }
0x23: {  	s9 =	sor.u32 $0xD0000000, s2;
	s6 =	simm.s32 $0x108;
	_ =	swait.ge @!p0 [sflag:s8], $0x0  }
0x24: {  	s3 =	sadd.s32 $0x88, s3;
	s6 =	simm.s32 @!p1 $0x1082;
	[sflag:s4] =	ssyncset.s32 $0xFFFFF086  }
0x25: {  	[simem:s6], [sflag:s4] =	dma.local [hbm:s3], $0xF7A  }
0x26: {  	[smem:$0x3F9E] =	sst s1;
	(tag) =	ssettag s2;
	_ =	strace s9  }
0x27: {  	s1 =	sld [smem:$0x3FAE]  }
0x28: {  	s2 =	sld [smem:$0x3FAF]  }
0x29: {  	s4 =	sld [smem:$0x3FB1]  }
0x2a: {  	p0 =	seq.s32 s5, $0x0;
	s5 =	sld [smem:$0x3FB2]  }
0x2b: {  	s6 =	sld [smem:$0x3FB3]  }
0x2c: {  	s7 =	sld [smem:$0x3FB4]  }
0x2d: {  	s3 =	simm.s32 $0x108;
	s8 =	sld [smem:$0x3FB5]  }
0x2e: {  	s3 =	simm.s32 @!p0 $0x1082;
	s9 =	sld [smem:$0x3FB6]  }
0x2f: {  	lr =	sadd.s32 s0, s3;
	s0 =	sld [smem:$0x3FAD]  }
0x30: {  	s3 =	sld [smem:$0x3FB0]  }
0x31: {  	[smem:$0x3FB9] =	sst s10  }
0x32: {  	s10 =	sld [smem:$0x3FB7];
	_ =	sdelay $0x3  }
0x33: {  	p0 =	seq.s32 s10, $0x1;
	s10 =	sld [smem:$0x3FB9];
	_ =	sdelay $0x3  }
0x34: {  	[smem:$0x3FB9] =	sst s10  }
0x35: {  	s10 =	sld [smem:$0x3FB8];
	_ =	sdelay $0x3  }
0x36: {  	p1 =	seq.s32 s10, $0x1;
	s10 =	sld [smem:$0x3FB9];
	_ =	sdelay $0x3  }
0x37: {  	[smem:$0x3FB9] =	sst s10  }
0x38: {  	s10 =	sld [smem:$0x3FBA]  }
0x39: {  	_ = 	snop;
	(pc) =	sbr.ind lr, $3  }
0x3a: {  	_ = 	snop  }
0x3b: {  	_ = 	snop  }
0x3c: {  	p2 =	seq.s32 s10, $0x1;
	s10 =	sld [smem:$0x3FB9]  }
0x3d: {  	_ =	shalt  }
0x3e: {  	_ =	shalt  }
0x3f: {  	_ =	shalt  }
0x40: {  	_ =	shalt  }
0x41: {  	_ =	shalt  }
0x42: {  	_ =	shalt  }
0x43: {  	_ =	shalt  }
0x44: {  	_ =	shalt  }
0x45: {  	_ =	shalt  }
0x46: {  	_ =	shalt  }
0x47: {  	_ =	shalt  }
0x48: {  	_ =	shalt  }
0x49: {  	_ =	shalt  }
0x4a: {  	_ =	shalt  }
0x4b: {  	_ =	shalt  }
0x4c: {  	_ =	shalt  }
0x4d: {  	_ =	shalt  }
0x4e: {  	_ =	shalt  }
0x4f: {  	_ =	shalt  }
0x50: {  	_ =	shalt  }
0x51: {  	_ =	shalt  }
0x52: {  	_ =	shalt  }
0x53: {  	_ =	shalt  }
0x54: {  	_ =	shalt  }
0x55: {  	_ =	shalt  }
0x56: {  	_ =	shalt  }
0x57: {  	_ =	shalt  }
0x58: {  	_ =	shalt  }
0x59: {  	_ =	shalt  }
0x5a: {  	_ =	shalt  }
0x5b: {  	_ =	shalt  }
0x5c: {  	_ =	shalt  }
0x5d: {  	_ =	shalt  }
0x5e: {  	_ =	shalt  }
0x5f: {  	_ =	shalt  }
0x60: {  	_ =	shalt  }
0x61: {  	_ =	shalt  }
0x62: {  	_ =	shalt  }
0x63: {  	_ =	shalt  }
0x64: {  	_ =	shalt  }
0x65: {  	_ =	shalt  }
0x66: {  	_ =	shalt  }
0x67: {  	_ =	shalt  }
0x68: {  	_ =	shalt  }
0x69: {  	_ =	shalt  }
0x6a: {  	_ =	shalt  }
0x6b: {  	_ =	shalt  }
0x6c: {  	_ =	shalt  }
0x6d: {  	_ =	shalt  }
0x6e: {  	_ =	shalt  }
0x6f: {  	_ =	shalt  }
0x70: {  	_ =	shalt  }
0x71: {  	_ =	shalt  }
0x72: {  	_ =	shalt  }
0x73: {  	_ =	shalt  }
0x74: {  	_ =	shalt  }
0x75: {  	_ =	shalt  }
0x76: {  	_ =	shalt  }
0x77: {  	_ =	shalt  }
0x78: {  	_ =	shalt  }
0x79: {  	_ =	shalt  }
0x7a: {  	_ =	shalt  }
0x7b: {  	_ =	shalt  }
0x7c: {  	_ =	shalt  }
0x7d: {  	_ =	shalt  }
0x7e: {  	_ =	shalt  }
0x7f: {  	_ =	shalt  }
0x80: {  	_ =	shalt  }
0x81: {  	_ =	shalt  }
0x82: {  	_ =	shalt  }
0x83: {  	_ =	shalt  }
0x84: {  	_ =	shalt  }
0x85: {  	_ =	shalt  }
0x86: {  	_ =	shalt  }
0x87: {  	_ =	shalt  }
.Lfunc_end0:
.L_simem_size_0:
called_computation_lowered:
.L_overlay_start_0:
0x88: {  	s2 =	sld [smem:$0x3FD9]  }
0x89: {  	s3 =	sld [smem:$0x3FFE];
	_ =	sdelay $0x1  }
0x8a: {  	s1 =	srdreg.scid  }
0x8b: {  	s0 =	sand.u32 $0x1, s1  }
0x8c: {  	s17 =	sshll.u32 s0, $0xA;
	s2 =	sadd.s32 s3, s2  }
0x8d: {  	s2 =	sadd.s32 s2, s17  }
0x8e: {  	[smem:$0x3FC5] =	sst s2  }
0x8f: {  	_ = 	snop  }
0x90: {  	s2 =	sld [smem:$0x3FC9]  }
0x91: {  	s18 =	sld [smem:$0x3FC8]  }
0x92: {  	s4 =	sld [smem:$0x3FC7];
	(tm) =	ssettm $0x1  }
0x93: {  	s5 =	sld [smem:$0x3FFB];
	_ =	sdelay $0x3  }
0x94: {  	_ =	strace s5  }
0x95: {  	s5 =	sld [smem:$0x3FFC];
	_ =	sdelay $0x3  }
0x96: {  	_ =	strace s5  }
0x97: {  	s5 =	sld [smem:$0x3FFD];
	_ =	sdelay $0x3  }
0x98: {  	_ =	strace s5  }
0x99: {  	_ =	strace $0x8FFFFFFF  }
0x9a: {  	s19 =	sld [smem:$0x3FDB];
	_ =	sdelay $0x1  }
0x9b: {  	s6 =	simm.s32 $_scs_section_size  }
0x9c: {  	s7 =	simm.s32 $_size__tile_overlayer_lowered;
	s8 =	simm.s32 $_tile_overlayer_lowered  }
0x9d: {  	s22 =	simm.s32 $0x1BFF;
	s21 =	sshll.u32 s8, $0x1;
	s5 =	sadd.s32 s6, s19  }
0x9e: {  	s9 =	simm.s32 $0x0;
	s20 =	sshll.u32 s7, $0x1;
	s7 =	sadd.s32 s21, s5  }
0x9f: {  	[timem:s9], [sflag:s22] =	dma.local [hbm:s7], s20  }
0xa0: {  	_ =	swait.ge [sflag:s22], s20  }
0xa1: {  	s6 =	ssub.s32 $0x0, s20;
	[sflag:s22] =	ssyncset.done $0x0  }
0xa2: {  	[sflag:s22] =	ssyncadd.s32 s6;
	_ =	sdelay $0x1  }
0xa3: {  	s23 =	simm.s32 $0x1B8B  }
0xa4: {  	_ =	swait.ge [sflag:s23], $0x1  }
0xa5: {  	[sflag:s23] =	ssyncset.done $0x0  }
0xa6: {  	s25 =	simm.s32 $0x1B8E;
	s24 =	sld [smem:$0x3FFE];
	[sflag:s23] =	ssyncadd.s32 $0xFFFFFFFF  }
0xa7: {  	s26 =	simm.s32 $execute0_lowered;
	[smem:$0x3FD2] =	sst s25  }
0xa8: {  	s7 =	sshll.u32 s26, $0x1;
	_ =	strace $0x80000046;
	[dreg:$0x1] =	wrdreg $0xFFFFFFFF  }
0xa9: {  	s28 =	simm.s32 $_size_execute0_lowered;
	s5 =	sadd.s32 s5, s7;
	[dreg:$0x0] =	wrdreg $0x0  }
0xaa: {  	s7 =	sshll.u32 s28, $0x1;
	[dreg:$0x2] =	wrdreg s5  }
0xab: {  	[dreg:$0x3] =	wrdreg s7  }
0xac: {  	[dreg:$0x4] =	wrdreg $0xC0  }
0xad: {  	_ =	task [dreg:s9], $0x5FFFF  }
0xae: {  	[dreg:$0x1] =	wrdreg $0xFFFFFFFF  }
0xaf: {  	[dreg:$0x0] =	wrdreg $0x60  }
0xb0: {  	[dreg:$0x2] =	wrdreg s4  }
0xb1: {  	[dreg:$0x3] =	wrdreg s2  }
0xb2: {  	[dreg:$0x4] =	wrdreg s18  }
0xb3: {  	[dreg:$0x5] =	wrdreg s24  }
0xb4: {  	[dreg:$0x6] =	wrdreg $0x9  }
0xb5: {  	_ =	task.clear_ibuf [dreg:s9], $0x7FFFF;
	_ =	strace $0x90000046  }
0xb6: {  	s29 =	simm.s32 $0x9;
	_ =	strace $0x80000048  }
0xb7: {  	_ =	swait.ge [sflag:s29], $0x1  }
0xb8: {  	[sflag:s29] =	ssyncadd.s32 $0xFFFFFFFF  }
0xb9: {  	_ =	strace $0x90000048  }
0xba: {  	_ =	sfence  }
0xbb: {  	s30 =	sld [smem:$0x0];
	_ =	sdelay $0x2  }
0xbc: {  	s31 =	sshll.u32 s1, $0xD;
	s1 =	sshrl.u32 s1, $0x2  }
0xbd: {  	s3 =	sand.u32 $0x4000, s31;
	s1 =	sadd.s32 s1, s30  }
0xbe: {  	s0 =	sor.u32 s3, s0;
	s1 =	sshll.u32 s1, $0x11  }
0xbf: {  	s0 =	sor.u32 s1, s0  }
0xc0: {  	s0 =	sadd.s32 $0x8F2B, s0  }
0xc1: {  	[sflag:s0] =	ssyncadd.remote.s32 $0x1  }
0xc2: {  	_ =	sfence.sel $0xFFFF  }
0xc3: {  	[dreg:$0x0] =	wrdreg $0xFFFFFFFF;
	(pc) =	sbr.abs _section_cstart, $3  }
0xc4: {  	[dreg:$0x1] =	wrdreg $0xFFFFFFFF  }
0xc5: {  	_ =	task.clear_ibuf [dreg:s9], $0x2FFFF;
	_ =	strace $0x9FFFFFFF  }
0xc6: {  	(tm) =	ssettm $0x7FFFFFFF  }
0xc7: {  	_ =	shalt  }
tec
execute0_lowered:
.L_overlay_start_1:
0x0: {  	(tag) =	ssettag $0x1  }
0x1: {  	s0 =	srdreg.scid;
	s1 =	stileid.u32  }
0x2: {  	s8 =	rddreg [dreg:$0x0];
	s0 =	sand.u32 $0x1, s0;
	s1 =	sshll.u32 s1, $0x1  }
0x3: {  	s9 =	rddreg [dreg:$0x1];
	s1 =	sor.u32 s0, s1  }
0x4: {  	s10 =	rddreg [dreg:$0x2];
	s3 =	smul.u32 $0x90, s1  }
0x5: {  	s2 =	rddreg [dreg:$0x3];
	s11 =	simm.s32 $0x0;
	s5 =	smul.u32 $0x12000, s1  }
0x6: {  	s0 =	ssub.s32 $0x2, s0;
	s1 =	smul.u32 $0x18, s1;
	s4 =	sshrl.u32 s3, $0x9  }
0x7: {  	[smem:$0x7FF] =	sst s11;
	s6 =	sshrl.u32 s0, $0x1;
	s4 =	smul.u32 $0xC0000, s4  }
0x8: {  	_ =	strace $0x80000047;
	s0 =	ssub.s32 s0, s6;
	s5 =	sand.u32 $0x3E000, s5  }
0x9: {  	s1 =	sadd.s32 s1, s2;
	s0 =	smax.u32 s0, $0x1;
	s4 =	sor.u32 s5, s4  }
0xa: {  	s1 =	sadd.s32 $0xA00, s1;
	[smem:$0x7FC] =	sst s0;
	s26 =	sshrl.u32 s4, $0x3  }
0xb: {  	[smem:$0x7FB] =	sst s1;
	s4 =	sadd.s32 s8, s26  }
0xc: {  	s17 =	sadd.s32 s9, s26;
	[dreg:$0x5] =	wrdreg s4  }
0xd: {  	s13 =	sadd.s32 $0x8000, s26;
	s20 =	sadd.s32 s10, s26;
	[dreg:$0x8] =	wrdreg s17  }
0xe: {  	s14 =	sadd.s32 $0x10000, s26;
	s15 =	sadd.s32 s8, s13;
	[dreg:$0xb] =	wrdreg s20  }
0xf: {  	s16 =	sadd.s32 s8, s14;
	[dreg:$0x6] =	wrdreg s15  }
0x10: {  	s18 =	sadd.s32 s9, s13;
	[dreg:$0x7] =	wrdreg s16  }
0x11: {  	s28 =	simm.s32 $0x11000;
	s19 =	sadd.s32 s9, s14;
	[dreg:$0x9] =	wrdreg s18  }
0x12: {  	s29 =	simm.s32 $0x12000;
	s4 =	sadd.s32 s10, s13;
	[dreg:$0xa] =	wrdreg s19  }
0x13: {  	s21 =	sor.u32 $0x200, s26;
	s5 =	sadd.s32 s10, s14;
	[dreg:$0xc] =	wrdreg s4  }
0x14: {  	s7 =	sadd.s32 $0x8200, s26;
	s23 =	sadd.s32 s8, s21;
	[dreg:$0xd] =	wrdreg s5  }
0x15: {  	s30 =	simm.s32 $0x13000;
	s12 =	sadd.s32 s8, s7;
	[dreg:$0xe] =	wrdreg s23  }
0x16: {  	s31 =	simm.s32 $0x14000;
	s25 =	sadd.s32 s9, s21;
	[dreg:$0xf] =	wrdreg s12  }
0x17: {  	s2 =	sadd.s32 $0x10200, s26;
	s26 =	sadd.s32 s9, s7;
	[dreg:$0x10] =	wrdreg s25  }
0x18: {  	s22 =	sadd.s32 $0x10, s3;
	s7 =	sadd.s32 s10, s7;
	[dreg:$0x11] =	wrdreg s26  }
0x19: {  	s24 =	sshrl.u32 s22, $0x9;
	s13 =	sadd.s32 s9, s2;
	[dreg:$0x13] =	wrdreg s7  }
0x1a: {  	s6 =	sshll.u32 s22, $0x9;
	s4 =	sadd.s32 s10, s21;
	[dreg:$0x15] =	wrdreg s13  }
0x1b: {  	s0 =	simm.s32 $0x16000;
	s12 =	sadd.s32 s8, s2;
	[dreg:$0x12] =	wrdreg s4  }
0x1c: {  	s6 =	sand.u32 $0x3E000, s6;
	s2 =	sadd.s32 s10, s2;
	[dreg:$0x14] =	wrdreg s12  }
0x1d: {  	s5 =	smul.u32 $0xC0000, s24;
	s24 =	sadd.s32 $0x18, s3;
	[dreg:$0x16] =	wrdreg s2  }
0x1e: {  	s1 =	simm.s32 $0x1B000;
	s25 =	sadd.s32 $0x20, s3;
	[smem:$0x7F8] =	sst s24  }
0x1f: {  	s26 =	sadd.s32 $0x28, s3;
	s13 =	simm.s32 $0x2000;
	[smem:$0x7F9] =	sst s25  }
0x20: {  	s7 =	simm.s32 $0xB000;
	s3 =	simm.s32 $0x15000;
	[smem:$0x7FA] =	sst s26  }
0x21: {  	s12 =	simm.s32 $0x1000;
	s24 =	simm.s32 $0xE000;
	s5 =	sor.u32 s6, s5  }
0x22: {  	s25 =	simm.s32 $0xF000;
	s26 =	simm.s32 $0x10000;
	s14 =	sshrl.u32 s5, $0x3  }
0x23: {  	s4 =	simm.s32 $0x1B300;
	s6 =	simm.s32 $0x1A000;
	s15 =	sadd.s32 s8, s14  }
0x24: {  	s16 =	sadd.s32 $0x8000, s14;
	s17 =	sadd.s32 s9, s14;
	[dreg:$0x17] =	wrdreg s15  }
0x25: {  	s5 =	sadd.s32 $0x10000, s14;
	s2 =	sadd.s32 s10, s14;
	[dreg:$0x18] =	wrdreg s17  }
0x26: {  	s14 =	simm.s32 $0x3000;
	[dreg:$0x19] =	wrdreg s2;
	s18 =	sadd.s32 s8, s16  }
0x27: {  	v0 =	vlaneseq.u32;
	s19 =	sadd.s32 s9, s16;
	s20 =	sadd.s32 s10, s16;
	s21 =	sadd.s32 s8, s5  }
0x28: {  	v1 =	vimm.f32 $0.0e+00;
	v2 =	vimm.f32 $1.000000000e+00;
	vm0 =	vmmov $0x1;
	s22 =	sadd.s32 s9, s5;
	s23 =	sadd.s32 s10, s5;
	[dreg:$0x1a] =	wrdreg s18  }
0x29: {  	vm1 =	vmmov $0x3;
	vm2 =	vmmov $0x7;
	vm3 =	vmmov $0xf;
	s15 =	simm.s32 $0x4000;
	s16 =	simm.s32 $0x5000;
	[dreg:$0x1b] =	wrdreg s19  }
0x2a: {  	vm4 =	vmmov $0x1f;
	vm5 =	vmmov $0x3f;
	vm6 =	vmmov $0x7f;
	s17 =	simm.s32 $0x6000;
	s9 =	simm.s32 $0x17000;
	[dreg:$0x1c] =	wrdreg s20  }
.Ltmp0:
0x2b: {  	vm7 =	vmmov $0xff;
	vm8 =	vmmov $0x1ff;
	vm9 =	vmmov $0x3ff;
	s10 =	simm.s32 $0x18000;
	[dreg:$0x1d] =	wrdreg s21;
	(pc) =	sbr.rel .LBB2_1-.Ltmp0, $4  }
0x2c: {  	vm10 =	vmmov $0x7ff;
	vm11 =	vmmov $0xfff;
	vm12 =	vmmov $0x1fff;
	s8 =	simm.s32 $0x19000;
	s2 =	simm.s32 $0x1B180;
	[dreg:$0x1e] =	wrdreg s22  }
0x2d: {  	vm13 =	vmmov $0x3fff;
	vm14 =	vmmov $0x7fff;
	v3 =	vor.u32 $0x10, v0;
	s5 =	simm.s32 $0x0;
	[dreg:$0x1f] =	wrdreg s23;
	s18 =	simm.s32 $0x7000  }
0x2e: {  	v4 =	vor.u32 $0x20, v0;
	v5 =	vor.u32 $0x30, v0;
	v6 =	vor.u32 $0x40, v0;
	s19 =	simm.s32 $0x8000;
	s20 =	simm.s32 $0x9000;
	s21 =	simm.s32 $0xA000  }
0x2f: {  	v7 =	vor.u32 $0x50, v0;
	v8 =	vor.u32 $0x60, v0;
	v9 =	vor.u32 $0x70, v0;
	s22 =	simm.s32 $0xC000;
	s23 =	simm.s32 $0xD000;
	[smem:$0x7FD] =	sst s5  }
.LBB2_10:
0x30: {  	v10 =	vld [tilespmem:$0x1B000]  }
0x31: {  	v11 =	vld [tilespmem:$0x1B010]  }
0x32: {  	v12 =	vld [tilespmem:$0x1B020]  }
0x33: {  	v13 =	vld [tilespmem:$0x1B030]  }
0x34: {  	v14 =	vld [tilespmem:$0x1B040]  }
0x35: {  	(xrf2) =	vadd.scan.msk.f32 $0xffff, v10;
	v10 =	vld [tilespmem:$0x1B050]  }
0x36: {  	(xrf2) =	vadd.scan.msk.f32 $0xffff, v11;
	v11 =	vld [tilespmem:$0x1B060]  }
0x37: {  	v37 =	vld [tilespmem:$0x1B070];
	(xrf2) =	vadd.scan.msk.f32 $0xffff, v12  }
0x38: {  	v38 =	vld [tilespmem:$0x1B080];
	(xrf2) =	vadd.scan.msk.f32 $0xffff, v13  }
0x39: {  	v39 =	vld [tilespmem:$0x1B090];
	(xrf2) =	vadd.scan.msk.f32 $0xffff, v14  }
0x3a: {  	(xrf2) =	vadd.scan.msk.f32 $0xffff, v10;
	v10 =	vld [tilespmem:$0x1B0A0]  }
0x3b: {  	(xrf2) =	vadd.scan.msk.f32 $0xffff, v11;
	v11 =	vld [tilespmem:$0x1B0B0]  }
0x3c: {  	v40 =	vld [tilespmem:$0x1B0C0];
	(xrf2) =	vadd.scan.msk.f32 $0xffff, v37  }
0x3d: {  	v41 =	vld [tilespmem:$0x1B0D0];
	(xrf2) =	vadd.scan.msk.f32 $0xffff, v38  }
0x3e: {  	v42 =	vld [tilespmem:$0x1B0E0];
	(xrf2) =	vadd.scan.msk.f32 $0xffff, v39  }
0x3f: {  	v15, _, _ =	vpop (xrf2);
	(xrf2) =	vadd.scan.msk.f32 $0xffff, v10;
	v10 =	vld [tilespmem:$0x1B0F0]  }
0x40: {  	v16, _, _ =	vpop (xrf2);
	(xrf2) =	vadd.scan.msk.f32 $0xffff, v11;
	v11 =	vld [tilespmem:$0x1B180]  }
0x41: {  	v43 =	vld [tilespmem:$0x1B190];
	v17, _, _ =	vpop (xrf2);
	(xrf2) =	vadd.scan.msk.f32 $0xffff, v40  }
0x42: {  	v44 =	vld [tilespmem:$0x1B1A0];
	v18, _, _ =	vpop (xrf2);
	(xrf2) =	vadd.scan.msk.f32 $0xffff, v41  }
0x43: {  	v45 =	vld [tilespmem:$0x1B1B0];
	v19, _, _ =	vpop (xrf2);
	(xrf2) =	vadd.scan.msk.f32 $0xffff, v42  }
0x44: {  	v20, _, _ =	vpop (xrf2);
	(xrf2) =	vadd.scan.msk.f32 $0xffff, v10;
	v10 =	vld [tilespmem:$0x1B1C0]  }
0x45: {  	v21, _, _ =	vpop (xrf2);
	(xrf2) =	vadd.scan.msk.f32 $0xffff, v11;
	v11 =	vld [tilespmem:$0x1B1D0]  }
0x46: {  	v46 =	vld [tilespmem:$0x1B1E0];
	v22, _, _ =	vpop (xrf2);
	(xrf2) =	vadd.scan.msk.f32 $0xffff, v43  }
0x47: {  	v47 =	vld [tilespmem:$0x1B1F0];
	v23, _, _ =	vpop (xrf2);
	(xrf2) =	vadd.scan.msk.f32 $0xffff, v44  }
0x48: {  	v48 =	vld [tilespmem:$0x1B200];
	v24, _, _ =	vpop (xrf2);
	(xrf2) =	vadd.scan.msk.f32 $0xffff, v45  }
0x49: {  	v26 =	vld [tilespmem:$0x1B210];
	v25, _, _ =	vpop (xrf2);
	(xrf2) =	vadd.scan.msk.f32 $0xffff, v10  }
0x4a: {  	v27, _, _ =	vpop (xrf2);
	(xrf2) =	vadd.scan.msk.f32 $0xffff, v11;
	v11 =	vld [tilespmem:$0x1B220]  }
0x4b: {  	v49 =	vld [tilespmem:$0x1B230];
	v28, _, _ =	vpop (xrf2);
	(xrf2) =	vadd.scan.msk.f32 $0xffff, v46  }
0x4c: {  	v50 =	vld [tilespmem:$0x1B240];
	v29, _, _ =	vpop (xrf2);
	(xrf2) =	vadd.scan.msk.f32 $0xffff, v47  }
0x4d: {  	v51 =	vld [tilespmem:$0x1B250];
	v30, _, _ =	vpop (xrf2);
	(xrf2) =	vadd.scan.msk.f32 $0xffff, v48  }
0x4e: {  	v52 =	vld [tilespmem:$0x1B260];
	v10, _, _ =	vpop (xrf2);
	(xrf2) =	vadd.scan.msk.f32 $0xffff, v26  }
0x4f: {  	v15 =	vbroadcast v15, $0xF;
	v16 =	vbroadcast v16, $0xF;
	v31, _, _ =	vpop (xrf2);
	(xrf2) =	vadd.scan.msk.f32 $0xffff, v11;
	v11 =	vld [tilespmem:$0x1B270]  }
0x50: {  	v53 =	vld [tilespmem:$0x1B300];
	v17 =	vbroadcast v17, $0xF;
	v32, _, _ =	vpop (xrf2);
	(xrf2) =	vadd.scan.msk.f32 $0xffff, v49  }
0x51: {  	v55 =	vld [tilespmem:$0x1B310];
	v15 =	vsel vm0, v15, v16;
	v54 =	vbroadcast v18, $0xF;
	v18, _, _ =	vpop (xrf2);
	(xrf2) =	vadd.scan.msk.f32 $0xffff, v50  }
0x52: {  	v58 =	vld [tilespmem:$0x1B320];
	v15 =	vsel vm1, v15, v17;
	v56 =	vbroadcast v19, $0xF;
	v57, _, _ =	vpop (xrf2);
	(xrf2) =	vadd.scan.msk.f32 $0xffff, v51  }
0x53: {  	v61 =	vld [tilespmem:$0x1B330];
	v15 =	vsel vm2, v15, v54;
	v59 =	vbroadcast v20, $0xF;
	v60, _, _ =	vpop (xrf2);
	(xrf2) =	vadd.scan.msk.f32 $0xffff, v52  }
0x54: {  	v15 =	vsel vm3, v15, v56;
	v62 =	vbroadcast v21, $0xF;
	v63, _, _ =	vpop (xrf2);
	(xrf2) =	vadd.scan.msk.f32 $0xffff, v11;
	v11 =	vld [tilespmem:$0x1B340]  }
0x55: {  	v38 =	vld [tilespmem:$0x1B350];
	v15 =	vsel vm4, v15, v59;
	v36 =	vbroadcast v22, $0xF;
	v37, _, _ =	vpop (xrf2);
	(xrf2) =	vadd.scan.msk.f32 $0xffff, v53  }
0x56: {  	v41 =	vld [tilespmem:$0x1B360];
	v15 =	vsel vm5, v15, v62;
	v39 =	vbroadcast v23, $0xF;
	v40, _, _ =	vpop (xrf2);
	(xrf2) =	vadd.scan.msk.f32 $0xffff, v55  }
0x57: {  	v44 =	vld [tilespmem:$0x1B370];
	v15 =	vsel vm6, v15, v36;
	v42 =	vbroadcast v24, $0xF;
	v43, _, _ =	vpop (xrf2);
	(xrf2) =	vadd.scan.msk.f32 $0xffff, v58  }
0x58: {  	v15 =	vsel vm7, v15, v39;
	v45 =	vbroadcast v25, $0xF;
	v47 =	vld [tilespmem:$0x1B380];
	v46, _, _ =	vpop (xrf2);
	(xrf2) =	vadd.scan.msk.f32 $0xffff, v61  }
0x59: {  	v15 =	vsel vm8, v15, v42;
	v48 =	vbroadcast v27, $0xF;
	v49, _, _ =	vpop (xrf2);
	(xrf2) =	vadd.scan.msk.f32 $0xffff, v11;
	v11 =	vld [tilespmem:$0x1B390]  }
0x5a: {  	v15 =	vsel vm9, v15, v45;
	v54 =	vbroadcast v28, $0xF;
	v29 =	vbroadcast v29, $0xF;
	v53 =	vld [tilespmem:$0x1B3A0];
	v52, _, _ =	vpop (xrf2);
	(xrf2) =	vadd.scan.msk.f32 $0xffff, v38  }
0x5b: {  	v56 =	vld [tilespmem:$0x1B3B0];
	v26 =	vbroadcast v30, $0xF;
	v15 =	vsel vm10, v15, v48;
	v50 =	vbroadcast v31, $0xF;
	v55, _, _ =	vpop (xrf2);
	(xrf2) =	vadd.scan.msk.f32 $0xffff, v41  }
0x5c: {  	v15 =	vsel vm11, v15, v54;
	v51 =	vbroadcast v32, $0xF;
	v19 =	vbroadcast v57, $0xF;
	v57 =	vld [tilespmem:$0x1B3C0];
	v31, _, _ =	vpop (xrf2);
	(xrf2) =	vadd.scan.msk.f32 $0xffff, v44  }
0x5d: {  	v15 =	vsel vm12, v15, v29;
	v18 =	vbroadcast v18, $0xF;
	v59 =	vbroadcast v60, $0xF;
	v61 =	vld [tilespmem:$0x1B3D0];
	v60, _, _ =	vpop (xrf2);
	(xrf2) =	vadd.scan.msk.f32 $0xffff, v47  }
0x5e: {  	v12 =	vsel vm13, v15, v26;
	v17 =	vsel vm0, v50, v51;
	v62 =	vbroadcast v63, $0xF;
	v21, _, _ =	vpop (xrf2);
	(xrf2) =	vadd.scan.msk.f32 $0xffff, v11;
	v11 =	vld [tilespmem:$0x1B3E0]  }
0x5f: {  	v22 =	vbroadcast v37, $0xF;
	v58 =	vsel vm1, v17, v18;
	v30 =	vbroadcast v40, $0xF;
	v63, _, _ =	vpop (xrf2);
	(xrf2) =	vadd.scan.msk.f32 $0xffff, v53  }
0x60: {  	v16 =	vsel vm2, v58, v19;
	v33 =	vbroadcast v43, $0xF;
	v39 =	vbroadcast v46, $0xF;
	v29, _, _ =	vpop (xrf2);
	(xrf2) =	vadd.scan.msk.f32 $0xffff, v56  }
0x61: {  	v35 =	vld [tilespmem:$0x1B3F0];
	v16 =	vsel vm3, v16, v59;
	v17 =	vbroadcast v63, $0xF;
	v19 =	vbroadcast v29, $0xF;
	v34, _, _ =	vpop (xrf2);
	(xrf2) =	vadd.scan.msk.f32 $0xffff, v57  }
0x62: {  	v16 =	vsel vm4, v16, v62;
	v42 =	vbroadcast v49, $0xF;
	v36, _, _ =	vpop (xrf2);
	(xrf2) =	vadd.scan.msk.f32 $0xffff, v61;
	v37 =	vbroadcast v34, $0xF  }
0x63: {  	v16 =	vsel vm5, v16, v22;
	v17 =	vsel vm0, v17, v19;
	v15 =	vbroadcast v36, $0xF;
	v38, _, _ =	vpop (xrf2);
	(xrf2) =	vadd.scan.msk.f32 $0xffff, v11  }
0x64: {  	v13 =	vsel vm6, v16, v30;
	v11, _, _ =	vpop (xrf2);
	v16 =	vsel vm1, v17, v37;
	v40 =	vbroadcast v38, $0xF  }
0x65: {  	v48 =	vbroadcast v52, $0xF;
	v41, _, _ =	vpop (xrf2);
	v15 =	vsel vm2, v16, v15;
	v11 =	vbroadcast v11, $0xF  }
0x66: {  	v50 =	vbroadcast v55, $0xF;
	(xrf2) =	vadd.scan.msk.f32 $0xffff, v35;
	v15 =	vsel vm3, v15, v40;
	v43 =	vbroadcast v41, $0xF;
	v44, _, _ =	vpop (xrf2)  }
0x67: {  	v13 =	vsel vm7, v13, v33;
	v45, _, _ =	vpop (xrf2);
	v11 =	vsel vm4, v15, v11;
	v46 =	vbroadcast v44, $0xF  }
0x68: {  	v13 =	vsel vm8, v13, v39;
	v47, _, _ =	vpop (xrf2);
	v11 =	vsel vm5, v11, v43;
	v14 =	vbroadcast v45, $0xF  }
0x69: {  	v60 =	vbroadcast v60, $0xF;
	v49, _, _ =	vpop (xrf2);
	v11 =	vsel vm6, v11, v46;
	v51 =	vbroadcast v47, $0xF  }
0x6a: {  	v13 =	vsel vm9, v13, v42;
	v52, _, _ =	vpop (xrf2);
	v11 =	vsel vm7, v11, v14;
	v53 =	vbroadcast v49, $0xF  }
0x6b: {  	v13 =	vsel vm10, v13, v48;
	v54, _, _ =	vpop (xrf2);
	v11 =	vsel vm8, v11, v51;
	v55 =	vbroadcast v52, $0xF  }
0x6c: {  	v57 =	vbroadcast v31, $0xF;
	v56, _, _ =	vpop (xrf2);
	v11 =	vsel vm9, v11, v53;
	v58 =	vbroadcast v54, $0xF  }
0x6d: {  	v13 =	vsel vm11, v13, v50;
	v59, _, _ =	vpop (xrf2);
	v11 =	vsel vm10, v11, v55;
	v16 =	vbroadcast v56, $0xF  }
0x6e: {  	v13 =	vsel vm12, v13, v57;
	v11 =	vsel vm11, v11, v58;
	v61 =	vbroadcast v59, $0xF  }
0x6f: {  	v10 =	vsel vm14, v12, v10;
	v62 =	vsel vm13, v13, v60;
	v11 =	vsel vm12, v11, v16  }
0x70: {  	s5 =	sld [smem:$0x7FB];
	[tilespmem:$0x1B480] =	vst v10;
	v10 =	vsel vm14, v62, v21;
	v63, _, _ =	vpop (xrf2);
	v11 =	vsel vm13, v11, v61  }
0x71: {  	[tilespmem:$0x1B4C0] =	vst v10;
	v10 =	vsel vm14, v11, v63  }
0x72: {  	s11 =	simm.s32 $0x0;
	s12 =	simm.s32 $0x1B480;
	[tilespmem:$0x1B500] =	vst v10  }
0x73: {  	[hbm4b:s5+s11] =	stream.linear.scatter [tilespmem:s12], [sflag:$0x4], $0xC0, $0x38;
	[tilespmem:$0x1B580] =	vst v63  }
0x74: {  	s12 =	simm.s32 $0x4  }
0x75: {  	_ =	swait.ge [sflag:s12], $0xC0  }
0x76: {  	s13 =	sld [smem:$0x7FD]  }
0x77: {  	s5 =	sld [smem:$0x7FC];
	_ =	sdelay $0x1  }
0x78: {  	s13 =	sadd.s32 $0x1, s13  }
0x79: {  	p0 =	sne.s32 s13, s5  }
.Ltmp1:
0x7a: {  	_ = 	snop;
	(pc) =	sbr.rel @!p0 .LBB2_11-.Ltmp1, $4  }
0x7b: {  	_ = 	snop  }
0x7c: {  	[sflag:s12] =	ssyncset.done $0x0  }
0x7d: {  	[sflag:s12] =	ssyncadd.s32 $0xFFFFFF40  }
0x7e: {  	s12 =	simm.s32 $0x1000;
	[smem:$0x7FD] =	sst s13;
	s13 =	simm.s32 $0x2000  }
.LBB2_1:
0x7f: {  	[tilespmem:$0x1B000] =	vst v1  }
0x80: {  	[tilespmem:$0x1B180] =	vst v1  }
0x81: {  	[tilespmem:$0x1B300] =	vst v1  }
0x82: {  	[tilespmem:$0x1B010] =	vst v1  }
0x83: {  	[tilespmem:$0x1B190] =	vst v1  }
0x84: {  	[tilespmem:$0x1B310] =	vst v1  }
0x85: {  	[tilespmem:$0x1B020] =	vst v1  }
0x86: {  	[tilespmem:$0x1B1A0] =	vst v1  }
0x87: {  	[tilespmem:$0x1B320] =	vst v1  }
0x88: {  	[tilespmem:$0x1B030] =	vst v1  }
0x89: {  	[tilespmem:$0x1B1B0] =	vst v1  }
0x8a: {  	[tilespmem:$0x1B330] =	vst v1  }
0x8b: {  	[tilespmem:$0x1B040] =	vst v1  }
0x8c: {  	[tilespmem:$0x1B1C0] =	vst v1  }
0x8d: {  	[tilespmem:$0x1B340] =	vst v1  }
0x8e: {  	[tilespmem:$0x1B050] =	vst v1  }
0x8f: {  	[tilespmem:$0x1B1D0] =	vst v1  }
0x90: {  	[tilespmem:$0x1B350] =	vst v1  }
0x91: {  	[tilespmem:$0x1B060] =	vst v1  }
0x92: {  	[tilespmem:$0x1B1E0] =	vst v1  }
0x93: {  	[tilespmem:$0x1B360] =	vst v1  }
0x94: {  	[tilespmem:$0x1B070] =	vst v1  }
0x95: {  	[tilespmem:$0x1B1F0] =	vst v1  }
0x96: {  	[tilespmem:$0x1B370] =	vst v1  }
0x97: {  	[tilespmem:$0x1B080] =	vst v1  }
0x98: {  	[tilespmem:$0x1B200] =	vst v1  }
0x99: {  	[tilespmem:$0x1B380] =	vst v1  }
0x9a: {  	[tilespmem:$0x1B090] =	vst v1  }
0x9b: {  	[tilespmem:$0x1B210] =	vst v1  }
0x9c: {  	[tilespmem:$0x1B390] =	vst v1  }
0x9d: {  	[tilespmem:$0x1B0A0] =	vst v1  }
0x9e: {  	[tilespmem:$0x1B220] =	vst v1  }
0x9f: {  	[tilespmem:$0x1B3A0] =	vst v1  }
0xa0: {  	[tilespmem:$0x1B0B0] =	vst v1  }
0xa1: {  	[tilespmem:$0x1B230] =	vst v1  }
0xa2: {  	[tilespmem:$0x1B3B0] =	vst v1  }
0xa3: {  	[tilespmem:$0x1B0C0] =	vst v1  }
0xa4: {  	[tilespmem:$0x1B240] =	vst v1  }
0xa5: {  	[tilespmem:$0x1B3C0] =	vst v1  }
0xa6: {  	[tilespmem:$0x1B0D0] =	vst v1  }
0xa7: {  	[tilespmem:$0x1B250] =	vst v1  }
0xa8: {  	[tilespmem:$0x1B3D0] =	vst v1  }
0xa9: {  	[tilespmem:$0x1B0E0] =	vst v1  }
0xaa: {  	[tilespmem:$0x1B260] =	vst v1  }
0xab: {  	[tilespmem:$0x1B3E0] =	vst v1  }
0xac: {  	[tilespmem:$0x1B0F0] =	vst v1  }
0xad: {  	[tilespmem:$0x1B270] =	vst v1  }
0xae: {  	[tilespmem:$0x1B3F0] =	vst v1  }
0xaf: {  	[tilespmem:$0x1B100] =	vst v1  }
0xb0: {  	[tilespmem:$0x1B280] =	vst v1  }
0xb1: {  	[tilespmem:$0x1B400] =	vst v1  }
0xb2: {  	[tilespmem:$0x1B480] =	vst v1  }
0xb3: {  	[tilespmem:$0x1B490] =	vst v1  }
0xb4: {  	[tilespmem:$0x1B4A0] =	vst v1  }
0xb5: {  	[tilespmem:$0x1B4B0] =	vst v1  }
0xb6: {  	[tilespmem:$0x1B4C0] =	vst v1  }
0xb7: {  	[tilespmem:$0x1B4D0] =	vst v1  }
0xb8: {  	[tilespmem:$0x1B4E0] =	vst v1  }
0xb9: {  	[tilespmem:$0x1B4F0] =	vst v1  }
0xba: {  	[tilespmem:$0x1B500] =	vst v1  }
0xbb: {  	[tilespmem:$0x1B510] =	vst v1  }
0xbc: {  	[tilespmem:$0x1B520] =	vst v1  }
0xbd: {  	[tilespmem:$0x1B530] =	vst v1;
	s5 =	rddreg [dreg:$0x5]  }
0xbe: {  	[tilespmem:s11], [sflag:$0x1] =	stream.linear.gather [hbm4b:s5+s11], $0x1000, $0x38;
	[tilespmem:$0x1B580] =	vst v63  }
0xbf: {  	s5 =	rddreg [dreg:$0x6]  }
0xc0: {  	[tilespmem:s12], [sflag:$0x1] =	stream.linear.gather [hbm4b:s5+s11], $0x1000, $0x38;
	[tilespmem:$0x1B580] =	vst v63  }
0xc1: {  	s5 =	rddreg [dreg:$0x7]  }
0xc2: {  	[tilespmem:s13], [sflag:$0x1] =	stream.linear.gather [hbm4b:s5+s11], $0x1000, $0x38;
	[tilespmem:$0x1B580] =	vst v63  }
0xc3: {  	s5 =	rddreg [dreg:$0x8]  }
0xc4: {  	[tilespmem:s14], [sflag:$0x1] =	stream.linear.gather [hbm4b:s5+s11], $0x1000, $0x38;
	[tilespmem:$0x1B580] =	vst v63  }
0xc5: {  	s5 =	rddreg [dreg:$0x9]  }
0xc6: {  	[tilespmem:s15], [sflag:$0x1] =	stream.linear.gather [hbm4b:s5+s11], $0x1000, $0x38;
	[tilespmem:$0x1B580] =	vst v63  }
0xc7: {  	s5 =	rddreg [dreg:$0xa]  }
0xc8: {  	[tilespmem:s16], [sflag:$0x1] =	stream.linear.gather [hbm4b:s5+s11], $0x1000, $0x38;
	[tilespmem:$0x1B580] =	vst v63  }
0xc9: {  	s5 =	rddreg [dreg:$0xb]  }
0xca: {  	[tilespmem:s17], [sflag:$0x1] =	stream.linear.gather [hbm4b:s5+s11], $0x1000, $0x38;
	[tilespmem:$0x1B580] =	vst v63  }
0xcb: {  	s5 =	rddreg [dreg:$0xc]  }
0xcc: {  	[tilespmem:s18], [sflag:$0x1] =	stream.linear.gather [hbm4b:s5+s11], $0x1000, $0x38;
	[tilespmem:$0x1B580] =	vst v63  }
0xcd: {  	s5 =	rddreg [dreg:$0xd]  }
0xce: {  	[tilespmem:s19], [sflag:$0x1] =	stream.linear.gather [hbm4b:s5+s11], $0x1000, $0x38;
	[tilespmem:$0x1B580] =	vst v63  }
0xcf: {  	s5 =	rddreg [dreg:$0xe]  }
0xd0: {  	[tilespmem:s20], [sflag:$0x2] =	stream.linear.gather [hbm4b:s5+s11], $0x1000, $0x38;
	[tilespmem:$0x1B580] =	vst v63  }
0xd1: {  	s20 =	rddreg [dreg:$0xf]  }
0xd2: {  	[tilespmem:s21], [sflag:$0x2] =	stream.linear.gather [hbm4b:s20+s11], $0x1000, $0x38;
	[tilespmem:$0x1B580] =	vst v63  }
0xd3: {  	s20 =	rddreg [dreg:$0x14]  }
0xd4: {  	s21 =	rddreg [dreg:$0x10]  }
0xd5: {  	[tilespmem:s7], [sflag:$0x2] =	stream.linear.gather [hbm4b:s20+s11], $0x1000, $0x38;
	[tilespmem:$0x1B580] =	vst v63  }
0xd6: {  	s7 =	rddreg [dreg:$0x11]  }
0xd7: {  	[tilespmem:s22], [sflag:$0x2] =	stream.linear.gather [hbm4b:s21+s11], $0x1000, $0x38;
	[tilespmem:$0x1B580] =	vst v63  }
0xd8: {  	s20 =	rddreg [dreg:$0x15]  }
0xd9: {  	[tilespmem:s23], [sflag:$0x2] =	stream.linear.gather [hbm4b:s7+s11], $0x1000, $0x38;
	[tilespmem:$0x1B580] =	vst v63  }
0xda: {  	s21 =	rddreg [dreg:$0x12]  }
0xdb: {  	[tilespmem:s24], [sflag:$0x2] =	stream.linear.gather [hbm4b:s20+s11], $0x1000, $0x38;
	[tilespmem:$0x1B580] =	vst v63  }
0xdc: {  	s7 =	rddreg [dreg:$0x13]  }
0xdd: {  	[tilespmem:s25], [sflag:$0x2] =	stream.linear.gather [hbm4b:s21+s11], $0x1000, $0x38;
	[tilespmem:$0x1B580] =	vst v63  }
0xde: {  	s20 =	rddreg [dreg:$0x16]  }
0xdf: {  	[tilespmem:s26], [sflag:$0x2] =	stream.linear.gather [hbm4b:s7+s11], $0x1000, $0x38;
	[tilespmem:$0x1B580] =	vst v63  }
0xe0: {  	s21 =	rddreg [dreg:$0x17]  }
0xe1: {  	[tilespmem:s28], [sflag:$0x2] =	stream.linear.gather [hbm4b:s20+s11], $0x1000, $0x38;
	[tilespmem:$0x1B580] =	vst v63  }
0xe2: {  	s7 =	rddreg [dreg:$0x1a]  }
0xe3: {  	[tilespmem:s29], [sflag:$0x3] =	stream.linear.gather [hbm4b:s21+s11], $0x1000, $0x38;
	[tilespmem:$0x1B580] =	vst v63  }
0xe4: {  	s20 =	rddreg [dreg:$0x1d]  }
0xe5: {  	[tilespmem:s30], [sflag:$0x3] =	stream.linear.gather [hbm4b:s7+s11], $0x1000, $0x38;
	[tilespmem:$0x1B580] =	vst v63  }
0xe6: {  	s21 =	rddreg [dreg:$0x18]  }
0xe7: {  	[tilespmem:s31], [sflag:$0x3] =	stream.linear.gather [hbm4b:s20+s11], $0x1000, $0x38;
	[tilespmem:$0x1B580] =	vst v63  }
0xe8: {  	s7 =	rddreg [dreg:$0x1b]  }
0xe9: {  	[tilespmem:s3], [sflag:$0x3] =	stream.linear.gather [hbm4b:s21+s11], $0x1000, $0x38;
	[tilespmem:$0x1B580] =	vst v63  }
0xea: {  	s20 =	rddreg [dreg:$0x1e]  }
0xeb: {  	[tilespmem:s0], [sflag:$0x3] =	stream.linear.gather [hbm4b:s7+s11], $0x1000, $0x38;
	[tilespmem:$0x1B580] =	vst v63  }
0xec: {  	s21 =	rddreg [dreg:$0x19]  }
0xed: {  	[tilespmem:s9], [sflag:$0x3] =	stream.linear.gather [hbm4b:s20+s11], $0x1000, $0x38;
	[tilespmem:$0x1B580] =	vst v63  }
0xee: {  	s7 =	rddreg [dreg:$0x1c]  }
0xef: {  	[tilespmem:s10], [sflag:$0x3] =	stream.linear.gather [hbm4b:s21+s11], $0x1000, $0x38;
	[tilespmem:$0x1B580] =	vst v63  }
0xf0: {  	s20 =	rddreg [dreg:$0x1f];
	s21 =	simm.s32 $0x0  }
0xf1: {  	[tilespmem:s8], [sflag:$0x3] =	stream.linear.gather [hbm4b:s7+s11], $0x1000, $0x38;
	[tilespmem:$0x1B580] =	vst v63  }
0xf2: {  	[smem:$0x7F7] =	sst s21  }
0xf3: {  	[tilespmem:s6], [sflag:$0x3] =	stream.linear.gather [hbm4b:s20+s11], $0x1000, $0x38;
	[tilespmem:$0x1B580] =	vst v63  }
.LBB2_2:
0xf4: {  	s20 =	simm.s32 $0x1  }
0xf5: {  	_ =	swait.ge [sflag:s20], $0x1000  }
0xf6: {  	[sflag:s20] =	ssyncset.done $0x0  }
0xf7: {  	[sflag:s20] =	ssyncadd.s32 $0xFFFFF000  }
0xf8: {  	_ =	swait.ge [sflag:s20], $0x1000  }
0xf9: {  	[sflag:s20] =	ssyncset.done $0x0  }
0xfa: {  	[sflag:s20] =	ssyncadd.s32 $0xFFFFF000  }
0xfb: {  	_ =	swait.ge [sflag:s20], $0x1000  }
0xfc: {  	[sflag:s20] =	ssyncset.done $0x0  }
0xfd: {  	[sflag:s20] =	ssyncadd.s32 $0xFFFFF000  }
0xfe: {  	_ =	swait.ge [sflag:s20], $0x1000  }
0xff: {  	[sflag:s20] =	ssyncset.done $0x0  }
0x100: {  	[sflag:s20] =	ssyncadd.s32 $0xFFFFF000  }
0x101: {  	_ =	swait.ge [sflag:s20], $0x1000  }
0x102: {  	[sflag:s20] =	ssyncset.done $0x0  }
0x103: {  	s7 =	simm.s32 $0x0;
	[sflag:s20] =	ssyncadd.s32 $0xFFFFF000  }
0x104: {  	s21 =	simm.s32 $0x0;
	s5 =	sand.u32 $0x180, s7;
	_ =	swait.ge [sflag:s20], $0x1000  }
0x105: {  	v10 =	vmov s21;
	v11 =	vmov s5;
	[sflag:s20] =	ssyncset.done $0x0  }
0x106: {  	v10 =	vshll.u32 v10, $0x7;
	v11 =	vshrl.u32 v11, $0x7;
	[sflag:s20] =	ssyncadd.s32 $0xFFFFF000  }
0x107: {  	v10 =	vand.u32 $0x380, v10;
	v11 =	vshll.u32 v11, $0xA;
	_ =	swait.ge [sflag:s20], $0x1000  }
0x108: {  	v10 =	vor.u32 v10, v11;
	[sflag:s20] =	ssyncset.done $0x0  }
0x109: {  	v10 =	vbroadcast v10, $0x0;
	[sflag:s20] =	ssyncadd.s32 $0xFFFFF000  }
0x10a: {  	_ =	swait.ge [sflag:s20], $0x1000  }
0x10b: {  	v17 =	vor.u32 v9, v10;
	[sflag:s20] =	ssyncset.done $0x0  }
0x10c: {  	[sflag:s20] =	ssyncadd.s32 $0xFFFFF000  }
0x10d: {  	v16 =	vor.u32 v0, v10;
	_ =	swait.ge [sflag:s20], $0x1000  }
0x10e: {  	[sflag:s20] =	ssyncset.done $0x0  }
0x10f: {  	[sflag:s20] =	ssyncadd.s32 $0xFFFFF000  }
0x110: {  	v15 =	vor.u32 v3, v10;
	v12 =	vld.idx.msk [tilespmem:v17+s11+$0x0], $0xffff  }
0x111: {  	v14 =	vld.idx.msk [tilespmem:v17+s12+$0x0], $0xffff  }
0x112: {  	v13 =	vor.u32 v4, v10;
	v18 =	vld.idx.msk [tilespmem:v16+s11+$0x0], $0xffff  }
0x113: {  	v19 =	vld.idx.msk [tilespmem:v17+s13+$0x0], $0xffff  }
0x114: {  	v11 =	vor.u32 v5, v10;
	v20 =	vld.idx.msk [tilespmem:v16+s12+$0x0], $0xffff  }
0x115: {  	v21 =	vld.idx.msk [tilespmem:v15+s11+$0x0], $0xffff  }
0x116: {  	v22 =	vld.idx.msk [tilespmem:v15+s12+$0x0], $0xffff  }
0x117: {  	v23 =	vld.idx.msk [tilespmem:v13+s11+$0x0], $0xffff  }
0x118: {  	v24 =	vld.idx.msk [tilespmem:v13+s12+$0x0], $0xffff  }
0x119: {  	v25 =	vld.idx.msk [tilespmem:v11+s11+$0x0], $0xffff  }
0x11a: {  	v26 =	vld.idx.msk [tilespmem:v17+s14+$0x0], $0xffff  }
0x11b: {  	v27 =	vld.idx.msk [tilespmem:v17+s15+$0x0], $0xffff  }
0x11c: {  	v29 =	vld.idx.msk [tilespmem:v17+s17+$0x0], $0xffff  }
0x11d: {  	v30 =	vld.idx.msk [tilespmem:v17+s18+$0x0], $0xffff  }
0x11e: {  	v31 =	vld.idx.msk [tilespmem:v17+s16+$0x0], $0xffff  }
0x11f: {  	v17 =	vld.idx.msk [tilespmem:v17+s19+$0x0], $0xffff  }
0x120: {  	v45 =	vld.idx.msk [tilespmem:v16+s13+$0x0], $0xffff  }
0x121: {  	v46 =	vld.idx.msk [tilespmem:v13+s13+$0x0], $0xffff  }
0x122: {  	v47 =	vld.idx.msk [tilespmem:v11+s13+$0x0], $0xffff  }
0x123: {  	v38 =	vld.idx.msk [tilespmem:v16+s14+$0x0], $0xffff  }
0x124: {  	v39 =	vld.idx.msk [tilespmem:v16+s15+$0x0], $0xffff  }
0x125: {  	v40 =	vld.idx.msk [tilespmem:v16+s17+$0x0], $0xffff  }
0x126: {  	v41 =	vld.idx.msk [tilespmem:v16+s18+$0x0], $0xffff;
	v12 =	vmul.f32 $2.989999950e-01, v12;
	v14 =	vmul.f32 $5.870000120e-01, v14  }
0x127: {  	v42 =	vld.idx.msk [tilespmem:v15+s14+$0x0], $0xffff;
	v29 =	vmul.f32 $2.989999950e-01, v29;
	v30 =	vmul.f32 $5.870000120e-01, v30  }
0x128: {  	v43 =	vld.idx.msk [tilespmem:v15+s15+$0x0], $0xffff;
	v18 =	vmul.f32 $2.989999950e-01, v18;
	v20 =	vmul.f32 $5.870000120e-01, v20  }
0x129: {  	v54 =	vld.idx.msk [tilespmem:v13+s15+$0x0], $0xffff;
	v21 =	vmul.f32 $2.989999950e-01, v21;
	v12 =	vadd.f32 v14, v12;
	v14 =	vmul.f32 $1.140000000e-01, v19  }
0x12a: {  	v56 =	vld.idx.msk [tilespmem:v13+s18+$0x0], $0xffff;
	v22 =	vmul.f32 $5.870000120e-01, v22;
	v23 =	vmul.f32 $2.989999950e-01, v23  }
0x12b: {  	v24 =	vmul.f32 $5.870000120e-01, v24;
	v19 =	vld.idx.msk [tilespmem:v11+s12+$0x0], $0xffff;
	v12 =	vadd.f32 v14, v12;
	v14 =	vor.u32 v6, v10  }
0x12c: {  	v18 =	vadd.f32 v20, v18;
	v20 =	vadd.f32 v22, v21;
	v21 =	vmul.f32 $1.140000000e-01, v45;
	v22 =	vld.idx.msk [tilespmem:v15+s17+$0x0], $0xffff  }
0x12d: {  	v17 =	vmul.f32 $1.140000000e-01, v17;
	v29 =	vadd.f32 v30, v29;
	v23 =	vadd.f32 v24, v23;
	v24 =	vld.idx.msk [tilespmem:v15+s18+$0x0], $0xffff  }
0x12e: {  	v18 =	vadd.f32 v21, v18;
	v21 =	vld.idx.msk [tilespmem:v13+s14+$0x0], $0xffff  }
0x12f: {  	v17 =	vadd.f32 v17, v29;
	v29 =	vld.idx.msk [tilespmem:v11+s18+$0x0], $0xffff;
	v28 =	vmul.f32 $1.600000000e+01, v12;
	v12 =	vor.u32 v7, v10  }
0x130: {  	v32 =	vld.idx.msk [tilespmem:v14+s11+$0x0], $0xffff  }
0x131: {  	v10 =	vor.u32 v8, v10;
	v33 =	vld.idx.msk [tilespmem:v14+s12+$0x0], $0xffff  }
0x132: {  	v48 =	vld.idx.msk [tilespmem:v14+s13+$0x0], $0xffff  }
0x133: {  	v26 =	vmul.f32 $2.989999950e-01, v26;
	v61 =	vld.idx.msk [tilespmem:v14+s15+$0x0], $0xffff  }
0x134: {  	v27 =	vmul.f32 $5.870000120e-01, v27;
	v62 =	vmul.f32 $1.140000000e-01, v31;
	v34 =	vld.idx.msk [tilespmem:v12+s11+$0x0], $0xffff  }
0x135: {  	v25 =	vmul.f32 $2.989999950e-01, v25;
	v59 =	vmul.f32 $2.989999950e-01, v38;
	v35 =	vld.idx.msk [tilespmem:v12+s12+$0x0], $0xffff  }
0x136: {  	v60 =	vmul.f32 $5.870000120e-01, v39;
	v56 =	vmul.f32 $5.870000120e-01, v56;
	v26 =	vadd.f32 v27, v26;
	v36 =	vld.idx.msk [tilespmem:v10+s11+$0x0], $0xffff  }
0x137: {  	v27 =	vmul.f32 $1.140000000e-01, v47;
	v19 =	vmul.f32 $5.870000120e-01, v19;
	v63 =	vld.idx.msk [tilespmem:v10+s12+$0x0], $0xffff  }
0x138: {  	v26 =	vadd.f32 v62, v26;
	v62 =	vmul.f32 $2.989999950e-01, v40;
	v28 =	vtrunc.f32 v28;
	v49 =	vld.idx.msk [tilespmem:v12+s13+$0x0], $0xffff  }
0x139: {  	v18 =	vmul.f32 $1.600000000e+01, v18;
	v28 =	vcvt.f32.s32 v28;
	v19 =	vadd.f32 v19, v25;
	v37 =	vld.idx.msk [tilespmem:v10+s13+$0x0], $0xffff  }
0x13a: {  	v22 =	vmul.f32 $2.989999950e-01, v22;
	v24 =	vmul.f32 $5.870000120e-01, v24;
	v44 =	vld.idx.msk [tilespmem:v12+s14+$0x0], $0xffff  }
0x13b: {  	v28 =	vshll.u32 v28, $0x4;
	v19 =	vadd.f32 v27, v19;
	v27 =	vadd.f32 v60, v59;
	v60 =	vld.idx.msk [tilespmem:v10+s17+$0x0], $0xffff  }
0x13c: {  	v18 =	vtrunc.f32 v18;
	v28 =	vor.u32 v0, v28;
	v50 =	vmul.f32 $2.989999950e-01, v32;
	v32 =	vld.idx.msk [tilespmem:v13+s17+$0x0], $0xffff  }
0x13d: {  	v18 =	vcvt.f32.s32 v18;
	v53 =	vmul.f32 $5.870000120e-01, v35;
	v35 =	vld.idx.msk [tilespmem:v11+s17+$0x0], $0xffff  }
0x13e: {  	v21 =	vmul.f32 $2.989999950e-01, v21;
	v31 =	vmul.f32 $5.870000120e-01, v63;
	v63 =	vld.idx.msk [tilespmem:v14+s17+$0x0], $0xffff  }
0x13f: {  	v19 =	vmul.f32 $1.600000000e+01, v19;
	v57 =	vmul.f32 $1.140000000e-01, v49;
	v49 =	vld.idx.msk [tilespmem:v14+s18+$0x0], $0xffff  }
0x140: {  	v52 =	vmul.f32 $2.989999950e-01, v34;
	v34 =	vmul.f32 $5.870000120e-01, v54;
	v54 =	vld.idx.msk [tilespmem:v12+s18+$0x0], $0xffff  }
0x141: {  	v22 =	vadd.f32 v24, v22;
	v29 =	vmul.f32 $5.870000120e-01, v29;
	v51 =	vmul.f32 $5.870000120e-01, v33;
	[tilespmem:v28+s1+$0x0] =	vst.idx.add.f32.msk $0xffff, v2  }
0x142: {  	v18 =	vshll.u32 v18, $0x4;
	v61 =	vmul.f32 $5.870000120e-01, v61;
	v19 =	vtrunc.f32 v19;
	[tilespmem:v28+s2+$0x0] =	vst.idx.add.f32.msk $0xffff, v26  }
0x143: {  	v55 =	vmul.f32 $2.989999950e-01, v36;
	v58 =	vmul.f32 $1.140000000e-01, v37;
	v25 =	vadd.f32 v53, v52;
	v52 =	vld.idx.msk [tilespmem:v12+s15+$0x0], $0xffff  }
0x144: {  	v30 =	vadd.f32 v51, v50;
	v50 =	vmul.f32 $2.989999950e-01, v42;
	v51 =	vmul.f32 $5.870000120e-01, v43;
	v53 =	vld.idx.msk [tilespmem:v12+s17+$0x0], $0xffff  }
0x145: {  	v19 =	vcvt.f32.s32 v19;
	v26 =	vmul.f32 $1.140000000e-01, v46;
	v31 =	vadd.f32 v31, v55;
	[tilespmem:v28+s4+$0x0] =	vst.idx.add.f32.msk $0xffff, v17  }
0x146: {  	v36 =	vadd.f32 v51, v50;
	v34 =	vadd.f32 v34, v21;
	v17 =	vld.idx.msk [tilespmem:v15+s13+$0x0], $0xffff;
	v28 =	vmul.f32 $1.140000000e-01, v48  }
0x147: {  	v46 =	vld.idx.msk [tilespmem:v16+s16+$0x0], $0xffff;
	v48 =	vmul.f32 $5.870000120e-01, v41;
	v55 =	vmul.f32 $2.989999950e-01, v32;
	v23 =	vadd.f32 v26, v23  }
0x148: {  	v16 =	vld.idx.msk [tilespmem:v16+s19+$0x0], $0xffff;
	v25 =	vadd.f32 v57, v25;
	v28 =	vadd.f32 v28, v30;
	v59 =	vmul.f32 $2.989999950e-01, v35  }
0x149: {  	v51 =	vld.idx.msk [tilespmem:v13+s16+$0x0], $0xffff;
	v30 =	vadd.f32 v58, v31;
	v63 =	vmul.f32 $2.989999950e-01, v63;
	v45 =	vmul.f32 $5.870000120e-01, v49  }
0x14a: {  	v13 =	vld.idx.msk [tilespmem:v13+s19+$0x0], $0xffff;
	v31 =	vadd.f32 v48, v62;
	v48 =	vmul.f32 $5.870000120e-01, v54;
	v35 =	vmul.f32 $2.989999950e-01, v60  }
0x14b: {  	v19 =	vshll.u32 v19, $0x4;
	v26 =	vld.idx.msk [tilespmem:v11+s15+$0x0], $0xffff;
	v23 =	vmul.f32 $1.600000000e+01, v23;
	v17 =	vmul.f32 $1.140000000e-01, v17  }
0x14c: {  	v58 =	vld.idx.msk [tilespmem:v10+s15+$0x0], $0xffff;
	v24 =	vadd.f32 v56, v55;
	v25 =	vmul.f32 $1.600000000e+01, v25;
	v28 =	vmul.f32 $1.600000000e+01, v28  }
0x14d: {  	v30 =	vmul.f32 $1.600000000e+01, v30;
	v43 =	vmul.f32 $5.870000120e-01, v52;
	v17 =	vadd.f32 v17, v20;
	v20 =	vld.idx.msk [tilespmem:v11+s14+$0x0], $0xffff  }
0x14e: {  	v62 =	vld.idx.msk [tilespmem:v10+s18+$0x0], $0xffff;
	v54 =	vor.u32 v0, v18;
	v47 =	vmul.f32 $2.989999950e-01, v53;
	v55 =	vmul.f32 $1.140000000e-01, v46  }
0x14f: {  	v37 =	vld.idx.msk [tilespmem:v14+s14+$0x0], $0xffff;
	v29 =	vadd.f32 v29, v59;
	v16 =	vmul.f32 $1.140000000e-01, v16;
	v13 =	vmul.f32 $1.140000000e-01, v13  }
0x150: {  	v56 =	vld.idx.msk [tilespmem:v14+s16+$0x0], $0xffff;
	v32 =	vadd.f32 v45, v63;
	v25 =	vtrunc.f32 v25;
	v21 =	vmul.f32 $5.870000120e-01, v26  }
0x151: {  	v50 =	vadd.f32 v48, v47;
	v28 =	vtrunc.f32 v28;
	v26 =	vmul.f32 $5.870000120e-01, v58;
	v58 =	vld.idx.msk [tilespmem:v12+s16+$0x0], $0xffff  }
0x152: {  	v18 =	vtrunc.f32 v30;
	v27 =	vadd.f32 v55, v27;
	v12 =	vld.idx.msk [tilespmem:v12+s19+$0x0], $0xffff;
	v20 =	vmul.f32 $2.989999950e-01, v20  }
0x153: {  	v57 =	vld.idx.msk [tilespmem:v10+s14+$0x0], $0xffff;
	v16 =	vadd.f32 v16, v31;
	v52 =	vmul.f32 $5.870000120e-01, v62;
	v17 =	vmul.f32 $1.600000000e+01, v17  }
0x154: {  	v49 =	vld.idx.msk [tilespmem:v15+s16+$0x0], $0xffff;
	v28 =	vcvt.f32.s32 v28;
	v20 =	vadd.f32 v21, v20;
	v21 =	vmul.f32 $2.989999950e-01, v37  }
0x155: {  	v15 =	vld.idx.msk [tilespmem:v15+s19+$0x0], $0xffff;
	v24 =	vadd.f32 v13, v24;
	v18 =	vcvt.f32.s32 v18;
	v17 =	vtrunc.f32 v17  }
0x156: {  	v53 =	vld.idx.msk [tilespmem:v11+s16+$0x0], $0xffff;
	v17 =	vcvt.f32.s32 v17;
	v37 =	vadd.f32 v61, v21;
	v21 =	vmul.f32 $2.989999950e-01, v44  }
0x157: {  	v46 =	vld.idx.msk [tilespmem:v10+s19+$0x0], $0xffff;
	v13 =	vmul.f32 $1.140000000e-01, v56;
	v59 =	vshll.u32 v28, $0x4;
	v12 =	vmul.f32 $1.140000000e-01, v12  }
0x158: {  	v11 =	vld.idx.msk [tilespmem:v11+s19+$0x0], $0xffff;
	v17 =	vshll.u32 v17, $0x4;
	v43 =	vadd.f32 v43, v21;
	v21 =	vtrunc.f32 v23  }
0x159: {  	v60 =	vor.u32 v0, v17;
	v61 =	vld.idx.msk [tilespmem:v10+s16+$0x0], $0xffff;
	v10 =	vmul.f32 $1.140000000e-01, v49;
	v21 =	vcvt.f32.s32 v21  }
0x15a: {  	[tilespmem:v54+s1+$0x0] =	vst.idx.add.f32.msk $0xffff, v2;
	v62 =	vshll.u32 v18, $0x4;
	v12 =	vadd.f32 v12, v50;
	v23 =	vmul.f32 $2.989999950e-01, v57  }
0x15b: {  	v57 =	vld.idx.msk [tilespmem:v14+s19+$0x0], $0xffff;
	v10 =	vadd.f32 v10, v36;
	v14 =	vshll.u32 v21, $0x4;
	v21 =	vcvt.f32.s32 v25  }
0x15c: {  	[tilespmem:v54+s2+$0x0] =	vst.idx.add.f32.msk $0xffff, v27;
	v23 =	vadd.f32 v26, v23;
	v45 =	vor.u32 v0, v14;
	v14 =	vmul.f32 $1.140000000e-01, v15  }
0x15d: {  	[tilespmem:v54+s4+$0x0] =	vst.idx.add.f32.msk $0xffff, v16;
	v26 =	vadd.f32 v52, v35;
	v15 =	vmul.f32 $1.140000000e-01, v51;
	v17 =	vshll.u32 v21, $0x4  }
0x15e: {  	[tilespmem:v60+s1+$0x0] =	vst.idx.add.f32.msk $0xffff, v2;
	v21 =	vor.u32 v0, v19;
	v16 =	vadd.f32 v14, v22;
	v14 =	vmul.f32 $1.140000000e-01, v53  }
0x15f: {  	v11 =	vmul.f32 $1.140000000e-01, v11;
	[tilespmem:v60+s2+$0x0] =	vst.idx.add.f32.msk $0xffff, v10;
	v10 =	vadd.f32 v13, v37;
	v19 =	vor.u32 v0, v59  }
0x160: {  	v63 =	vmul.f32 $1.140000000e-01, v46;
	v22 =	vadd.f32 v15, v34;
	v15 =	vadd.f32 v14, v20;
	[tilespmem:v60+s4+$0x0] =	vst.idx.add.f32.msk $0xffff, v16  }
0x161: {  	s21 =	simm.s32 $0x8000;
	v14 =	vadd.f32 v11, v29;
	v11 =	vmul.f32 $1.140000000e-01, v57;
	v16 =	vmul.f32 $1.140000000e-01, v58;
	[tilespmem:v45+s1+$0x0] =	vst.idx.add.f32.msk $0xffff, v2  }
0x162: {  	s5 =	simm.s32 $0x0;
	s20 =	simm.s32 $0x7000;
	s17 =	simm.s32 $0x4000;
	v18 =	vor.u32 v0, v17;
	v17 =	vor.u32 v0, v62;
	v20 =	vmul.f32 $1.140000000e-01, v61;
	[tilespmem:v45+s2+$0x0] =	vst.idx.add.f32.msk $0xffff, v22  }
0x163: {  	s13 =	simm.s32 $0x0;
	s15 =	simm.s32 $0x2000;
	s18 =	simm.s32 $0x5000;
	v13 =	vadd.f32 v11, v32;
	v11 =	vadd.f32 v16, v43;
	[tilespmem:v21+s1+$0x0] =	vst.idx.add.f32.msk $0xffff, v2  }
0x164: {  	s14 =	simm.s32 $0x1000;
	s16 =	simm.s32 $0x3000;
	s19 =	simm.s32 $0x6000;
	v20 =	vadd.f32 v20, v23;
	v22 =	vadd.f32 v63, v26;
	[tilespmem:v45+s4+$0x0] =	vst.idx.add.f32.msk $0xffff, v24  }
.LBB2_3:
0x165: {  	s5 =	sadd.s32 $0x8, s5;
	[tilespmem:v21+s2+$0x0] =	vst.idx.add.f32.msk $0xffff, v15;
	s7 =	sadd.s32 $0x80, s7  }
0x166: {  	s11 =	sshrl.u32 s5, $0x5;
	s12 =	sand.u32 $0x180, s7;
	[tilespmem:v21+s4+$0x0] =	vst.idx.add.f32.msk $0xffff, v14  }
0x167: {  	v14 =	vmov s11;
	v15 =	vmov s12;
	[tilespmem:v19+s1+$0x0] =	vst.idx.add.f32.msk $0xffff, v2  }
0x168: {  	p0 =	slt.u32 s5, $0xF8;
	v15 =	vshrl.u32 v15, $0x7;
	v14 =	vshll.u32 v14, $0x7;
	[tilespmem:v19+s2+$0x0] =	vst.idx.add.f32.msk $0xffff, v10  }
0x169: {  	v10 =	vshll.u32 v15, $0xA;
	v14 =	vand.u32 $0x380, v14;
	[tilespmem:v19+s4+$0x0] =	vst.idx.add.f32.msk $0xffff, v13  }
0x16a: {  	v10 =	vor.u32 v14, v10;
	[tilespmem:v18+s1+$0x0] =	vst.idx.add.f32.msk $0xffff, v2  }
0x16b: {  	v10 =	vbroadcast v10, $0x0;
	[tilespmem:v18+s2+$0x0] =	vst.idx.add.f32.msk $0xffff, v11  }
0x16c: {  	[tilespmem:v18+s4+$0x0] =	vst.idx.add.f32.msk $0xffff, v12  }
0x16d: {  	v16 =	vor.u32 v0, v10;
	v15 =	vor.u32 v3, v10;
	v18 =	vor.u32 v9, v10  }
0x16e: {  	v14 =	vor.u32 v4, v10;
	v13 =	vor.u32 v5, v10;
	v12 =	vor.u32 v6, v10  }
0x16f: {  	v11 =	vor.u32 v7, v10;
	v10 =	vor.u32 v8, v10;
	[tilespmem:v17+s1+$0x0] =	vst.idx.add.f32.msk $0xffff, v2  }
0x170: {  	[tilespmem:v17+s2+$0x0] =	vst.idx.add.f32.msk $0xffff, v20  }
0x171: {  	[tilespmem:v17+s4+$0x0] =	vst.idx.add.f32.msk $0xffff, v22  }
0x172: {  	v17 =	vld.idx.msk [tilespmem:v18+s13+$0x0], $0xffff  }
0x173: {  	v19 =	vld.idx.msk [tilespmem:v18+s14+$0x0], $0xffff  }
0x174: {  	v20 =	vld.idx.msk [tilespmem:v16+s13+$0x0], $0xffff  }
0x175: {  	v21 =	vld.idx.msk [tilespmem:v18+s15+$0x0], $0xffff  }
0x176: {  	v22 =	vld.idx.msk [tilespmem:v16+s14+$0x0], $0xffff  }
0x177: {  	v23 =	vld.idx.msk [tilespmem:v15+s13+$0x0], $0xffff  }
0x178: {  	v24 =	vld.idx.msk [tilespmem:v15+s14+$0x0], $0xffff  }
0x179: {  	v17 =	vmul.f32 $2.989999950e-01, v17;
	v19 =	vmul.f32 $5.870000120e-01, v19;
	v25 =	vld.idx.msk [tilespmem:v14+s13+$0x0], $0xffff  }
0x17a: {  	v20 =	vmul.f32 $2.989999950e-01, v20;
	v26 =	vld.idx.msk [tilespmem:v14+s14+$0x0], $0xffff  }
0x17b: {  	v17 =	vadd.f32 v19, v17;
	v19 =	vmul.f32 $1.140000000e-01, v21;
	v27 =	vld.idx.msk [tilespmem:v13+s13+$0x0], $0xffff  }
0x17c: {  	v21 =	vmul.f32 $5.870000120e-01, v22;
	v22 =	vld.idx.msk [tilespmem:v13+s14+$0x0], $0xffff  }
0x17d: {  	v23 =	vmul.f32 $2.989999950e-01, v23;
	v17 =	vadd.f32 v19, v17;
	v19 =	vld.idx.msk [tilespmem:v18+s16+$0x0], $0xffff  }
0x17e: {  	v20 =	vadd.f32 v21, v20;
	v21 =	vmul.f32 $5.870000120e-01, v24;
	v24 =	vld.idx.msk [tilespmem:v18+s17+$0x0], $0xffff  }
0x17f: {  	v25 =	vmul.f32 $2.989999950e-01, v25;
	v17 =	vmul.f32 $1.600000000e+01, v17;
	v28 =	vld.idx.msk [tilespmem:v18+s19+$0x0], $0xffff  }
0x180: {  	v21 =	vadd.f32 v21, v23;
	v23 =	vmul.f32 $5.870000120e-01, v26;
	v26 =	vld.idx.msk [tilespmem:v18+s20+$0x0], $0xffff  }
0x181: {  	v27 =	vmul.f32 $2.989999950e-01, v27;
	v17 =	vtrunc.f32 v17;
	v29 =	vld.idx.msk [tilespmem:v18+s18+$0x0], $0xffff  }
0x182: {  	v23 =	vadd.f32 v23, v25;
	v22 =	vmul.f32 $5.870000120e-01, v22;
	v17 =	vcvt.f32.s32 v17;
	v18 =	vld.idx.msk [tilespmem:v18+s21+$0x0], $0xffff  }
0x183: {  	v25 =	vld.idx.msk [tilespmem:v12+s13+$0x0], $0xffff  }
0x184: {  	v22 =	vadd.f32 v22, v27;
	v17 =	vshll.u32 v17, $0x4;
	v27 =	vld.idx.msk [tilespmem:v12+s14+$0x0], $0xffff  }
0x185: {  	v19 =	vmul.f32 $2.989999950e-01, v19;
	v24 =	vmul.f32 $5.870000120e-01, v24;
	v17 =	vor.u32 v0, v17;
	v30 =	vld.idx.msk [tilespmem:v11+s13+$0x0], $0xffff  }
0x186: {  	v28 =	vmul.f32 $2.989999950e-01, v28;
	v26 =	vmul.f32 $5.870000120e-01, v26;
	v31 =	vld.idx.msk [tilespmem:v11+s14+$0x0], $0xffff  }
0x187: {  	v19 =	vadd.f32 v24, v19;
	v24 =	vmul.f32 $1.140000000e-01, v29;
	v32 =	vld.idx.msk [tilespmem:v10+s13+$0x0], $0xffff  }
0x188: {  	v26 =	vadd.f32 v26, v28;
	v18 =	vmul.f32 $1.140000000e-01, v18;
	v29 =	vld.idx.msk [tilespmem:v10+s14+$0x0], $0xffff  }
0x189: {  	v25 =	vmul.f32 $2.989999950e-01, v25;
	v19 =	vadd.f32 v24, v19;
	v28 =	vld.idx.msk [tilespmem:v16+s15+$0x0], $0xffff  }
0x18a: {  	v24 =	vmul.f32 $5.870000120e-01, v27;
	v18 =	vadd.f32 v18, v26;
	[tilespmem:v17+s1+$0x0] =	vst.idx.add.f32.msk $0xffff, v2  }
0x18b: {  	v26 =	vmul.f32 $2.989999950e-01, v30;
	[tilespmem:v17+s2+$0x0] =	vst.idx.add.f32.msk $0xffff, v19  }
0x18c: {  	v19 =	vadd.f32 v24, v25;
	v24 =	vmul.f32 $5.870000120e-01, v31;
	[tilespmem:v17+s4+$0x0] =	vst.idx.add.f32.msk $0xffff, v18  }
0x18d: {  	v18 =	vmul.f32 $2.989999950e-01, v32;
	v17 =	vld.idx.msk [tilespmem:v15+s15+$0x0], $0xffff  }
0x18e: {  	v24 =	vadd.f32 v24, v26;
	v26 =	vmul.f32 $5.870000120e-01, v29;
	v25 =	vld.idx.msk [tilespmem:v14+s15+$0x0], $0xffff  }
0x18f: {  	v27 =	vmul.f32 $1.140000000e-01, v28;
	v28 =	vld.idx.msk [tilespmem:v13+s15+$0x0], $0xffff  }
0x190: {  	v18 =	vadd.f32 v26, v18;
	v29 =	vld.idx.msk [tilespmem:v12+s15+$0x0], $0xffff  }
0x191: {  	v20 =	vadd.f32 v27, v20;
	v26 =	vld.idx.msk [tilespmem:v11+s15+$0x0], $0xffff  }
0x192: {  	v27 =	vld.idx.msk [tilespmem:v10+s15+$0x0], $0xffff  }
0x193: {  	v20 =	vmul.f32 $1.600000000e+01, v20;
	v17 =	vmul.f32 $1.140000000e-01, v17;
	v30 =	vld.idx.msk [tilespmem:v16+s16+$0x0], $0xffff  }
0x194: {  	v25 =	vmul.f32 $1.140000000e-01, v25;
	v31 =	vld.idx.msk [tilespmem:v16+s17+$0x0], $0xffff  }
0x195: {  	v20 =	vtrunc.f32 v20;
	v17 =	vadd.f32 v17, v21;
	v21 =	vmul.f32 $1.140000000e-01, v28;
	v32 =	vld.idx.msk [tilespmem:v16+s19+$0x0], $0xffff  }
0x196: {  	v20 =	vcvt.f32.s32 v20;
	v23 =	vadd.f32 v25, v23;
	v25 =	vmul.f32 $1.140000000e-01, v29;
	v28 =	vld.idx.msk [tilespmem:v16+s20+$0x0], $0xffff  }
0x197: {  	v17 =	vmul.f32 $1.600000000e+01, v17;
	v21 =	vadd.f32 v21, v22;
	v22 =	vmul.f32 $1.140000000e-01, v26;
	v29 =	vld.idx.msk [tilespmem:v15+s16+$0x0], $0xffff  }
0x198: {  	v23 =	vmul.f32 $1.600000000e+01, v23;
	v19 =	vadd.f32 v25, v19;
	v25 =	vmul.f32 $1.140000000e-01, v27;
	v26 =	vld.idx.msk [tilespmem:v15+s17+$0x0], $0xffff  }
0x199: {  	v27 =	vmul.f32 $2.989999950e-01, v30;
	v21 =	vmul.f32 $1.600000000e+01, v21;
	v22 =	vadd.f32 v22, v24;
	v30 =	vld.idx.msk [tilespmem:v15+s19+$0x0], $0xffff  }
0x19a: {  	v24 =	vmul.f32 $5.870000120e-01, v31;
	v19 =	vmul.f32 $1.600000000e+01, v19;
	v18 =	vadd.f32 v25, v18;
	v31 =	vld.idx.msk [tilespmem:v15+s20+$0x0], $0xffff  }
0x19b: {  	v20 =	vshll.u32 v20, $0x4;
	v25 =	vmul.f32 $2.989999950e-01, v32;
	v22 =	vmul.f32 $1.600000000e+01, v22;
	v32 =	vld.idx.msk [tilespmem:v14+s16+$0x0], $0xffff  }
0x19c: {  	v24 =	vadd.f32 v24, v27;
	v27 =	vmul.f32 $5.870000120e-01, v28;
	v18 =	vmul.f32 $1.600000000e+01, v18;
	v28 =	vld.idx.msk [tilespmem:v14+s17+$0x0], $0xffff  }
0x19d: {  	v20 =	vor.u32 v0, v20;
	v17 =	vtrunc.f32 v17;
	v29 =	vmul.f32 $2.989999950e-01, v29;
	v33 =	vld.idx.msk [tilespmem:v14+s19+$0x0], $0xffff  }
0x19e: {  	v23 =	vtrunc.f32 v23;
	v25 =	vadd.f32 v27, v25;
	v26 =	vmul.f32 $5.870000120e-01, v26;
	v27 =	vld.idx.msk [tilespmem:v14+s20+$0x0], $0xffff  }
0x19f: {  	v21 =	vtrunc.f32 v21;
	v30 =	vmul.f32 $2.989999950e-01, v30;
	v34 =	vld.idx.msk [tilespmem:v13+s16+$0x0], $0xffff  }
0x1a0: {  	v19 =	vtrunc.f32 v19;
	v26 =	vadd.f32 v26, v29;
	v29 =	vmul.f32 $5.870000120e-01, v31;
	v31 =	vld.idx.msk [tilespmem:v13+s17+$0x0], $0xffff  }
0x1a1: {  	v22 =	vtrunc.f32 v22;
	v32 =	vmul.f32 $2.989999950e-01, v32;
	v35 =	vld.idx.msk [tilespmem:v13+s19+$0x0], $0xffff  }
0x1a2: {  	v18 =	vtrunc.f32 v18;
	v29 =	vadd.f32 v29, v30;
	v28 =	vmul.f32 $5.870000120e-01, v28;
	v30 =	vld.idx.msk [tilespmem:v13+s20+$0x0], $0xffff  }
0x1a3: {  	v17 =	vcvt.f32.s32 v17;
	v33 =	vmul.f32 $2.989999950e-01, v33;
	v36 =	vld.idx.msk [tilespmem:v12+s16+$0x0], $0xffff  }
0x1a4: {  	v23 =	vcvt.f32.s32 v23;
	v28 =	vadd.f32 v28, v32;
	v27 =	vmul.f32 $5.870000120e-01, v27;
	v32 =	vld.idx.msk [tilespmem:v12+s17+$0x0], $0xffff  }
0x1a5: {  	v17 =	vshll.u32 v17, $0x4;
	v21 =	vcvt.f32.s32 v21;
	v34 =	vmul.f32 $2.989999950e-01, v34;
	v37 =	vld.idx.msk [tilespmem:v12+s19+$0x0], $0xffff  }
0x1a6: {  	v19 =	vcvt.f32.s32 v19;
	v27 =	vadd.f32 v27, v33;
	v31 =	vmul.f32 $5.870000120e-01, v31;
	v33 =	vld.idx.msk [tilespmem:v12+s20+$0x0], $0xffff  }
0x1a7: {  	v23 =	vshll.u32 v23, $0x4;
	v22 =	vcvt.f32.s32 v22;
	v35 =	vmul.f32 $2.989999950e-01, v35;
	v38 =	vld.idx.msk [tilespmem:v11+s16+$0x0], $0xffff  }
0x1a8: {  	v18 =	vcvt.f32.s32 v18;
	v31 =	vadd.f32 v31, v34;
	v30 =	vmul.f32 $5.870000120e-01, v30;
	v34 =	vld.idx.msk [tilespmem:v11+s17+$0x0], $0xffff  }
0x1a9: {  	v21 =	vshll.u32 v21, $0x4;
	v19 =	vshll.u32 v19, $0x4;
	v36 =	vmul.f32 $2.989999950e-01, v36;
	v39 =	vld.idx.msk [tilespmem:v11+s19+$0x0], $0xffff  }
0x1aa: {  	v22 =	vshll.u32 v22, $0x4;
	v30 =	vadd.f32 v30, v35;
	v32 =	vmul.f32 $5.870000120e-01, v32;
	v35 =	vld.idx.msk [tilespmem:v11+s20+$0x0], $0xffff  }
0x1ab: {  	v40 =	vor.u32 v0, v17;
	v17 =	vmul.f32 $2.989999950e-01, v37;
	v37 =	vshll.u32 v18, $0x4;
	v41 =	vld.idx.msk [tilespmem:v10+s16+$0x0], $0xffff  }
0x1ac: {  	v23 =	vor.u32 v0, v23;
	v32 =	vadd.f32 v32, v36;
	v18 =	vmul.f32 $5.870000120e-01, v33;
	v33 =	vld.idx.msk [tilespmem:v10+s17+$0x0], $0xffff  }
0x1ad: {  	v21 =	vor.u32 v0, v21;
	v19 =	vor.u32 v0, v19;
	v36 =	vmul.f32 $2.989999950e-01, v38;
	v38 =	vld.idx.msk [tilespmem:v10+s19+$0x0], $0xffff  }
0x1ae: {  	v42 =	vadd.f32 v18, v17;
	v34 =	vmul.f32 $5.870000120e-01, v34;
	v18 =	vor.u32 v0, v22;
	v22 =	vld.idx.msk [tilespmem:v10+s20+$0x0], $0xffff  }
0x1af: {  	v17 =	vor.u32 v0, v37;
	v39 =	vmul.f32 $2.989999950e-01, v39;
	v43 =	vld.idx.msk [tilespmem:v16+s18+$0x0], $0xffff  }
0x1b0: {  	v34 =	vadd.f32 v34, v36;
	v35 =	vmul.f32 $5.870000120e-01, v35;
	v16 =	vld.idx.msk [tilespmem:v16+s21+$0x0], $0xffff  }
0x1b1: {  	v37 =	vmul.f32 $2.989999950e-01, v41;
	v36 =	vld.idx.msk [tilespmem:v15+s18+$0x0], $0xffff  }
0x1b2: {  	v35 =	vadd.f32 v35, v39;
	v33 =	vmul.f32 $5.870000120e-01, v33;
	v15 =	vld.idx.msk [tilespmem:v15+s21+$0x0], $0xffff  }
0x1b3: {  	v38 =	vmul.f32 $2.989999950e-01, v38;
	v39 =	vld.idx.msk [tilespmem:v14+s18+$0x0], $0xffff  }
0x1b4: {  	v33 =	vadd.f32 v33, v37;
	v22 =	vmul.f32 $5.870000120e-01, v22;
	v14 =	vld.idx.msk [tilespmem:v14+s21+$0x0], $0xffff  }
0x1b5: {  	v37 =	vmul.f32 $1.140000000e-01, v43;
	v41 =	vld.idx.msk [tilespmem:v13+s18+$0x0], $0xffff  }
0x1b6: {  	v16 =	vmul.f32 $1.140000000e-01, v16;
	v22 =	vadd.f32 v22, v38;
	v13 =	vld.idx.msk [tilespmem:v13+s21+$0x0], $0xffff  }
0x1b7: {  	v24 =	vadd.f32 v37, v24;
	v36 =	vmul.f32 $1.140000000e-01, v36;
	v37 =	vld.idx.msk [tilespmem:v12+s18+$0x0], $0xffff  }
0x1b8: {  	v16 =	vadd.f32 v16, v25;
	v15 =	vmul.f32 $1.140000000e-01, v15;
	v12 =	vld.idx.msk [tilespmem:v12+s21+$0x0], $0xffff  }
0x1b9: {  	v25 =	vadd.f32 v36, v26;
	v26 =	vmul.f32 $1.140000000e-01, v39;
	v36 =	vld.idx.msk [tilespmem:v11+s18+$0x0], $0xffff  }
0x1ba: {  	v29 =	vadd.f32 v15, v29;
	v14 =	vmul.f32 $1.140000000e-01, v14;
	v11 =	vld.idx.msk [tilespmem:v11+s21+$0x0], $0xffff  }
0x1bb: {  	v26 =	vadd.f32 v26, v28;
	v15 =	vmul.f32 $1.140000000e-01, v41;
	v28 =	vld.idx.msk [tilespmem:v10+s18+$0x0], $0xffff  }
0x1bc: {  	v27 =	vadd.f32 v14, v27;
	v13 =	vmul.f32 $1.140000000e-01, v13;
	v38 =	vld.idx.msk [tilespmem:v10+s21+$0x0], $0xffff  }
0x1bd: {  	v15 =	vadd.f32 v15, v31;
	v10 =	vmul.f32 $1.140000000e-01, v37;
	[tilespmem:v20+s1+$0x0] =	vst.idx.add.f32.msk $0xffff, v2  }
0x1be: {  	v14 =	vadd.f32 v13, v30;
	v12 =	vmul.f32 $1.140000000e-01, v12;
	[tilespmem:v20+s2+$0x0] =	vst.idx.add.f32.msk $0xffff, v24  }
0x1bf: {  	v10 =	vadd.f32 v10, v32;
	[tilespmem:v20+s4+$0x0] =	vst.idx.add.f32.msk $0xffff, v16;
	v16 =	vmul.f32 $1.140000000e-01, v36  }
0x1c0: {  	v13 =	vadd.f32 v12, v42;
	v12 =	vmul.f32 $1.140000000e-01, v11;
	[tilespmem:v40+s1+$0x0] =	vst.idx.add.f32.msk $0xffff, v2  }
0x1c1: {  	[tilespmem:v40+s2+$0x0] =	vst.idx.add.f32.msk $0xffff, v25;
	v11 =	vadd.f32 v16, v34;
	v16 =	vmul.f32 $1.140000000e-01, v28  }
.Ltmp2:
0x1c2: {  	v12 =	vadd.f32 v12, v35;
	v24 =	vmul.f32 $1.140000000e-01, v38;
	[tilespmem:v40+s4+$0x0] =	vst.idx.add.f32.msk $0xffff, v29;
	(pc) =	sbr.rel @p0 .LBB2_3-.Ltmp2, $4  }
0x1c3: {  	[tilespmem:v23+s1+$0x0] =	vst.idx.add.f32.msk $0xffff, v2;
	v20 =	vadd.f32 v16, v33  }
0x1c4: {  	v22 =	vadd.f32 v24, v22;
	[tilespmem:v23+s2+$0x0] =	vst.idx.add.f32.msk $0xffff, v26  }
0x1c5: {  	[tilespmem:v23+s4+$0x0] =	vst.idx.add.f32.msk $0xffff, v27  }
0x1c6: {  	[tilespmem:v21+s1+$0x0] =	vst.idx.add.f32.msk $0xffff, v2  }
0x1c7: {  	_ =	sdelay $0x3  }
0x1c8: {  	[tilespmem:v21+s2+$0x0] =	vst.idx.add.f32.msk $0xffff, v15  }
0x1c9: {  	[tilespmem:v21+s4+$0x0] =	vst.idx.add.f32.msk $0xffff, v14  }
0x1ca: {  	s5 =	sld [smem:$0x7F7]  }
0x1cb: {  	[tilespmem:v19+s1+$0x0] =	vst.idx.add.f32.msk $0xffff, v2  }
0x1cc: {  	[tilespmem:v19+s2+$0x0] =	vst.idx.add.f32.msk $0xffff, v10  }
0x1cd: {  	[tilespmem:v19+s4+$0x0] =	vst.idx.add.f32.msk $0xffff, v13;
	p0 =	seq.s32 s5, $0x5  }
0x1ce: {  	s14 =	smul.u32 @!p0 $0x18, s5;
	s5 =	sld [smem:$0x7F8]  }
0x1cf: {  	_ =	sdelay $0x1  }
0x1d0: {  	s5 =	sadd.s32 @!p0 s14, s5  }
0x1d1: {  	[tilespmem:v18+s1+$0x0] =	vst.idx.add.f32.msk $0xffff, v2;
	s7 =	sshrl.u32 @!p0 s5, $0x9  }
0x1d2: {  	[tilespmem:v17+s1+$0x0] =	vst.idx.add.f32.msk $0xffff, v2;
	s5 =	sshll.u32 @!p0 s5, $0x9;
	s7 =	smul.u32 @!p0 $0xC0000, s7  }
0x1d3: {  	[tilespmem:v18+s2+$0x0] =	vst.idx.add.f32.msk $0xffff, v11;
	s5 =	sand.u32 @!p0 $0x3F000, s5  }
0x1d4: {  	[tilespmem:v17+s2+$0x0] =	vst.idx.add.f32.msk $0xffff, v20;
	s5 =	sor.u32 @!p0 s5, s7  }
0x1d5: {  	s15 =	rddreg [dreg:$0x0];
	[tilespmem:v18+s4+$0x0] =	vst.idx.add.f32.msk $0xffff, v12;
	s5 =	sshrl.u32 @!p0 s5, $0x3  }
0x1d6: {  	s11 =	simm.s32 @!p0 $0x0;
	[tilespmem:v17+s4+$0x0] =	vst.idx.add.f32.msk $0xffff, v22;
	s7 =	sadd.s32 @!p0 s15, s5;
	s13 =	sadd.s32 @!p0 $0x8000, s5  }
0x1d7: {  	[tilespmem:s11], [sflag:$0x1] =	stream.linear.gather @!p0 [hbm4b:s7+s11], $0x1000, $0x38;
	[tilespmem:$0x1B580] =	vst v63  }
0x1d8: {  	s12 =	simm.s32 @!p0 $0x1000;
	s7 =	sadd.s32 @!p0 s15, s13  }
0x1d9: {  	[tilespmem:s12], [sflag:$0x1] =	stream.linear.gather @!p0 [hbm4b:s7+s11], $0x1000, $0x38;
	[tilespmem:$0x1B580] =	vst v63  }
0x1da: {  	s12 =	sadd.s32 @!p0 $0x10000, s5  }
0x1db: {  	s7 =	simm.s32 @!p0 $0x2000;
	s15 =	sadd.s32 @!p0 s15, s12  }
0x1dc: {  	[tilespmem:s7], [sflag:$0x1] =	stream.linear.gather @!p0 [hbm4b:s15+s11], $0x1000, $0x38;
	[tilespmem:$0x1B580] =	vst v63  }
0x1dd: {  	s15 =	rddreg [dreg:$0x1]  }
0x1de: {  	s7 =	simm.s32 @!p0 $0x3000;
	s16 =	sadd.s32 @!p0 s15, s5  }
0x1df: {  	[tilespmem:s7], [sflag:$0x1] =	stream.linear.gather @!p0 [hbm4b:s16+s11], $0x1000, $0x38;
	[tilespmem:$0x1B580] =	vst v63  }
0x1e0: {  	s16 =	sadd.s32 @!p0 s15, s13;
	s7 =	simm.s32 @!p0 $0x4000  }
0x1e1: {  	[tilespmem:s7], [sflag:$0x1] =	stream.linear.gather @!p0 [hbm4b:s16+s11], $0x1000, $0x38;
	[tilespmem:$0x1B580] =	vst v63  }
0x1e2: {  	s15 =	sadd.s32 @!p0 s15, s12;
	s7 =	simm.s32 @!p0 $0x5000  }
0x1e3: {  	[tilespmem:s7], [sflag:$0x1] =	stream.linear.gather @!p0 [hbm4b:s15+s11], $0x1000, $0x38;
	[tilespmem:$0x1B580] =	vst v63  }
0x1e4: {  	s15 =	rddreg [dreg:$0x2]  }
0x1e5: {  	s7 =	simm.s32 @!p0 $0x6000;
	s5 =	sadd.s32 @!p0 s15, s5  }
0x1e6: {  	[tilespmem:s7], [sflag:$0x1] =	stream.linear.gather @!p0 [hbm4b:s5+s11], $0x1000, $0x38;
	[tilespmem:$0x1B580] =	vst v63  }
0x1e7: {  	s5 =	sadd.s32 @!p0 s15, s13;
	s7 =	simm.s32 @!p0 $0x7000  }
0x1e8: {  	[tilespmem:s7], [sflag:$0x1] =	stream.linear.gather @!p0 [hbm4b:s5+s11], $0x1000, $0x38;
	[tilespmem:$0x1B580] =	vst v63  }
0x1e9: {  	s19 =	simm.s32 $0x2;
	s5 =	sadd.s32 @!p0 s15, s12;
	s7 =	simm.s32 @!p0 $0x8000  }
0x1ea: {  	[tilespmem:s7], [sflag:$0x1] =	stream.linear.gather @!p0 [hbm4b:s5+s11], $0x1000, $0x38;
	[tilespmem:$0x1B580] =	vst v63  }
0x1eb: {  	_ =	swait.ge [sflag:s19], $0x1000  }
0x1ec: {  	[sflag:s19] =	ssyncset.done $0x0  }
0x1ed: {  	[sflag:s19] =	ssyncadd.s32 $0xFFFFF000  }
0x1ee: {  	_ =	swait.ge [sflag:s19], $0x1000  }
0x1ef: {  	[sflag:s19] =	ssyncset.done $0x0  }
0x1f0: {  	[sflag:s19] =	ssyncadd.s32 $0xFFFFF000  }
0x1f1: {  	_ =	swait.ge [sflag:s19], $0x1000  }
0x1f2: {  	[sflag:s19] =	ssyncset.done $0x0  }
0x1f3: {  	[sflag:s19] =	ssyncadd.s32 $0xFFFFF000  }
0x1f4: {  	_ =	swait.ge [sflag:s19], $0x1000  }
0x1f5: {  	[sflag:s19] =	ssyncset.done $0x0  }
0x1f6: {  	[sflag:s19] =	ssyncadd.s32 $0xFFFFF000  }
0x1f7: {  	_ =	swait.ge [sflag:s19], $0x1000  }
0x1f8: {  	[sflag:s19] =	ssyncset.done $0x0  }
0x1f9: {  	s7 =	simm.s32 $0x0;
	[sflag:s19] =	ssyncadd.s32 $0xFFFFF000  }
0x1fa: {  	s20 =	simm.s32 $0x0;
	s21 =	sand.u32 $0x180, s7;
	_ =	swait.ge [sflag:s19], $0x1000  }
0x1fb: {  	v10 =	vmov s20;
	v11 =	vmov s21;
	[sflag:s19] =	ssyncset.done $0x0  }
0x1fc: {  	v10 =	vshll.u32 v10, $0x7;
	v11 =	vshrl.u32 v11, $0x7;
	[sflag:s19] =	ssyncadd.s32 $0xFFFFF000  }
0x1fd: {  	v10 =	vand.u32 $0x380, v10;
	v11 =	vshll.u32 v11, $0xA;
	_ =	swait.ge [sflag:s19], $0x1000  }
0x1fe: {  	v10 =	vor.u32 v10, v11;
	[sflag:s19] =	ssyncset.done $0x0  }
0x1ff: {  	v10 =	vbroadcast v10, $0x0;
	[sflag:s19] =	ssyncadd.s32 $0xFFFFF000  }
0x200: {  	_ =	swait.ge [sflag:s19], $0x1000  }
0x201: {  	v17 =	vor.u32 v9, v10;
	[sflag:s19] =	ssyncset.done $0x0  }
0x202: {  	[sflag:s19] =	ssyncadd.s32 $0xFFFFF000  }
0x203: {  	v16 =	vor.u32 v0, v10;
	_ =	swait.ge [sflag:s19], $0x1000  }
0x204: {  	[sflag:s19] =	ssyncset.done $0x0  }
0x205: {  	s20 =	simm.s32 $0x9000;
	[sflag:s19] =	ssyncadd.s32 $0xFFFFF000  }
0x206: {  	s21 =	simm.s32 $0xA000;
	v15 =	vor.u32 v3, v10;
	v12 =	vld.idx.msk [tilespmem:v17+s20+$0x0], $0xffff  }
0x207: {  	v14 =	vld.idx.msk [tilespmem:v17+s21+$0x0], $0xffff  }
0x208: {  	s13 =	simm.s32 $0xB000;
	v13 =	vor.u32 v4, v10;
	v18 =	vld.idx.msk [tilespmem:v16+s20+$0x0], $0xffff  }
0x209: {  	v19 =	vld.idx.msk [tilespmem:v17+s13+$0x0], $0xffff  }
0x20a: {  	v11 =	vor.u32 v5, v10;
	v20 =	vld.idx.msk [tilespmem:v16+s21+$0x0], $0xffff  }
0x20b: {  	v21 =	vld.idx.msk [tilespmem:v15+s20+$0x0], $0xffff  }
0x20c: {  	v22 =	vld.idx.msk [tilespmem:v15+s21+$0x0], $0xffff  }
0x20d: {  	v23 =	vld.idx.msk [tilespmem:v13+s20+$0x0], $0xffff  }
0x20e: {  	v24 =	vld.idx.msk [tilespmem:v13+s21+$0x0], $0xffff  }
0x20f: {  	v25 =	vld.idx.msk [tilespmem:v11+s20+$0x0], $0xffff  }
0x210: {  	v26 =	vld.idx.msk [tilespmem:v17+s22+$0x0], $0xffff  }
0x211: {  	v27 =	vld.idx.msk [tilespmem:v17+s23+$0x0], $0xffff  }
0x212: {  	v29 =	vld.idx.msk [tilespmem:v17+s25+$0x0], $0xffff  }
0x213: {  	v30 =	vld.idx.msk [tilespmem:v17+s26+$0x0], $0xffff  }
0x214: {  	v31 =	vld.idx.msk [tilespmem:v17+s24+$0x0], $0xffff  }
0x215: {  	v17 =	vld.idx.msk [tilespmem:v17+s28+$0x0], $0xffff  }
0x216: {  	v45 =	vld.idx.msk [tilespmem:v16+s13+$0x0], $0xffff  }
0x217: {  	v46 =	vld.idx.msk [tilespmem:v13+s13+$0x0], $0xffff  }
0x218: {  	v47 =	vld.idx.msk [tilespmem:v11+s13+$0x0], $0xffff  }
0x219: {  	v38 =	vld.idx.msk [tilespmem:v16+s22+$0x0], $0xffff  }
0x21a: {  	v39 =	vld.idx.msk [tilespmem:v16+s23+$0x0], $0xffff  }
0x21b: {  	v40 =	vld.idx.msk [tilespmem:v16+s25+$0x0], $0xffff  }
0x21c: {  	v41 =	vld.idx.msk [tilespmem:v16+s26+$0x0], $0xffff;
	v12 =	vmul.f32 $2.989999950e-01, v12;
	v14 =	vmul.f32 $5.870000120e-01, v14  }
0x21d: {  	v42 =	vld.idx.msk [tilespmem:v15+s22+$0x0], $0xffff;
	v29 =	vmul.f32 $2.989999950e-01, v29;
	v30 =	vmul.f32 $5.870000120e-01, v30  }
0x21e: {  	v43 =	vld.idx.msk [tilespmem:v15+s23+$0x0], $0xffff;
	v18 =	vmul.f32 $2.989999950e-01, v18;
	v20 =	vmul.f32 $5.870000120e-01, v20  }
0x21f: {  	v54 =	vld.idx.msk [tilespmem:v13+s23+$0x0], $0xffff;
	v21 =	vmul.f32 $2.989999950e-01, v21;
	v12 =	vadd.f32 v14, v12;
	v14 =	vmul.f32 $1.140000000e-01, v19  }
0x220: {  	v56 =	vld.idx.msk [tilespmem:v13+s26+$0x0], $0xffff;
	v22 =	vmul.f32 $5.870000120e-01, v22;
	v23 =	vmul.f32 $2.989999950e-01, v23  }
0x221: {  	v24 =	vmul.f32 $5.870000120e-01, v24;
	v19 =	vld.idx.msk [tilespmem:v11+s21+$0x0], $0xffff;
	v12 =	vadd.f32 v14, v12;
	v14 =	vor.u32 v6, v10  }
0x222: {  	v18 =	vadd.f32 v20, v18;
	v20 =	vadd.f32 v22, v21;
	v21 =	vmul.f32 $1.140000000e-01, v45;
	v22 =	vld.idx.msk [tilespmem:v15+s25+$0x0], $0xffff  }
0x223: {  	v17 =	vmul.f32 $1.140000000e-01, v17;
	v29 =	vadd.f32 v30, v29;
	v23 =	vadd.f32 v24, v23;
	v24 =	vld.idx.msk [tilespmem:v15+s26+$0x0], $0xffff  }
0x224: {  	v18 =	vadd.f32 v21, v18;
	v21 =	vld.idx.msk [tilespmem:v13+s22+$0x0], $0xffff  }
0x225: {  	v17 =	vadd.f32 v17, v29;
	v29 =	vld.idx.msk [tilespmem:v11+s26+$0x0], $0xffff;
	v28 =	vmul.f32 $1.600000000e+01, v12;
	v12 =	vor.u32 v7, v10  }
0x226: {  	v32 =	vld.idx.msk [tilespmem:v14+s20+$0x0], $0xffff  }
0x227: {  	v10 =	vor.u32 v8, v10;
	v33 =	vld.idx.msk [tilespmem:v14+s21+$0x0], $0xffff  }
0x228: {  	v48 =	vld.idx.msk [tilespmem:v14+s13+$0x0], $0xffff  }
0x229: {  	v26 =	vmul.f32 $2.989999950e-01, v26;
	v61 =	vld.idx.msk [tilespmem:v14+s23+$0x0], $0xffff  }
0x22a: {  	v27 =	vmul.f32 $5.870000120e-01, v27;
	v62 =	vmul.f32 $1.140000000e-01, v31;
	v34 =	vld.idx.msk [tilespmem:v12+s20+$0x0], $0xffff  }
0x22b: {  	v25 =	vmul.f32 $2.989999950e-01, v25;
	v59 =	vmul.f32 $2.989999950e-01, v38;
	v35 =	vld.idx.msk [tilespmem:v12+s21+$0x0], $0xffff  }
0x22c: {  	v60 =	vmul.f32 $5.870000120e-01, v39;
	v56 =	vmul.f32 $5.870000120e-01, v56;
	v26 =	vadd.f32 v27, v26;
	v36 =	vld.idx.msk [tilespmem:v10+s20+$0x0], $0xffff  }
0x22d: {  	v27 =	vmul.f32 $1.140000000e-01, v47;
	v19 =	vmul.f32 $5.870000120e-01, v19;
	v63 =	vld.idx.msk [tilespmem:v10+s21+$0x0], $0xffff  }
0x22e: {  	v26 =	vadd.f32 v62, v26;
	v62 =	vmul.f32 $2.989999950e-01, v40;
	v28 =	vtrunc.f32 v28;
	v49 =	vld.idx.msk [tilespmem:v12+s13+$0x0], $0xffff  }
0x22f: {  	v18 =	vmul.f32 $1.600000000e+01, v18;
	v28 =	vcvt.f32.s32 v28;
	v19 =	vadd.f32 v19, v25;
	v37 =	vld.idx.msk [tilespmem:v10+s13+$0x0], $0xffff  }
0x230: {  	v22 =	vmul.f32 $2.989999950e-01, v22;
	v24 =	vmul.f32 $5.870000120e-01, v24;
	v44 =	vld.idx.msk [tilespmem:v12+s22+$0x0], $0xffff  }
0x231: {  	v28 =	vshll.u32 v28, $0x4;
	v19 =	vadd.f32 v27, v19;
	v27 =	vadd.f32 v60, v59;
	v60 =	vld.idx.msk [tilespmem:v10+s25+$0x0], $0xffff  }
0x232: {  	v18 =	vtrunc.f32 v18;
	v28 =	vor.u32 v0, v28;
	v50 =	vmul.f32 $2.989999950e-01, v32;
	v32 =	vld.idx.msk [tilespmem:v13+s25+$0x0], $0xffff  }
0x233: {  	v18 =	vcvt.f32.s32 v18;
	v53 =	vmul.f32 $5.870000120e-01, v35;
	v35 =	vld.idx.msk [tilespmem:v11+s25+$0x0], $0xffff  }
0x234: {  	v21 =	vmul.f32 $2.989999950e-01, v21;
	v31 =	vmul.f32 $5.870000120e-01, v63;
	v63 =	vld.idx.msk [tilespmem:v14+s25+$0x0], $0xffff  }
0x235: {  	v19 =	vmul.f32 $1.600000000e+01, v19;
	v57 =	vmul.f32 $1.140000000e-01, v49;
	v49 =	vld.idx.msk [tilespmem:v14+s26+$0x0], $0xffff  }
0x236: {  	v52 =	vmul.f32 $2.989999950e-01, v34;
	v34 =	vmul.f32 $5.870000120e-01, v54;
	v54 =	vld.idx.msk [tilespmem:v12+s26+$0x0], $0xffff  }
0x237: {  	v22 =	vadd.f32 v24, v22;
	v29 =	vmul.f32 $5.870000120e-01, v29;
	v51 =	vmul.f32 $5.870000120e-01, v33;
	[tilespmem:v28+s1+$0x0] =	vst.idx.add.f32.msk $0xffff, v2  }
0x238: {  	v18 =	vshll.u32 v18, $0x4;
	v61 =	vmul.f32 $5.870000120e-01, v61;
	v19 =	vtrunc.f32 v19;
	[tilespmem:v28+s2+$0x0] =	vst.idx.add.f32.msk $0xffff, v26  }
0x239: {  	v55 =	vmul.f32 $2.989999950e-01, v36;
	v58 =	vmul.f32 $1.140000000e-01, v37;
	v25 =	vadd.f32 v53, v52;
	v52 =	vld.idx.msk [tilespmem:v12+s23+$0x0], $0xffff  }
0x23a: {  	v30 =	vadd.f32 v51, v50;
	v50 =	vmul.f32 $2.989999950e-01, v42;
	v51 =	vmul.f32 $5.870000120e-01, v43;
	v53 =	vld.idx.msk [tilespmem:v12+s25+$0x0], $0xffff  }
0x23b: {  	v19 =	vcvt.f32.s32 v19;
	v26 =	vmul.f32 $1.140000000e-01, v46;
	v31 =	vadd.f32 v31, v55;
	[tilespmem:v28+s4+$0x0] =	vst.idx.add.f32.msk $0xffff, v17  }
0x23c: {  	v36 =	vadd.f32 v51, v50;
	v34 =	vadd.f32 v34, v21;
	v17 =	vld.idx.msk [tilespmem:v15+s13+$0x0], $0xffff;
	v28 =	vmul.f32 $1.140000000e-01, v48  }
0x23d: {  	v46 =	vld.idx.msk [tilespmem:v16+s24+$0x0], $0xffff;
	v48 =	vmul.f32 $5.870000120e-01, v41;
	v55 =	vmul.f32 $2.989999950e-01, v32;
	v23 =	vadd.f32 v26, v23  }
0x23e: {  	v16 =	vld.idx.msk [tilespmem:v16+s28+$0x0], $0xffff;
	v25 =	vadd.f32 v57, v25;
	v28 =	vadd.f32 v28, v30;
	v59 =	vmul.f32 $2.989999950e-01, v35  }
0x23f: {  	v51 =	vld.idx.msk [tilespmem:v13+s24+$0x0], $0xffff;
	v30 =	vadd.f32 v58, v31;
	v63 =	vmul.f32 $2.989999950e-01, v63;
	v45 =	vmul.f32 $5.870000120e-01, v49  }
0x240: {  	v13 =	vld.idx.msk [tilespmem:v13+s28+$0x0], $0xffff;
	v31 =	vadd.f32 v48, v62;
	v48 =	vmul.f32 $5.870000120e-01, v54;
	v35 =	vmul.f32 $2.989999950e-01, v60  }
0x241: {  	v19 =	vshll.u32 v19, $0x4;
	v26 =	vld.idx.msk [tilespmem:v11+s23+$0x0], $0xffff;
	v23 =	vmul.f32 $1.600000000e+01, v23;
	v17 =	vmul.f32 $1.140000000e-01, v17  }
0x242: {  	v58 =	vld.idx.msk [tilespmem:v10+s23+$0x0], $0xffff;
	v24 =	vadd.f32 v56, v55;
	v25 =	vmul.f32 $1.600000000e+01, v25;
	v28 =	vmul.f32 $1.600000000e+01, v28  }
0x243: {  	v30 =	vmul.f32 $1.600000000e+01, v30;
	v43 =	vmul.f32 $5.870000120e-01, v52;
	v17 =	vadd.f32 v17, v20;
	v20 =	vld.idx.msk [tilespmem:v11+s22+$0x0], $0xffff  }
0x244: {  	v62 =	vld.idx.msk [tilespmem:v10+s26+$0x0], $0xffff;
	v54 =	vor.u32 v0, v18;
	v47 =	vmul.f32 $2.989999950e-01, v53;
	v55 =	vmul.f32 $1.140000000e-01, v46  }
0x245: {  	v37 =	vld.idx.msk [tilespmem:v14+s22+$0x0], $0xffff;
	v29 =	vadd.f32 v29, v59;
	v16 =	vmul.f32 $1.140000000e-01, v16;
	v13 =	vmul.f32 $1.140000000e-01, v13  }
0x246: {  	v56 =	vld.idx.msk [tilespmem:v14+s24+$0x0], $0xffff;
	v32 =	vadd.f32 v45, v63;
	v25 =	vtrunc.f32 v25;
	v21 =	vmul.f32 $5.870000120e-01, v26  }
0x247: {  	v50 =	vadd.f32 v48, v47;
	v28 =	vtrunc.f32 v28;
	v26 =	vmul.f32 $5.870000120e-01, v58;
	v58 =	vld.idx.msk [tilespmem:v12+s24+$0x0], $0xffff  }
0x248: {  	v18 =	vtrunc.f32 v30;
	v27 =	vadd.f32 v55, v27;
	v12 =	vld.idx.msk [tilespmem:v12+s28+$0x0], $0xffff;
	v20 =	vmul.f32 $2.989999950e-01, v20  }
0x249: {  	v57 =	vld.idx.msk [tilespmem:v10+s22+$0x0], $0xffff;
	v16 =	vadd.f32 v16, v31;
	v52 =	vmul.f32 $5.870000120e-01, v62;
	v17 =	vmul.f32 $1.600000000e+01, v17  }
0x24a: {  	v49 =	vld.idx.msk [tilespmem:v15+s24+$0x0], $0xffff;
	v28 =	vcvt.f32.s32 v28;
	v20 =	vadd.f32 v21, v20;
	v21 =	vmul.f32 $2.989999950e-01, v37  }
0x24b: {  	v15 =	vld.idx.msk [tilespmem:v15+s28+$0x0], $0xffff;
	v24 =	vadd.f32 v13, v24;
	v18 =	vcvt.f32.s32 v18;
	v17 =	vtrunc.f32 v17  }
0x24c: {  	v53 =	vld.idx.msk [tilespmem:v11+s24+$0x0], $0xffff;
	v17 =	vcvt.f32.s32 v17;
	v37 =	vadd.f32 v61, v21;
	v21 =	vmul.f32 $2.989999950e-01, v44  }
0x24d: {  	v46 =	vld.idx.msk [tilespmem:v10+s28+$0x0], $0xffff;
	v13 =	vmul.f32 $1.140000000e-01, v56;
	v59 =	vshll.u32 v28, $0x4;
	v12 =	vmul.f32 $1.140000000e-01, v12  }
0x24e: {  	v11 =	vld.idx.msk [tilespmem:v11+s28+$0x0], $0xffff;
	v17 =	vshll.u32 v17, $0x4;
	v43 =	vadd.f32 v43, v21;
	v21 =	vtrunc.f32 v23  }
0x24f: {  	v60 =	vor.u32 v0, v17;
	v61 =	vld.idx.msk [tilespmem:v10+s24+$0x0], $0xffff;
	v10 =	vmul.f32 $1.140000000e-01, v49;
	v21 =	vcvt.f32.s32 v21  }
0x250: {  	[tilespmem:v54+s1+$0x0] =	vst.idx.add.f32.msk $0xffff, v2;
	v62 =	vshll.u32 v18, $0x4;
	v12 =	vadd.f32 v12, v50;
	v23 =	vmul.f32 $2.989999950e-01, v57  }
0x251: {  	v57 =	vld.idx.msk [tilespmem:v14+s28+$0x0], $0xffff;
	v10 =	vadd.f32 v10, v36;
	v14 =	vshll.u32 v21, $0x4;
	v21 =	vcvt.f32.s32 v25  }
0x252: {  	[tilespmem:v54+s2+$0x0] =	vst.idx.add.f32.msk $0xffff, v27;
	v23 =	vadd.f32 v26, v23;
	v45 =	vor.u32 v0, v14;
	v14 =	vmul.f32 $1.140000000e-01, v15  }
0x253: {  	[tilespmem:v54+s4+$0x0] =	vst.idx.add.f32.msk $0xffff, v16;
	v26 =	vadd.f32 v52, v35;
	v15 =	vmul.f32 $1.140000000e-01, v51;
	v17 =	vshll.u32 v21, $0x4  }
0x254: {  	[tilespmem:v60+s1+$0x0] =	vst.idx.add.f32.msk $0xffff, v2;
	v21 =	vor.u32 v0, v19;
	v16 =	vadd.f32 v14, v22;
	v14 =	vmul.f32 $1.140000000e-01, v53  }
0x255: {  	v11 =	vmul.f32 $1.140000000e-01, v11;
	[tilespmem:v60+s2+$0x0] =	vst.idx.add.f32.msk $0xffff, v10;
	v10 =	vadd.f32 v13, v37;
	v19 =	vor.u32 v0, v59  }
0x256: {  	v63 =	vmul.f32 $1.140000000e-01, v46;
	v22 =	vadd.f32 v15, v34;
	v15 =	vadd.f32 v14, v20;
	[tilespmem:v60+s4+$0x0] =	vst.idx.add.f32.msk $0xffff, v16  }
0x257: {  	v14 =	vadd.f32 v11, v29;
	v11 =	vmul.f32 $1.140000000e-01, v57;
	v16 =	vmul.f32 $1.140000000e-01, v58;
	[tilespmem:v45+s1+$0x0] =	vst.idx.add.f32.msk $0xffff, v2  }
0x258: {  	v18 =	vor.u32 v0, v17;
	v17 =	vor.u32 v0, v62;
	v20 =	vmul.f32 $1.140000000e-01, v61;
	[tilespmem:v45+s2+$0x0] =	vst.idx.add.f32.msk $0xffff, v22  }
0x259: {  	v13 =	vadd.f32 v11, v32;
	v11 =	vadd.f32 v16, v43;
	[tilespmem:v21+s1+$0x0] =	vst.idx.add.f32.msk $0xffff, v2  }
0x25a: {  	s5 =	simm.s32 $0x0;
	v20 =	vadd.f32 v20, v23;
	v22 =	vadd.f32 v63, v26;
	[tilespmem:v45+s4+$0x0] =	vst.idx.add.f32.msk $0xffff, v24  }
.LBB2_5:
0x25b: {  	s5 =	sadd.s32 $0x8, s5;
	[tilespmem:v21+s2+$0x0] =	vst.idx.add.f32.msk $0xffff, v15;
	s7 =	sadd.s32 $0x80, s7  }
0x25c: {  	s11 =	sshrl.u32 s5, $0x5;
	s12 =	sand.u32 $0x180, s7;
	[tilespmem:v21+s4+$0x0] =	vst.idx.add.f32.msk $0xffff, v14  }
0x25d: {  	v14 =	vmov s11;
	v15 =	vmov s12;
	[tilespmem:v19+s1+$0x0] =	vst.idx.add.f32.msk $0xffff, v2  }
0x25e: {  	p1 =	slt.u32 s5, $0xF8;
	v15 =	vshrl.u32 v15, $0x7;
	v14 =	vshll.u32 v14, $0x7;
	[tilespmem:v19+s2+$0x0] =	vst.idx.add.f32.msk $0xffff, v10  }
0x25f: {  	v10 =	vshll.u32 v15, $0xA;
	v14 =	vand.u32 $0x380, v14;
	[tilespmem:v19+s4+$0x0] =	vst.idx.add.f32.msk $0xffff, v13  }
0x260: {  	v10 =	vor.u32 v14, v10;
	[tilespmem:v18+s1+$0x0] =	vst.idx.add.f32.msk $0xffff, v2  }
0x261: {  	v10 =	vbroadcast v10, $0x0;
	[tilespmem:v18+s2+$0x0] =	vst.idx.add.f32.msk $0xffff, v11  }
0x262: {  	[tilespmem:v18+s4+$0x0] =	vst.idx.add.f32.msk $0xffff, v12  }
0x263: {  	v16 =	vor.u32 v0, v10;
	v15 =	vor.u32 v3, v10;
	v18 =	vor.u32 v9, v10  }
0x264: {  	v14 =	vor.u32 v4, v10;
	v13 =	vor.u32 v5, v10;
	v12 =	vor.u32 v6, v10  }
0x265: {  	v11 =	vor.u32 v7, v10;
	v10 =	vor.u32 v8, v10;
	[tilespmem:v17+s1+$0x0] =	vst.idx.add.f32.msk $0xffff, v2  }
0x266: {  	[tilespmem:v17+s2+$0x0] =	vst.idx.add.f32.msk $0xffff, v20  }
0x267: {  	[tilespmem:v17+s4+$0x0] =	vst.idx.add.f32.msk $0xffff, v22  }
0x268: {  	v17 =	vld.idx.msk [tilespmem:v18+s20+$0x0], $0xffff  }
0x269: {  	v19 =	vld.idx.msk [tilespmem:v18+s21+$0x0], $0xffff  }
0x26a: {  	v20 =	vld.idx.msk [tilespmem:v16+s20+$0x0], $0xffff  }
0x26b: {  	v21 =	vld.idx.msk [tilespmem:v18+s13+$0x0], $0xffff  }
0x26c: {  	v22 =	vld.idx.msk [tilespmem:v16+s21+$0x0], $0xffff  }
0x26d: {  	v23 =	vld.idx.msk [tilespmem:v15+s20+$0x0], $0xffff  }
0x26e: {  	v24 =	vld.idx.msk [tilespmem:v15+s21+$0x0], $0xffff  }
0x26f: {  	v17 =	vmul.f32 $2.989999950e-01, v17;
	v19 =	vmul.f32 $5.870000120e-01, v19;
	v25 =	vld.idx.msk [tilespmem:v14+s20+$0x0], $0xffff  }
0x270: {  	v20 =	vmul.f32 $2.989999950e-01, v20;
	v26 =	vld.idx.msk [tilespmem:v14+s21+$0x0], $0xffff  }
0x271: {  	v17 =	vadd.f32 v19, v17;
	v19 =	vmul.f32 $1.140000000e-01, v21;
	v27 =	vld.idx.msk [tilespmem:v13+s20+$0x0], $0xffff  }
0x272: {  	v21 =	vmul.f32 $5.870000120e-01, v22;
	v22 =	vld.idx.msk [tilespmem:v13+s21+$0x0], $0xffff  }
0x273: {  	v23 =	vmul.f32 $2.989999950e-01, v23;
	v17 =	vadd.f32 v19, v17;
	v19 =	vld.idx.msk [tilespmem:v18+s22+$0x0], $0xffff  }
0x274: {  	v20 =	vadd.f32 v21, v20;
	v21 =	vmul.f32 $5.870000120e-01, v24;
	v24 =	vld.idx.msk [tilespmem:v18+s23+$0x0], $0xffff  }
0x275: {  	v25 =	vmul.f32 $2.989999950e-01, v25;
	v17 =	vmul.f32 $1.600000000e+01, v17;
	v28 =	vld.idx.msk [tilespmem:v18+s25+$0x0], $0xffff  }
0x276: {  	v21 =	vadd.f32 v21, v23;
	v23 =	vmul.f32 $5.870000120e-01, v26;
	v26 =	vld.idx.msk [tilespmem:v18+s26+$0x0], $0xffff  }
0x277: {  	v27 =	vmul.f32 $2.989999950e-01, v27;
	v17 =	vtrunc.f32 v17;
	v29 =	vld.idx.msk [tilespmem:v18+s24+$0x0], $0xffff  }
0x278: {  	v23 =	vadd.f32 v23, v25;
	v22 =	vmul.f32 $5.870000120e-01, v22;
	v17 =	vcvt.f32.s32 v17;
	v18 =	vld.idx.msk [tilespmem:v18+s28+$0x0], $0xffff  }
0x279: {  	v25 =	vld.idx.msk [tilespmem:v12+s20+$0x0], $0xffff  }
0x27a: {  	v22 =	vadd.f32 v22, v27;
	v17 =	vshll.u32 v17, $0x4;
	v27 =	vld.idx.msk [tilespmem:v12+s21+$0x0], $0xffff  }
0x27b: {  	v19 =	vmul.f32 $2.989999950e-01, v19;
	v24 =	vmul.f32 $5.870000120e-01, v24;
	v17 =	vor.u32 v0, v17;
	v30 =	vld.idx.msk [tilespmem:v11+s20+$0x0], $0xffff  }
0x27c: {  	v28 =	vmul.f32 $2.989999950e-01, v28;
	v26 =	vmul.f32 $5.870000120e-01, v26;
	v31 =	vld.idx.msk [tilespmem:v11+s21+$0x0], $0xffff  }
0x27d: {  	v19 =	vadd.f32 v24, v19;
	v24 =	vmul.f32 $1.140000000e-01, v29;
	v32 =	vld.idx.msk [tilespmem:v10+s20+$0x0], $0xffff  }
0x27e: {  	v26 =	vadd.f32 v26, v28;
	v18 =	vmul.f32 $1.140000000e-01, v18;
	v29 =	vld.idx.msk [tilespmem:v10+s21+$0x0], $0xffff  }
0x27f: {  	v25 =	vmul.f32 $2.989999950e-01, v25;
	v19 =	vadd.f32 v24, v19;
	v28 =	vld.idx.msk [tilespmem:v16+s13+$0x0], $0xffff  }
0x280: {  	v24 =	vmul.f32 $5.870000120e-01, v27;
	v18 =	vadd.f32 v18, v26;
	[tilespmem:v17+s1+$0x0] =	vst.idx.add.f32.msk $0xffff, v2  }
0x281: {  	v26 =	vmul.f32 $2.989999950e-01, v30;
	[tilespmem:v17+s2+$0x0] =	vst.idx.add.f32.msk $0xffff, v19  }
0x282: {  	v19 =	vadd.f32 v24, v25;
	v24 =	vmul.f32 $5.870000120e-01, v31;
	[tilespmem:v17+s4+$0x0] =	vst.idx.add.f32.msk $0xffff, v18  }
0x283: {  	v18 =	vmul.f32 $2.989999950e-01, v32;
	v17 =	vld.idx.msk [tilespmem:v15+s13+$0x0], $0xffff  }
0x284: {  	v24 =	vadd.f32 v24, v26;
	v26 =	vmul.f32 $5.870000120e-01, v29;
	v25 =	vld.idx.msk [tilespmem:v14+s13+$0x0], $0xffff  }
0x285: {  	v27 =	vmul.f32 $1.140000000e-01, v28;
	v28 =	vld.idx.msk [tilespmem:v13+s13+$0x0], $0xffff  }
0x286: {  	v18 =	vadd.f32 v26, v18;
	v29 =	vld.idx.msk [tilespmem:v12+s13+$0x0], $0xffff  }
0x287: {  	v20 =	vadd.f32 v27, v20;
	v26 =	vld.idx.msk [tilespmem:v11+s13+$0x0], $0xffff  }
0x288: {  	v27 =	vld.idx.msk [tilespmem:v10+s13+$0x0], $0xffff  }
0x289: {  	v20 =	vmul.f32 $1.600000000e+01, v20;
	v17 =	vmul.f32 $1.140000000e-01, v17;
	v30 =	vld.idx.msk [tilespmem:v16+s22+$0x0], $0xffff  }
0x28a: {  	v25 =	vmul.f32 $1.140000000e-01, v25;
	v31 =	vld.idx.msk [tilespmem:v16+s23+$0x0], $0xffff  }
0x28b: {  	v20 =	vtrunc.f32 v20;
	v17 =	vadd.f32 v17, v21;
	v21 =	vmul.f32 $1.140000000e-01, v28;
	v32 =	vld.idx.msk [tilespmem:v16+s25+$0x0], $0xffff  }
0x28c: {  	v20 =	vcvt.f32.s32 v20;
	v23 =	vadd.f32 v25, v23;
	v25 =	vmul.f32 $1.140000000e-01, v29;
	v28 =	vld.idx.msk [tilespmem:v16+s26+$0x0], $0xffff  }
0x28d: {  	v17 =	vmul.f32 $1.600000000e+01, v17;
	v21 =	vadd.f32 v21, v22;
	v22 =	vmul.f32 $1.140000000e-01, v26;
	v29 =	vld.idx.msk [tilespmem:v15+s22+$0x0], $0xffff  }
0x28e: {  	v23 =	vmul.f32 $1.600000000e+01, v23;
	v19 =	vadd.f32 v25, v19;
	v25 =	vmul.f32 $1.140000000e-01, v27;
	v26 =	vld.idx.msk [tilespmem:v15+s23+$0x0], $0xffff  }
0x28f: {  	v27 =	vmul.f32 $2.989999950e-01, v30;
	v21 =	vmul.f32 $1.600000000e+01, v21;
	v22 =	vadd.f32 v22, v24;
	v30 =	vld.idx.msk [tilespmem:v15+s25+$0x0], $0xffff  }
0x290: {  	v24 =	vmul.f32 $5.870000120e-01, v31;
	v19 =	vmul.f32 $1.600000000e+01, v19;
	v18 =	vadd.f32 v25, v18;
	v31 =	vld.idx.msk [tilespmem:v15+s26+$0x0], $0xffff  }
0x291: {  	v20 =	vshll.u32 v20, $0x4;
	v25 =	vmul.f32 $2.989999950e-01, v32;
	v22 =	vmul.f32 $1.600000000e+01, v22;
	v32 =	vld.idx.msk [tilespmem:v14+s22+$0x0], $0xffff  }
0x292: {  	v24 =	vadd.f32 v24, v27;
	v27 =	vmul.f32 $5.870000120e-01, v28;
	v18 =	vmul.f32 $1.600000000e+01, v18;
	v28 =	vld.idx.msk [tilespmem:v14+s23+$0x0], $0xffff  }
0x293: {  	v20 =	vor.u32 v0, v20;
	v17 =	vtrunc.f32 v17;
	v29 =	vmul.f32 $2.989999950e-01, v29;
	v33 =	vld.idx.msk [tilespmem:v14+s25+$0x0], $0xffff  }
0x294: {  	v23 =	vtrunc.f32 v23;
	v25 =	vadd.f32 v27, v25;
	v26 =	vmul.f32 $5.870000120e-01, v26;
	v27 =	vld.idx.msk [tilespmem:v14+s26+$0x0], $0xffff  }
0x295: {  	v21 =	vtrunc.f32 v21;
	v30 =	vmul.f32 $2.989999950e-01, v30;
	v34 =	vld.idx.msk [tilespmem:v13+s22+$0x0], $0xffff  }
0x296: {  	v19 =	vtrunc.f32 v19;
	v26 =	vadd.f32 v26, v29;
	v29 =	vmul.f32 $5.870000120e-01, v31;
	v31 =	vld.idx.msk [tilespmem:v13+s23+$0x0], $0xffff  }
0x297: {  	v22 =	vtrunc.f32 v22;
	v32 =	vmul.f32 $2.989999950e-01, v32;
	v35 =	vld.idx.msk [tilespmem:v13+s25+$0x0], $0xffff  }
0x298: {  	v18 =	vtrunc.f32 v18;
	v29 =	vadd.f32 v29, v30;
	v28 =	vmul.f32 $5.870000120e-01, v28;
	v30 =	vld.idx.msk [tilespmem:v13+s26+$0x0], $0xffff  }
0x299: {  	v17 =	vcvt.f32.s32 v17;
	v33 =	vmul.f32 $2.989999950e-01, v33;
	v36 =	vld.idx.msk [tilespmem:v12+s22+$0x0], $0xffff  }
0x29a: {  	v23 =	vcvt.f32.s32 v23;
	v28 =	vadd.f32 v28, v32;
	v27 =	vmul.f32 $5.870000120e-01, v27;
	v32 =	vld.idx.msk [tilespmem:v12+s23+$0x0], $0xffff  }
0x29b: {  	v17 =	vshll.u32 v17, $0x4;
	v21 =	vcvt.f32.s32 v21;
	v34 =	vmul.f32 $2.989999950e-01, v34;
	v37 =	vld.idx.msk [tilespmem:v12+s25+$0x0], $0xffff  }
0x29c: {  	v19 =	vcvt.f32.s32 v19;
	v27 =	vadd.f32 v27, v33;
	v31 =	vmul.f32 $5.870000120e-01, v31;
	v33 =	vld.idx.msk [tilespmem:v12+s26+$0x0], $0xffff  }
0x29d: {  	v23 =	vshll.u32 v23, $0x4;
	v22 =	vcvt.f32.s32 v22;
	v35 =	vmul.f32 $2.989999950e-01, v35;
	v38 =	vld.idx.msk [tilespmem:v11+s22+$0x0], $0xffff  }
0x29e: {  	v18 =	vcvt.f32.s32 v18;
	v31 =	vadd.f32 v31, v34;
	v30 =	vmul.f32 $5.870000120e-01, v30;
	v34 =	vld.idx.msk [tilespmem:v11+s23+$0x0], $0xffff  }
0x29f: {  	v21 =	vshll.u32 v21, $0x4;
	v19 =	vshll.u32 v19, $0x4;
	v36 =	vmul.f32 $2.989999950e-01, v36;
	v39 =	vld.idx.msk [tilespmem:v11+s25+$0x0], $0xffff  }
0x2a0: {  	v22 =	vshll.u32 v22, $0x4;
	v30 =	vadd.f32 v30, v35;
	v32 =	vmul.f32 $5.870000120e-01, v32;
	v35 =	vld.idx.msk [tilespmem:v11+s26+$0x0], $0xffff  }
0x2a1: {  	v40 =	vor.u32 v0, v17;
	v17 =	vmul.f32 $2.989999950e-01, v37;
	v37 =	vshll.u32 v18, $0x4;
	v41 =	vld.idx.msk [tilespmem:v10+s22+$0x0], $0xffff  }
0x2a2: {  	v23 =	vor.u32 v0, v23;
	v32 =	vadd.f32 v32, v36;
	v18 =	vmul.f32 $5.870000120e-01, v33;
	v33 =	vld.idx.msk [tilespmem:v10+s23+$0x0], $0xffff  }
0x2a3: {  	v21 =	vor.u32 v0, v21;
	v19 =	vor.u32 v0, v19;
	v36 =	vmul.f32 $2.989999950e-01, v38;
	v38 =	vld.idx.msk [tilespmem:v10+s25+$0x0], $0xffff  }
0x2a4: {  	v42 =	vadd.f32 v18, v17;
	v34 =	vmul.f32 $5.870000120e-01, v34;
	v18 =	vor.u32 v0, v22;
	v22 =	vld.idx.msk [tilespmem:v10+s26+$0x0], $0xffff  }
0x2a5: {  	v17 =	vor.u32 v0, v37;
	v39 =	vmul.f32 $2.989999950e-01, v39;
	v43 =	vld.idx.msk [tilespmem:v16+s24+$0x0], $0xffff  }
0x2a6: {  	v34 =	vadd.f32 v34, v36;
	v35 =	vmul.f32 $5.870000120e-01, v35;
	v16 =	vld.idx.msk [tilespmem:v16+s28+$0x0], $0xffff  }
0x2a7: {  	v37 =	vmul.f32 $2.989999950e-01, v41;
	v36 =	vld.idx.msk [tilespmem:v15+s24+$0x0], $0xffff  }
0x2a8: {  	v35 =	vadd.f32 v35, v39;
	v33 =	vmul.f32 $5.870000120e-01, v33;
	v15 =	vld.idx.msk [tilespmem:v15+s28+$0x0], $0xffff  }
0x2a9: {  	v38 =	vmul.f32 $2.989999950e-01, v38;
	v39 =	vld.idx.msk [tilespmem:v14+s24+$0x0], $0xffff  }
0x2aa: {  	v33 =	vadd.f32 v33, v37;
	v22 =	vmul.f32 $5.870000120e-01, v22;
	v14 =	vld.idx.msk [tilespmem:v14+s28+$0x0], $0xffff  }
0x2ab: {  	v37 =	vmul.f32 $1.140000000e-01, v43;
	v41 =	vld.idx.msk [tilespmem:v13+s24+$0x0], $0xffff  }
0x2ac: {  	v16 =	vmul.f32 $1.140000000e-01, v16;
	v22 =	vadd.f32 v22, v38;
	v13 =	vld.idx.msk [tilespmem:v13+s28+$0x0], $0xffff  }
0x2ad: {  	v24 =	vadd.f32 v37, v24;
	v36 =	vmul.f32 $1.140000000e-01, v36;
	v37 =	vld.idx.msk [tilespmem:v12+s24+$0x0], $0xffff  }
0x2ae: {  	v16 =	vadd.f32 v16, v25;
	v15 =	vmul.f32 $1.140000000e-01, v15;
	v12 =	vld.idx.msk [tilespmem:v12+s28+$0x0], $0xffff  }
0x2af: {  	v25 =	vadd.f32 v36, v26;
	v26 =	vmul.f32 $1.140000000e-01, v39;
	v36 =	vld.idx.msk [tilespmem:v11+s24+$0x0], $0xffff  }
0x2b0: {  	v29 =	vadd.f32 v15, v29;
	v14 =	vmul.f32 $1.140000000e-01, v14;
	v11 =	vld.idx.msk [tilespmem:v11+s28+$0x0], $0xffff  }
0x2b1: {  	v26 =	vadd.f32 v26, v28;
	v15 =	vmul.f32 $1.140000000e-01, v41;
	v28 =	vld.idx.msk [tilespmem:v10+s24+$0x0], $0xffff  }
0x2b2: {  	v27 =	vadd.f32 v14, v27;
	v13 =	vmul.f32 $1.140000000e-01, v13;
	v38 =	vld.idx.msk [tilespmem:v10+s28+$0x0], $0xffff  }
0x2b3: {  	v15 =	vadd.f32 v15, v31;
	v10 =	vmul.f32 $1.140000000e-01, v37;
	[tilespmem:v20+s1+$0x0] =	vst.idx.add.f32.msk $0xffff, v2  }
0x2b4: {  	v14 =	vadd.f32 v13, v30;
	v12 =	vmul.f32 $1.140000000e-01, v12;
	[tilespmem:v20+s2+$0x0] =	vst.idx.add.f32.msk $0xffff, v24  }
0x2b5: {  	v10 =	vadd.f32 v10, v32;
	[tilespmem:v20+s4+$0x0] =	vst.idx.add.f32.msk $0xffff, v16;
	v16 =	vmul.f32 $1.140000000e-01, v36  }
0x2b6: {  	v13 =	vadd.f32 v12, v42;
	v12 =	vmul.f32 $1.140000000e-01, v11;
	[tilespmem:v40+s1+$0x0] =	vst.idx.add.f32.msk $0xffff, v2  }
0x2b7: {  	[tilespmem:v40+s2+$0x0] =	vst.idx.add.f32.msk $0xffff, v25;
	v11 =	vadd.f32 v16, v34;
	v16 =	vmul.f32 $1.140000000e-01, v28  }
.Ltmp3:
0x2b8: {  	v12 =	vadd.f32 v12, v35;
	v24 =	vmul.f32 $1.140000000e-01, v38;
	[tilespmem:v40+s4+$0x0] =	vst.idx.add.f32.msk $0xffff, v29;
	(pc) =	sbr.rel @p1 .LBB2_5-.Ltmp3, $4  }
0x2b9: {  	[tilespmem:v23+s1+$0x0] =	vst.idx.add.f32.msk $0xffff, v2;
	v20 =	vadd.f32 v16, v33  }
0x2ba: {  	v22 =	vadd.f32 v24, v22;
	[tilespmem:v23+s2+$0x0] =	vst.idx.add.f32.msk $0xffff, v26  }
0x2bb: {  	[tilespmem:v23+s4+$0x0] =	vst.idx.add.f32.msk $0xffff, v27  }
0x2bc: {  	[tilespmem:v21+s1+$0x0] =	vst.idx.add.f32.msk $0xffff, v2  }
0x2bd: {  	_ =	sdelay $0x3  }
0x2be: {  	[tilespmem:v21+s2+$0x0] =	vst.idx.add.f32.msk $0xffff, v15  }
0x2bf: {  	[tilespmem:v19+s1+$0x0] =	vst.idx.add.f32.msk $0xffff, v2  }
0x2c0: {  	[tilespmem:v21+s4+$0x0] =	vst.idx.add.f32.msk $0xffff, v14  }
0x2c1: {  	[tilespmem:v19+s2+$0x0] =	vst.idx.add.f32.msk $0xffff, v10  }
0x2c2: {  	[tilespmem:v19+s4+$0x0] =	vst.idx.add.f32.msk $0xffff, v13  }
0x2c3: {  	s5 =	sld [smem:$0x7F9];
	_ =	sdelay $0x2  }
0x2c4: {  	s5 =	sadd.s32 @!p0 s14, s5  }
0x2c5: {  	[tilespmem:v18+s1+$0x0] =	vst.idx.add.f32.msk $0xffff, v2;
	s7 =	sshrl.u32 @!p0 s5, $0x9  }
0x2c6: {  	[tilespmem:v17+s1+$0x0] =	vst.idx.add.f32.msk $0xffff, v2;
	s5 =	sshll.u32 @!p0 s5, $0x9;
	s7 =	smul.u32 @!p0 $0xC0000, s7  }
0x2c7: {  	[tilespmem:v18+s2+$0x0] =	vst.idx.add.f32.msk $0xffff, v11;
	s5 =	sand.u32 @!p0 $0x3F000, s5  }
0x2c8: {  	[tilespmem:v17+s2+$0x0] =	vst.idx.add.f32.msk $0xffff, v20;
	s5 =	sor.u32 @!p0 s5, s7  }
0x2c9: {  	s11 =	simm.s32 @!p0 $0x0;
	[tilespmem:v18+s4+$0x0] =	vst.idx.add.f32.msk $0xffff, v12;
	s14 =	rddreg [dreg:$0x0];
	s5 =	sshrl.u32 @!p0 s5, $0x3  }
0x2ca: {  	s12 =	simm.s32 @!p0 $0x9000;
	[tilespmem:v17+s4+$0x0] =	vst.idx.add.f32.msk $0xffff, v22;
	s7 =	sadd.s32 @!p0 s14, s5;
	s13 =	sadd.s32 @!p0 $0x8000, s5  }
0x2cb: {  	[tilespmem:s12], [sflag:$0x2] =	stream.linear.gather @!p0 [hbm4b:s7+s11], $0x1000, $0x38;
	[tilespmem:$0x1B580] =	vst v63  }
0x2cc: {  	s7 =	sadd.s32 @!p0 s14, s13;
	s12 =	simm.s32 @!p0 $0xA000  }
0x2cd: {  	[tilespmem:s12], [sflag:$0x2] =	stream.linear.gather @!p0 [hbm4b:s7+s11], $0x1000, $0x38;
	[tilespmem:$0x1B580] =	vst v63  }
0x2ce: {  	s12 =	sadd.s32 @!p0 $0x10000, s5  }
0x2cf: {  	s7 =	simm.s32 @!p0 $0xB000;
	s14 =	sadd.s32 @!p0 s14, s12  }
0x2d0: {  	[tilespmem:s7], [sflag:$0x2] =	stream.linear.gather @!p0 [hbm4b:s14+s11], $0x1000, $0x38;
	[tilespmem:$0x1B580] =	vst v63  }
0x2d1: {  	s14 =	rddreg [dreg:$0x1]  }
0x2d2: {  	s7 =	simm.s32 @!p0 $0xC000;
	s15 =	sadd.s32 @!p0 s14, s5  }
0x2d3: {  	[tilespmem:s7], [sflag:$0x2] =	stream.linear.gather @!p0 [hbm4b:s15+s11], $0x1000, $0x38;
	[tilespmem:$0x1B580] =	vst v63  }
0x2d4: {  	s15 =	sadd.s32 @!p0 s14, s13;
	s7 =	simm.s32 @!p0 $0xD000  }
0x2d5: {  	[tilespmem:s7], [sflag:$0x2] =	stream.linear.gather @!p0 [hbm4b:s15+s11], $0x1000, $0x38;
	[tilespmem:$0x1B580] =	vst v63  }
0x2d6: {  	s14 =	sadd.s32 @!p0 s14, s12;
	s7 =	simm.s32 @!p0 $0xE000  }
0x2d7: {  	[tilespmem:s7], [sflag:$0x2] =	stream.linear.gather @!p0 [hbm4b:s14+s11], $0x1000, $0x38;
	[tilespmem:$0x1B580] =	vst v63  }
0x2d8: {  	s14 =	rddreg [dreg:$0x2]  }
0x2d9: {  	s7 =	simm.s32 @!p0 $0xF000;
	s5 =	sadd.s32 @!p0 s14, s5  }
0x2da: {  	[tilespmem:s7], [sflag:$0x2] =	stream.linear.gather @!p0 [hbm4b:s5+s11], $0x1000, $0x38;
	[tilespmem:$0x1B580] =	vst v63  }
0x2db: {  	s5 =	sadd.s32 @!p0 s14, s13;
	s7 =	simm.s32 @!p0 $0x10000  }
0x2dc: {  	[tilespmem:s7], [sflag:$0x2] =	stream.linear.gather @!p0 [hbm4b:s5+s11], $0x1000, $0x38;
	[tilespmem:$0x1B580] =	vst v63  }
0x2dd: {  	s17 =	simm.s32 $0x3;
	s5 =	sadd.s32 @!p0 s14, s12;
	s7 =	simm.s32 @!p0 $0x11000  }
0x2de: {  	[tilespmem:s7], [sflag:$0x2] =	stream.linear.gather @!p0 [hbm4b:s5+s11], $0x1000, $0x38;
	[tilespmem:$0x1B580] =	vst v63  }
0x2df: {  	_ =	swait.ge [sflag:s17], $0x1000  }
0x2e0: {  	[sflag:s17] =	ssyncset.done $0x0  }
0x2e1: {  	[sflag:s17] =	ssyncadd.s32 $0xFFFFF000  }
0x2e2: {  	_ =	swait.ge [sflag:s17], $0x1000  }
0x2e3: {  	[sflag:s17] =	ssyncset.done $0x0  }
0x2e4: {  	[sflag:s17] =	ssyncadd.s32 $0xFFFFF000  }
0x2e5: {  	_ =	swait.ge [sflag:s17], $0x1000  }
0x2e6: {  	[sflag:s17] =	ssyncset.done $0x0  }
0x2e7: {  	[sflag:s17] =	ssyncadd.s32 $0xFFFFF000  }
0x2e8: {  	_ =	swait.ge [sflag:s17], $0x1000  }
0x2e9: {  	[sflag:s17] =	ssyncset.done $0x0  }
0x2ea: {  	[sflag:s17] =	ssyncadd.s32 $0xFFFFF000  }
0x2eb: {  	_ =	swait.ge [sflag:s17], $0x1000  }
0x2ec: {  	[sflag:s17] =	ssyncset.done $0x0  }
0x2ed: {  	s7 =	simm.s32 $0x0;
	[sflag:s17] =	ssyncadd.s32 $0xFFFFF000  }
0x2ee: {  	s18 =	simm.s32 $0x0;
	s19 =	sand.u32 $0x180, s7;
	_ =	swait.ge [sflag:s17], $0x1000  }
0x2ef: {  	v10 =	vmov s18;
	v11 =	vmov s19;
	[sflag:s17] =	ssyncset.done $0x0  }
0x2f0: {  	v10 =	vshll.u32 v10, $0x7;
	v11 =	vshrl.u32 v11, $0x7;
	[sflag:s17] =	ssyncadd.s32 $0xFFFFF000  }
0x2f1: {  	v10 =	vand.u32 $0x380, v10;
	v11 =	vshll.u32 v11, $0xA;
	_ =	swait.ge [sflag:s17], $0x1000  }
0x2f2: {  	v10 =	vor.u32 v10, v11;
	[sflag:s17] =	ssyncset.done $0x0  }
0x2f3: {  	v10 =	vbroadcast v10, $0x0;
	[sflag:s17] =	ssyncadd.s32 $0xFFFFF000  }
0x2f4: {  	_ =	swait.ge [sflag:s17], $0x1000  }
0x2f5: {  	v17 =	vor.u32 v9, v10;
	[sflag:s17] =	ssyncset.done $0x0  }
0x2f6: {  	[sflag:s17] =	ssyncadd.s32 $0xFFFFF000  }
0x2f7: {  	v16 =	vor.u32 v0, v10;
	_ =	swait.ge [sflag:s17], $0x1000  }
0x2f8: {  	[sflag:s17] =	ssyncset.done $0x0  }
0x2f9: {  	[sflag:s17] =	ssyncadd.s32 $0xFFFFF000  }
0x2fa: {  	v15 =	vor.u32 v3, v10;
	v12 =	vld.idx.msk [tilespmem:v17+s29+$0x0], $0xffff  }
0x2fb: {  	v14 =	vld.idx.msk [tilespmem:v17+s30+$0x0], $0xffff  }
0x2fc: {  	v13 =	vor.u32 v4, v10;
	v18 =	vld.idx.msk [tilespmem:v16+s29+$0x0], $0xffff  }
0x2fd: {  	v19 =	vld.idx.msk [tilespmem:v17+s31+$0x0], $0xffff  }
0x2fe: {  	v11 =	vor.u32 v5, v10;
	v20 =	vld.idx.msk [tilespmem:v16+s30+$0x0], $0xffff  }
0x2ff: {  	v21 =	vld.idx.msk [tilespmem:v15+s29+$0x0], $0xffff  }
0x300: {  	v22 =	vld.idx.msk [tilespmem:v15+s30+$0x0], $0xffff  }
0x301: {  	v23 =	vld.idx.msk [tilespmem:v13+s29+$0x0], $0xffff  }
0x302: {  	v24 =	vld.idx.msk [tilespmem:v13+s30+$0x0], $0xffff  }
0x303: {  	v25 =	vld.idx.msk [tilespmem:v11+s29+$0x0], $0xffff  }
0x304: {  	v26 =	vld.idx.msk [tilespmem:v17+s3+$0x0], $0xffff  }
0x305: {  	v27 =	vld.idx.msk [tilespmem:v17+s0+$0x0], $0xffff  }
0x306: {  	v29 =	vld.idx.msk [tilespmem:v17+s10+$0x0], $0xffff  }
0x307: {  	v30 =	vld.idx.msk [tilespmem:v17+s8+$0x0], $0xffff  }
0x308: {  	v31 =	vld.idx.msk [tilespmem:v17+s9+$0x0], $0xffff  }
0x309: {  	v17 =	vld.idx.msk [tilespmem:v17+s6+$0x0], $0xffff  }
0x30a: {  	v59 =	vld.idx.msk [tilespmem:v16+s31+$0x0], $0xffff  }
0x30b: {  	v60 =	vld.idx.msk [tilespmem:v13+s31+$0x0], $0xffff  }
0x30c: {  	v61 =	vld.idx.msk [tilespmem:v11+s31+$0x0], $0xffff  }
0x30d: {  	v38 =	vld.idx.msk [tilespmem:v16+s3+$0x0], $0xffff  }
0x30e: {  	v39 =	vld.idx.msk [tilespmem:v16+s0+$0x0], $0xffff  }
0x30f: {  	v40 =	vld.idx.msk [tilespmem:v16+s10+$0x0], $0xffff  }
0x310: {  	v41 =	vld.idx.msk [tilespmem:v16+s8+$0x0], $0xffff  }
0x311: {  	v42 =	vld.idx.msk [tilespmem:v15+s3+$0x0], $0xffff  }
0x312: {  	v43 =	vld.idx.msk [tilespmem:v15+s0+$0x0], $0xffff;
	v12 =	vmul.f32 $2.989999950e-01, v12;
	v14 =	vmul.f32 $5.870000120e-01, v14  }
0x313: {  	v49 =	vld.idx.msk [tilespmem:v13+s0+$0x0], $0xffff;
	v29 =	vmul.f32 $2.989999950e-01, v29;
	v30 =	vmul.f32 $5.870000120e-01, v30  }
0x314: {  	v50 =	vld.idx.msk [tilespmem:v13+s10+$0x0], $0xffff;
	v18 =	vmul.f32 $2.989999950e-01, v18;
	v20 =	vmul.f32 $5.870000120e-01, v20  }
0x315: {  	v52 =	vld.idx.msk [tilespmem:v13+s8+$0x0], $0xffff;
	v21 =	vmul.f32 $2.989999950e-01, v21;
	v12 =	vadd.f32 v14, v12;
	v14 =	vmul.f32 $1.140000000e-01, v19  }
0x316: {  	v53 =	vld.idx.msk [tilespmem:v11+s0+$0x0], $0xffff;
	v22 =	vmul.f32 $5.870000120e-01, v22;
	v23 =	vmul.f32 $2.989999950e-01, v23  }
0x317: {  	v24 =	vmul.f32 $5.870000120e-01, v24;
	v19 =	vld.idx.msk [tilespmem:v11+s30+$0x0], $0xffff;
	v12 =	vadd.f32 v14, v12;
	v14 =	vor.u32 v6, v10  }
0x318: {  	v18 =	vadd.f32 v20, v18;
	v20 =	vadd.f32 v22, v21;
	v21 =	vmul.f32 $1.140000000e-01, v59;
	v22 =	vld.idx.msk [tilespmem:v15+s10+$0x0], $0xffff  }
0x319: {  	v17 =	vmul.f32 $1.140000000e-01, v17;
	v29 =	vadd.f32 v30, v29;
	v23 =	vadd.f32 v24, v23;
	v24 =	vld.idx.msk [tilespmem:v15+s8+$0x0], $0xffff  }
0x31a: {  	v18 =	vadd.f32 v21, v18;
	v21 =	vld.idx.msk [tilespmem:v13+s3+$0x0], $0xffff  }
0x31b: {  	v26 =	vmul.f32 $2.989999950e-01, v26;
	v27 =	vmul.f32 $5.870000120e-01, v27;
	v17 =	vadd.f32 v17, v29;
	v29 =	vld.idx.msk [tilespmem:v11+s8+$0x0], $0xffff  }
0x31c: {  	v57 =	vmul.f32 $1.140000000e-01, v31;
	v32 =	vld.idx.msk [tilespmem:v14+s29+$0x0], $0xffff  }
0x31d: {  	v26 =	vadd.f32 v27, v26;
	v28 =	vmul.f32 $1.600000000e+01, v12;
	v12 =	vor.u32 v7, v10;
	v33 =	vld.idx.msk [tilespmem:v14+s30+$0x0], $0xffff  }
0x31e: {  	v62 =	vld.idx.msk [tilespmem:v14+s31+$0x0], $0xffff  }
0x31f: {  	v26 =	vadd.f32 v57, v26;
	v10 =	vor.u32 v8, v10;
	v57 =	vld.idx.msk [tilespmem:v14+s3+$0x0], $0xffff  }
0x320: {  	v25 =	vmul.f32 $2.989999950e-01, v25;
	v59 =	vld.idx.msk [tilespmem:v14+s0+$0x0], $0xffff  }
0x321: {  	v27 =	vmul.f32 $1.140000000e-01, v61;
	v19 =	vmul.f32 $5.870000120e-01, v19;
	v61 =	vld.idx.msk [tilespmem:v14+s10+$0x0], $0xffff  }
0x322: {  	v56 =	vmul.f32 $2.989999950e-01, v38;
	v50 =	vmul.f32 $2.989999950e-01, v50;
	v34 =	vld.idx.msk [tilespmem:v12+s29+$0x0], $0xffff  }
0x323: {  	v18 =	vmul.f32 $1.600000000e+01, v18;
	v28 =	vtrunc.f32 v28;
	v19 =	vadd.f32 v19, v25;
	v35 =	vld.idx.msk [tilespmem:v12+s30+$0x0], $0xffff  }
0x324: {  	v22 =	vmul.f32 $2.989999950e-01, v22;
	v28 =	vcvt.f32.s32 v28;
	v36 =	vld.idx.msk [tilespmem:v10+s29+$0x0], $0xffff  }
0x325: {  	v24 =	vmul.f32 $5.870000120e-01, v24;
	v18 =	vtrunc.f32 v18;
	v63 =	vld.idx.msk [tilespmem:v12+s31+$0x0], $0xffff;
	v19 =	vadd.f32 v27, v19  }
0x326: {  	v18 =	vcvt.f32.s32 v18;
	v21 =	vmul.f32 $2.989999950e-01, v21;
	v28 =	vshll.u32 v28, $0x4;
	v58 =	vld.idx.msk [tilespmem:v10+s30+$0x0], $0xffff  }
0x327: {  	v29 =	vmul.f32 $5.870000120e-01, v29;
	v37 =	vld.idx.msk [tilespmem:v10+s31+$0x0], $0xffff;
	v28 =	vor.u32 v0, v28;
	v19 =	vmul.f32 $1.600000000e+01, v19  }
0x328: {  	v44 =	vld.idx.msk [tilespmem:v12+s3+$0x0], $0xffff;
	v45 =	vmul.f32 $2.989999950e-01, v32;
	v46 =	vmul.f32 $5.870000120e-01, v33  }
0x329: {  	v19 =	vtrunc.f32 v19;
	v48 =	vmul.f32 $5.870000120e-01, v35;
	v35 =	vld.idx.msk [tilespmem:v11+s10+$0x0], $0xffff  }
0x32a: {  	v47 =	vmul.f32 $2.989999950e-01, v34;
	v54 =	vmul.f32 $1.140000000e-01, v63;
	v63 =	vld.idx.msk [tilespmem:v14+s8+$0x0], $0xffff  }
0x32b: {  	v51 =	vmul.f32 $2.989999950e-01, v36;
	v34 =	vmul.f32 $5.870000120e-01, v49;
	v49 =	vld.idx.msk [tilespmem:v12+s8+$0x0], $0xffff  }
0x32c: {  	v22 =	vadd.f32 v24, v22;
	v31 =	vmul.f32 $5.870000120e-01, v58;
	v55 =	vmul.f32 $1.140000000e-01, v37;
	[tilespmem:v28+s1+$0x0] =	vst.idx.add.f32.msk $0xffff, v2  }
0x32d: {  	v30 =	vadd.f32 v46, v45;
	v58 =	vmul.f32 $5.870000120e-01, v39;
	v45 =	vmul.f32 $2.989999950e-01, v42;
	[tilespmem:v28+s2+$0x0] =	vst.idx.add.f32.msk $0xffff, v26  }
0x32e: {  	v46 =	vmul.f32 $5.870000120e-01, v43;
	v19 =	vcvt.f32.s32 v19;
	v25 =	vadd.f32 v48, v47;
	[tilespmem:v28+s4+$0x0] =	vst.idx.add.f32.msk $0xffff, v17  }
0x32f: {  	v26 =	vmul.f32 $1.140000000e-01, v60;
	v31 =	vadd.f32 v31, v51;
	v60 =	vmul.f32 $2.989999950e-01, v40;
	v17 =	vld.idx.msk [tilespmem:v15+s31+$0x0], $0xffff  }
0x330: {  	v47 =	vld.idx.msk [tilespmem:v12+s0+$0x0], $0xffff;
	v51 =	vmul.f32 $5.870000120e-01, v52;
	v34 =	vadd.f32 v34, v21;
	v21 =	vmul.f32 $5.870000120e-01, v53  }
0x331: {  	v27 =	vadd.f32 v58, v56;
	v48 =	vld.idx.msk [tilespmem:v12+s10+$0x0], $0xffff;
	v56 =	vmul.f32 $5.870000120e-01, v59;
	v28 =	vmul.f32 $1.140000000e-01, v62  }
0x332: {  	v52 =	vld.idx.msk [tilespmem:v10+s3+$0x0], $0xffff;
	v58 =	vmul.f32 $2.989999950e-01, v61;
	v62 =	vmul.f32 $5.870000120e-01, v41;
	v23 =	vadd.f32 v26, v23  }
0x333: {  	v53 =	vld.idx.msk [tilespmem:v10+s0+$0x0], $0xffff;
	v25 =	vadd.f32 v54, v25;
	v28 =	vadd.f32 v28, v30;
	v54 =	vmul.f32 $2.989999950e-01, v35  }
0x334: {  	v30 =	vadd.f32 v55, v31;
	v55 =	vld.idx.msk [tilespmem:v10+s10+$0x0], $0xffff;
	v59 =	vmul.f32 $5.870000120e-01, v63;
	v17 =	vmul.f32 $1.140000000e-01, v17  }
0x335: {  	v31 =	vadd.f32 v62, v60;
	v60 =	vld.idx.msk [tilespmem:v16+s9+$0x0], $0xffff;
	v62 =	vmul.f32 $5.870000120e-01, v49;
	v23 =	vmul.f32 $1.600000000e+01, v23  }
0x336: {  	v25 =	vmul.f32 $1.600000000e+01, v25;
	v28 =	vmul.f32 $1.600000000e+01, v28;
	v17 =	vadd.f32 v17, v20;
	v20 =	vld.idx.msk [tilespmem:v11+s3+$0x0], $0xffff  }
0x337: {  	v18 =	vshll.u32 v18, $0x4;
	v16 =	vld.idx.msk [tilespmem:v16+s6+$0x0], $0xffff;
	v30 =	vmul.f32 $1.600000000e+01, v30;
	v43 =	vmul.f32 $5.870000120e-01, v47  }
0x338: {  	v36 =	vadd.f32 v46, v45;
	v49 =	vld.idx.msk [tilespmem:v13+s9+$0x0], $0xffff;
	v61 =	vmul.f32 $2.989999950e-01, v48;
	v26 =	vmul.f32 $5.870000120e-01, v53  }
0x339: {  	v19 =	vshll.u32 v19, $0x4;
	v13 =	vld.idx.msk [tilespmem:v13+s6+$0x0], $0xffff;
	v25 =	vtrunc.f32 v25;
	v28 =	vtrunc.f32 v28  }
0x33a: {  	v24 =	vadd.f32 v51, v50;
	v63 =	vld.idx.msk [tilespmem:v15+s9+$0x0], $0xffff;
	v35 =	vmul.f32 $2.989999950e-01, v55;
	v17 =	vmul.f32 $1.600000000e+01, v17  }
0x33b: {  	v29 =	vadd.f32 v29, v54;
	v54 =	vld.idx.msk [tilespmem:v14+s9+$0x0], $0xffff;
	v53 =	vmul.f32 $1.140000000e-01, v60;
	v20 =	vmul.f32 $2.989999950e-01, v20  }
0x33c: {  	v32 =	vadd.f32 v59, v58;
	v59 =	vld.idx.msk [tilespmem:v10+s9+$0x0], $0xffff;
	v28 =	vcvt.f32.s32 v28;
	v17 =	vtrunc.f32 v17  }
0x33d: {  	v51 =	vld.idx.msk [tilespmem:v11+s9+$0x0], $0xffff;
	v17 =	vcvt.f32.s32 v17;
	v20 =	vadd.f32 v21, v20;
	v21 =	vmul.f32 $2.989999950e-01, v57  }
0x33e: {  	v48 =	vadd.f32 v62, v61;
	v11 =	vld.idx.msk [tilespmem:v11+s6+$0x0], $0xffff;
	v16 =	vmul.f32 $1.140000000e-01, v16;
	v13 =	vmul.f32 $1.140000000e-01, v13  }
0x33f: {  	v57 =	vld.idx.msk [tilespmem:v10+s8+$0x0], $0xffff;
	v17 =	vshll.u32 v17, $0x4;
	v37 =	vadd.f32 v56, v21;
	v21 =	vmul.f32 $2.989999950e-01, v44  }
0x340: {  	v46 =	vld.idx.msk [tilespmem:v10+s6+$0x0], $0xffff;
	v27 =	vadd.f32 v53, v27;
	v61 =	vmul.f32 $1.140000000e-01, v54;
	v58 =	vor.u32 v0, v17  }
0x341: {  	v15 =	vld.idx.msk [tilespmem:v15+s6+$0x0], $0xffff;
	v62 =	vmul.f32 $1.140000000e-01, v59;
	v10 =	vmul.f32 $1.140000000e-01, v63;
	v43 =	vadd.f32 v43, v21  }
0x342: {  	v55 =	vld.idx.msk [tilespmem:v14+s6+$0x0], $0xffff;
	v21 =	vtrunc.f32 v23;
	v23 =	vmul.f32 $2.989999950e-01, v52;
	v52 =	vor.u32 v0, v18  }
0x343: {  	v16 =	vadd.f32 v16, v31;
	v11 =	vmul.f32 $1.140000000e-01, v11;
	v56 =	vld.idx.msk [tilespmem:v12+s9+$0x0], $0xffff;
	v18 =	vtrunc.f32 v30  }
0x344: {  	v12 =	vld.idx.msk [tilespmem:v12+s6+$0x0], $0xffff;
	v10 =	vadd.f32 v10, v36;
	v50 =	vmul.f32 $5.870000120e-01, v57;
	v21 =	vcvt.f32.s32 v21  }
0x345: {  	v18 =	vcvt.f32.s32 v18;
	v57 =	vshll.u32 v28, $0x4;
	v23 =	vadd.f32 v26, v23;
	[tilespmem:v58+s1+$0x0] =	vst.idx.add.f32.msk $0xffff, v2  }
0x346: {  	v26 =	vadd.f32 v50, v35;
	v14 =	vshll.u32 v21, $0x4;
	v21 =	vcvt.f32.s32 v25;
	[tilespmem:v58+s2+$0x0] =	vst.idx.add.f32.msk $0xffff, v10  }
0x347: {  	v10 =	vadd.f32 v61, v37;
	v45 =	vor.u32 v0, v14;
	v14 =	vmul.f32 $1.140000000e-01, v15;
	[tilespmem:v52+s1+$0x0] =	vst.idx.add.f32.msk $0xffff, v2  }
0x348: {  	v15 =	vmul.f32 $1.140000000e-01, v49;
	v17 =	vshll.u32 v21, $0x4;
	v21 =	vor.u32 v0, v19;
	[tilespmem:v52+s2+$0x0] =	vst.idx.add.f32.msk $0xffff, v27  }
0x349: {  	v60 =	vshll.u32 v18, $0x4;
	v19 =	vor.u32 v0, v57;
	[tilespmem:v52+s4+$0x0] =	vst.idx.add.f32.msk $0xffff, v16;
	v16 =	vadd.f32 v14, v22  }
0x34a: {  	v18 =	vor.u32 v0, v17;
	v15 =	vadd.f32 v15, v34;
	v14 =	vmul.f32 $1.140000000e-01, v51  }
0x34b: {  	v22 =	vadd.f32 v13, v24;
	v13 =	vadd.f32 v11, v29;
	v11 =	vmul.f32 $1.140000000e-01, v55;
	[tilespmem:v58+s4+$0x0] =	vst.idx.add.f32.msk $0xffff, v16  }
0x34c: {  	v14 =	vadd.f32 v14, v20;
	v16 =	vmul.f32 $1.140000000e-01, v56;
	v20 =	vmul.f32 $1.140000000e-01, v12;
	[tilespmem:v45+s1+$0x0] =	vst.idx.add.f32.msk $0xffff, v2  }
0x34d: {  	s16 =	simm.s32 $0x5000;
	v63 =	vmul.f32 $1.140000000e-01, v46;
	v17 =	vor.u32 v0, v60;
	v11 =	vadd.f32 v11, v32;
	[tilespmem:v45+s2+$0x0] =	vst.idx.add.f32.msk $0xffff, v15  }
0x34e: {  	s18 =	simm.s32 $0x7000;
	s15 =	simm.s32 $0x4000;
	s14 =	simm.s32 $0x3000;
	[tilespmem:v21+s1+$0x0] =	vst.idx.add.f32.msk $0xffff, v2;
	v12 =	vadd.f32 v16, v43;
	v15 =	vadd.f32 v20, v48  }
0x34f: {  	s5 =	simm.s32 $0x0;
	s19 =	simm.s32 $0x8000;
	s17 =	simm.s32 $0x6000;
	[tilespmem:v45+s4+$0x0] =	vst.idx.add.f32.msk $0xffff, v22;
	v20 =	vadd.f32 v62, v23;
	v22 =	vadd.f32 v63, v26  }
.LBB2_7:
0x350: {  	s5 =	sadd.s32 $0x8, s5;
	[tilespmem:v21+s2+$0x0] =	vst.idx.add.f32.msk $0xffff, v14;
	s7 =	sadd.s32 $0x80, s7  }
0x351: {  	s11 =	sshrl.u32 s5, $0x5;
	s12 =	sand.u32 $0x180, s7;
	[tilespmem:v21+s4+$0x0] =	vst.idx.add.f32.msk $0xffff, v13  }
0x352: {  	v13 =	vmov s11;
	v14 =	vmov s12;
	[tilespmem:v19+s1+$0x0] =	vst.idx.add.f32.msk $0xffff, v2  }
0x353: {  	p1 =	slt.u32 s5, $0xF8;
	v14 =	vshrl.u32 v14, $0x7;
	v13 =	vshll.u32 v13, $0x7;
	[tilespmem:v19+s2+$0x0] =	vst.idx.add.f32.msk $0xffff, v10  }
0x354: {  	v10 =	vshll.u32 v14, $0xA;
	v13 =	vand.u32 $0x380, v13;
	[tilespmem:v19+s4+$0x0] =	vst.idx.add.f32.msk $0xffff, v11  }
0x355: {  	v10 =	vor.u32 v13, v10;
	[tilespmem:v18+s1+$0x0] =	vst.idx.add.f32.msk $0xffff, v2  }
0x356: {  	v10 =	vbroadcast v10, $0x0;
	[tilespmem:v18+s2+$0x0] =	vst.idx.add.f32.msk $0xffff, v12  }
0x357: {  	[tilespmem:v18+s4+$0x0] =	vst.idx.add.f32.msk $0xffff, v15  }
0x358: {  	v16 =	vor.u32 v0, v10;
	v15 =	vor.u32 v3, v10;
	v18 =	vor.u32 v9, v10  }
0x359: {  	v14 =	vor.u32 v4, v10;
	v13 =	vor.u32 v5, v10;
	v12 =	vor.u32 v6, v10  }
0x35a: {  	v11 =	vor.u32 v7, v10;
	v10 =	vor.u32 v8, v10;
	[tilespmem:v17+s1+$0x0] =	vst.idx.add.f32.msk $0xffff, v2  }
0x35b: {  	[tilespmem:v17+s2+$0x0] =	vst.idx.add.f32.msk $0xffff, v20  }
0x35c: {  	[tilespmem:v17+s4+$0x0] =	vst.idx.add.f32.msk $0xffff, v22  }
0x35d: {  	v17 =	vld.idx.msk [tilespmem:v18+s29+$0x0], $0xffff  }
0x35e: {  	v19 =	vld.idx.msk [tilespmem:v18+s30+$0x0], $0xffff  }
0x35f: {  	v20 =	vld.idx.msk [tilespmem:v16+s29+$0x0], $0xffff  }
0x360: {  	v21 =	vld.idx.msk [tilespmem:v18+s31+$0x0], $0xffff  }
0x361: {  	v22 =	vld.idx.msk [tilespmem:v16+s30+$0x0], $0xffff  }
0x362: {  	v23 =	vld.idx.msk [tilespmem:v15+s29+$0x0], $0xffff  }
0x363: {  	v24 =	vld.idx.msk [tilespmem:v15+s30+$0x0], $0xffff  }
0x364: {  	v17 =	vmul.f32 $2.989999950e-01, v17;
	v19 =	vmul.f32 $5.870000120e-01, v19;
	v25 =	vld.idx.msk [tilespmem:v14+s29+$0x0], $0xffff  }
0x365: {  	v20 =	vmul.f32 $2.989999950e-01, v20;
	v26 =	vld.idx.msk [tilespmem:v14+s30+$0x0], $0xffff  }
0x366: {  	v17 =	vadd.f32 v19, v17;
	v19 =	vmul.f32 $1.140000000e-01, v21;
	v27 =	vld.idx.msk [tilespmem:v13+s29+$0x0], $0xffff  }
0x367: {  	v21 =	vmul.f32 $5.870000120e-01, v22;
	v22 =	vld.idx.msk [tilespmem:v13+s30+$0x0], $0xffff  }
0x368: {  	v23 =	vmul.f32 $2.989999950e-01, v23;
	v17 =	vadd.f32 v19, v17;
	v19 =	vld.idx.msk [tilespmem:v18+s3+$0x0], $0xffff  }
0x369: {  	v20 =	vadd.f32 v21, v20;
	v21 =	vmul.f32 $5.870000120e-01, v24;
	v24 =	vld.idx.msk [tilespmem:v18+s0+$0x0], $0xffff  }
0x36a: {  	v25 =	vmul.f32 $2.989999950e-01, v25;
	v17 =	vmul.f32 $1.600000000e+01, v17;
	v28 =	vld.idx.msk [tilespmem:v18+s10+$0x0], $0xffff  }
0x36b: {  	v21 =	vadd.f32 v21, v23;
	v23 =	vmul.f32 $5.870000120e-01, v26;
	v26 =	vld.idx.msk [tilespmem:v18+s8+$0x0], $0xffff  }
0x36c: {  	v27 =	vmul.f32 $2.989999950e-01, v27;
	v17 =	vtrunc.f32 v17;
	v29 =	vld.idx.msk [tilespmem:v18+s9+$0x0], $0xffff  }
0x36d: {  	v23 =	vadd.f32 v23, v25;
	v22 =	vmul.f32 $5.870000120e-01, v22;
	v17 =	vcvt.f32.s32 v17;
	v18 =	vld.idx.msk [tilespmem:v18+s6+$0x0], $0xffff  }
0x36e: {  	v25 =	vld.idx.msk [tilespmem:v12+s29+$0x0], $0xffff  }
0x36f: {  	v22 =	vadd.f32 v22, v27;
	v17 =	vshll.u32 v17, $0x4;
	v27 =	vld.idx.msk [tilespmem:v12+s30+$0x0], $0xffff  }
0x370: {  	v19 =	vmul.f32 $2.989999950e-01, v19;
	v24 =	vmul.f32 $5.870000120e-01, v24;
	v17 =	vor.u32 v0, v17;
	v30 =	vld.idx.msk [tilespmem:v11+s29+$0x0], $0xffff  }
0x371: {  	v28 =	vmul.f32 $2.989999950e-01, v28;
	v26 =	vmul.f32 $5.870000120e-01, v26;
	v31 =	vld.idx.msk [tilespmem:v11+s30+$0x0], $0xffff  }
0x372: {  	v19 =	vadd.f32 v24, v19;
	v24 =	vmul.f32 $1.140000000e-01, v29;
	v32 =	vld.idx.msk [tilespmem:v10+s29+$0x0], $0xffff  }
0x373: {  	v26 =	vadd.f32 v26, v28;
	v18 =	vmul.f32 $1.140000000e-01, v18;
	v29 =	vld.idx.msk [tilespmem:v10+s30+$0x0], $0xffff  }
0x374: {  	v25 =	vmul.f32 $2.989999950e-01, v25;
	v19 =	vadd.f32 v24, v19;
	v28 =	vld.idx.msk [tilespmem:v16+s31+$0x0], $0xffff  }
0x375: {  	v24 =	vmul.f32 $5.870000120e-01, v27;
	v18 =	vadd.f32 v18, v26;
	[tilespmem:v17+s1+$0x0] =	vst.idx.add.f32.msk $0xffff, v2  }
0x376: {  	v26 =	vmul.f32 $2.989999950e-01, v30;
	[tilespmem:v17+s2+$0x0] =	vst.idx.add.f32.msk $0xffff, v19  }
0x377: {  	v19 =	vadd.f32 v24, v25;
	v24 =	vmul.f32 $5.870000120e-01, v31;
	[tilespmem:v17+s4+$0x0] =	vst.idx.add.f32.msk $0xffff, v18  }
0x378: {  	v18 =	vmul.f32 $2.989999950e-01, v32;
	v17 =	vld.idx.msk [tilespmem:v15+s31+$0x0], $0xffff  }
0x379: {  	v24 =	vadd.f32 v24, v26;
	v26 =	vmul.f32 $5.870000120e-01, v29;
	v25 =	vld.idx.msk [tilespmem:v14+s31+$0x0], $0xffff  }
0x37a: {  	v27 =	vmul.f32 $1.140000000e-01, v28;
	v28 =	vld.idx.msk [tilespmem:v13+s31+$0x0], $0xffff  }
0x37b: {  	v18 =	vadd.f32 v26, v18;
	v29 =	vld.idx.msk [tilespmem:v12+s31+$0x0], $0xffff  }
0x37c: {  	v20 =	vadd.f32 v27, v20;
	v26 =	vld.idx.msk [tilespmem:v11+s31+$0x0], $0xffff  }
0x37d: {  	v27 =	vld.idx.msk [tilespmem:v10+s31+$0x0], $0xffff  }
0x37e: {  	v20 =	vmul.f32 $1.600000000e+01, v20;
	v17 =	vmul.f32 $1.140000000e-01, v17;
	v30 =	vld.idx.msk [tilespmem:v16+s3+$0x0], $0xffff  }
0x37f: {  	v25 =	vmul.f32 $1.140000000e-01, v25;
	v31 =	vld.idx.msk [tilespmem:v16+s0+$0x0], $0xffff  }
0x380: {  	v20 =	vtrunc.f32 v20;
	v17 =	vadd.f32 v17, v21;
	v21 =	vmul.f32 $1.140000000e-01, v28;
	v32 =	vld.idx.msk [tilespmem:v16+s10+$0x0], $0xffff  }
0x381: {  	v20 =	vcvt.f32.s32 v20;
	v23 =	vadd.f32 v25, v23;
	v25 =	vmul.f32 $1.140000000e-01, v29;
	v28 =	vld.idx.msk [tilespmem:v16+s8+$0x0], $0xffff  }
0x382: {  	v17 =	vmul.f32 $1.600000000e+01, v17;
	v21 =	vadd.f32 v21, v22;
	v22 =	vmul.f32 $1.140000000e-01, v26;
	v29 =	vld.idx.msk [tilespmem:v15+s3+$0x0], $0xffff  }
0x383: {  	v23 =	vmul.f32 $1.600000000e+01, v23;
	v19 =	vadd.f32 v25, v19;
	v25 =	vmul.f32 $1.140000000e-01, v27;
	v26 =	vld.idx.msk [tilespmem:v15+s0+$0x0], $0xffff  }
0x384: {  	v27 =	vmul.f32 $2.989999950e-01, v30;
	v21 =	vmul.f32 $1.600000000e+01, v21;
	v22 =	vadd.f32 v22, v24;
	v30 =	vld.idx.msk [tilespmem:v15+s10+$0x0], $0xffff  }
0x385: {  	v24 =	vmul.f32 $5.870000120e-01, v31;
	v19 =	vmul.f32 $1.600000000e+01, v19;
	v18 =	vadd.f32 v25, v18;
	v31 =	vld.idx.msk [tilespmem:v15+s8+$0x0], $0xffff  }
0x386: {  	v20 =	vshll.u32 v20, $0x4;
	v25 =	vmul.f32 $2.989999950e-01, v32;
	v22 =	vmul.f32 $1.600000000e+01, v22;
	v32 =	vld.idx.msk [tilespmem:v14+s3+$0x0], $0xffff  }
0x387: {  	v24 =	vadd.f32 v24, v27;
	v27 =	vmul.f32 $5.870000120e-01, v28;
	v18 =	vmul.f32 $1.600000000e+01, v18;
	v28 =	vld.idx.msk [tilespmem:v14+s0+$0x0], $0xffff  }
0x388: {  	v20 =	vor.u32 v0, v20;
	v17 =	vtrunc.f32 v17;
	v29 =	vmul.f32 $2.989999950e-01, v29;
	v33 =	vld.idx.msk [tilespmem:v14+s10+$0x0], $0xffff  }
0x389: {  	v23 =	vtrunc.f32 v23;
	v25 =	vadd.f32 v27, v25;
	v26 =	vmul.f32 $5.870000120e-01, v26;
	v27 =	vld.idx.msk [tilespmem:v14+s8+$0x0], $0xffff  }
0x38a: {  	v21 =	vtrunc.f32 v21;
	v30 =	vmul.f32 $2.989999950e-01, v30;
	v34 =	vld.idx.msk [tilespmem:v13+s3+$0x0], $0xffff  }
0x38b: {  	v19 =	vtrunc.f32 v19;
	v26 =	vadd.f32 v26, v29;
	v29 =	vmul.f32 $5.870000120e-01, v31;
	v31 =	vld.idx.msk [tilespmem:v13+s0+$0x0], $0xffff  }
0x38c: {  	v22 =	vtrunc.f32 v22;
	v32 =	vmul.f32 $2.989999950e-01, v32;
	v35 =	vld.idx.msk [tilespmem:v13+s10+$0x0], $0xffff  }
0x38d: {  	v18 =	vtrunc.f32 v18;
	v29 =	vadd.f32 v29, v30;
	v28 =	vmul.f32 $5.870000120e-01, v28;
	v30 =	vld.idx.msk [tilespmem:v13+s8+$0x0], $0xffff  }
0x38e: {  	v17 =	vcvt.f32.s32 v17;
	v33 =	vmul.f32 $2.989999950e-01, v33;
	v36 =	vld.idx.msk [tilespmem:v12+s3+$0x0], $0xffff  }
0x38f: {  	v23 =	vcvt.f32.s32 v23;
	v28 =	vadd.f32 v28, v32;
	v27 =	vmul.f32 $5.870000120e-01, v27;
	v32 =	vld.idx.msk [tilespmem:v12+s0+$0x0], $0xffff  }
0x390: {  	v17 =	vshll.u32 v17, $0x4;
	v21 =	vcvt.f32.s32 v21;
	v34 =	vmul.f32 $2.989999950e-01, v34;
	v37 =	vld.idx.msk [tilespmem:v12+s10+$0x0], $0xffff  }
0x391: {  	v19 =	vcvt.f32.s32 v19;
	v27 =	vadd.f32 v27, v33;
	v31 =	vmul.f32 $5.870000120e-01, v31;
	v33 =	vld.idx.msk [tilespmem:v12+s8+$0x0], $0xffff  }
0x392: {  	v23 =	vshll.u32 v23, $0x4;
	v22 =	vcvt.f32.s32 v22;
	v35 =	vmul.f32 $2.989999950e-01, v35;
	v38 =	vld.idx.msk [tilespmem:v11+s3+$0x0], $0xffff  }
0x393: {  	v18 =	vcvt.f32.s32 v18;
	v31 =	vadd.f32 v31, v34;
	v30 =	vmul.f32 $5.870000120e-01, v30;
	v34 =	vld.idx.msk [tilespmem:v11+s0+$0x0], $0xffff  }
0x394: {  	v21 =	vshll.u32 v21, $0x4;
	v19 =	vshll.u32 v19, $0x4;
	v36 =	vmul.f32 $2.989999950e-01, v36;
	v39 =	vld.idx.msk [tilespmem:v11+s10+$0x0], $0xffff  }
0x395: {  	v22 =	vshll.u32 v22, $0x4;
	v30 =	vadd.f32 v30, v35;
	v32 =	vmul.f32 $5.870000120e-01, v32;
	v35 =	vld.idx.msk [tilespmem:v11+s8+$0x0], $0xffff  }
0x396: {  	v40 =	vor.u32 v0, v17;
	v17 =	vmul.f32 $2.989999950e-01, v37;
	v37 =	vshll.u32 v18, $0x4;
	v41 =	vld.idx.msk [tilespmem:v10+s3+$0x0], $0xffff  }
0x397: {  	v23 =	vor.u32 v0, v23;
	v32 =	vadd.f32 v32, v36;
	v18 =	vmul.f32 $5.870000120e-01, v33;
	v33 =	vld.idx.msk [tilespmem:v10+s0+$0x0], $0xffff  }
0x398: {  	v21 =	vor.u32 v0, v21;
	v19 =	vor.u32 v0, v19;
	v36 =	vmul.f32 $2.989999950e-01, v38;
	v38 =	vld.idx.msk [tilespmem:v10+s10+$0x0], $0xffff  }
0x399: {  	v42 =	vadd.f32 v18, v17;
	v34 =	vmul.f32 $5.870000120e-01, v34;
	v18 =	vor.u32 v0, v22;
	v22 =	vld.idx.msk [tilespmem:v10+s8+$0x0], $0xffff  }
0x39a: {  	v17 =	vor.u32 v0, v37;
	v39 =	vmul.f32 $2.989999950e-01, v39;
	v43 =	vld.idx.msk [tilespmem:v16+s9+$0x0], $0xffff  }
0x39b: {  	v34 =	vadd.f32 v34, v36;
	v35 =	vmul.f32 $5.870000120e-01, v35;
	v16 =	vld.idx.msk [tilespmem:v16+s6+$0x0], $0xffff  }
0x39c: {  	v37 =	vmul.f32 $2.989999950e-01, v41;
	v36 =	vld.idx.msk [tilespmem:v15+s9+$0x0], $0xffff  }
0x39d: {  	v35 =	vadd.f32 v35, v39;
	v33 =	vmul.f32 $5.870000120e-01, v33;
	v15 =	vld.idx.msk [tilespmem:v15+s6+$0x0], $0xffff  }
0x39e: {  	v38 =	vmul.f32 $2.989999950e-01, v38;
	v39 =	vld.idx.msk [tilespmem:v14+s9+$0x0], $0xffff  }
0x39f: {  	v33 =	vadd.f32 v33, v37;
	v22 =	vmul.f32 $5.870000120e-01, v22;
	v14 =	vld.idx.msk [tilespmem:v14+s6+$0x0], $0xffff  }
0x3a0: {  	v37 =	vmul.f32 $1.140000000e-01, v43;
	v41 =	vld.idx.msk [tilespmem:v13+s9+$0x0], $0xffff  }
0x3a1: {  	v16 =	vmul.f32 $1.140000000e-01, v16;
	v22 =	vadd.f32 v22, v38;
	v13 =	vld.idx.msk [tilespmem:v13+s6+$0x0], $0xffff  }
0x3a2: {  	v24 =	vadd.f32 v37, v24;
	v36 =	vmul.f32 $1.140000000e-01, v36;
	v37 =	vld.idx.msk [tilespmem:v12+s9+$0x0], $0xffff  }
0x3a3: {  	v16 =	vadd.f32 v16, v25;
	v15 =	vmul.f32 $1.140000000e-01, v15;
	v12 =	vld.idx.msk [tilespmem:v12+s6+$0x0], $0xffff  }
0x3a4: {  	v25 =	vadd.f32 v36, v26;
	v26 =	vmul.f32 $1.140000000e-01, v39;
	v36 =	vld.idx.msk [tilespmem:v11+s9+$0x0], $0xffff  }
0x3a5: {  	v15 =	vadd.f32 v15, v29;
	v14 =	vmul.f32 $1.140000000e-01, v14;
	v29 =	vld.idx.msk [tilespmem:v11+s6+$0x0], $0xffff  }
0x3a6: {  	v26 =	vadd.f32 v26, v28;
	v11 =	vmul.f32 $1.140000000e-01, v41;
	v28 =	vld.idx.msk [tilespmem:v10+s9+$0x0], $0xffff  }
0x3a7: {  	v27 =	vadd.f32 v14, v27;
	v13 =	vmul.f32 $1.140000000e-01, v13;
	v38 =	vld.idx.msk [tilespmem:v10+s6+$0x0], $0xffff  }
0x3a8: {  	v14 =	vadd.f32 v11, v31;
	v10 =	vmul.f32 $1.140000000e-01, v37;
	[tilespmem:v20+s1+$0x0] =	vst.idx.add.f32.msk $0xffff, v2  }
0x3a9: {  	v13 =	vadd.f32 v13, v30;
	v11 =	vmul.f32 $1.140000000e-01, v12;
	[tilespmem:v20+s2+$0x0] =	vst.idx.add.f32.msk $0xffff, v24  }
0x3aa: {  	v10 =	vadd.f32 v10, v32;
	v12 =	vmul.f32 $1.140000000e-01, v36;
	[tilespmem:v20+s4+$0x0] =	vst.idx.add.f32.msk $0xffff, v16  }
0x3ab: {  	v11 =	vadd.f32 v11, v42;
	v16 =	vmul.f32 $1.140000000e-01, v29;
	[tilespmem:v40+s1+$0x0] =	vst.idx.add.f32.msk $0xffff, v2  }
0x3ac: {  	v12 =	vadd.f32 v12, v34;
	v20 =	vmul.f32 $1.140000000e-01, v28;
	[tilespmem:v40+s2+$0x0] =	vst.idx.add.f32.msk $0xffff, v25  }
.Ltmp4:
0x3ad: {  	[tilespmem:v40+s4+$0x0] =	vst.idx.add.f32.msk $0xffff, v15;
	v15 =	vadd.f32 v16, v35;
	v16 =	vmul.f32 $1.140000000e-01, v38;
	(pc) =	sbr.rel @p1 .LBB2_7-.Ltmp4, $4  }
0x3ae: {  	v20 =	vadd.f32 v20, v33;
	[tilespmem:v23+s1+$0x0] =	vst.idx.add.f32.msk $0xffff, v2  }
0x3af: {  	[tilespmem:v23+s2+$0x0] =	vst.idx.add.f32.msk $0xffff, v26;
	v22 =	vadd.f32 v16, v22  }
0x3b0: {  	[tilespmem:v23+s4+$0x0] =	vst.idx.add.f32.msk $0xffff, v27  }
0x3b1: {  	[tilespmem:v21+s1+$0x0] =	vst.idx.add.f32.msk $0xffff, v2  }
0x3b2: {  	_ =	sdelay $0x3  }
0x3b3: {  	[tilespmem:v21+s2+$0x0] =	vst.idx.add.f32.msk $0xffff, v14  }
0x3b4: {  	[tilespmem:v19+s1+$0x0] =	vst.idx.add.f32.msk $0xffff, v2  }
0x3b5: {  	[tilespmem:v18+s1+$0x0] =	vst.idx.add.f32.msk $0xffff, v2  }
0x3b6: {  	[tilespmem:v17+s1+$0x0] =	vst.idx.add.f32.msk $0xffff, v2  }
0x3b7: {  	[tilespmem:v21+s4+$0x0] =	vst.idx.add.f32.msk $0xffff, v13  }
0x3b8: {  	[tilespmem:v19+s2+$0x0] =	vst.idx.add.f32.msk $0xffff, v10  }
.Ltmp5:
0x3b9: {  	[tilespmem:v18+s2+$0x0] =	vst.idx.add.f32.msk $0xffff, v12;
	(pc) =	sbr.rel @p0 .LBB2_10-.Ltmp5, $4  }
0x3ba: {  	[tilespmem:v17+s2+$0x0] =	vst.idx.add.f32.msk $0xffff, v20  }
0x3bb: {  	[tilespmem:v19+s4+$0x0] =	vst.idx.add.f32.msk $0xffff, v11  }
0x3bc: {  	[tilespmem:v18+s4+$0x0] =	vst.idx.add.f32.msk $0xffff, v15  }
0x3bd: {  	s7 =	simm.s32 $0xB000;
	[tilespmem:v17+s4+$0x0] =	vst.idx.add.f32.msk $0xffff, v22  }
0x3be: {  	s20 =	sld [smem:$0x7F7];
	_ =	sdelay $0x1  }
0x3bf: {  	s7 =	sld [smem:$0x7FA]  }
0x3c0: {  	s5 =	smul.u32 $0x18, s20;
	_ =	sdelay $0x1  }
0x3c1: {  	s5 =	sadd.s32 s5, s7  }
0x3c2: {  	s7 =	sshrl.u32 s5, $0x9  }
0x3c3: {  	s5 =	sshll.u32 s5, $0x9;
	s7 =	smul.u32 $0xC0000, s7  }
0x3c4: {  	s5 =	sand.u32 $0x3F000, s5  }
0x3c5: {  	s5 =	sor.u32 s5, s7  }
0x3c6: {  	s12 =	rddreg [dreg:$0x0];
	s5 =	sshrl.u32 s5, $0x3  }
0x3c7: {  	s13 =	simm.s32 $0x0;
	s11 =	sadd.s32 s12, s5;
	s7 =	sadd.s32 $0x8000, s5  }
0x3c8: {  	[tilespmem:s29], [sflag:$0x3] =	stream.linear.gather [hbm4b:s11+s13], $0x1000, $0x38;
	[tilespmem:$0x1B580] =	vst v63  }
0x3c9: {  	s11 =	sadd.s32 s12, s7  }
0x3ca: {  	[tilespmem:s30], [sflag:$0x3] =	stream.linear.gather [hbm4b:s11+s13], $0x1000, $0x38;
	[tilespmem:$0x1B580] =	vst v63  }
0x3cb: {  	s11 =	sadd.s32 $0x10000, s5  }
0x3cc: {  	s21 =	rddreg [dreg:$0x1];
	s12 =	sadd.s32 s12, s11  }
0x3cd: {  	[tilespmem:s31], [sflag:$0x3] =	stream.linear.gather [hbm4b:s12+s13], $0x1000, $0x38;
	[tilespmem:$0x1B580] =	vst v63  }
0x3ce: {  	s12 =	sadd.s32 s21, s5  }
0x3cf: {  	[tilespmem:s3], [sflag:$0x3] =	stream.linear.gather [hbm4b:s12+s13], $0x1000, $0x38;
	[tilespmem:$0x1B580] =	vst v63  }
0x3d0: {  	s12 =	sadd.s32 s21, s7  }
0x3d1: {  	[tilespmem:s0], [sflag:$0x3] =	stream.linear.gather [hbm4b:s12+s13], $0x1000, $0x38;
	[tilespmem:$0x1B580] =	vst v63  }
0x3d2: {  	s21 =	sadd.s32 s21, s11  }
0x3d3: {  	[tilespmem:s9], [sflag:$0x3] =	stream.linear.gather [hbm4b:s21+s13], $0x1000, $0x38;
	[tilespmem:$0x1B580] =	vst v63  }
0x3d4: {  	s21 =	rddreg [dreg:$0x2]  }
0x3d5: {  	s5 =	sadd.s32 s21, s5  }
0x3d6: {  	[tilespmem:s10], [sflag:$0x3] =	stream.linear.gather [hbm4b:s5+s13], $0x1000, $0x38;
	[tilespmem:$0x1B580] =	vst v63  }
.Ltmp6:
0x3d7: {  	s20 =	sadd.s32 $0x1, s20;
	(pc) =	sbr.rel .LBB2_2-.Ltmp6, $4  }
0x3d8: {  	[smem:$0x7F7] =	sst s20;
	s12 =	simm.s32 $0x1000;
	s7 =	sadd.s32 s21, s7  }
0x3d9: {  	[tilespmem:s8], [sflag:$0x3] =	stream.linear.gather [hbm4b:s7+s13], $0x1000, $0x38;
	[tilespmem:$0x1B580] =	vst v63  }
0x3da: {  	s21 =	sadd.s32 s21, s11;
	s11 =	simm.s32 $0x0;
	s13 =	simm.s32 $0x2000  }
0x3db: {  	[tilespmem:s6], [sflag:$0x3] =	stream.linear.gather [hbm4b:s21+s11], $0x1000, $0x38;
	[tilespmem:$0x1B580] =	vst v63  }
.LBB2_11:
0x3dc: {  	_ =	sfence.sel $0x180000  }
0x3dd: {  	[bflag:$0x0] =	sbarrier.arrive $0xFFFF  }
0x3de: {  	_ =	strace $0x90000047  }
0x3df: {  	s0 =	stileid.u32;
	[bflag:$0x2] =	sbarrier.arrive $0xFFFF  }
0x3e0: {  	p0 =	sne.s32 s0, $0x0;
	s0 =	rddreg [dreg:$0x4]  }
0x3e1: {  	s0 =	sadd.s32 @!p0 $0x100000, s0  }
0x3e2: {  	[sflag:s0] =	ssyncadd.tile.s32 @!p0 $0x1;
	_ =	shalt  }
.Lfunc_end2:
_tile_overlayer_lowered:
.L_overlay_start_2:
0x3e3: {  	(tag) =	ssettag $0x2  }
0x3e4: {  	s0 =	rddreg [dreg:$0x0];
	s2 =	stileid.u32  }
0x3e5: {  	s1 =	rddreg [dreg:$0x1];
	p0 =	sne.s32 s2, $0x0  }
0x3e6: {  	s3 =	rddreg [dreg:$0x2];
	[bflag:$0x3] =	sbarrier.arrive $0xFFFF;
	s2 =	simm.s32 @!p0 $0x1C04  }
0x3e7: {  	[timem:s3], [sflag:s2] =	dma.local @!p0 [hbm:s0], s1  }
0x3e8: {  	s0 =	simm.s32 @!p0 $0x4  }
0x3e9: {  	_ =	swait.ge @!p0 [sflag:s0], s1  }
0x3ea: {  	s1 =	ssub.s32 @!p0 $0x0, s1;
	[sflag:s0] =	ssyncset.done @!p0 $0x0  }
0x3eb: {  	[sflag:s0] =	ssyncadd.s32 @!p0 s1  }
0x3ec: {  	[bflag:$0x3] =	sbarrier.arrive $0xFFFF  }
0x3ed: {  	_ =	shalt  }

// kernel: kernel.8.cloned.1.call-start
scs
__scs_entry_jumppad:
0x0: {  	(pc) =	sbr.rel $0x88, $3  }
0x1: {  	(tag) =	ssettag $0x0;
	lr =	simm.s32 $0x1  }
0x2: {  	[smem:$0x3F9E] =	sst lr;
	_ =	strace $0xD0000000  }
0x3: {  	_ = 	snop  }
0x4: {  	_ = 	snop  }
0x5: {  	_ = 	snop  }
0x6: {  	_ = 	snop  }
0x7: {  	_ = 	snop  }
__scs_overlays_trampoline_lowered:
0x8: {  	[smem:$0x3FAD] =	sst s0  }
0x9: {  	[smem:$0x3FAE] =	sst s1  }
0xa: {  	[smem:$0x3FAF] =	sst s2  }
0xb: {  	[smem:$0x3FB0] =	sst s3  }
0xc: {  	[smem:$0x3FB1] =	sst s4  }
0xd: {  	[smem:$0x3FB2] =	sst s5  }
0xe: {  	[smem:$0x3FB3] =	sst s6  }
0xf: {  	[smem:$0x3FB4] =	sst s7  }
0x10: {  	[smem:$0x3FB5] =	sst s8  }
0x11: {  	[smem:$0x3FB6] =	sst s9;
	s0 =	simm.s32 @!p0 $0x0  }
0x12: {  	s1 =	sld [smem:$0x3F9C];
	s0 =	simm.s32 @p0 $0x1  }
0x13: {  	[smem:$0x3FB7] =	sst s0;
	s0 =	simm.s32 @!p1 $0x0  }
0x14: {  	s2 =	sld [smem:$0x3F9B];
	s0 =	simm.s32 @p1 $0x1  }
0x15: {  	[smem:$0x3FB8] =	sst s0;
	s0 =	simm.s32 @!p2 $0x0  }
0x16: {  	s3 =	sld [smem:$0x3FDB];
	s0 =	simm.s32 @p2 $0x1  }
0x17: {  	s4 =	simm.s32 $0x1BF5;
	[smem:$0x3FBA] =	sst s0  }
0x18: {  	s0 =	sld [smem:$0x3F9D];
	_ =	swait.ge [sflag:s4], $0x0  }
0x19: {  	s7 =	sld [smem:$0x3F9E]  }
0x1a: {  	s8 =	sadd.s32 $0xFFFFE003, lr  }
0x1b: {  	s9 =	sadd.s32 $0xFFFFFEF7, lr;
	s5 =	simm.s32 $0xFFFFFFFF;
	p2 =	slt.u32 s8, $0xFFFFF086  }
0x1c: {  	p1 =	slt.u32 s9, $0xF7A;
	s5 =	simm.s32 @!p2 $0x0  }
0x1d: {  	s5 =	simm.s32 @p1 $0x1;
	p0 =	seq.s32 s7, s2  }
0x1e: {  	s7 =	smul.u32 @!p0 $0xF7A, s2;
	p2 =	seq.s32 @!p0 s5, $0x0  }
0x1f: {  	s9 =	smul.u32 $0xF7A, s1;
	s8 =	simm.s32 @!p0 $0x1BF5;
	p2 =	por !p2, p0  }
0x20: {  	[sflag:s8] =	ssyncset.s32 @!p0 $0xFFFFF086;
	s6 =	sadd.s32 @!p0 s3, s7;
	s7 =	simm.s32 @!p0 $0x108  }
0x21: {  	s3 =	sadd.s32 s3, s9;
	s6 =	sadd.s32 @!p0 $0x88, s6;
	s7 =	simm.s32 @p2 $0x1082  }
0x22: {  	[simem:s7], [sflag:s8] =	dma.local @!p0 [hbm:s6], $0xF7A  }
0x23: {  	s9 =	sor.u32 $0xD0000000, s2;
	s6 =	simm.s32 $0x108;
	_ =	swait.ge @!p0 [sflag:s8], $0x0  }
0x24: {  	s3 =	sadd.s32 $0x88, s3;
	s6 =	simm.s32 @!p1 $0x1082;
	[sflag:s4] =	ssyncset.s32 $0xFFFFF086  }
0x25: {  	[simem:s6], [sflag:s4] =	dma.local [hbm:s3], $0xF7A  }
0x26: {  	[smem:$0x3F9E] =	sst s1;
	(tag) =	ssettag s2;
	_ =	strace s9  }
0x27: {  	s1 =	sld [smem:$0x3FAE]  }
0x28: {  	s2 =	sld [smem:$0x3FAF]  }
0x29: {  	s4 =	sld [smem:$0x3FB1]  }
0x2a: {  	p0 =	seq.s32 s5, $0x0;
	s5 =	sld [smem:$0x3FB2]  }
0x2b: {  	s6 =	sld [smem:$0x3FB3]  }
0x2c: {  	s7 =	sld [smem:$0x3FB4]  }
0x2d: {  	s3 =	simm.s32 $0x108;
	s8 =	sld [smem:$0x3FB5]  }
0x2e: {  	s3 =	simm.s32 @!p0 $0x1082;
	s9 =	sld [smem:$0x3FB6]  }
0x2f: {  	lr =	sadd.s32 s0, s3;
	s0 =	sld [smem:$0x3FAD]  }
0x30: {  	s3 =	sld [smem:$0x3FB0]  }
0x31: {  	[smem:$0x3FB9] =	sst s10  }
0x32: {  	s10 =	sld [smem:$0x3FB7];
	_ =	sdelay $0x3  }
0x33: {  	p0 =	seq.s32 s10, $0x1;
	s10 =	sld [smem:$0x3FB9];
	_ =	sdelay $0x3  }
0x34: {  	[smem:$0x3FB9] =	sst s10  }
0x35: {  	s10 =	sld [smem:$0x3FB8];
	_ =	sdelay $0x3  }
0x36: {  	p1 =	seq.s32 s10, $0x1;
	s10 =	sld [smem:$0x3FB9];
	_ =	sdelay $0x3  }
0x37: {  	[smem:$0x3FB9] =	sst s10  }
0x38: {  	s10 =	sld [smem:$0x3FBA]  }
0x39: {  	_ = 	snop;
	(pc) =	sbr.ind lr, $3  }
0x3a: {  	_ = 	snop  }
0x3b: {  	_ = 	snop  }
0x3c: {  	p2 =	seq.s32 s10, $0x1;
	s10 =	sld [smem:$0x3FB9]  }
0x3d: {  	_ =	shalt  }
0x3e: {  	_ =	shalt  }
0x3f: {  	_ =	shalt  }
0x40: {  	_ =	shalt  }
0x41: {  	_ =	shalt  }
0x42: {  	_ =	shalt  }
0x43: {  	_ =	shalt  }
0x44: {  	_ =	shalt  }
0x45: {  	_ =	shalt  }
0x46: {  	_ =	shalt  }
0x47: {  	_ =	shalt  }
0x48: {  	_ =	shalt  }
0x49: {  	_ =	shalt  }
0x4a: {  	_ =	shalt  }
0x4b: {  	_ =	shalt  }
0x4c: {  	_ =	shalt  }
0x4d: {  	_ =	shalt  }
0x4e: {  	_ =	shalt  }
0x4f: {  	_ =	shalt  }
0x50: {  	_ =	shalt  }
0x51: {  	_ =	shalt  }
0x52: {  	_ =	shalt  }
0x53: {  	_ =	shalt  }
0x54: {  	_ =	shalt  }
0x55: {  	_ =	shalt  }
0x56: {  	_ =	shalt  }
0x57: {  	_ =	shalt  }
0x58: {  	_ =	shalt  }
0x59: {  	_ =	shalt  }
0x5a: {  	_ =	shalt  }
0x5b: {  	_ =	shalt  }
0x5c: {  	_ =	shalt  }
0x5d: {  	_ =	shalt  }
0x5e: {  	_ =	shalt  }
0x5f: {  	_ =	shalt  }
0x60: {  	_ =	shalt  }
0x61: {  	_ =	shalt  }
0x62: {  	_ =	shalt  }
0x63: {  	_ =	shalt  }
0x64: {  	_ =	shalt  }
0x65: {  	_ =	shalt  }
0x66: {  	_ =	shalt  }
0x67: {  	_ =	shalt  }
0x68: {  	_ =	shalt  }
0x69: {  	_ =	shalt  }
0x6a: {  	_ =	shalt  }
0x6b: {  	_ =	shalt  }
0x6c: {  	_ =	shalt  }
0x6d: {  	_ =	shalt  }
0x6e: {  	_ =	shalt  }
0x6f: {  	_ =	shalt  }
0x70: {  	_ =	shalt  }
0x71: {  	_ =	shalt  }
0x72: {  	_ =	shalt  }
0x73: {  	_ =	shalt  }
0x74: {  	_ =	shalt  }
0x75: {  	_ =	shalt  }
0x76: {  	_ =	shalt  }
0x77: {  	_ =	shalt  }
0x78: {  	_ =	shalt  }
0x79: {  	_ =	shalt  }
0x7a: {  	_ =	shalt  }
0x7b: {  	_ =	shalt  }
0x7c: {  	_ =	shalt  }
0x7d: {  	_ =	shalt  }
0x7e: {  	_ =	shalt  }
0x7f: {  	_ =	shalt  }
0x80: {  	_ =	shalt  }
0x81: {  	_ =	shalt  }
0x82: {  	_ =	shalt  }
0x83: {  	_ =	shalt  }
0x84: {  	_ =	shalt  }
0x85: {  	_ =	shalt  }
0x86: {  	_ =	shalt  }
0x87: {  	_ =	shalt  }
.Lfunc_end0:
.L_simem_size_0:
called_computation.1_lowered:
.L_overlay_start_0:
0x88: {  	s2 =	sld [smem:$0x3FD9]  }
0x89: {  	s3 =	sld [smem:$0x3FFE];
	_ =	sdelay $0x1  }
0x8a: {  	s1 =	srdreg.scid  }
0x8b: {  	s0 =	sand.u32 $0x1, s1  }
0x8c: {  	s17 =	sshll.u32 s0, $0xA;
	s2 =	sadd.s32 s3, s2  }
0x8d: {  	s2 =	sadd.s32 s2, s17  }
0x8e: {  	[smem:$0x3FC5] =	sst s2  }
0x8f: {  	_ = 	snop  }
0x90: {  	s2 =	sld [smem:$0x3FD0];
	(tm) =	ssettm $0x1  }
0x91: {  	s18 =	sld [smem:$0x3FFB];
	_ =	sdelay $0x3  }
0x92: {  	_ =	strace s18  }
0x93: {  	s3 =	sld [smem:$0x3FFC];
	_ =	sdelay $0x3  }
0x94: {  	_ =	strace s3  }
0x95: {  	s3 =	sld [smem:$0x3FFD];
	_ =	sdelay $0x3  }
0x96: {  	_ =	strace s3  }
0x97: {  	_ =	strace $0x8FFFFFFF  }
0x98: {  	s19 =	sld [smem:$0x3FDB];
	_ =	sdelay $0x1  }
0x99: {  	s4 =	simm.s32 $_scs_section_size  }
0x9a: {  	s5 =	simm.s32 $_size__tile_overlayer_lowered;
	s6 =	simm.s32 $_tile_overlayer_lowered  }
0x9b: {  	s22 =	simm.s32 $0x1BFF;
	s21 =	sshll.u32 s6, $0x1;
	s3 =	sadd.s32 s4, s19  }
0x9c: {  	s7 =	simm.s32 $0x0;
	s20 =	sshll.u32 s5, $0x1;
	s5 =	sadd.s32 s21, s3  }
0x9d: {  	[timem:s7], [sflag:s22] =	dma.local [hbm:s5], s20  }
0x9e: {  	_ =	swait.ge [sflag:s22], s20  }
0x9f: {  	s4 =	ssub.s32 $0x0, s20;
	[sflag:s22] =	ssyncset.done $0x0  }
0xa0: {  	[sflag:s22] =	ssyncadd.s32 s4;
	_ =	sdelay $0x1  }
0xa1: {  	s23 =	simm.s32 $0x1B8B  }
0xa2: {  	_ =	swait.ge [sflag:s23], $0x1  }
0xa3: {  	[sflag:s23] =	ssyncset.done $0x0  }
0xa4: {  	s25 =	simm.s32 $0x1B8E;
	s24 =	sld [smem:$0x3FFE];
	[sflag:s23] =	ssyncadd.s32 $0xFFFFFFFF  }
0xa5: {  	s26 =	simm.s32 $execute0_lowered;
	[smem:$0x3FD2] =	sst s25  }
0xa6: {  	s5 =	sshll.u32 s26, $0x1;
	_ =	strace $0x80000049;
	[dreg:$0x1] =	wrdreg $0xFFFFFFFF  }
0xa7: {  	s28 =	simm.s32 $_size_execute0_lowered;
	s3 =	sadd.s32 s3, s5;
	[dreg:$0x0] =	wrdreg $0x0  }
0xa8: {  	s5 =	sshll.u32 s28, $0x1;
	[dreg:$0x2] =	wrdreg s3  }
0xa9: {  	[dreg:$0x3] =	wrdreg s5  }
0xaa: {  	[dreg:$0x4] =	wrdreg $0xC0  }
0xab: {  	_ =	task [dreg:s7], $0x5FFFF  }
0xac: {  	[dreg:$0x1] =	wrdreg $0xFFFFFFFF  }
0xad: {  	[dreg:$0x0] =	wrdreg $0x60  }
0xae: {  	[dreg:$0x2] =	wrdreg s24  }
0xaf: {  	[dreg:$0x3] =	wrdreg s2  }
0xb0: {  	[dreg:$0x4] =	wrdreg $0x9  }
0xb1: {  	_ =	task.clear_ibuf [dreg:s7], $0x5FFFF;
	_ =	strace $0x90000049  }
0xb2: {  	s29 =	simm.s32 $0x9;
	_ =	strace $0x8000004B  }
0xb3: {  	_ =	swait.ge [sflag:s29], $0x1  }
0xb4: {  	[sflag:s29] =	ssyncadd.s32 $0xFFFFFFFF  }
0xb5: {  	_ =	strace $0x9000004B  }
0xb6: {  	_ =	sfence  }
0xb7: {  	s30 =	sld [smem:$0x0];
	_ =	sdelay $0x2  }
0xb8: {  	s31 =	sshll.u32 s1, $0xD;
	s1 =	sshrl.u32 s1, $0x2  }
0xb9: {  	s3 =	sand.u32 $0x4000, s31;
	s1 =	sadd.s32 s1, s30  }
0xba: {  	s0 =	sor.u32 s3, s0;
	s1 =	sshll.u32 s1, $0x11  }
0xbb: {  	s0 =	sor.u32 s1, s0  }
0xbc: {  	s0 =	sadd.s32 $0x8F2B, s0  }
0xbd: {  	[sflag:s0] =	ssyncadd.remote.s32 $0x1  }
0xbe: {  	_ =	sfence.sel $0xFFFF  }
0xbf: {  	[dreg:$0x0] =	wrdreg $0xFFFFFFFF;
	(pc) =	sbr.abs _section_cstart, $3  }
0xc0: {  	[dreg:$0x1] =	wrdreg $0xFFFFFFFF  }
0xc1: {  	_ =	task.clear_ibuf [dreg:s7], $0x2FFFF;
	_ =	strace $0x9FFFFFFF  }
0xc2: {  	(tm) =	ssettm $0x7FFFFFFF  }
0xc3: {  	_ =	shalt  }
tec
execute0_lowered:
.L_overlay_start_1:
0x0: {  	(tag) =	ssettag $0x1  }
0x1: {  	s0 =	srdreg.scid  }
0x2: {  	s3 =	sand.u32 $0x1, s0;
	s0 =	stileid.u32  }
0x3: {  	s5 =	sshll.u32 s0, $0x1;
	s6 =	ssub.s32 $0x0, s3  }
0x4: {  	p0 =	sne.s32 s5, s6  }
.Ltmp0:
0x5: {  	_ = 	snop;
	(pc) =	sbr.rel @p0 .LBB2_3-.Ltmp0, $4  }
0x6: {  	_ = 	snop  }
0x7: {  	s4 =	rddreg [dreg:$0x0]  }
0x8: {  	s2 =	rddreg [dreg:$0x1]  }
0x9: {  	s1 =	rddreg [dreg:$0x2];
	_ =	strace $0x8000004A  }
0xa: {  	s5 =	ssub.s32 $0x2, s3  }
0xb: {  	s3 =	sadd.s32 $0xA00, s4;
	s4 =	sadd.s32 $0xE00, s4;
	s6 =	sshrl.u32 s5, $0x1  }
0xc: {  	s7 =	simm.s32 $0x1;
	s8 =	simm.s32 $0x1800;
	s5 =	ssub.s32 s5, s6  }
0xd: {  	s9 =	simm.s32 $0x1880;
	s6 =	simm.s32 $0x0;
	s5 =	smax.u32 s5, $0x1  }
.LBB2_2:
0xe: {  	[tilespmem:s6], [sflag:$0x1] =	stream.linear.gather [hbm4b:s3+s6], $0x1800, $0x38;
	[tilespmem:$0x1900] =	vst v63  }
0xf: {  	_ =	swait.ge [sflag:s7], $0x1800  }
0x10: {  	[sflag:s7] =	ssyncset.done $0x0  }
0x11: {  	[sflag:s7] =	ssyncadd.s32 $0xFFFFE800  }
0x12: {  	[tilespmem:s8], [sflag:$0x1] =	stream.linear.gather [hbm4b:s4+s6], $0x80, $0x38;
	[tilespmem:$0x1900] =	vst v63  }
0x13: {  	_ =	swait.ge [sflag:s7], $0x80  }
0x14: {  	[sflag:s7] =	ssyncset.done $0x0  }
0x15: {  	[sflag:s7] =	ssyncadd.s32 $0xFFFFFF80  }
0x16: {  	v0 =	vld [tilespmem:$0x1800]  }
0x17: {  	v1 =	vld [tilespmem:$0x1810]  }
0x18: {  	v2 =	vld [tilespmem:$0x1820]  }
0x19: {  	v3 =	vld [tilespmem:$0x0]  }
0x1a: {  	v4 =	vld [tilespmem:$0x40]  }
0x1b: {  	v5 =	vld [tilespmem:$0x80]  }
0x1c: {  	v6 =	vld [tilespmem:$0xC0]  }
0x1d: {  	v7 =	vld [tilespmem:$0x100]  }
0x1e: {  	v8 =	vld [tilespmem:$0x140]  }
0x1f: {  	v9 =	vld [tilespmem:$0x180]  }
0x20: {  	v10 =	vld [tilespmem:$0x1C0]  }
0x21: {  	v11 =	vld [tilespmem:$0x200]  }
0x22: {  	v12 =	vld [tilespmem:$0x240]  }
0x23: {  	v13 =	vld [tilespmem:$0x280]  }
0x24: {  	v14 =	vld [tilespmem:$0x2C0]  }
0x25: {  	v15 =	vld [tilespmem:$0x300]  }
0x26: {  	v16 =	vld [tilespmem:$0x340]  }
0x27: {  	v17 =	vld [tilespmem:$0x380]  }
0x28: {  	v18 =	vld [tilespmem:$0x3C0]  }
0x29: {  	v19 =	vld [tilespmem:$0x400]  }
0x2a: {  	v20 =	vld [tilespmem:$0x440]  }
0x2b: {  	v21 =	vld [tilespmem:$0x480]  }
0x2c: {  	v22 =	vld [tilespmem:$0x4C0]  }
0x2d: {  	v23 =	vld [tilespmem:$0x500]  }
0x2e: {  	v24 =	vld [tilespmem:$0x540]  }
0x2f: {  	v25 =	vld [tilespmem:$0x580]  }
0x30: {  	v26 =	vld [tilespmem:$0x5C0]  }
0x31: {  	v27 =	vld [tilespmem:$0x600]  }
0x32: {  	v28 =	vld [tilespmem:$0x640]  }
0x33: {  	v29 =	vld [tilespmem:$0x680]  }
0x34: {  	v39 =	vld [tilespmem:$0x6C0];
	v0 =	vadd.f32 v3, v0  }
0x35: {  	v30 =	vld [tilespmem:$0x700]  }
0x36: {  	v40 =	vld [tilespmem:$0x740];
	v0 =	vadd.f32 v6, v0  }
0x37: {  	v31 =	vld [tilespmem:$0x780]  }
0x38: {  	v41 =	vld [tilespmem:$0x7C0];
	v0 =	vadd.f32 v9, v0  }
0x39: {  	v32 =	vld [tilespmem:$0x800]  }
0x3a: {  	v42 =	vld [tilespmem:$0x840];
	v0 =	vadd.f32 v12, v0  }
0x3b: {  	v33 =	vld [tilespmem:$0x880]  }
0x3c: {  	v43 =	vld [tilespmem:$0x8C0];
	v0 =	vadd.f32 v15, v0  }
0x3d: {  	v34 =	vld [tilespmem:$0x900]  }
0x3e: {  	v44 =	vld [tilespmem:$0x940];
	v0 =	vadd.f32 v18, v0  }
0x3f: {  	v45 =	vld [tilespmem:$0x980];
	v1 =	vadd.f32 v4, v1;
	v2 =	vadd.f32 v5, v2  }
0x40: {  	v46 =	vld [tilespmem:$0x9C0];
	v0 =	vadd.f32 v21, v0  }
0x41: {  	v47 =	vld [tilespmem:$0xA00];
	v1 =	vadd.f32 v7, v1;
	v2 =	vadd.f32 v8, v2  }
0x42: {  	v48 =	vld [tilespmem:$0xA40];
	v0 =	vadd.f32 v24, v0  }
0x43: {  	v49 =	vld [tilespmem:$0xA80];
	v1 =	vadd.f32 v10, v1;
	v2 =	vadd.f32 v11, v2  }
0x44: {  	v50 =	vld [tilespmem:$0xAC0];
	v0 =	vadd.f32 v27, v0  }
0x45: {  	v51 =	vld [tilespmem:$0xB00];
	v1 =	vadd.f32 v13, v1;
	v2 =	vadd.f32 v14, v2  }
0x46: {  	v52 =	vld [tilespmem:$0xB40];
	v0 =	vadd.f32 v39, v0  }
0x47: {  	v53 =	vld [tilespmem:$0xB80];
	v1 =	vadd.f32 v16, v1;
	v2 =	vadd.f32 v17, v2  }
0x48: {  	v54 =	vld [tilespmem:$0xBC0];
	v0 =	vadd.f32 v31, v0  }
0x49: {  	v55 =	vld [tilespmem:$0xC00];
	v1 =	vadd.f32 v19, v1;
	v2 =	vadd.f32 v20, v2  }
0x4a: {  	v56 =	vld [tilespmem:$0xC40];
	v0 =	vadd.f32 v42, v0  }
0x4b: {  	v57 =	vld [tilespmem:$0xC80];
	v1 =	vadd.f32 v22, v1;
	v2 =	vadd.f32 v23, v2  }
0x4c: {  	v58 =	vld [tilespmem:$0xCC0];
	v0 =	vadd.f32 v34, v0  }
0x4d: {  	v59 =	vld [tilespmem:$0xD00];
	v1 =	vadd.f32 v25, v1;
	v2 =	vadd.f32 v26, v2  }
0x4e: {  	v60 =	vld [tilespmem:$0xD40];
	v0 =	vadd.f32 v46, v0  }
0x4f: {  	v61 =	vld [tilespmem:$0xD80];
	v1 =	vadd.f32 v28, v1;
	v2 =	vadd.f32 v29, v2  }
0x50: {  	v62 =	vld [tilespmem:$0xDC0];
	v0 =	vadd.f32 v49, v0  }
0x51: {  	v63 =	vld [tilespmem:$0xE00];
	v1 =	vadd.f32 v30, v1;
	v2 =	vadd.f32 v40, v2  }
0x52: {  	v35 =	vld [tilespmem:$0x1140];
	v0 =	vadd.f32 v52, v0  }
0x53: {  	v36 =	vld [tilespmem:$0x1100];
	v1 =	vadd.f32 v41, v1;
	v2 =	vadd.f32 v32, v2  }
0x54: {  	v37 =	vld [tilespmem:$0x1200];
	v0 =	vadd.f32 v55, v0  }
0x55: {  	v24 =	vld [tilespmem:$0xE40];
	v1 =	vadd.f32 v33, v1;
	v2 =	vadd.f32 v43, v2  }
0x56: {  	v38 =	vld [tilespmem:$0x1180];
	v0 =	vadd.f32 v58, v0  }
0x57: {  	v27 =	vld [tilespmem:$0xF00];
	v1 =	vadd.f32 v44, v1;
	v2 =	vadd.f32 v45, v2  }
0x58: {  	v25 =	vld [tilespmem:$0xE80];
	v0 =	vadd.f32 v61, v0  }
0x59: {  	v30 =	vld [tilespmem:$0xFC0];
	v1 =	vadd.f32 v47, v1;
	v2 =	vadd.f32 v48, v2  }
0x5a: {  	v26 =	vld [tilespmem:$0xEC0];
	v0 =	vadd.f32 v24, v0  }
0x5b: {  	v33 =	vld [tilespmem:$0x1080];
	v1 =	vadd.f32 v50, v1;
	v2 =	vadd.f32 v51, v2  }
0x5c: {  	v28 =	vld [tilespmem:$0xF40];
	v0 =	vadd.f32 v27, v0  }
0x5d: {  	v29 =	vld [tilespmem:$0xF80];
	v1 =	vadd.f32 v53, v1;
	v2 =	vadd.f32 v54, v2  }
0x5e: {  	v39 =	vld [tilespmem:$0x12C0];
	v0 =	vadd.f32 v30, v0  }
0x5f: {  	v40 =	vld [tilespmem:$0x11C0];
	v1 =	vadd.f32 v56, v1;
	v2 =	vadd.f32 v57, v2  }
0x60: {  	v31 =	vld [tilespmem:$0x1000];
	v0 =	vadd.f32 v33, v0  }
0x61: {  	v32 =	vld [tilespmem:$0x1040];
	v1 =	vadd.f32 v59, v1;
	v2 =	vadd.f32 v60, v2  }
0x62: {  	v41 =	vld [tilespmem:$0x1380];
	v0 =	vadd.f32 v35, v0  }
0x63: {  	v42 =	vld [tilespmem:$0x1240];
	v1 =	vadd.f32 v62, v1;
	v2 =	vadd.f32 v63, v2  }
0x64: {  	v43 =	vld [tilespmem:$0x1440];
	v0 =	vadd.f32 v37, v0  }
0x65: {  	v34 =	vld [tilespmem:$0x10C0];
	v1 =	vadd.f32 v25, v1;
	v2 =	vadd.f32 v26, v2  }
0x66: {  	v44 =	vld [tilespmem:$0x1280];
	v0 =	vadd.f32 v39, v0  }
0x67: {  	v45 =	vld [tilespmem:$0x1500];
	v1 =	vadd.f32 v28, v1;
	v2 =	vadd.f32 v29, v2  }
0x68: {  	v46 =	vld [tilespmem:$0x1300];
	v0 =	vadd.f32 v41, v0  }
0x69: {  	v47 =	vld [tilespmem:$0x15C0];
	v1 =	vadd.f32 v31, v1;
	v2 =	vadd.f32 v32, v2  }
0x6a: {  	v48 =	vld [tilespmem:$0x1340];
	v0 =	vadd.f32 v43, v0  }
0x6b: {  	v49 =	vld [tilespmem:$0x1680];
	v1 =	vadd.f32 v34, v1;
	v2 =	vadd.f32 v36, v2  }
0x6c: {  	v50 =	vld [tilespmem:$0x13C0];
	v0 =	vadd.f32 v45, v0  }
0x6d: {  	v51 =	vld [tilespmem:$0x1740];
	v1 =	vadd.f32 v38, v1;
	v2 =	vadd.f32 v40, v2  }
0x6e: {  	v52 =	vld [tilespmem:$0x1400];
	v0 =	vadd.f32 v47, v0  }
0x6f: {  	v53 =	vld [tilespmem:$0x1480];
	v1 =	vadd.f32 v42, v1;
	v2 =	vadd.f32 v44, v2  }
0x70: {  	v54 =	vld [tilespmem:$0x14C0];
	v0 =	vadd.f32 v49, v0  }
0x71: {  	v55 =	vld [tilespmem:$0x1540];
	v1 =	vadd.f32 v46, v1;
	v2 =	vadd.f32 v48, v2  }
0x72: {  	v56 =	vld [tilespmem:$0x1580];
	v0 =	vadd.f32 v51, v0  }
0x73: {  	v57 =	vld [tilespmem:$0x1600];
	v1 =	vadd.f32 v50, v1;
	v2 =	vadd.f32 v52, v2  }
0x74: {  	v58 =	vld [tilespmem:$0x1640];
	v8 =	vmax.f32 v0, $1.000000000e+00  }
0x75: {  	v59 =	vld [tilespmem:$0x16C0];
	v1 =	vadd.f32 v53, v1;
	v2 =	vadd.f32 v54, v2;
	(erf) = vrcp.f32 v8  }
0x76: {  	v60 =	vld [tilespmem:$0x1700]  }
0x77: {  	v61 =	vld [tilespmem:$0x1780];
	v1 =	vadd.f32 v55, v1;
	v2 =	vadd.f32 v56, v2  }
0x78: {  	v62 =	vld [tilespmem:$0x17C0]  }
0x79: {  	v1 =	vadd.f32 v57, v1;
	v2 =	vadd.f32 v58, v2;
	_ =	sdelay $0x1  }
0x7a: {  	v1 =	vadd.f32 v59, v1;
	v2 =	vadd.f32 v60, v2;
	_ =	sdelay $0x1  }
0x7b: {  	v1 =	vadd.f32 v61, v1;
	v2 =	vadd.f32 v62, v2  }
0x7c: {  	v63 =	vpop (erf)  }
0x7d: {  	v1 =	vmul.f32 v63, v1;
	v2 =	vmul.f32 v63, v2;
	_ =	sdelay $0x1  }
0x7e: {  	v1 =	vsub.f32 v1, v2;
	_ =	sdelay $0x1  }
0x7f: {  	v1 =	vand.u32 $0x7FFFFFFF, v1  }
0x80: {  	v1 =	vmul.f32 $6.250000000e-02, v1  }
0x81: {  	vm0 =	vgt.f32 v0, $0.0e+00  }
0x82: {  	v0 =	vnsel vm0, $0x0, v1  }
0x83: {  	(xrf2) =	vadd.scan.msk.f32 $0xffff, v0;
	_ =	sdelay $0x9  }
0x84: {  	v0, _, _ =	vpop (xrf2)  }
0x85: {  	v0 =	vadd.f32 $0.0e+00, v0;
	_ =	sdelay $0x1  }
0x86: {  	v0 =	vbroadcast v0, $0xF  }
0x87: {  	p0 =	sne.s32 s5, $0x1  }
.Ltmp1:
0x88: {  	[tilespmem:$0x1880] =	vst v0;
	(pc) =	sbr.rel @p0 .LBB2_2-.Ltmp1, $4  }
0x89: {  	[hbm4b:s2+s6] =	stream.linear.scatter [tilespmem:s9], [sflag:$0x1], $0x80, $0x38;
	[tilespmem:$0x1900] =	vst v63  }
0x8a: {  	_ =	swait.ge [sflag:s7], $0x80  }
0x8b: {  	[sflag:s7] =	ssyncset.done $0x0  }
0x8c: {  	s5 =	sadd.s32 $0xFFFFFFFF, s5;
	[sflag:s7] =	ssyncadd.s32 $0xFFFFFF80  }
.LBB2_3:
0x8d: {  	_ =	sfence.sel $0x180000  }
0x8e: {  	[bflag:$0x0] =	sbarrier.arrive $0xFFFF  }
0x8f: {  	p0 =	sne.s32 s0, $0x0;
	_ =	strace $0x9000004A  }
0x90: {  	s0 =	sadd.s32 @!p0 $0x100000, s1;
	[bflag:$0x2] =	sbarrier.arrive $0xFFFF  }
0x91: {  	[sflag:s0] =	ssyncadd.tile.s32 @!p0 $0x1;
	_ =	shalt  }
.Lfunc_end2:
_tile_overlayer_lowered:
.L_overlay_start_2:
0x92: {  	(tag) =	ssettag $0x2  }
0x93: {  	s0 =	rddreg [dreg:$0x0];
	s2 =	stileid.u32  }
0x94: {  	s1 =	rddreg [dreg:$0x1];
	p0 =	sne.s32 s2, $0x0  }
0x95: {  	s3 =	rddreg [dreg:$0x2];
	[bflag:$0x3] =	sbarrier.arrive $0xFFFF;
	s2 =	simm.s32 @!p0 $0x1C01  }
0x96: {  	[timem:s3], [sflag:s2] =	dma.local @!p0 [hbm:s0], s1  }
0x97: {  	s0 =	simm.s32 @!p0 $0x1  }
0x98: {  	_ =	swait.ge @!p0 [sflag:s0], s1  }
0x99: {  	s1 =	ssub.s32 @!p0 $0x0, s1;
	[sflag:s0] =	ssyncset.done @!p0 $0x0  }
0x9a: {  	[sflag:s0] =	ssyncadd.s32 @!p0 s1  }
0x9b: {  	[bflag:$0x3] =	sbarrier.arrive $0xFFFF  }
0x9c: {  	_ =	shalt  }

</sc_bundles>
